<compile_context>
chip_gen: v7x
topology: tpu7x:2x2x1
jax: 0.10.2.dev20260603
libtpu: 0.0.44.dev20260713+nightly
codegen_flags: <defaults>
</compile_context>

<pallas_src>
import jax
import jax.numpy as jnp
from jax import lax
from jax.experimental import pallas as pl
from jax.experimental.pallas import tpu as pltpu
from jax.experimental.pallas import tpu_sc as plsc

_VOCAB = 1000001
_HID = 64
_LABELS = 16
_BATCH = 4096
_SEQ = 200
_CHUNK = 100
_NCHUNK = _SEQ // _CHUNK
_NBUF = 8
_UNROLL = 10
_VBLK = 32768


def _pool_kernel(ids_hbm, p_hbm, b_hbm, out_hbm, idx_v, rows_v, out_v,
                 bias_v, *sems):
    info = plsc.get_sparse_core_info()
    nw = info.num_cores * info.num_subcores
    rows_per_w = _BATCH // nw
    wid = lax.axis_index("s") * info.num_cores + lax.axis_index("c")
    base = wid * rows_per_w

    pltpu.sync_copy(ids_hbm.at[pl.ds(base, rows_per_w)], idx_v)
    pltpu.sync_copy(b_hbm, bias_v)

    def issue(row, buf):
        for c in range(_NCHUNK):
            pltpu.async_copy(
                p_hbm.at[idx_v.at[row, c]], rows_v.at[buf, c], sems[buf])

    def wait(row, buf):
        for c in range(_NCHUNK):
            pltpu.make_async_copy(
                p_hbm.at[idx_v.at[row, c]], rows_v.at[buf, c],
                sems[buf]).wait()

    for b in range(_NBUF):
        issue(b, b)

    inv = jnp.full((16,), 1.0 / _SEQ, dtype=jnp.float32)
    bias = bias_v[...]

    def outer(i, _):
        for b in range(_NBUF):
            row = i * _NBUF + b
            wait(row, b)

            def accum(c):
                def body(it, accs):
                    rr = it * _UNROLL
                    return tuple(
                        accs[u] + rows_v[b, c, rr + u]
                        for u in range(_UNROLL))
                return body

            accs = tuple(jnp.zeros((16,), jnp.float32) for _ in range(_UNROLL))
            for c in range(_NCHUNK):
                accs = lax.fori_loop(0, _CHUNK // _UNROLL, accum(c), accs)

            @pl.when(row + _NBUF < rows_per_w)
            def _():
                issue(row + _NBUF, b)

            half = _UNROLL // 2
            pairs = [accs[2 * q] + accs[2 * q + 1] for q in range(half)]
            while len(pairs) > 1:
                pairs = [pairs[2 * q] + pairs[2 * q + 1]
                         for q in range(len(pairs) // 2)] + (
                             [pairs[-1]] if len(pairs) % 2 else [])
            total = pairs[0]
            out_v[row] = total * inv + bias
        return 0

    lax.fori_loop(0, rows_per_w // _NBUF, outer, 0)
    pltpu.sync_copy(out_v, out_hbm.at[pl.ds(base, rows_per_w)])


def _make_pool():
    info = plsc.get_sparse_core_info()
    nw = info.num_cores * info.num_subcores
    rows_per_w = _BATCH // nw
    mesh = plsc.VectorSubcoreMesh(core_axis_name="c", subcore_axis_name="s")
    return pl.kernel(
        _pool_kernel,
        out_type=jax.ShapeDtypeStruct((_BATCH, _LABELS), jnp.float32),
        mesh=mesh,
        scratch_types=[
            pltpu.VMEM((rows_per_w, _NCHUNK, _CHUNK), jnp.int32),
            pltpu.VMEM((_NBUF, _NCHUNK, _CHUNK, _LABELS), jnp.float32),
            pltpu.VMEM((rows_per_w, _LABELS), jnp.float32),
            pltpu.VMEM((_LABELS,), jnp.float32),
        ] + [pltpu.SemaphoreType.DMA] * _NBUF,
        compiler_params=pltpu.CompilerParams(use_tc_tiling_on_sc=False),
    )


def _matmul_kernel(embt_ref, w_ref, p_ref):
    g = _VBLK // 8
    acc = lax.dot_general(
        embt_ref[:, :g], w_ref[:_HID],
        (((0,), (0,)), ((), ())), preferred_element_type=jnp.float32)
    for j in range(1, 8):
        acc = acc + lax.dot_general(
            embt_ref[:, j * g:(j + 1) * g], w_ref[j * _HID:(j + 1) * _HID],
            (((0,), (0,)), ((), ())), preferred_element_type=jnp.float32)
    p_ref[...] = acc


_NBLK = (_VOCAB + _VBLK - 1) // _VBLK
_VPAD = _NBLK * _VBLK
_GBLK = _VBLK // 8


def _project_table(emb, W):
    embt = emb.T
    wbig = jnp.zeros((8 * _HID, 128), jnp.float32)
    for j in range(8):
        wbig = wbig.at[j * _HID:(j + 1) * _HID, 16 * j:16 * (j + 1)].set(W.T)
    packed = pl.pallas_call(
        _matmul_kernel,
        grid=(_NBLK,),
        in_specs=[
            pl.BlockSpec((_HID, _VBLK), lambda i: (0, i)),
            pl.BlockSpec((8 * _HID, 128), lambda i: (0, 0)),
        ],
        out_specs=pl.BlockSpec((_VBLK // 8, 128), lambda i: (i, 0)),
        out_shape=jax.ShapeDtypeStruct((_VPAD // 8, 128), jnp.float32),
    )(embt, wbig)
    return packed.reshape(_VPAD, _LABELS)


def kernel(input_ids, emb, W, b):
    ids = input_ids.astype(jnp.int32)
    ids = ((ids & ~(_VBLK - 1))
           | ((ids & (_GBLK - 1)) << 3)
           | ((ids >> (_GBLK.bit_length() - 1)) & 7))
    ids = ids.reshape(_BATCH, _NCHUNK, _CHUNK)
    p = _project_table(emb, W)
    return _make_pool()(ids, p, b)

# --- scband reference (transcript-rebuilt; emitter-appended) ---
"""Pipeline reference for scband-simple-classifier-30133490548790 (READ-ONLY COPY).

The authoritative reference and input builder live on the scoring server;
editing this copy changes nothing except your own understanding.
"""

import jax, jax.numpy as jnp
import numpy as np

VOCAB_SIZE = 1000000
HIDDEN_DIM = 64
NUM_LABELS = 16
BATCH = 4096
SEQ = 200

def setup_inputs(seed: int = 0) -> dict:
    key = jax.random.key(seed)
    k1, k2, k3, k4 = jax.random.split(key, 4)
    input_ids = jax.random.randint(k1, (BATCH, SEQ), 0, VOCAB_SIZE, dtype=jnp.int64 if jax.config.jax_enable_x64 else jnp.int32)
    emb = jax.random.normal(k2, (VOCAB_SIZE + 1, HIDDEN_DIM), dtype=jnp.float32) * 0.02
    W = jax.random.normal(k3, (NUM_LABELS, HIDDEN_DIM), dtype=jnp.float32) * (1.0 / np.sqrt(HIDDEN_DIM))
    b = jnp.zeros((NUM_LABELS,), dtype=jnp.float32)
    return {"input_ids": input_ids, "emb": emb, "W": W, "b": b}

def reference(input_ids, emb, W, b):
    # x = self.embedding(input_ids)  -> gather rows from embedding table
    x = jnp.take(emb, input_ids, axis=0)            # [B, L, H]
    # x = x.mean(dim=1)
    x = jnp.mean(x, axis=1)                         # [B, H]
    # logits = self.fc(x)  (torch Linear: x @ W.T + b)
    logits = x @ W.T + b                            # [B, num_labels]
    return logits

if __name__ == "__main__":
    import jax
    _d = setup_inputs()
    print(jax.jit(kernel)(*tuple(_d.values())))

</pallas_src>

<mosaic_0001>
#map = affine_map<(d0, d1) -> (0, 0, 0)>
#map1 = affine_map<(d0, d1) -> (0, 0)>
#map2 = affine_map<(d0, d1) -> (0)>
module attributes {stable_mosaic.version = 14 : i64} {
  func.func @_pool_kernel(%arg0: i32, %arg1: i32, %arg2: memref<4096x2x100xi32, #tpu.memory_space<hbm>>, %arg3: memref<1015808x16xf32, #tpu.memory_space<hbm>>, %arg4: memref<16xf32, #tpu.memory_space<hbm>>, %arg5: memref<4096x16xf32, #tpu.memory_space<hbm>>, %arg6: memref<128x2x100xi32, #tpu.memory_space<vmem>>, %arg7: memref<8x2x100x16xf32, #tpu.memory_space<vmem>>, %arg8: memref<128x16xf32, #tpu.memory_space<vmem>>, %arg9: memref<16xf32, #tpu.memory_space<vmem>>, %arg10: memref<!tpu.dma_semaphore, #tpu.memory_space<semaphore_mem>>, %arg11: memref<!tpu.dma_semaphore, #tpu.memory_space<semaphore_mem>>, %arg12: memref<!tpu.dma_semaphore, #tpu.memory_space<semaphore_mem>>, %arg13: memref<!tpu.dma_semaphore, #tpu.memory_space<semaphore_mem>>, %arg14: memref<!tpu.dma_semaphore, #tpu.memory_space<semaphore_mem>>, %arg15: memref<!tpu.dma_semaphore, #tpu.memory_space<semaphore_mem>>, %arg16: memref<!tpu.dma_semaphore, #tpu.memory_space<semaphore_mem>>, %arg17: memref<!tpu.dma_semaphore, #tpu.memory_space<semaphore_mem>>) attributes {dimension_semantics = [#tpu.dimension_semantics<core_parallel>, #tpu.dimension_semantics<subcore_parallel>], iteration_bounds = array<i64: 2, 16>, scalar_prefetch = 0 : i64, scratch_operands = 12 : i64, tpu.core_type = #tpu.core_type<sc_vector_subcore>, window_params = [{transform_indices = #map}, {transform_indices = #map1}, {transform_indices = #map2}, {transform_indices = #map1}]} {
    %mul3A = arith.constant 2 : i32
    %mul3A_0 = arith.muli %arg1, %mul3A : i32
    %add3A = arith.addi %mul3A_0, %arg0 : i32
    %mul3A_1 = arith.constant 128 : i32
    %mul3A_2 = arith.muli %add3A, %mul3A_1 : i32
    "tpu.region"() ({
      %run_scoped3A = tpu.sem_alloc : memref<!tpu.dma_semaphore, #tpu.memory_space<semaphore_mem>>
      %dma_start3A_235 = arith.constant 0 : i32
      %dma_start3A_236 = arith.constant 0 : i32
      %dma_start3A_237 = tpu.memref_slice %arg2[%mul3A_2, %dma_start3A_235, %dma_start3A_236] : memref<4096x2x100xi32, #tpu.memory_space<hbm>> -> memref<128x2x100xi32, #tpu.memory_space<hbm>>
      %dma_start3A_238 = arith.constant 0 : i32
      %dma_start3A_239 = arith.constant 0 : i32
      %dma_start3A_240 = tpu.memref_slice %arg2[%mul3A_2, %dma_start3A_238, %dma_start3A_239] : memref<4096x2x100xi32, #tpu.memory_space<hbm>> -> memref<128x2x100xi32, #tpu.memory_space<hbm>>
      tpu.enqueue_dma source(%dma_start3A_240 : memref<128x2x100xi32, #tpu.memory_space<hbm>>) target(%arg6 : memref<128x2x100xi32, #tpu.memory_space<vmem>>) target_semaphore(%run_scoped3A : memref<!tpu.dma_semaphore, #tpu.memory_space<semaphore_mem>>)
      %dma_wait3A = arith.constant 0 : i32
      %dma_wait3A_241 = arith.constant 0 : i32
      %dma_wait3A_242 = tpu.memref_slice %arg2[%mul3A_2, %dma_wait3A, %dma_wait3A_241] : memref<4096x2x100xi32, #tpu.memory_space<hbm>> -> memref<128x2x100xi32, #tpu.memory_space<hbm>>
      %dma_wait3A_243 = arith.constant 0 : i32
      %dma_wait3A_244 = arith.constant 0 : i32
      %dma_wait3A_245 = tpu.memref_slice %arg2[%mul3A_2, %dma_wait3A_243, %dma_wait3A_244] : memref<4096x2x100xi32, #tpu.memory_space<hbm>> -> memref<128x2x100xi32, #tpu.memory_space<hbm>>
      tpu.wait_dma2 semaphore(%run_scoped3A : memref<!tpu.dma_semaphore, #tpu.memory_space<semaphore_mem>>) src(%dma_wait3A_245 : memref<128x2x100xi32, #tpu.memory_space<hbm>>) dst(%arg6 : memref<128x2x100xi32, #tpu.memory_space<vmem>>)
      tpu.yield
    }) : () -> ()
    "tpu.region"() ({
      %run_scoped3A = tpu.sem_alloc : memref<!tpu.dma_semaphore, #tpu.memory_space<semaphore_mem>>
      tpu.enqueue_dma source(%arg4 : memref<16xf32, #tpu.memory_space<hbm>>) target(%arg9 : memref<16xf32, #tpu.memory_space<vmem>>) target_semaphore(%run_scoped3A : memref<!tpu.dma_semaphore, #tpu.memory_space<semaphore_mem>>)
      tpu.wait_dma2 semaphore(%run_scoped3A : memref<!tpu.dma_semaphore, #tpu.memory_space<semaphore_mem>>) src(%arg4 : memref<16xf32, #tpu.memory_space<hbm>>) dst(%arg9 : memref<16xf32, #tpu.memory_space<vmem>>)
      tpu.yield
    }) : () -> ()
    %dma_start3A = arith.constant 0 : i32
    %dma_start3A_3 = arith.constant 0 : i32
    %dma_start3A_4 = arith.constant 0 : i32
    %dma_start3A_5 = arith.constant 0 : i32
    %dma_start3A_6 = arith.constant 0 : i32
    %dma_start3A_7 = arith.constant 0 : i32
    %dma_start3A_8 = tpu.memref_slice %arg7[%dma_start3A_4, %dma_start3A_5, %dma_start3A_6, %dma_start3A_7] : memref<8x2x100x16xf32, #tpu.memory_space<vmem>> -> memref<1x1x100x16xf32, #tpu.memory_space<vmem>>
    %dma_start3A_9 = tpu.memref_squeeze %dma_start3A_8 : memref<1x1x100x16xf32, #tpu.memory_space<vmem>> -> memref<100x16xf32, #tpu.memory_space<vmem>>
    %dma_start3A_10 = arith.constant 0 : i32
    %dma_start3A_11 = tpu.memref_slice %arg6[%dma_start3A, %dma_start3A_3, %dma_start3A_10] : memref<128x2x100xi32, #tpu.memory_space<vmem>> -> memref<1x1x100xi32, #tpu.memory_space<vmem>>
    %dma_start3A_12 = tpu.memref_squeeze %dma_start3A_11 : memref<1x1x100xi32, #tpu.memory_space<vmem>> -> memref<100xi32, #tpu.memory_space<vmem>>
    %dma_start3A_13 = arith.constant 0 : i32
    %dma_start3A_14 = arith.constant 0 : i32
    %dma_start3A_15 = tpu.memref_slice %arg3[%dma_start3A_13, %dma_start3A_14] : memref<1015808x16xf32, #tpu.memory_space<hbm>> -> memref<1015808x16xf32, #tpu.memory_space<hbm>>
    tpu.enqueue_indirect_dma source(%dma_start3A_15 : memref<1015808x16xf32, #tpu.memory_space<hbm>>) target(%dma_start3A_9 : memref<100x16xf32, #tpu.memory_space<vmem>>) offsets(%dma_start3A_12 : memref<100xi32, #tpu.memory_space<vmem>>) semaphore(%arg10 : memref<!tpu.dma_semaphore, #tpu.memory_space<semaphore_mem>>)
    %dma_start3A_16 = arith.constant 0 : i32
    %dma_start3A_17 = arith.constant 1 : i32
    %dma_start3A_18 = arith.constant 0 : i32
    %dma_start3A_19 = arith.constant 1 : i32
    %dma_start3A_20 = arith.constant 0 : i32
    %dma_start3A_21 = arith.constant 0 : i32
    %dma_start3A_22 = tpu.memref_slice %arg7[%dma_start3A_18, %dma_start3A_19, %dma_start3A_20, %dma_start3A_21] : memref<8x2x100x16xf32, #tpu.memory_space<vmem>> -> memref<1x1x100x16xf32, #tpu.memory_space<vmem>>
    %dma_start3A_23 = tpu.memref_squeeze %dma_start3A_22 : memref<1x1x100x16xf32, #tpu.memory_space<vmem>> -> memref<100x16xf32, #tpu.memory_space<vmem>>
    %dma_start3A_24 = arith.constant 0 : i32
    %dma_start3A_25 = tpu.memref_slice %arg6[%dma_start3A_16, %dma_start3A_17, %dma_start3A_24] : memref<128x2x100xi32, #tpu.memory_space<vmem>> -> memref<1x1x100xi32, #tpu.memory_space<vmem>>
    %dma_start3A_26 = tpu.memref_squeeze %dma_start3A_25 : memref<1x1x100xi32, #tpu.memory_space<vmem>> -> memref<100xi32, #tpu.memory_space<vmem>>
    %dma_start3A_27 = arith.constant 0 : i32
    %dma_start3A_28 = arith.constant 0 : i32
    %dma_start3A_29 = tpu.memref_slice %arg3[%dma_start3A_27, %dma_start3A_28] : memref<1015808x16xf32, #tpu.memory_space<hbm>> -> memref<1015808x16xf32, #tpu.memory_space<hbm>>
    tpu.enqueue_indirect_dma source(%dma_start3A_29 : memref<1015808x16xf32, #tpu.memory_space<hbm>>) target(%dma_start3A_23 : memref<100x16xf32, #tpu.memory_space<vmem>>) offsets(%dma_start3A_26 : memref<100xi32, #tpu.memory_space<vmem>>) semaphore(%arg10 : memref<!tpu.dma_semaphore, #tpu.memory_space<semaphore_mem>>)
    %dma_start3A_30 = arith.constant 1 : i32
    %dma_start3A_31 = arith.constant 0 : i32
    %dma_start3A_32 = arith.constant 1 : i32
    %dma_start3A_33 = arith.constant 0 : i32
    %dma_start3A_34 = arith.constant 0 : i32
    %dma_start3A_35 = arith.constant 0 : i32
    %dma_start3A_36 = tpu.memref_slice %arg7[%dma_start3A_32, %dma_start3A_33, %dma_start3A_34, %dma_start3A_35] : memref<8x2x100x16xf32, #tpu.memory_space<vmem>> -> memref<1x1x100x16xf32, #tpu.memory_space<vmem>>
    %dma_start3A_37 = tpu.memref_squeeze %dma_start3A_36 : memref<1x1x100x16xf32, #tpu.memory_space<vmem>> -> memref<100x16xf32, #tpu.memory_space<vmem>>
    %dma_start3A_38 = arith.constant 0 : i32
    %dma_start3A_39 = tpu.memref_slice %arg6[%dma_start3A_30, %dma_start3A_31, %dma_start3A_38] : memref<128x2x100xi32, #tpu.memory_space<vmem>> -> memref<1x1x100xi32, #tpu.memory_space<vmem>>
    %dma_start3A_40 = tpu.memref_squeeze %dma_start3A_39 : memref<1x1x100xi32, #tpu.memory_space<vmem>> -> memref<100xi32, #tpu.memory_space<vmem>>
    %dma_start3A_41 = arith.constant 0 : i32
    %dma_start3A_42 = arith.constant 0 : i32
    %dma_start3A_43 = tpu.memref_slice %arg3[%dma_start3A_41, %dma_start3A_42] : memref<1015808x16xf32, #tpu.memory_space<hbm>> -> memref<1015808x16xf32, #tpu.memory_space<hbm>>
    tpu.enqueue_indirect_dma source(%dma_start3A_43 : memref<1015808x16xf32, #tpu.memory_space<hbm>>) target(%dma_start3A_37 : memref<100x16xf32, #tpu.memory_space<vmem>>) offsets(%dma_start3A_40 : memref<100xi32, #tpu.memory_space<vmem>>) semaphore(%arg11 : memref<!tpu.dma_semaphore, #tpu.memory_space<semaphore_mem>>)
    %dma_start3A_44 = arith.constant 1 : i32
    %dma_start3A_45 = arith.constant 1 : i32
    %dma_start3A_46 = arith.constant 1 : i32
    %dma_start3A_47 = arith.constant 1 : i32
    %dma_start3A_48 = arith.constant 0 : i32
    %dma_start3A_49 = arith.constant 0 : i32
    %dma_start3A_50 = tpu.memref_slice %arg7[%dma_start3A_46, %dma_start3A_47, %dma_start3A_48, %dma_start3A_49] : memref<8x2x100x16xf32, #tpu.memory_space<vmem>> -> memref<1x1x100x16xf32, #tpu.memory_space<vmem>>
    %dma_start3A_51 = tpu.memref_squeeze %dma_start3A_50 : memref<1x1x100x16xf32, #tpu.memory_space<vmem>> -> memref<100x16xf32, #tpu.memory_space<vmem>>
    %dma_start3A_52 = arith.constant 0 : i32
    %dma_start3A_53 = tpu.memref_slice %arg6[%dma_start3A_44, %dma_start3A_45, %dma_start3A_52] : memref<128x2x100xi32, #tpu.memory_space<vmem>> -> memref<1x1x100xi32, #tpu.memory_space<vmem>>
    %dma_start3A_54 = tpu.memref_squeeze %dma_start3A_53 : memref<1x1x100xi32, #tpu.memory_space<vmem>> -> memref<100xi32, #tpu.memory_space<vmem>>
    %dma_start3A_55 = arith.constant 0 : i32
    %dma_start3A_56 = arith.constant 0 : i32
    %dma_start3A_57 = tpu.memref_slice %arg3[%dma_start3A_55, %dma_start3A_56] : memref<1015808x16xf32, #tpu.memory_space<hbm>> -> memref<1015808x16xf32, #tpu.memory_space<hbm>>
    tpu.enqueue_indirect_dma source(%dma_start3A_57 : memref<1015808x16xf32, #tpu.memory_space<hbm>>) target(%dma_start3A_51 : memref<100x16xf32, #tpu.memory_space<vmem>>) offsets(%dma_start3A_54 : memref<100xi32, #tpu.memory_space<vmem>>) semaphore(%arg11 : memref<!tpu.dma_semaphore, #tpu.memory_space<semaphore_mem>>)
    %dma_start3A_58 = arith.constant 2 : i32
    %dma_start3A_59 = arith.constant 0 : i32
    %dma_start3A_60 = arith.constant 2 : i32
    %dma_start3A_61 = arith.constant 0 : i32
    %dma_start3A_62 = arith.constant 0 : i32
    %dma_start3A_63 = arith.constant 0 : i32
    %dma_start3A_64 = tpu.memref_slice %arg7[%dma_start3A_60, %dma_start3A_61, %dma_start3A_62, %dma_start3A_63] : memref<8x2x100x16xf32, #tpu.memory_space<vmem>> -> memref<1x1x100x16xf32, #tpu.memory_space<vmem>>
    %dma_start3A_65 = tpu.memref_squeeze %dma_start3A_64 : memref<1x1x100x16xf32, #tpu.memory_space<vmem>> -> memref<100x16xf32, #tpu.memory_space<vmem>>
    %dma_start3A_66 = arith.constant 0 : i32
    %dma_start3A_67 = tpu.memref_slice %arg6[%dma_start3A_58, %dma_start3A_59, %dma_start3A_66] : memref<128x2x100xi32, #tpu.memory_space<vmem>> -> memref<1x1x100xi32, #tpu.memory_space<vmem>>
    %dma_start3A_68 = tpu.memref_squeeze %dma_start3A_67 : memref<1x1x100xi32, #tpu.memory_space<vmem>> -> memref<100xi32, #tpu.memory_space<vmem>>
    %dma_start3A_69 = arith.constant 0 : i32
    %dma_start3A_70 = arith.constant 0 : i32
    %dma_start3A_71 = tpu.memref_slice %arg3[%dma_start3A_69, %dma_start3A_70] : memref<1015808x16xf32, #tpu.memory_space<hbm>> -> memref<1015808x16xf32, #tpu.memory_space<hbm>>
    tpu.enqueue_indirect_dma source(%dma_start3A_71 : memref<1015808x16xf32, #tpu.memory_space<hbm>>) target(%dma_start3A_65 : memref<100x16xf32, #tpu.memory_space<vmem>>) offsets(%dma_start3A_68 : memref<100xi32, #tpu.memory_space<vmem>>) semaphore(%arg12 : memref<!tpu.dma_semaphore, #tpu.memory_space<semaphore_mem>>)
    %dma_start3A_72 = arith.constant 2 : i32
    %dma_start3A_73 = arith.constant 1 : i32
    %dma_start3A_74 = arith.constant 2 : i32
    %dma_start3A_75 = arith.constant 1 : i32
    %dma_start3A_76 = arith.constant 0 : i32
    %dma_start3A_77 = arith.constant 0 : i32
    %dma_start3A_78 = tpu.memref_slice %arg7[%dma_start3A_74, %dma_start3A_75, %dma_start3A_76, %dma_start3A_77] : memref<8x2x100x16xf32, #tpu.memory_space<vmem>> -> memref<1x1x100x16xf32, #tpu.memory_space<vmem>>
    %dma_start3A_79 = tpu.memref_squeeze %dma_start3A_78 : memref<1x1x100x16xf32, #tpu.memory_space<vmem>> -> memref<100x16xf32, #tpu.memory_space<vmem>>
    %dma_start3A_80 = arith.constant 0 : i32
    %dma_start3A_81 = tpu.memref_slice %arg6[%dma_start3A_72, %dma_start3A_73, %dma_start3A_80] : memref<128x2x100xi32, #tpu.memory_space<vmem>> -> memref<1x1x100xi32, #tpu.memory_space<vmem>>
    %dma_start3A_82 = tpu.memref_squeeze %dma_start3A_81 : memref<1x1x100xi32, #tpu.memory_space<vmem>> -> memref<100xi32, #tpu.memory_space<vmem>>
    %dma_start3A_83 = arith.constant 0 : i32
    %dma_start3A_84 = arith.constant 0 : i32
    %dma_start3A_85 = tpu.memref_slice %arg3[%dma_start3A_83, %dma_start3A_84] : memref<1015808x16xf32, #tpu.memory_space<hbm>> -> memref<1015808x16xf32, #tpu.memory_space<hbm>>
    tpu.enqueue_indirect_dma source(%dma_start3A_85 : memref<1015808x16xf32, #tpu.memory_space<hbm>>) target(%dma_start3A_79 : memref<100x16xf32, #tpu.memory_space<vmem>>) offsets(%dma_start3A_82 : memref<100xi32, #tpu.memory_space<vmem>>) semaphore(%arg12 : memref<!tpu.dma_semaphore, #tpu.memory_space<semaphore_mem>>)
    %dma_start3A_86 = arith.constant 3 : i32
    %dma_start3A_87 = arith.constant 0 : i32
    %dma_start3A_88 = arith.constant 3 : i32
    %dma_start3A_89 = arith.constant 0 : i32
    %dma_start3A_90 = arith.constant 0 : i32
    %dma_start3A_91 = arith.constant 0 : i32
    %dma_start3A_92 = tpu.memref_slice %arg7[%dma_start3A_88, %dma_start3A_89, %dma_start3A_90, %dma_start3A_91] : memref<8x2x100x16xf32, #tpu.memory_space<vmem>> -> memref<1x1x100x16xf32, #tpu.memory_space<vmem>>
    %dma_start3A_93 = tpu.memref_squeeze %dma_start3A_92 : memref<1x1x100x16xf32, #tpu.memory_space<vmem>> -> memref<100x16xf32, #tpu.memory_space<vmem>>
    %dma_start3A_94 = arith.constant 0 : i32
    %dma_start3A_95 = tpu.memref_slice %arg6[%dma_start3A_86, %dma_start3A_87, %dma_start3A_94] : memref<128x2x100xi32, #tpu.memory_space<vmem>> -> memref<1x1x100xi32, #tpu.memory_space<vmem>>
    %dma_start3A_96 = tpu.memref_squeeze %dma_start3A_95 : memref<1x1x100xi32, #tpu.memory_space<vmem>> -> memref<100xi32, #tpu.memory_space<vmem>>
    %dma_start3A_97 = arith.constant 0 : i32
    %dma_start3A_98 = arith.constant 0 : i32
    %dma_start3A_99 = tpu.memref_slice %arg3[%dma_start3A_97, %dma_start3A_98] : memref<1015808x16xf32, #tpu.memory_space<hbm>> -> memref<1015808x16xf32, #tpu.memory_space<hbm>>
    tpu.enqueue_indirect_dma source(%dma_start3A_99 : memref<1015808x16xf32, #tpu.memory_space<hbm>>) target(%dma_start3A_93 : memref<100x16xf32, #tpu.memory_space<vmem>>) offsets(%dma_start3A_96 : memref<100xi32, #tpu.memory_space<vmem>>) semaphore(%arg13 : memref<!tpu.dma_semaphore, #tpu.memory_space<semaphore_mem>>)
    %dma_start3A_100 = arith.constant 3 : i32
    %dma_start3A_101 = arith.constant 1 : i32
    %dma_start3A_102 = arith.constant 3 : i32
    %dma_start3A_103 = arith.constant 1 : i32
    %dma_start3A_104 = arith.constant 0 : i32
    %dma_start3A_105 = arith.constant 0 : i32
    %dma_start3A_106 = tpu.memref_slice %arg7[%dma_start3A_102, %dma_start3A_103, %dma_start3A_104, %dma_start3A_105] : memref<8x2x100x16xf32, #tpu.memory_space<vmem>> -> memref<1x1x100x16xf32, #tpu.memory_space<vmem>>
    %dma_start3A_107 = tpu.memref_squeeze %dma_start3A_106 : memref<1x1x100x16xf32, #tpu.memory_space<vmem>> -> memref<100x16xf32, #tpu.memory_space<vmem>>
    %dma_start3A_108 = arith.constant 0 : i32
    %dma_start3A_109 = tpu.memref_slice %arg6[%dma_start3A_100, %dma_start3A_101, %dma_start3A_108] : memref<128x2x100xi32, #tpu.memory_space<vmem>> -> memref<1x1x100xi32, #tpu.memory_space<vmem>>
    %dma_start3A_110 = tpu.memref_squeeze %dma_start3A_109 : memref<1x1x100xi32, #tpu.memory_space<vmem>> -> memref<100xi32, #tpu.memory_space<vmem>>
    %dma_start3A_111 = arith.constant 0 : i32
    %dma_start3A_112 = arith.constant 0 : i32
    %dma_start3A_113 = tpu.memref_slice %arg3[%dma_start3A_111, %dma_start3A_112] : memref<1015808x16xf32, #tpu.memory_space<hbm>> -> memref<1015808x16xf32, #tpu.memory_space<hbm>>
    tpu.enqueue_indirect_dma source(%dma_start3A_113 : memref<1015808x16xf32, #tpu.memory_space<hbm>>) target(%dma_start3A_107 : memref<100x16xf32, #tpu.memory_space<vmem>>) offsets(%dma_start3A_110 : memref<100xi32, #tpu.memory_space<vmem>>) semaphore(%arg13 : memref<!tpu.dma_semaphore, #tpu.memory_space<semaphore_mem>>)
    %dma_start3A_114 = arith.constant 4 : i32
    %dma_start3A_115 = arith.constant 0 : i32
    %dma_start3A_116 = arith.constant 4 : i32
    %dma_start3A_117 = arith.constant 0 : i32
    %dma_start3A_118 = arith.constant 0 : i32
    %dma_start3A_119 = arith.constant 0 : i32
    %dma_start3A_120 = tpu.memref_slice %arg7[%dma_start3A_116, %dma_start3A_117, %dma_start3A_118, %dma_start3A_119] : memref<8x2x100x16xf32, #tpu.memory_space<vmem>> -> memref<1x1x100x16xf32, #tpu.memory_space<vmem>>
    %dma_start3A_121 = tpu.memref_squeeze %dma_start3A_120 : memref<1x1x100x16xf32, #tpu.memory_space<vmem>> -> memref<100x16xf32, #tpu.memory_space<vmem>>
    %dma_start3A_122 = arith.constant 0 : i32
    %dma_start3A_123 = tpu.memref_slice %arg6[%dma_start3A_114, %dma_start3A_115, %dma_start3A_122] : memref<128x2x100xi32, #tpu.memory_space<vmem>> -> memref<1x1x100xi32, #tpu.memory_space<vmem>>
    %dma_start3A_124 = tpu.memref_squeeze %dma_start3A_123 : memref<1x1x100xi32, #tpu.memory_space<vmem>> -> memref<100xi32, #tpu.memory_space<vmem>>
    %dma_start3A_125 = arith.constant 0 : i32
    %dma_start3A_126 = arith.constant 0 : i32
    %dma_start3A_127 = tpu.memref_slice %arg3[%dma_start3A_125, %dma_start3A_126] : memref<1015808x16xf32, #tpu.memory_space<hbm>> -> memref<1015808x16xf32, #tpu.memory_space<hbm>>
    tpu.enqueue_indirect_dma source(%dma_start3A_127 : memref<1015808x16xf32, #tpu.memory_space<hbm>>) target(%dma_start3A_121 : memref<100x16xf32, #tpu.memory_space<vmem>>) offsets(%dma_start3A_124 : memref<100xi32, #tpu.memory_space<vmem>>) semaphore(%arg14 : memref<!tpu.dma_semaphore, #tpu.memory_space<semaphore_mem>>)
    %dma_start3A_128 = arith.constant 4 : i32
    %dma_start3A_129 = arith.constant 1 : i32
    %dma_start3A_130 = arith.constant 4 : i32
    %dma_start3A_131 = arith.constant 1 : i32
    %dma_start3A_132 = arith.constant 0 : i32
    %dma_start3A_133 = arith.constant 0 : i32
    %dma_start3A_134 = tpu.memref_slice %arg7[%dma_start3A_130, %dma_start3A_131, %dma_start3A_132, %dma_start3A_133] : memref<8x2x100x16xf32, #tpu.memory_space<vmem>> -> memref<1x1x100x16xf32, #tpu.memory_space<vmem>>
    %dma_start3A_135 = tpu.memref_squeeze %dma_start3A_134 : memref<1x1x100x16xf32, #tpu.memory_space<vmem>> -> memref<100x16xf32, #tpu.memory_space<vmem>>
    %dma_start3A_136 = arith.constant 0 : i32
    %dma_start3A_137 = tpu.memref_slice %arg6[%dma_start3A_128, %dma_start3A_129, %dma_start3A_136] : memref<128x2x100xi32, #tpu.memory_space<vmem>> -> memref<1x1x100xi32, #tpu.memory_space<vmem>>
    %dma_start3A_138 = tpu.memref_squeeze %dma_start3A_137 : memref<1x1x100xi32, #tpu.memory_space<vmem>> -> memref<100xi32, #tpu.memory_space<vmem>>
    %dma_start3A_139 = arith.constant 0 : i32
    %dma_start3A_140 = arith.constant 0 : i32
    %dma_start3A_141 = tpu.memref_slice %arg3[%dma_start3A_139, %dma_start3A_140] : memref<1015808x16xf32, #tpu.memory_space<hbm>> -> memref<1015808x16xf32, #tpu.memory_space<hbm>>
    tpu.enqueue_indirect_dma source(%dma_start3A_141 : memref<1015808x16xf32, #tpu.memory_space<hbm>>) target(%dma_start3A_135 : memref<100x16xf32, #tpu.memory_space<vmem>>) offsets(%dma_start3A_138 : memref<100xi32, #tpu.memory_space<vmem>>) semaphore(%arg14 : memref<!tpu.dma_semaphore, #tpu.memory_space<semaphore_mem>>)
    %dma_start3A_142 = arith.constant 5 : i32
    %dma_start3A_143 = arith.constant 0 : i32
    %dma_start3A_144 = arith.constant 5 : i32
    %dma_start3A_145 = arith.constant 0 : i32
    %dma_start3A_146 = arith.constant 0 : i32
    %dma_start3A_147 = arith.constant 0 : i32
    %dma_start3A_148 = tpu.memref_slice %arg7[%dma_start3A_144, %dma_start3A_145, %dma_start3A_146, %dma_start3A_147] : memref<8x2x100x16xf32, #tpu.memory_space<vmem>> -> memref<1x1x100x16xf32, #tpu.memory_space<vmem>>
    %dma_start3A_149 = tpu.memref_squeeze %dma_start3A_148 : memref<1x1x100x16xf32, #tpu.memory_space<vmem>> -> memref<100x16xf32, #tpu.memory_space<vmem>>
    %dma_start3A_150 = arith.constant 0 : i32
    %dma_start3A_151 = tpu.memref_slice %arg6[%dma_start3A_142, %dma_start3A_143, %dma_start3A_150] : memref<128x2x100xi32, #tpu.memory_space<vmem>> -> memref<1x1x100xi32, #tpu.memory_space<vmem>>
    %dma_start3A_152 = tpu.memref_squeeze %dma_start3A_151 : memref<1x1x100xi32, #tpu.memory_space<vmem>> -> memref<100xi32, #tpu.memory_space<vmem>>
    %dma_start3A_153 = arith.constant 0 : i32
    %dma_start3A_154 = arith.constant 0 : i32
    %dma_start3A_155 = tpu.memref_slice %arg3[%dma_start3A_153, %dma_start3A_154] : memref<1015808x16xf32, #tpu.memory_space<hbm>> -> memref<1015808x16xf32, #tpu.memory_space<hbm>>
    tpu.enqueue_indirect_dma source(%dma_start3A_155 : memref<1015808x16xf32, #tpu.memory_space<hbm>>) target(%dma_start3A_149 : memref<100x16xf32, #tpu.memory_space<vmem>>) offsets(%dma_start3A_152 : memref<100xi32, #tpu.memory_space<vmem>>) semaphore(%arg15 : memref<!tpu.dma_semaphore, #tpu.memory_space<semaphore_mem>>)
    %dma_start3A_156 = arith.constant 5 : i32
    %dma_start3A_157 = arith.constant 1 : i32
    %dma_start3A_158 = arith.constant 5 : i32
    %dma_start3A_159 = arith.constant 1 : i32
    %dma_start3A_160 = arith.constant 0 : i32
    %dma_start3A_161 = arith.constant 0 : i32
    %dma_start3A_162 = tpu.memref_slice %arg7[%dma_start3A_158, %dma_start3A_159, %dma_start3A_160, %dma_start3A_161] : memref<8x2x100x16xf32, #tpu.memory_space<vmem>> -> memref<1x1x100x16xf32, #tpu.memory_space<vmem>>
    %dma_start3A_163 = tpu.memref_squeeze %dma_start3A_162 : memref<1x1x100x16xf32, #tpu.memory_space<vmem>> -> memref<100x16xf32, #tpu.memory_space<vmem>>
    %dma_start3A_164 = arith.constant 0 : i32
    %dma_start3A_165 = tpu.memref_slice %arg6[%dma_start3A_156, %dma_start3A_157, %dma_start3A_164] : memref<128x2x100xi32, #tpu.memory_space<vmem>> -> memref<1x1x100xi32, #tpu.memory_space<vmem>>
    %dma_start3A_166 = tpu.memref_squeeze %dma_start3A_165 : memref<1x1x100xi32, #tpu.memory_space<vmem>> -> memref<100xi32, #tpu.memory_space<vmem>>
    %dma_start3A_167 = arith.constant 0 : i32
    %dma_start3A_168 = arith.constant 0 : i32
    %dma_start3A_169 = tpu.memref_slice %arg3[%dma_start3A_167, %dma_start3A_168] : memref<1015808x16xf32, #tpu.memory_space<hbm>> -> memref<1015808x16xf32, #tpu.memory_space<hbm>>
    tpu.enqueue_indirect_dma source(%dma_start3A_169 : memref<1015808x16xf32, #tpu.memory_space<hbm>>) target(%dma_start3A_163 : memref<100x16xf32, #tpu.memory_space<vmem>>) offsets(%dma_start3A_166 : memref<100xi32, #tpu.memory_space<vmem>>) semaphore(%arg15 : memref<!tpu.dma_semaphore, #tpu.memory_space<semaphore_mem>>)
    %dma_start3A_170 = arith.constant 6 : i32
    %dma_start3A_171 = arith.constant 0 : i32
    %dma_start3A_172 = arith.constant 6 : i32
    %dma_start3A_173 = arith.constant 0 : i32
    %dma_start3A_174 = arith.constant 0 : i32
    %dma_start3A_175 = arith.constant 0 : i32
    %dma_start3A_176 = tpu.memref_slice %arg7[%dma_start3A_172, %dma_start3A_173, %dma_start3A_174, %dma_start3A_175] : memref<8x2x100x16xf32, #tpu.memory_space<vmem>> -> memref<1x1x100x16xf32, #tpu.memory_space<vmem>>
    %dma_start3A_177 = tpu.memref_squeeze %dma_start3A_176 : memref<1x1x100x16xf32, #tpu.memory_space<vmem>> -> memref<100x16xf32, #tpu.memory_space<vmem>>
    %dma_start3A_178 = arith.constant 0 : i32
    %dma_start3A_179 = tpu.memref_slice %arg6[%dma_start3A_170, %dma_start3A_171, %dma_start3A_178] : memref<128x2x100xi32, #tpu.memory_space<vmem>> -> memref<1x1x100xi32, #tpu.memory_space<vmem>>
    %dma_start3A_180 = tpu.memref_squeeze %dma_start3A_179 : memref<1x1x100xi32, #tpu.memory_space<vmem>> -> memref<100xi32, #tpu.memory_space<vmem>>
    %dma_start3A_181 = arith.constant 0 : i32
    %dma_start3A_182 = arith.constant 0 : i32
    %dma_start3A_183 = tpu.memref_slice %arg3[%dma_start3A_181, %dma_start3A_182] : memref<1015808x16xf32, #tpu.memory_space<hbm>> -> memref<1015808x16xf32, #tpu.memory_space<hbm>>
    tpu.enqueue_indirect_dma source(%dma_start3A_183 : memref<1015808x16xf32, #tpu.memory_space<hbm>>) target(%dma_start3A_177 : memref<100x16xf32, #tpu.memory_space<vmem>>) offsets(%dma_start3A_180 : memref<100xi32, #tpu.memory_space<vmem>>) semaphore(%arg16 : memref<!tpu.dma_semaphore, #tpu.memory_space<semaphore_mem>>)
    %dma_start3A_184 = arith.constant 6 : i32
    %dma_start3A_185 = arith.constant 1 : i32
    %dma_start3A_186 = arith.constant 6 : i32
    %dma_start3A_187 = arith.constant 1 : i32
    %dma_start3A_188 = arith.constant 0 : i32
    %dma_start3A_189 = arith.constant 0 : i32
    %dma_start3A_190 = tpu.memref_slice %arg7[%dma_start3A_186, %dma_start3A_187, %dma_start3A_188, %dma_start3A_189] : memref<8x2x100x16xf32, #tpu.memory_space<vmem>> -> memref<1x1x100x16xf32, #tpu.memory_space<vmem>>
    %dma_start3A_191 = tpu.memref_squeeze %dma_start3A_190 : memref<1x1x100x16xf32, #tpu.memory_space<vmem>> -> memref<100x16xf32, #tpu.memory_space<vmem>>
    %dma_start3A_192 = arith.constant 0 : i32
    %dma_start3A_193 = tpu.memref_slice %arg6[%dma_start3A_184, %dma_start3A_185, %dma_start3A_192] : memref<128x2x100xi32, #tpu.memory_space<vmem>> -> memref<1x1x100xi32, #tpu.memory_space<vmem>>
    %dma_start3A_194 = tpu.memref_squeeze %dma_start3A_193 : memref<1x1x100xi32, #tpu.memory_space<vmem>> -> memref<100xi32, #tpu.memory_space<vmem>>
    %dma_start3A_195 = arith.constant 0 : i32
    %dma_start3A_196 = arith.constant 0 : i32
    %dma_start3A_197 = tpu.memref_slice %arg3[%dma_start3A_195, %dma_start3A_196] : memref<1015808x16xf32, #tpu.memory_space<hbm>> -> memref<1015808x16xf32, #tpu.memory_space<hbm>>
    tpu.enqueue_indirect_dma source(%dma_start3A_197 : memref<1015808x16xf32, #tpu.memory_space<hbm>>) target(%dma_start3A_191 : memref<100x16xf32, #tpu.memory_space<vmem>>) offsets(%dma_start3A_194 : memref<100xi32, #tpu.memory_space<vmem>>) semaphore(%arg16 : memref<!tpu.dma_semaphore, #tpu.memory_space<semaphore_mem>>)
    %dma_start3A_198 = arith.constant 7 : i32
    %dma_start3A_199 = arith.constant 0 : i32
    %dma_start3A_200 = arith.constant 7 : i32
    %dma_start3A_201 = arith.constant 0 : i32
    %dma_start3A_202 = arith.constant 0 : i32
    %dma_start3A_203 = arith.constant 0 : i32
    %dma_start3A_204 = tpu.memref_slice %arg7[%dma_start3A_200, %dma_start3A_201, %dma_start3A_202, %dma_start3A_203] : memref<8x2x100x16xf32, #tpu.memory_space<vmem>> -> memref<1x1x100x16xf32, #tpu.memory_space<vmem>>
    %dma_start3A_205 = tpu.memref_squeeze %dma_start3A_204 : memref<1x1x100x16xf32, #tpu.memory_space<vmem>> -> memref<100x16xf32, #tpu.memory_space<vmem>>
    %dma_start3A_206 = arith.constant 0 : i32
    %dma_start3A_207 = tpu.memref_slice %arg6[%dma_start3A_198, %dma_start3A_199, %dma_start3A_206] : memref<128x2x100xi32, #tpu.memory_space<vmem>> -> memref<1x1x100xi32, #tpu.memory_space<vmem>>
    %dma_start3A_208 = tpu.memref_squeeze %dma_start3A_207 : memref<1x1x100xi32, #tpu.memory_space<vmem>> -> memref<100xi32, #tpu.memory_space<vmem>>
    %dma_start3A_209 = arith.constant 0 : i32
    %dma_start3A_210 = arith.constant 0 : i32
    %dma_start3A_211 = tpu.memref_slice %arg3[%dma_start3A_209, %dma_start3A_210] : memref<1015808x16xf32, #tpu.memory_space<hbm>> -> memref<1015808x16xf32, #tpu.memory_space<hbm>>
    tpu.enqueue_indirect_dma source(%dma_start3A_211 : memref<1015808x16xf32, #tpu.memory_space<hbm>>) target(%dma_start3A_205 : memref<100x16xf32, #tpu.memory_space<vmem>>) offsets(%dma_start3A_208 : memref<100xi32, #tpu.memory_space<vmem>>) semaphore(%arg17 : memref<!tpu.dma_semaphore, #tpu.memory_space<semaphore_mem>>)
    %dma_start3A_212 = arith.constant 7 : i32
    %dma_start3A_213 = arith.constant 1 : i32
    %dma_start3A_214 = arith.constant 7 : i32
    %dma_start3A_215 = arith.constant 1 : i32
    %dma_start3A_216 = arith.constant 0 : i32
    %dma_start3A_217 = arith.constant 0 : i32
    %dma_start3A_218 = tpu.memref_slice %arg7[%dma_start3A_214, %dma_start3A_215, %dma_start3A_216, %dma_start3A_217] : memref<8x2x100x16xf32, #tpu.memory_space<vmem>> -> memref<1x1x100x16xf32, #tpu.memory_space<vmem>>
    %dma_start3A_219 = tpu.memref_squeeze %dma_start3A_218 : memref<1x1x100x16xf32, #tpu.memory_space<vmem>> -> memref<100x16xf32, #tpu.memory_space<vmem>>
    %dma_start3A_220 = arith.constant 0 : i32
    %dma_start3A_221 = tpu.memref_slice %arg6[%dma_start3A_212, %dma_start3A_213, %dma_start3A_220] : memref<128x2x100xi32, #tpu.memory_space<vmem>> -> memref<1x1x100xi32, #tpu.memory_space<vmem>>
    %dma_start3A_222 = tpu.memref_squeeze %dma_start3A_221 : memref<1x1x100xi32, #tpu.memory_space<vmem>> -> memref<100xi32, #tpu.memory_space<vmem>>
    %dma_start3A_223 = arith.constant 0 : i32
    %dma_start3A_224 = arith.constant 0 : i32
    %dma_start3A_225 = tpu.memref_slice %arg3[%dma_start3A_223, %dma_start3A_224] : memref<1015808x16xf32, #tpu.memory_space<hbm>> -> memref<1015808x16xf32, #tpu.memory_space<hbm>>
    tpu.enqueue_indirect_dma source(%dma_start3A_225 : memref<1015808x16xf32, #tpu.memory_space<hbm>>) target(%dma_start3A_219 : memref<100x16xf32, #tpu.memory_space<vmem>>) offsets(%dma_start3A_222 : memref<100xi32, #tpu.memory_space<vmem>>) semaphore(%arg17 : memref<!tpu.dma_semaphore, #tpu.memory_space<semaphore_mem>>)
    %broadcast_in_dim3A = arith.constant 5.000000e-03 : f32
    %broadcast_in_dim3A_226 = vector.broadcast %broadcast_in_dim3A : f32 to vector<16xf32>
    %get3A = arith.constant 0 : index
    %get3A_227 = tpu.vector_load %arg9[%get3A] {strides = array<i32>} : memref<16xf32, #tpu.memory_space<vmem>>, vector<16xf32>,
    %get3A_228 = vector.shape_cast %get3A_227 : vector<16xf32> to vector<16xf32>
    %scan3A = arith.constant 0 : i32
    %scan3A_229 = arith.constant 0 : i32
    %scan3A_230 = arith.constant 16 : i32
    %scan3A_231 = arith.addi %scan3A_229, %scan3A_230 : i32
    %scan3A_232 = arith.constant 1 : i32
    %scan3A_233 = scf.for %scan3A_235 = %scan3A_229 to %scan3A_231 step %scan3A_232 iter_args(%scan3A_236 = %scan3A) -> (i32)  : i32 {
      %mul3A_237 = arith.constant 8 : i32
      %mul3A_238 = arith.muli %scan3A_235, %mul3A_237 : i32
      %add3A_239 = arith.constant 0 : i32
      %add3A_240 = arith.addi %mul3A_238, %add3A_239 : i32
      %dma_wait3A = arith.constant 0 : i32
      %dma_wait3A_241 = arith.constant 0 : i32
      %dma_wait3A_242 = arith.constant 0 : i32
      %dma_wait3A_243 = arith.constant 0 : i32
      %dma_wait3A_244 = arith.constant 0 : i32
      %dma_wait3A_245 = tpu.memref_slice %arg7[%dma_wait3A_241, %dma_wait3A_242, %dma_wait3A_243, %dma_wait3A_244] : memref<8x2x100x16xf32, #tpu.memory_space<vmem>> -> memref<1x1x100x16xf32, #tpu.memory_space<vmem>>
      %dma_wait3A_246 = tpu.memref_squeeze %dma_wait3A_245 : memref<1x1x100x16xf32, #tpu.memory_space<vmem>> -> memref<100x16xf32, #tpu.memory_space<vmem>>
      %dma_wait3A_247 = arith.constant 0 : i32
      %dma_wait3A_248 = tpu.memref_slice %arg6[%add3A_240, %dma_wait3A, %dma_wait3A_247] : memref<128x2x100xi32, #tpu.memory_space<vmem>> -> memref<1x1x100xi32, #tpu.memory_space<vmem>>
      %dma_wait3A_249 = tpu.memref_squeeze %dma_wait3A_248 : memref<1x1x100xi32, #tpu.memory_space<vmem>> -> memref<100xi32, #tpu.memory_space<vmem>>
      %dma_wait3A_250 = arith.constant 0 : i32
      %dma_wait3A_251 = arith.constant 0 : i32
      %dma_wait3A_252 = tpu.memref_slice %arg3[%dma_wait3A_250, %dma_wait3A_251] : memref<1015808x16xf32, #tpu.memory_space<hbm>> -> memref<1015808x16xf32, #tpu.memory_space<hbm>>
      tpu.wait_indirect_dma semaphore(%arg10 : memref<!tpu.dma_semaphore, #tpu.memory_space<semaphore_mem>>) src(%dma_wait3A_252 : memref<1015808x16xf32, #tpu.memory_space<hbm>>) dst(%dma_wait3A_246 : memref<100x16xf32, #tpu.memory_space<vmem>>)
      %dma_wait3A_253 = arith.constant 1 : i32
      %dma_wait3A_254 = arith.constant 0 : i32
      %dma_wait3A_255 = arith.constant 1 : i32
      %dma_wait3A_256 = arith.constant 0 : i32
      %dma_wait3A_257 = arith.constant 0 : i32
      %dma_wait3A_258 = tpu.memref_slice %arg7[%dma_wait3A_254, %dma_wait3A_255, %dma_wait3A_256, %dma_wait3A_257] : memref<8x2x100x16xf32, #tpu.memory_space<vmem>> -> memref<1x1x100x16xf32, #tpu.memory_space<vmem>>
      %dma_wait3A_259 = tpu.memref_squeeze %dma_wait3A_258 : memref<1x1x100x16xf32, #tpu.memory_space<vmem>> -> memref<100x16xf32, #tpu.memory_space<vmem>>
      %dma_wait3A_260 = arith.constant 0 : i32
      %dma_wait3A_261 = tpu.memref_slice %arg6[%add3A_240, %dma_wait3A_253, %dma_wait3A_260] : memref<128x2x100xi32, #tpu.memory_space<vmem>> -> memref<1x1x100xi32, #tpu.memory_space<vmem>>
      %dma_wait3A_262 = tpu.memref_squeeze %dma_wait3A_261 : memref<1x1x100xi32, #tpu.memory_space<vmem>> -> memref<100xi32, #tpu.memory_space<vmem>>
      %dma_wait3A_263 = arith.constant 0 : i32
      %dma_wait3A_264 = arith.constant 0 : i32
      %dma_wait3A_265 = tpu.memref_slice %arg3[%dma_wait3A_263, %dma_wait3A_264] : memref<1015808x16xf32, #tpu.memory_space<hbm>> -> memref<1015808x16xf32, #tpu.memory_space<hbm>>
      tpu.wait_indirect_dma semaphore(%arg10 : memref<!tpu.dma_semaphore, #tpu.memory_space<semaphore_mem>>) src(%dma_wait3A_265 : memref<1015808x16xf32, #tpu.memory_space<hbm>>) dst(%dma_wait3A_259 : memref<100x16xf32, #tpu.memory_space<vmem>>)
      %broadcast_in_dim3A_266 = arith.constant 0.000000e+00 : f32
      %broadcast_in_dim3A_267 = vector.broadcast %broadcast_in_dim3A_266 : f32 to vector<16xf32>
      %broadcast_in_dim3A_268 = arith.constant 0.000000e+00 : f32
      %broadcast_in_dim3A_269 = vector.broadcast %broadcast_in_dim3A_268 : f32 to vector<16xf32>
      %broadcast_in_dim3A_270 = arith.constant 0.000000e+00 : f32
      %broadcast_in_dim3A_271 = vector.broadcast %broadcast_in_dim3A_270 : f32 to vector<16xf32>
      %broadcast_in_dim3A_272 = arith.constant 0.000000e+00 : f32
      %broadcast_in_dim3A_273 = vector.broadcast %broadcast_in_dim3A_272 : f32 to vector<16xf32>
      %broadcast_in_dim3A_274 = arith.constant 0.000000e+00 : f32
      %broadcast_in_dim3A_275 = vector.broadcast %broadcast_in_dim3A_274 : f32 to vector<16xf32>
      %broadcast_in_dim3A_276 = arith.constant 0.000000e+00 : f32
      %broadcast_in_dim3A_277 = vector.broadcast %broadcast_in_dim3A_276 : f32 to vector<16xf32>
      %broadcast_in_dim3A_278 = arith.constant 0.000000e+00 : f32
      %broadcast_in_dim3A_279 = vector.broadcast %broadcast_in_dim3A_278 : f32 to vector<16xf32>
      %broadcast_in_dim3A_280 = arith.constant 0.000000e+00 : f32
      %broadcast_in_dim3A_281 = vector.broadcast %broadcast_in_dim3A_280 : f32 to vector<16xf32>
      %broadcast_in_dim3A_282 = arith.constant 0.000000e+00 : f32
      %broadcast_in_dim3A_283 = vector.broadcast %broadcast_in_dim3A_282 : f32 to vector<16xf32>
      %broadcast_in_dim3A_284 = arith.constant 0.000000e+00 : f32
      %broadcast_in_dim3A_285 = vector.broadcast %broadcast_in_dim3A_284 : f32 to vector<16xf32>
      %scan3A_286 = arith.constant 0 : i32
      %scan3A_287 = arith.constant 10 : i32
      %scan3A_288 = arith.addi %scan3A_286, %scan3A_287 : i32
      %scan3A_289 = arith.constant 1 : i32
      %scan3A_290:10 = scf.for %scan3A_913 = %scan3A_286 to %scan3A_288 step %scan3A_289 iter_args(%scan3A_914 = %broadcast_in_dim3A_267, %scan3A_915 = %broadcast_in_dim3A_269, %scan3A_916 = %broadcast_in_dim3A_271, %scan3A_917 = %broadcast_in_dim3A_273, %scan3A_918 = %broadcast_in_dim3A_275, %scan3A_919 = %broadcast_in_dim3A_277, %scan3A_920 = %broadcast_in_dim3A_279, %scan3A_921 = %broadcast_in_dim3A_281, %scan3A_922 = %broadcast_in_dim3A_283, %scan3A_923 = %broadcast_in_dim3A_285) -> (vector<16xf32>, vector<16xf32>, vector<16xf32>, vector<16xf32>, vector<16xf32>, vector<16xf32>, vector<16xf32>, vector<16xf32>, vector<16xf32>, vector<16xf32>)  : i32 {
        %mul3A_924 = arith.constant 10 : i32
        %mul3A_925 = arith.muli %scan3A_913, %mul3A_924 : i32
        %add3A_926 = arith.constant 0 : i32
        %add3A_927 = arith.addi %mul3A_925, %add3A_926 : i32
        %get3A_928 = arith.constant 0 : i32
        %get3A_929 = arith.constant 0 : i32
        %get3A_930 = arith.index_cast %get3A_928 : i32 to index
        %get3A_931 = arith.index_cast %get3A_929 : i32 to index
        %get3A_932 = arith.index_cast %add3A_927 : i32 to index
        %get3A_933 = arith.constant 0 : index
        %get3A_934 = tpu.vector_load %arg7[%get3A_930, %get3A_931, %get3A_932, %get3A_933] {strides = array<i32>} : memref<8x2x100x16xf32, #tpu.memory_space<vmem>>, vector<1x1x1x16xf32>,
        %get3A_935 = vector.shape_cast %get3A_934 : vector<1x1x1x16xf32> to vector<16xf32>
        %add3A_936 = arith.addf %scan3A_914, %get3A_935 : vector<16xf32>
        %add3A_937 = arith.constant 1 : i32
        %add3A_938 = arith.addi %mul3A_925, %add3A_937 : i32
        %get3A_939 = arith.constant 0 : i32
        %get3A_940 = arith.constant 0 : i32
        %get3A_941 = arith.index_cast %get3A_939 : i32 to index
        %get3A_942 = arith.index_cast %get3A_940 : i32 to index
        %get3A_943 = arith.index_cast %add3A_938 : i32 to index
        %get3A_944 = arith.constant 0 : index
        %get3A_945 = tpu.vector_load %arg7[%get3A_941, %get3A_942, %get3A_943, %get3A_944] {strides = array<i32>} : memref<8x2x100x16xf32, #tpu.memory_space<vmem>>, vector<1x1x1x16xf32>,
        %get3A_946 = vector.shape_cast %get3A_945 : vector<1x1x1x16xf32> to vector<16xf32>
        %add3A_947 = arith.addf %scan3A_915, %get3A_946 : vector<16xf32>
        %add3A_948 = arith.constant 2 : i32
        %add3A_949 = arith.addi %mul3A_925, %add3A_948 : i32
        %get3A_950 = arith.constant 0 : i32
        %get3A_951 = arith.constant 0 : i32
        %get3A_952 = arith.index_cast %get3A_950 : i32 to index
        %get3A_953 = arith.index_cast %get3A_951 : i32 to index
        %get3A_954 = arith.index_cast %add3A_949 : i32 to index
        %get3A_955 = arith.constant 0 : index
        %get3A_956 = tpu.vector_load %arg7[%get3A_952, %get3A_953, %get3A_954, %get3A_955] {strides = array<i32>} : memref<8x2x100x16xf32, #tpu.memory_space<vmem>>, vector<1x1x1x16xf32>,
        %get3A_957 = vector.shape_cast %get3A_956 : vector<1x1x1x16xf32> to vector<16xf32>
        %add3A_958 = arith.addf %scan3A_916, %get3A_957 : vector<16xf32>
        %add3A_959 = arith.constant 3 : i32
        %add3A_960 = arith.addi %mul3A_925, %add3A_959 : i32
        %get3A_961 = arith.constant 0 : i32
        %get3A_962 = arith.constant 0 : i32
        %get3A_963 = arith.index_cast %get3A_961 : i32 to index
        %get3A_964 = arith.index_cast %get3A_962 : i32 to index
        %get3A_965 = arith.index_cast %add3A_960 : i32 to index
        %get3A_966 = arith.constant 0 : index
        %get3A_967 = tpu.vector_load %arg7[%get3A_963, %get3A_964, %get3A_965, %get3A_966] {strides = array<i32>} : memref<8x2x100x16xf32, #tpu.memory_space<vmem>>, vector<1x1x1x16xf32>,
        %get3A_968 = vector.shape_cast %get3A_967 : vector<1x1x1x16xf32> to vector<16xf32>
        %add3A_969 = arith.addf %scan3A_917, %get3A_968 : vector<16xf32>
        %add3A_970 = arith.constant 4 : i32
        %add3A_971 = arith.addi %mul3A_925, %add3A_970 : i32
        %get3A_972 = arith.constant 0 : i32
        %get3A_973 = arith.constant 0 : i32
        %get3A_974 = arith.index_cast %get3A_972 : i32 to index
        %get3A_975 = arith.index_cast %get3A_973 : i32 to index
        %get3A_976 = arith.index_cast %add3A_971 : i32 to index
        %get3A_977 = arith.constant 0 : index
        %get3A_978 = tpu.vector_load %arg7[%get3A_974, %get3A_975, %get3A_976, %get3A_977] {strides = array<i32>} : memref<8x2x100x16xf32, #tpu.memory_space<vmem>>, vector<1x1x1x16xf32>,
        %get3A_979 = vector.shape_cast %get3A_978 : vector<1x1x1x16xf32> to vector<16xf32>
        %add3A_980 = arith.addf %scan3A_918, %get3A_979 : vector<16xf32>
        %add3A_981 = arith.constant 5 : i32
        %add3A_982 = arith.addi %mul3A_925, %add3A_981 : i32
        %get3A_983 = arith.constant 0 : i32
        %get3A_984 = arith.constant 0 : i32
        %get3A_985 = arith.index_cast %get3A_983 : i32 to index
        %get3A_986 = arith.index_cast %get3A_984 : i32 to index
        %get3A_987 = arith.index_cast %add3A_982 : i32 to index
        %get3A_988 = arith.constant 0 : index
        %get3A_989 = tpu.vector_load %arg7[%get3A_985, %get3A_986, %get3A_987, %get3A_988] {strides = array<i32>} : memref<8x2x100x16xf32, #tpu.memory_space<vmem>>, vector<1x1x1x16xf32>,
        %get3A_990 = vector.shape_cast %get3A_989 : vector<1x1x1x16xf32> to vector<16xf32>
        %add3A_991 = arith.addf %scan3A_919, %get3A_990 : vector<16xf32>
        %add3A_992 = arith.constant 6 : i32
        %add3A_993 = arith.addi %mul3A_925, %add3A_992 : i32
        %get3A_994 = arith.constant 0 : i32
        %get3A_995 = arith.constant 0 : i32
        %get3A_996 = arith.index_cast %get3A_994 : i32 to index
        %get3A_997 = arith.index_cast %get3A_995 : i32 to index
        %get3A_998 = arith.index_cast %add3A_993 : i32 to index
        %get3A_999 = arith.constant 0 : index
        %get3A_1000 = tpu.vector_load %arg7[%get3A_996, %get3A_997, %get3A_998, %get3A_999] {strides = array<i32>} : memref<8x2x100x16xf32, #tpu.memory_space<vmem>>, vector<1x1x1x16xf32>,
        %get3A_1001 = vector.shape_cast %get3A_1000 : vector<1x1x1x16xf32> to vector<16xf32>
        %add3A_1002 = arith.addf %scan3A_920, %get3A_1001 : vector<16xf32>
        %add3A_1003 = arith.constant 7 : i32
        %add3A_1004 = arith.addi %mul3A_925, %add3A_1003 : i32
        %get3A_1005 = arith.constant 0 : i32
        %get3A_1006 = arith.constant 0 : i32
        %get3A_1007 = arith.index_cast %get3A_1005 : i32 to index
        %get3A_1008 = arith.index_cast %get3A_1006 : i32 to index
        %get3A_1009 = arith.index_cast %add3A_1004 : i32 to index
        %get3A_1010 = arith.constant 0 : index
        %get3A_1011 = tpu.vector_load %arg7[%get3A_1007, %get3A_1008, %get3A_1009, %get3A_1010] {strides = array<i32>} : memref<8x2x100x16xf32, #tpu.memory_space<vmem>>, vector<1x1x1x16xf32>,
        %get3A_1012 = vector.shape_cast %get3A_1011 : vector<1x1x1x16xf32> to vector<16xf32>
        %add3A_1013 = arith.addf %scan3A_921, %get3A_1012 : vector<16xf32>
        %add3A_1014 = arith.constant 8 : i32
        %add3A_1015 = arith.addi %mul3A_925, %add3A_1014 : i32
        %get3A_1016 = arith.constant 0 : i32
        %get3A_1017 = arith.constant 0 : i32
        %get3A_1018 = arith.index_cast %get3A_1016 : i32 to index
        %get3A_1019 = arith.index_cast %get3A_1017 : i32 to index
        %get3A_1020 = arith.index_cast %add3A_1015 : i32 to index
        %get3A_1021 = arith.constant 0 : index
        %get3A_1022 = tpu.vector_load %arg7[%get3A_1018, %get3A_1019, %get3A_1020, %get3A_1021] {strides = array<i32>} : memref<8x2x100x16xf32, #tpu.memory_space<vmem>>, vector<1x1x1x16xf32>,
        %get3A_1023 = vector.shape_cast %get3A_1022 : vector<1x1x1x16xf32> to vector<16xf32>
        %add3A_1024 = arith.addf %scan3A_922, %get3A_1023 : vector<16xf32>
        %add3A_1025 = arith.constant 9 : i32
        %add3A_1026 = arith.addi %mul3A_925, %add3A_1025 : i32
        %get3A_1027 = arith.constant 0 : i32
        %get3A_1028 = arith.constant 0 : i32
        %get3A_1029 = arith.index_cast %get3A_1027 : i32 to index
        %get3A_1030 = arith.index_cast %get3A_1028 : i32 to index
        %get3A_1031 = arith.index_cast %add3A_1026 : i32 to index
        %get3A_1032 = arith.constant 0 : index
        %get3A_1033 = tpu.vector_load %arg7[%get3A_1029, %get3A_1030, %get3A_1031, %get3A_1032] {strides = array<i32>} : memref<8x2x100x16xf32, #tpu.memory_space<vmem>>, vector<1x1x1x16xf32>,
        %get3A_1034 = vector.shape_cast %get3A_1033 : vector<1x1x1x16xf32> to vector<16xf32>
        %add3A_1035 = arith.addf %scan3A_923, %get3A_1034 : vector<16xf32>
        scf.yield %add3A_936, %add3A_947, %add3A_958, %add3A_969, %add3A_980, %add3A_991, %add3A_1002, %add3A_1013, %add3A_1024, %add3A_1035 : vector<16xf32>, vector<16xf32>, vector<16xf32>, vector<16xf32>, vector<16xf32>, vector<16xf32>, vector<16xf32>, vector<16xf32>, vector<16xf32>, vector<16xf32>
      }
      %scan3A_291 = arith.constant 10 : i32
      %scan3A_292 = arith.constant 0 : i32
      %scan3A_293 = arith.constant 10 : i32
      %scan3A_294 = arith.addi %scan3A_292, %scan3A_293 : i32
      %scan3A_295 = arith.constant 1 : i32
      %scan3A_296:10 = scf.for %scan3A_913 = %scan3A_292 to %scan3A_294 step %scan3A_295 iter_args(%scan3A_914 = %scan3A_290#0, %scan3A_915 = %scan3A_290#1, %scan3A_916 = %scan3A_290#2, %scan3A_917 = %scan3A_290#3, %scan3A_918 = %scan3A_290#4, %scan3A_919 = %scan3A_290#5, %scan3A_920 = %scan3A_290#6, %scan3A_921 = %scan3A_290#7, %scan3A_922 = %scan3A_290#8, %scan3A_923 = %scan3A_290#9) -> (vector<16xf32>, vector<16xf32>, vector<16xf32>, vector<16xf32>, vector<16xf32>, vector<16xf32>, vector<16xf32>, vector<16xf32>, vector<16xf32>, vector<16xf32>)  : i32 {
        %mul3A_924 = arith.constant 10 : i32
        %mul3A_925 = arith.muli %scan3A_913, %mul3A_924 : i32
        %add3A_926 = arith.constant 0 : i32
        %add3A_927 = arith.addi %mul3A_925, %add3A_926 : i32
        %get3A_928 = arith.constant 0 : i32
        %get3A_929 = arith.constant 1 : i32
        %get3A_930 = arith.index_cast %get3A_928 : i32 to index
        %get3A_931 = arith.index_cast %get3A_929 : i32 to index
        %get3A_932 = arith.index_cast %add3A_927 : i32 to index
        %get3A_933 = arith.constant 0 : index
        %get3A_934 = tpu.vector_load %arg7[%get3A_930, %get3A_931, %get3A_932, %get3A_933] {strides = array<i32>} : memref<8x2x100x16xf32, #tpu.memory_space<vmem>>, vector<1x1x1x16xf32>,
        %get3A_935 = vector.shape_cast %get3A_934 : vector<1x1x1x16xf32> to vector<16xf32>
        %add3A_936 = arith.addf %scan3A_914, %get3A_935 : vector<16xf32>
        %add3A_937 = arith.constant 1 : i32
        %add3A_938 = arith.addi %mul3A_925, %add3A_937 : i32
        %get3A_939 = arith.constant 0 : i32
        %get3A_940 = arith.constant 1 : i32
        %get3A_941 = arith.index_cast %get3A_939 : i32 to index
        %get3A_942 = arith.index_cast %get3A_940 : i32 to index
        %get3A_943 = arith.index_cast %add3A_938 : i32 to index
        %get3A_944 = arith.constant 0 : index
        %get3A_945 = tpu.vector_load %arg7[%get3A_941, %get3A_942, %get3A_943, %get3A_944] {strides = array<i32>} : memref<8x2x100x16xf32, #tpu.memory_space<vmem>>, vector<1x1x1x16xf32>,
        %get3A_946 = vector.shape_cast %get3A_945 : vector<1x1x1x16xf32> to vector<16xf32>
        %add3A_947 = arith.addf %scan3A_915, %get3A_946 : vector<16xf32>
        %add3A_948 = arith.constant 2 : i32
        %add3A_949 = arith.addi %mul3A_925, %add3A_948 : i32
        %get3A_950 = arith.constant 0 : i32
        %get3A_951 = arith.constant 1 : i32
        %get3A_952 = arith.index_cast %get3A_950 : i32 to index
        %get3A_953 = arith.index_cast %get3A_951 : i32 to index
        %get3A_954 = arith.index_cast %add3A_949 : i32 to index
        %get3A_955 = arith.constant 0 : index
        %get3A_956 = tpu.vector_load %arg7[%get3A_952, %get3A_953, %get3A_954, %get3A_955] {strides = array<i32>} : memref<8x2x100x16xf32, #tpu.memory_space<vmem>>, vector<1x1x1x16xf32>,
        %get3A_957 = vector.shape_cast %get3A_956 : vector<1x1x1x16xf32> to vector<16xf32>
        %add3A_958 = arith.addf %scan3A_916, %get3A_957 : vector<16xf32>
        %add3A_959 = arith.constant 3 : i32
        %add3A_960 = arith.addi %mul3A_925, %add3A_959 : i32
        %get3A_961 = arith.constant 0 : i32
        %get3A_962 = arith.constant 1 : i32
        %get3A_963 = arith.index_cast %get3A_961 : i32 to index
        %get3A_964 = arith.index_cast %get3A_962 : i32 to index
        %get3A_965 = arith.index_cast %add3A_960 : i32 to index
        %get3A_966 = arith.constant 0 : index
        %get3A_967 = tpu.vector_load %arg7[%get3A_963, %get3A_964, %get3A_965, %get3A_966] {strides = array<i32>} : memref<8x2x100x16xf32, #tpu.memory_space<vmem>>, vector<1x1x1x16xf32>,
        %get3A_968 = vector.shape_cast %get3A_967 : vector<1x1x1x16xf32> to vector<16xf32>
        %add3A_969 = arith.addf %scan3A_917, %get3A_968 : vector<16xf32>
        %add3A_970 = arith.constant 4 : i32
        %add3A_971 = arith.addi %mul3A_925, %add3A_970 : i32
        %get3A_972 = arith.constant 0 : i32
        %get3A_973 = arith.constant 1 : i32
        %get3A_974 = arith.index_cast %get3A_972 : i32 to index
        %get3A_975 = arith.index_cast %get3A_973 : i32 to index
        %get3A_976 = arith.index_cast %add3A_971 : i32 to index
        %get3A_977 = arith.constant 0 : index
        %get3A_978 = tpu.vector_load %arg7[%get3A_974, %get3A_975, %get3A_976, %get3A_977] {strides = array<i32>} : memref<8x2x100x16xf32, #tpu.memory_space<vmem>>, vector<1x1x1x16xf32>,
        %get3A_979 = vector.shape_cast %get3A_978 : vector<1x1x1x16xf32> to vector<16xf32>
        %add3A_980 = arith.addf %scan3A_918, %get3A_979 : vector<16xf32>
        %add3A_981 = arith.constant 5 : i32
        %add3A_982 = arith.addi %mul3A_925, %add3A_981 : i32
        %get3A_983 = arith.constant 0 : i32
        %get3A_984 = arith.constant 1 : i32
        %get3A_985 = arith.index_cast %get3A_983 : i32 to index
        %get3A_986 = arith.index_cast %get3A_984 : i32 to index
        %get3A_987 = arith.index_cast %add3A_982 : i32 to index
        %get3A_988 = arith.constant 0 : index
        %get3A_989 = tpu.vector_load %arg7[%get3A_985, %get3A_986, %get3A_987, %get3A_988] {strides = array<i32>} : memref<8x2x100x16xf32, #tpu.memory_space<vmem>>, vector<1x1x1x16xf32>,
        %get3A_990 = vector.shape_cast %get3A_989 : vector<1x1x1x16xf32> to vector<16xf32>
        %add3A_991 = arith.addf %scan3A_919, %get3A_990 : vector<16xf32>
        %add3A_992 = arith.constant 6 : i32
        %add3A_993 = arith.addi %mul3A_925, %add3A_992 : i32
        %get3A_994 = arith.constant 0 : i32
        %get3A_995 = arith.constant 1 : i32
        %get3A_996 = arith.index_cast %get3A_994 : i32 to index
        %get3A_997 = arith.index_cast %get3A_995 : i32 to index
        %get3A_998 = arith.index_cast %add3A_993 : i32 to index
        %get3A_999 = arith.constant 0 : index
        %get3A_1000 = tpu.vector_load %arg7[%get3A_996, %get3A_997, %get3A_998, %get3A_999] {strides = array<i32>} : memref<8x2x100x16xf32, #tpu.memory_space<vmem>>, vector<1x1x1x16xf32>,
        %get3A_1001 = vector.shape_cast %get3A_1000 : vector<1x1x1x16xf32> to vector<16xf32>
        %add3A_1002 = arith.addf %scan3A_920, %get3A_1001 : vector<16xf32>
        %add3A_1003 = arith.constant 7 : i32
        %add3A_1004 = arith.addi %mul3A_925, %add3A_1003 : i32
        %get3A_1005 = arith.constant 0 : i32
        %get3A_1006 = arith.constant 1 : i32
        %get3A_1007 = arith.index_cast %get3A_1005 : i32 to index
        %get3A_1008 = arith.index_cast %get3A_1006 : i32 to index
        %get3A_1009 = arith.index_cast %add3A_1004 : i32 to index
        %get3A_1010 = arith.constant 0 : index
        %get3A_1011 = tpu.vector_load %arg7[%get3A_1007, %get3A_1008, %get3A_1009, %get3A_1010] {strides = array<i32>} : memref<8x2x100x16xf32, #tpu.memory_space<vmem>>, vector<1x1x1x16xf32>,
        %get3A_1012 = vector.shape_cast %get3A_1011 : vector<1x1x1x16xf32> to vector<16xf32>
        %add3A_1013 = arith.addf %scan3A_921, %get3A_1012 : vector<16xf32>
        %add3A_1014 = arith.constant 8 : i32
        %add3A_1015 = arith.addi %mul3A_925, %add3A_1014 : i32
        %get3A_1016 = arith.constant 0 : i32
        %get3A_1017 = arith.constant 1 : i32
        %get3A_1018 = arith.index_cast %get3A_1016 : i32 to index
        %get3A_1019 = arith.index_cast %get3A_1017 : i32 to index
        %get3A_1020 = arith.index_cast %add3A_1015 : i32 to index
        %get3A_1021 = arith.constant 0 : index
        %get3A_1022 = tpu.vector_load %arg7[%get3A_1018, %get3A_1019, %get3A_1020, %get3A_1021] {strides = array<i32>} : memref<8x2x100x16xf32, #tpu.memory_space<vmem>>, vector<1x1x1x16xf32>,
        %get3A_1023 = vector.shape_cast %get3A_1022 : vector<1x1x1x16xf32> to vector<16xf32>
        %add3A_1024 = arith.addf %scan3A_922, %get3A_1023 : vector<16xf32>
        %add3A_1025 = arith.constant 9 : i32
        %add3A_1026 = arith.addi %mul3A_925, %add3A_1025 : i32
        %get3A_1027 = arith.constant 0 : i32
        %get3A_1028 = arith.constant 1 : i32
        %get3A_1029 = arith.index_cast %get3A_1027 : i32 to index
        %get3A_1030 = arith.index_cast %get3A_1028 : i32 to index
        %get3A_1031 = arith.index_cast %add3A_1026 : i32 to index
        %get3A_1032 = arith.constant 0 : index
        %get3A_1033 = tpu.vector_load %arg7[%get3A_1029, %get3A_1030, %get3A_1031, %get3A_1032] {strides = array<i32>} : memref<8x2x100x16xf32, #tpu.memory_space<vmem>>, vector<1x1x1x16xf32>,
        %get3A_1034 = vector.shape_cast %get3A_1033 : vector<1x1x1x16xf32> to vector<16xf32>
        %add3A_1035 = arith.addf %scan3A_923, %get3A_1034 : vector<16xf32>
        scf.yield %add3A_936, %add3A_947, %add3A_958, %add3A_969, %add3A_980, %add3A_991, %add3A_1002, %add3A_1013, %add3A_1024, %add3A_1035 : vector<16xf32>, vector<16xf32>, vector<16xf32>, vector<16xf32>, vector<16xf32>, vector<16xf32>, vector<16xf32>, vector<16xf32>, vector<16xf32>, vector<16xf32>
      }
      %scan3A_297 = arith.constant 10 : i32
      %add3A_298 = arith.constant 8 : i32
      %add3A_299 = arith.addi %add3A_240, %add3A_298 : i32
      %lt3A = arith.constant 128 : i32
      %lt3A_300 = arith.cmpi slt, %add3A_299, %lt3A : i32
      %convert_element_type3A = arith.extui %lt3A_300 : i1 to i32
      %cond3A = arith.constant 0 : i32
      %cond3A_301 = arith.cmpi ne, %convert_element_type3A, %cond3A : i32
      scf.if %cond3A_301 {
        %add3A_913 = arith.constant 8 : i32
        %add3A_914 = arith.addi %add3A_240, %add3A_913 : i32
        %dma_start3A_915 = arith.constant 0 : i32
        %dma_start3A_916 = arith.constant 0 : i32
        %dma_start3A_917 = arith.constant 0 : i32
        %dma_start3A_918 = arith.constant 0 : i32
        %dma_start3A_919 = arith.constant 0 : i32
        %dma_start3A_920 = tpu.memref_slice %arg7[%dma_start3A_916, %dma_start3A_917, %dma_start3A_918, %dma_start3A_919] : memref<8x2x100x16xf32, #tpu.memory_space<vmem>> -> memref<1x1x100x16xf32, #tpu.memory_space<vmem>>
        %dma_start3A_921 = tpu.memref_squeeze %dma_start3A_920 : memref<1x1x100x16xf32, #tpu.memory_space<vmem>> -> memref<100x16xf32, #tpu.memory_space<vmem>>
        %dma_start3A_922 = arith.constant 0 : i32
        %dma_start3A_923 = tpu.memref_slice %arg6[%add3A_914, %dma_start3A_915, %dma_start3A_922] : memref<128x2x100xi32, #tpu.memory_space<vmem>> -> memref<1x1x100xi32, #tpu.memory_space<vmem>>
        %dma_start3A_924 = tpu.memref_squeeze %dma_start3A_923 : memref<1x1x100xi32, #tpu.memory_space<vmem>> -> memref<100xi32, #tpu.memory_space<vmem>>
        %dma_start3A_925 = arith.constant 0 : i32
        %dma_start3A_926 = arith.constant 0 : i32
        %dma_start3A_927 = tpu.memref_slice %arg3[%dma_start3A_925, %dma_start3A_926] : memref<1015808x16xf32, #tpu.memory_space<hbm>> -> memref<1015808x16xf32, #tpu.memory_space<hbm>>
        tpu.enqueue_indirect_dma source(%dma_start3A_927 : memref<1015808x16xf32, #tpu.memory_space<hbm>>) target(%dma_start3A_921 : memref<100x16xf32, #tpu.memory_space<vmem>>) offsets(%dma_start3A_924 : memref<100xi32, #tpu.memory_space<vmem>>) semaphore(%arg10 : memref<!tpu.dma_semaphore, #tpu.memory_space<semaphore_mem>>)
        %dma_start3A_928 = arith.constant 1 : i32
        %dma_start3A_929 = arith.constant 0 : i32
        %dma_start3A_930 = arith.constant 1 : i32
        %dma_start3A_931 = arith.constant 0 : i32
        %dma_start3A_932 = arith.constant 0 : i32
        %dma_start3A_933 = tpu.memref_slice %arg7[%dma_start3A_929, %dma_start3A_930, %dma_start3A_931, %dma_start3A_932] : memref<8x2x100x16xf32, #tpu.memory_space<vmem>> -> memref<1x1x100x16xf32, #tpu.memory_space<vmem>>
        %dma_start3A_934 = tpu.memref_squeeze %dma_start3A_933 : memref<1x1x100x16xf32, #tpu.memory_space<vmem>> -> memref<100x16xf32, #tpu.memory_space<vmem>>
        %dma_start3A_935 = arith.constant 0 : i32
        %dma_start3A_936 = tpu.memref_slice %arg6[%add3A_914, %dma_start3A_928, %dma_start3A_935] : memref<128x2x100xi32, #tpu.memory_space<vmem>> -> memref<1x1x100xi32, #tpu.memory_space<vmem>>
        %dma_start3A_937 = tpu.memref_squeeze %dma_start3A_936 : memref<1x1x100xi32, #tpu.memory_space<vmem>> -> memref<100xi32, #tpu.memory_space<vmem>>
        %dma_start3A_938 = arith.constant 0 : i32
        %dma_start3A_939 = arith.constant 0 : i32
        %dma_start3A_940 = tpu.memref_slice %arg3[%dma_start3A_938, %dma_start3A_939] : memref<1015808x16xf32, #tpu.memory_space<hbm>> -> memref<1015808x16xf32, #tpu.memory_space<hbm>>
        tpu.enqueue_indirect_dma source(%dma_start3A_940 : memref<1015808x16xf32, #tpu.memory_space<hbm>>) target(%dma_start3A_934 : memref<100x16xf32, #tpu.memory_space<vmem>>) offsets(%dma_start3A_937 : memref<100xi32, #tpu.memory_space<vmem>>) semaphore(%arg10 : memref<!tpu.dma_semaphore, #tpu.memory_space<semaphore_mem>>)
      } else {
      }
      %add3A_302 = arith.addf %scan3A_296#0, %scan3A_296#1 : vector<16xf32>
      %add3A_303 = arith.addf %scan3A_296#2, %scan3A_296#3 : vector<16xf32>
      %add3A_304 = arith.addf %scan3A_296#4, %scan3A_296#5 : vector<16xf32>
      %add3A_305 = arith.addf %scan3A_296#6, %scan3A_296#7 : vector<16xf32>
      %add3A_306 = arith.addf %scan3A_296#8, %scan3A_296#9 : vector<16xf32>
      %add3A_307 = arith.addf %add3A_302, %add3A_303 : vector<16xf32>
      %add3A_308 = arith.addf %add3A_304, %add3A_305 : vector<16xf32>
      %add3A_309 = arith.addf %add3A_307, %add3A_308 : vector<16xf32>
      %add3A_310 = arith.addf %add3A_309, %add3A_306 : vector<16xf32>
      %mul3A_311 = arith.mulf %add3A_310, %broadcast_in_dim3A_226 : vector<16xf32>
      %add3A_312 = arith.addf %mul3A_311, %get3A_228 : vector<16xf32>
      %swap3A = arith.index_cast %add3A_240 : i32 to index
      %swap3A_313 = arith.constant 0 : index
      %swap3A_314 = tpu.vector_load %arg8[%swap3A, %swap3A_313] {strides = array<i32>} : memref<128x16xf32, #tpu.memory_space<vmem>>, vector<1x16xf32>,
      %swap3A_315 = vector.shape_cast %swap3A_314 : vector<1x16xf32> to vector<16xf32>
      %swap3A_316 = vector.shape_cast %add3A_312 : vector<16xf32> to vector<1x16xf32>
      tpu.vector_store %arg8[%swap3A, %swap3A_313], %swap3A_316 {strides = array<i32>} : memref<128x16xf32, #tpu.memory_space<vmem>>, vector<1x16xf32>,
      %mul3A_317 = arith.constant 8 : i32
      %mul3A_318 = arith.muli %scan3A_235, %mul3A_317 : i32
      %add3A_319 = arith.constant 1 : i32
      %add3A_320 = arith.addi %mul3A_318, %add3A_319 : i32
      %dma_wait3A_321 = arith.constant 0 : i32
      %dma_wait3A_322 = arith.constant 1 : i32
      %dma_wait3A_323 = arith.constant 0 : i32
      %dma_wait3A_324 = arith.constant 0 : i32
      %dma_wait3A_325 = arith.constant 0 : i32
      %dma_wait3A_326 = tpu.memref_slice %arg7[%dma_wait3A_322, %dma_wait3A_323, %dma_wait3A_324, %dma_wait3A_325] : memref<8x2x100x16xf32, #tpu.memory_space<vmem>> -> memref<1x1x100x16xf32, #tpu.memory_space<vmem>>
      %dma_wait3A_327 = tpu.memref_squeeze %dma_wait3A_326 : memref<1x1x100x16xf32, #tpu.memory_space<vmem>> -> memref<100x16xf32, #tpu.memory_space<vmem>>
      %dma_wait3A_328 = arith.constant 0 : i32
      %dma_wait3A_329 = tpu.memref_slice %arg6[%add3A_320, %dma_wait3A_321, %dma_wait3A_328] : memref<128x2x100xi32, #tpu.memory_space<vmem>> -> memref<1x1x100xi32, #tpu.memory_space<vmem>>
      %dma_wait3A_330 = tpu.memref_squeeze %dma_wait3A_329 : memref<1x1x100xi32, #tpu.memory_space<vmem>> -> memref<100xi32, #tpu.memory_space<vmem>>
      %dma_wait3A_331 = arith.constant 0 : i32
      %dma_wait3A_332 = arith.constant 0 : i32
      %dma_wait3A_333 = tpu.memref_slice %arg3[%dma_wait3A_331, %dma_wait3A_332] : memref<1015808x16xf32, #tpu.memory_space<hbm>> -> memref<1015808x16xf32, #tpu.memory_space<hbm>>
      tpu.wait_indirect_dma semaphore(%arg11 : memref<!tpu.dma_semaphore, #tpu.memory_space<semaphore_mem>>) src(%dma_wait3A_333 : memref<1015808x16xf32, #tpu.memory_space<hbm>>) dst(%dma_wait3A_327 : memref<100x16xf32, #tpu.memory_space<vmem>>)
      %dma_wait3A_334 = arith.constant 1 : i32
      %dma_wait3A_335 = arith.constant 1 : i32
      %dma_wait3A_336 = arith.constant 1 : i32
      %dma_wait3A_337 = arith.constant 0 : i32
      %dma_wait3A_338 = arith.constant 0 : i32
      %dma_wait3A_339 = tpu.memref_slice %arg7[%dma_wait3A_335, %dma_wait3A_336, %dma_wait3A_337, %dma_wait3A_338] : memref<8x2x100x16xf32, #tpu.memory_space<vmem>> -> memref<1x1x100x16xf32, #tpu.memory_space<vmem>>
      %dma_wait3A_340 = tpu.memref_squeeze %dma_wait3A_339 : memref<1x1x100x16xf32, #tpu.memory_space<vmem>> -> memref<100x16xf32, #tpu.memory_space<vmem>>
      %dma_wait3A_341 = arith.constant 0 : i32
      %dma_wait3A_342 = tpu.memref_slice %arg6[%add3A_320, %dma_wait3A_334, %dma_wait3A_341] : memref<128x2x100xi32, #tpu.memory_space<vmem>> -> memref<1x1x100xi32, #tpu.memory_space<vmem>>
      %dma_wait3A_343 = tpu.memref_squeeze %dma_wait3A_342 : memref<1x1x100xi32, #tpu.memory_space<vmem>> -> memref<100xi32, #tpu.memory_space<vmem>>
      %dma_wait3A_344 = arith.constant 0 : i32
      %dma_wait3A_345 = arith.constant 0 : i32
      %dma_wait3A_346 = tpu.memref_slice %arg3[%dma_wait3A_344, %dma_wait3A_345] : memref<1015808x16xf32, #tpu.memory_space<hbm>> -> memref<1015808x16xf32, #tpu.memory_space<hbm>>
      tpu.wait_indirect_dma semaphore(%arg11 : memref<!tpu.dma_semaphore, #tpu.memory_space<semaphore_mem>>) src(%dma_wait3A_346 : memref<1015808x16xf32, #tpu.memory_space<hbm>>) dst(%dma_wait3A_340 : memref<100x16xf32, #tpu.memory_space<vmem>>)
      %broadcast_in_dim3A_347 = arith.constant 0.000000e+00 : f32
      %broadcast_in_dim3A_348 = vector.broadcast %broadcast_in_dim3A_347 : f32 to vector<16xf32>
      %broadcast_in_dim3A_349 = arith.constant 0.000000e+00 : f32
      %broadcast_in_dim3A_350 = vector.broadcast %broadcast_in_dim3A_349 : f32 to vector<16xf32>
      %broadcast_in_dim3A_351 = arith.constant 0.000000e+00 : f32
      %broadcast_in_dim3A_352 = vector.broadcast %broadcast_in_dim3A_351 : f32 to vector<16xf32>
      %broadcast_in_dim3A_353 = arith.constant 0.000000e+00 : f32
      %broadcast_in_dim3A_354 = vector.broadcast %broadcast_in_dim3A_353 : f32 to vector<16xf32>
      %broadcast_in_dim3A_355 = arith.constant 0.000000e+00 : f32
      %broadcast_in_dim3A_356 = vector.broadcast %broadcast_in_dim3A_355 : f32 to vector<16xf32>
      %broadcast_in_dim3A_357 = arith.constant 0.000000e+00 : f32
      %broadcast_in_dim3A_358 = vector.broadcast %broadcast_in_dim3A_357 : f32 to vector<16xf32>
      %broadcast_in_dim3A_359 = arith.constant 0.000000e+00 : f32
      %broadcast_in_dim3A_360 = vector.broadcast %broadcast_in_dim3A_359 : f32 to vector<16xf32>
      %broadcast_in_dim3A_361 = arith.constant 0.000000e+00 : f32
      %broadcast_in_dim3A_362 = vector.broadcast %broadcast_in_dim3A_361 : f32 to vector<16xf32>
      %broadcast_in_dim3A_363 = arith.constant 0.000000e+00 : f32
      %broadcast_in_dim3A_364 = vector.broadcast %broadcast_in_dim3A_363 : f32 to vector<16xf32>
      %broadcast_in_dim3A_365 = arith.constant 0.000000e+00 : f32
      %broadcast_in_dim3A_366 = vector.broadcast %broadcast_in_dim3A_365 : f32 to vector<16xf32>
      %scan3A_367 = arith.constant 0 : i32
      %scan3A_368 = arith.constant 10 : i32
      %scan3A_369 = arith.addi %scan3A_367, %scan3A_368 : i32
      %scan3A_370 = arith.constant 1 : i32
      %scan3A_371:10 = scf.for %scan3A_913 = %scan3A_367 to %scan3A_369 step %scan3A_370 iter_args(%scan3A_914 = %broadcast_in_dim3A_348, %scan3A_915 = %broadcast_in_dim3A_350, %scan3A_916 = %broadcast_in_dim3A_352, %scan3A_917 = %broadcast_in_dim3A_354, %scan3A_918 = %broadcast_in_dim3A_356, %scan3A_919 = %broadcast_in_dim3A_358, %scan3A_920 = %broadcast_in_dim3A_360, %scan3A_921 = %broadcast_in_dim3A_362, %scan3A_922 = %broadcast_in_dim3A_364, %scan3A_923 = %broadcast_in_dim3A_366) -> (vector<16xf32>, vector<16xf32>, vector<16xf32>, vector<16xf32>, vector<16xf32>, vector<16xf32>, vector<16xf32>, vector<16xf32>, vector<16xf32>, vector<16xf32>)  : i32 {
        %mul3A_924 = arith.constant 10 : i32
        %mul3A_925 = arith.muli %scan3A_913, %mul3A_924 : i32
        %add3A_926 = arith.constant 0 : i32
        %add3A_927 = arith.addi %mul3A_925, %add3A_926 : i32
        %get3A_928 = arith.constant 1 : i32
        %get3A_929 = arith.constant 0 : i32
        %get3A_930 = arith.index_cast %get3A_928 : i32 to index
        %get3A_931 = arith.index_cast %get3A_929 : i32 to index
        %get3A_932 = arith.index_cast %add3A_927 : i32 to index
        %get3A_933 = arith.constant 0 : index
        %get3A_934 = tpu.vector_load %arg7[%get3A_930, %get3A_931, %get3A_932, %get3A_933] {strides = array<i32>} : memref<8x2x100x16xf32, #tpu.memory_space<vmem>>, vector<1x1x1x16xf32>,
        %get3A_935 = vector.shape_cast %get3A_934 : vector<1x1x1x16xf32> to vector<16xf32>
        %add3A_936 = arith.addf %scan3A_914, %get3A_935 : vector<16xf32>
        %add3A_937 = arith.constant 1 : i32
        %add3A_938 = arith.addi %mul3A_925, %add3A_937 : i32
        %get3A_939 = arith.constant 1 : i32
        %get3A_940 = arith.constant 0 : i32
        %get3A_941 = arith.index_cast %get3A_939 : i32 to index
        %get3A_942 = arith.index_cast %get3A_940 : i32 to index
        %get3A_943 = arith.index_cast %add3A_938 : i32 to index
        %get3A_944 = arith.constant 0 : index
        %get3A_945 = tpu.vector_load %arg7[%get3A_941, %get3A_942, %get3A_943, %get3A_944] {strides = array<i32>} : memref<8x2x100x16xf32, #tpu.memory_space<vmem>>, vector<1x1x1x16xf32>,
        %get3A_946 = vector.shape_cast %get3A_945 : vector<1x1x1x16xf32> to vector<16xf32>
        %add3A_947 = arith.addf %scan3A_915, %get3A_946 : vector<16xf32>
        %add3A_948 = arith.constant 2 : i32
        %add3A_949 = arith.addi %mul3A_925, %add3A_948 : i32
        %get3A_950 = arith.constant 1 : i32
        %get3A_951 = arith.constant 0 : i32
        %get3A_952 = arith.index_cast %get3A_950 : i32 to index
        %get3A_953 = arith.index_cast %get3A_951 : i32 to index
        %get3A_954 = arith.index_cast %add3A_949 : i32 to index
        %get3A_955 = arith.constant 0 : index
        %get3A_956 = tpu.vector_load %arg7[%get3A_952, %get3A_953, %get3A_954, %get3A_955] {strides = array<i32>} : memref<8x2x100x16xf32, #tpu.memory_space<vmem>>, vector<1x1x1x16xf32>,
        %get3A_957 = vector.shape_cast %get3A_956 : vector<1x1x1x16xf32> to vector<16xf32>
        %add3A_958 = arith.addf %scan3A_916, %get3A_957 : vector<16xf32>
        %add3A_959 = arith.constant 3 : i32
        %add3A_960 = arith.addi %mul3A_925, %add3A_959 : i32
        %get3A_961 = arith.constant 1 : i32
        %get3A_962 = arith.constant 0 : i32
        %get3A_963 = arith.index_cast %get3A_961 : i32 to index
        %get3A_964 = arith.index_cast %get3A_962 : i32 to index
        %get3A_965 = arith.index_cast %add3A_960 : i32 to index
        %get3A_966 = arith.constant 0 : index
        %get3A_967 = tpu.vector_load %arg7[%get3A_963, %get3A_964, %get3A_965, %get3A_966] {strides = array<i32>} : memref<8x2x100x16xf32, #tpu.memory_space<vmem>>, vector<1x1x1x16xf32>,
        %get3A_968 = vector.shape_cast %get3A_967 : vector<1x1x1x16xf32> to vector<16xf32>
        %add3A_969 = arith.addf %scan3A_917, %get3A_968 : vector<16xf32>
        %add3A_970 = arith.constant 4 : i32
        %add3A_971 = arith.addi %mul3A_925, %add3A_970 : i32
        %get3A_972 = arith.constant 1 : i32
        %get3A_973 = arith.constant 0 : i32
        %get3A_974 = arith.index_cast %get3A_972 : i32 to index
        %get3A_975 = arith.index_cast %get3A_973 : i32 to index
        %get3A_976 = arith.index_cast %add3A_971 : i32 to index
        %get3A_977 = arith.constant 0 : index
        %get3A_978 = tpu.vector_load %arg7[%get3A_974, %get3A_975, %get3A_976, %get3A_977] {strides = array<i32>} : memref<8x2x100x16xf32, #tpu.memory_space<vmem>>, vector<1x1x1x16xf32>,
        %get3A_979 = vector.shape_cast %get3A_978 : vector<1x1x1x16xf32> to vector<16xf32>
        %add3A_980 = arith.addf %scan3A_918, %get3A_979 : vector<16xf32>
        %add3A_981 = arith.constant 5 : i32
        %add3A_982 = arith.addi %mul3A_925, %add3A_981 : i32
        %get3A_983 = arith.constant 1 : i32
        %get3A_984 = arith.constant 0 : i32
        %get3A_985 = arith.index_cast %get3A_983 : i32 to index
        %get3A_986 = arith.index_cast %get3A_984 : i32 to index
        %get3A_987 = arith.index_cast %add3A_982 : i32 to index
        %get3A_988 = arith.constant 0 : index
        %get3A_989 = tpu.vector_load %arg7[%get3A_985, %get3A_986, %get3A_987, %get3A_988] {strides = array<i32>} : memref<8x2x100x16xf32, #tpu.memory_space<vmem>>, vector<1x1x1x16xf32>,
        %get3A_990 = vector.shape_cast %get3A_989 : vector<1x1x1x16xf32> to vector<16xf32>
        %add3A_991 = arith.addf %scan3A_919, %get3A_990 : vector<16xf32>
        %add3A_992 = arith.constant 6 : i32
        %add3A_993 = arith.addi %mul3A_925, %add3A_992 : i32
        %get3A_994 = arith.constant 1 : i32
        %get3A_995 = arith.constant 0 : i32
        %get3A_996 = arith.index_cast %get3A_994 : i32 to index
        %get3A_997 = arith.index_cast %get3A_995 : i32 to index
        %get3A_998 = arith.index_cast %add3A_993 : i32 to index
        %get3A_999 = arith.constant 0 : index
        %get3A_1000 = tpu.vector_load %arg7[%get3A_996, %get3A_997, %get3A_998, %get3A_999] {strides = array<i32>} : memref<8x2x100x16xf32, #tpu.memory_space<vmem>>, vector<1x1x1x16xf32>,
        %get3A_1001 = vector.shape_cast %get3A_1000 : vector<1x1x1x16xf32> to vector<16xf32>
        %add3A_1002 = arith.addf %scan3A_920, %get3A_1001 : vector<16xf32>
        %add3A_1003 = arith.constant 7 : i32
        %add3A_1004 = arith.addi %mul3A_925, %add3A_1003 : i32
        %get3A_1005 = arith.constant 1 : i32
        %get3A_1006 = arith.constant 0 : i32
        %get3A_1007 = arith.index_cast %get3A_1005 : i32 to index
        %get3A_1008 = arith.index_cast %get3A_1006 : i32 to index
        %get3A_1009 = arith.index_cast %add3A_1004 : i32 to index
        %get3A_1010 = arith.constant 0 : index
        %get3A_1011 = tpu.vector_load %arg7[%get3A_1007, %get3A_1008, %get3A_1009, %get3A_1010] {strides = array<i32>} : memref<8x2x100x16xf32, #tpu.memory_space<vmem>>, vector<1x1x1x16xf32>,
        %get3A_1012 = vector.shape_cast %get3A_1011 : vector<1x1x1x16xf32> to vector<16xf32>
        %add3A_1013 = arith.addf %scan3A_921, %get3A_1012 : vector<16xf32>
        %add3A_1014 = arith.constant 8 : i32
        %add3A_1015 = arith.addi %mul3A_925, %add3A_1014 : i32
        %get3A_1016 = arith.constant 1 : i32
        %get3A_1017 = arith.constant 0 : i32
        %get3A_1018 = arith.index_cast %get3A_1016 : i32 to index
        %get3A_1019 = arith.index_cast %get3A_1017 : i32 to index
        %get3A_1020 = arith.index_cast %add3A_1015 : i32 to index
        %get3A_1021 = arith.constant 0 : index
        %get3A_1022 = tpu.vector_load %arg7[%get3A_1018, %get3A_1019, %get3A_1020, %get3A_1021] {strides = array<i32>} : memref<8x2x100x16xf32, #tpu.memory_space<vmem>>, vector<1x1x1x16xf32>,
        %get3A_1023 = vector.shape_cast %get3A_1022 : vector<1x1x1x16xf32> to vector<16xf32>
        %add3A_1024 = arith.addf %scan3A_922, %get3A_1023 : vector<16xf32>
        %add3A_1025 = arith.constant 9 : i32
        %add3A_1026 = arith.addi %mul3A_925, %add3A_1025 : i32
        %get3A_1027 = arith.constant 1 : i32
        %get3A_1028 = arith.constant 0 : i32
        %get3A_1029 = arith.index_cast %get3A_1027 : i32 to index
        %get3A_1030 = arith.index_cast %get3A_1028 : i32 to index
        %get3A_1031 = arith.index_cast %add3A_1026 : i32 to index
        %get3A_1032 = arith.constant 0 : index
        %get3A_1033 = tpu.vector_load %arg7[%get3A_1029, %get3A_1030, %get3A_1031, %get3A_1032] {strides = array<i32>} : memref<8x2x100x16xf32, #tpu.memory_space<vmem>>, vector<1x1x1x16xf32>,
        %get3A_1034 = vector.shape_cast %get3A_1033 : vector<1x1x1x16xf32> to vector<16xf32>
        %add3A_1035 = arith.addf %scan3A_923, %get3A_1034 : vector<16xf32>
        scf.yield %add3A_936, %add3A_947, %add3A_958, %add3A_969, %add3A_980, %add3A_991, %add3A_1002, %add3A_1013, %add3A_1024, %add3A_1035 : vector<16xf32>, vector<16xf32>, vector<16xf32>, vector<16xf32>, vector<16xf32>, vector<16xf32>, vector<16xf32>, vector<16xf32>, vector<16xf32>, vector<16xf32>
      }
      %scan3A_372 = arith.constant 10 : i32
      %scan3A_373 = arith.constant 0 : i32
      %scan3A_374 = arith.constant 10 : i32
      %scan3A_375 = arith.addi %scan3A_373, %scan3A_374 : i32
      %scan3A_376 = arith.constant 1 : i32
      %scan3A_377:10 = scf.for %scan3A_913 = %scan3A_373 to %scan3A_375 step %scan3A_376 iter_args(%scan3A_914 = %scan3A_371#0, %scan3A_915 = %scan3A_371#1, %scan3A_916 = %scan3A_371#2, %scan3A_917 = %scan3A_371#3, %scan3A_918 = %scan3A_371#4, %scan3A_919 = %scan3A_371#5, %scan3A_920 = %scan3A_371#6, %scan3A_921 = %scan3A_371#7, %scan3A_922 = %scan3A_371#8, %scan3A_923 = %scan3A_371#9) -> (vector<16xf32>, vector<16xf32>, vector<16xf32>, vector<16xf32>, vector<16xf32>, vector<16xf32>, vector<16xf32>, vector<16xf32>, vector<16xf32>, vector<16xf32>)  : i32 {
        %mul3A_924 = arith.constant 10 : i32
        %mul3A_925 = arith.muli %scan3A_913, %mul3A_924 : i32
        %add3A_926 = arith.constant 0 : i32
        %add3A_927 = arith.addi %mul3A_925, %add3A_926 : i32
        %get3A_928 = arith.constant 1 : i32
        %get3A_929 = arith.constant 1 : i32
        %get3A_930 = arith.index_cast %get3A_928 : i32 to index
        %get3A_931 = arith.index_cast %get3A_929 : i32 to index
        %get3A_932 = arith.index_cast %add3A_927 : i32 to index
        %get3A_933 = arith.constant 0 : index
        %get3A_934 = tpu.vector_load %arg7[%get3A_930, %get3A_931, %get3A_932, %get3A_933] {strides = array<i32>} : memref<8x2x100x16xf32, #tpu.memory_space<vmem>>, vector<1x1x1x16xf32>,
        %get3A_935 = vector.shape_cast %get3A_934 : vector<1x1x1x16xf32> to vector<16xf32>
        %add3A_936 = arith.addf %scan3A_914, %get3A_935 : vector<16xf32>
        %add3A_937 = arith.constant 1 : i32
        %add3A_938 = arith.addi %mul3A_925, %add3A_937 : i32
        %get3A_939 = arith.constant 1 : i32
        %get3A_940 = arith.constant 1 : i32
        %get3A_941 = arith.index_cast %get3A_939 : i32 to index
        %get3A_942 = arith.index_cast %get3A_940 : i32 to index
        %get3A_943 = arith.index_cast %add3A_938 : i32 to index
        %get3A_944 = arith.constant 0 : index
        %get3A_945 = tpu.vector_load %arg7[%get3A_941, %get3A_942, %get3A_943, %get3A_944] {strides = array<i32>} : memref<8x2x100x16xf32, #tpu.memory_space<vmem>>, vector<1x1x1x16xf32>,
        %get3A_946 = vector.shape_cast %get3A_945 : vector<1x1x1x16xf32> to vector<16xf32>
        %add3A_947 = arith.addf %scan3A_915, %get3A_946 : vector<16xf32>
        %add3A_948 = arith.constant 2 : i32
        %add3A_949 = arith.addi %mul3A_925, %add3A_948 : i32
        %get3A_950 = arith.constant 1 : i32
        %get3A_951 = arith.constant 1 : i32
        %get3A_952 = arith.index_cast %get3A_950 : i32 to index
        %get3A_953 = arith.index_cast %get3A_951 : i32 to index
        %get3A_954 = arith.index_cast %add3A_949 : i32 to index
        %get3A_955 = arith.constant 0 : index
        %get3A_956 = tpu.vector_load %arg7[%get3A_952, %get3A_953, %get3A_954, %get3A_955] {strides = array<i32>} : memref<8x2x100x16xf32, #tpu.memory_space<vmem>>, vector<1x1x1x16xf32>,
        %get3A_957 = vector.shape_cast %get3A_956 : vector<1x1x1x16xf32> to vector<16xf32>
        %add3A_958 = arith.addf %scan3A_916, %get3A_957 : vector<16xf32>
        %add3A_959 = arith.constant 3 : i32
        %add3A_960 = arith.addi %mul3A_925, %add3A_959 : i32
        %get3A_961 = arith.constant 1 : i32
        %get3A_962 = arith.constant 1 : i32
        %get3A_963 = arith.index_cast %get3A_961 : i32 to index
        %get3A_964 = arith.index_cast %get3A_962 : i32 to index
        %get3A_965 = arith.index_cast %add3A_960 : i32 to index
        %get3A_966 = arith.constant 0 : index
        %get3A_967 = tpu.vector_load %arg7[%get3A_963, %get3A_964, %get3A_965, %get3A_966] {strides = array<i32>} : memref<8x2x100x16xf32, #tpu.memory_space<vmem>>, vector<1x1x1x16xf32>,
        %get3A_968 = vector.shape_cast %get3A_967 : vector<1x1x1x16xf32> to vector<16xf32>
        %add3A_969 = arith.addf %scan3A_917, %get3A_968 : vector<16xf32>
        %add3A_970 = arith.constant 4 : i32
        %add3A_971 = arith.addi %mul3A_925, %add3A_970 : i32
        %get3A_972 = arith.constant 1 : i32
        %get3A_973 = arith.constant 1 : i32
        %get3A_974 = arith.index_cast %get3A_972 : i32 to index
        %get3A_975 = arith.index_cast %get3A_973 : i32 to index
        %get3A_976 = arith.index_cast %add3A_971 : i32 to index
        %get3A_977 = arith.constant 0 : index
        %get3A_978 = tpu.vector_load %arg7[%get3A_974, %get3A_975, %get3A_976, %get3A_977] {strides = array<i32>} : memref<8x2x100x16xf32, #tpu.memory_space<vmem>>, vector<1x1x1x16xf32>,
        %get3A_979 = vector.shape_cast %get3A_978 : vector<1x1x1x16xf32> to vector<16xf32>
        %add3A_980 = arith.addf %scan3A_918, %get3A_979 : vector<16xf32>
        %add3A_981 = arith.constant 5 : i32
        %add3A_982 = arith.addi %mul3A_925, %add3A_981 : i32
        %get3A_983 = arith.constant 1 : i32
        %get3A_984 = arith.constant 1 : i32
        %get3A_985 = arith.index_cast %get3A_983 : i32 to index
        %get3A_986 = arith.index_cast %get3A_984 : i32 to index
        %get3A_987 = arith.index_cast %add3A_982 : i32 to index
        %get3A_988 = arith.constant 0 : index
        %get3A_989 = tpu.vector_load %arg7[%get3A_985, %get3A_986, %get3A_987, %get3A_988] {strides = array<i32>} : memref<8x2x100x16xf32, #tpu.memory_space<vmem>>, vector<1x1x1x16xf32>,
        %get3A_990 = vector.shape_cast %get3A_989 : vector<1x1x1x16xf32> to vector<16xf32>
        %add3A_991 = arith.addf %scan3A_919, %get3A_990 : vector<16xf32>
        %add3A_992 = arith.constant 6 : i32
        %add3A_993 = arith.addi %mul3A_925, %add3A_992 : i32
        %get3A_994 = arith.constant 1 : i32
        %get3A_995 = arith.constant 1 : i32
        %get3A_996 = arith.index_cast %get3A_994 : i32 to index
        %get3A_997 = arith.index_cast %get3A_995 : i32 to index
        %get3A_998 = arith.index_cast %add3A_993 : i32 to index
        %get3A_999 = arith.constant 0 : index
        %get3A_1000 = tpu.vector_load %arg7[%get3A_996, %get3A_997, %get3A_998, %get3A_999] {strides = array<i32>} : memref<8x2x100x16xf32, #tpu.memory_space<vmem>>, vector<1x1x1x16xf32>,
        %get3A_1001 = vector.shape_cast %get3A_1000 : vector<1x1x1x16xf32> to vector<16xf32>
        %add3A_1002 = arith.addf %scan3A_920, %get3A_1001 : vector<16xf32>
        %add3A_1003 = arith.constant 7 : i32
        %add3A_1004 = arith.addi %mul3A_925, %add3A_1003 : i32
        %get3A_1005 = arith.constant 1 : i32
        %get3A_1006 = arith.constant 1 : i32
        %get3A_1007 = arith.index_cast %get3A_1005 : i32 to index
        %get3A_1008 = arith.index_cast %get3A_1006 : i32 to index
        %get3A_1009 = arith.index_cast %add3A_1004 : i32 to index
        %get3A_1010 = arith.constant 0 : index
        %get3A_1011 = tpu.vector_load %arg7[%get3A_1007, %get3A_1008, %get3A_1009, %get3A_1010] {strides = array<i32>} : memref<8x2x100x16xf32, #tpu.memory_space<vmem>>, vector<1x1x1x16xf32>,
        %get3A_1012 = vector.shape_cast %get3A_1011 : vector<1x1x1x16xf32> to vector<16xf32>
        %add3A_1013 = arith.addf %scan3A_921, %get3A_1012 : vector<16xf32>
        %add3A_1014 = arith.constant 8 : i32
        %add3A_1015 = arith.addi %mul3A_925, %add3A_1014 : i32
        %get3A_1016 = arith.constant 1 : i32
        %get3A_1017 = arith.constant 1 : i32
        %get3A_1018 = arith.index_cast %get3A_1016 : i32 to index
        %get3A_1019 = arith.index_cast %get3A_1017 : i32 to index
        %get3A_1020 = arith.index_cast %add3A_1015 : i32 to index
        %get3A_1021 = arith.constant 0 : index
        %get3A_1022 = tpu.vector_load %arg7[%get3A_1018, %get3A_1019, %get3A_1020, %get3A_1021] {strides = array<i32>} : memref<8x2x100x16xf32, #tpu.memory_space<vmem>>, vector<1x1x1x16xf32>,
        %get3A_1023 = vector.shape_cast %get3A_1022 : vector<1x1x1x16xf32> to vector<16xf32>
        %add3A_1024 = arith.addf %scan3A_922, %get3A_1023 : vector<16xf32>
        %add3A_1025 = arith.constant 9 : i32
        %add3A_1026 = arith.addi %mul3A_925, %add3A_1025 : i32
        %get3A_1027 = arith.constant 1 : i32
        %get3A_1028 = arith.constant 1 : i32
        %get3A_1029 = arith.index_cast %get3A_1027 : i32 to index
        %get3A_1030 = arith.index_cast %get3A_1028 : i32 to index
        %get3A_1031 = arith.index_cast %add3A_1026 : i32 to index
        %get3A_1032 = arith.constant 0 : index
        %get3A_1033 = tpu.vector_load %arg7[%get3A_1029, %get3A_1030, %get3A_1031, %get3A_1032] {strides = array<i32>} : memref<8x2x100x16xf32, #tpu.memory_space<vmem>>, vector<1x1x1x16xf32>,
        %get3A_1034 = vector.shape_cast %get3A_1033 : vector<1x1x1x16xf32> to vector<16xf32>
        %add3A_1035 = arith.addf %scan3A_923, %get3A_1034 : vector<16xf32>
        scf.yield %add3A_936, %add3A_947, %add3A_958, %add3A_969, %add3A_980, %add3A_991, %add3A_1002, %add3A_1013, %add3A_1024, %add3A_1035 : vector<16xf32>, vector<16xf32>, vector<16xf32>, vector<16xf32>, vector<16xf32>, vector<16xf32>, vector<16xf32>, vector<16xf32>, vector<16xf32>, vector<16xf32>
      }
      %scan3A_378 = arith.constant 10 : i32
      %add3A_379 = arith.constant 8 : i32
      %add3A_380 = arith.addi %add3A_320, %add3A_379 : i32
      %lt3A_381 = arith.constant 128 : i32
      %lt3A_382 = arith.cmpi slt, %add3A_380, %lt3A_381 : i32
      %convert_element_type3A_383 = arith.extui %lt3A_382 : i1 to i32
      %cond3A_384 = arith.constant 0 : i32
      %cond3A_385 = arith.cmpi ne, %convert_element_type3A_383, %cond3A_384 : i32
      scf.if %cond3A_385 {
        %add3A_913 = arith.constant 8 : i32
        %add3A_914 = arith.addi %add3A_320, %add3A_913 : i32
        %dma_start3A_915 = arith.constant 0 : i32
        %dma_start3A_916 = arith.constant 1 : i32
        %dma_start3A_917 = arith.constant 0 : i32
        %dma_start3A_918 = arith.constant 0 : i32
        %dma_start3A_919 = arith.constant 0 : i32
        %dma_start3A_920 = tpu.memref_slice %arg7[%dma_start3A_916, %dma_start3A_917, %dma_start3A_918, %dma_start3A_919] : memref<8x2x100x16xf32, #tpu.memory_space<vmem>> -> memref<1x1x100x16xf32, #tpu.memory_space<vmem>>
        %dma_start3A_921 = tpu.memref_squeeze %dma_start3A_920 : memref<1x1x100x16xf32, #tpu.memory_space<vmem>> -> memref<100x16xf32, #tpu.memory_space<vmem>>
        %dma_start3A_922 = arith.constant 0 : i32
        %dma_start3A_923 = tpu.memref_slice %arg6[%add3A_914, %dma_start3A_915, %dma_start3A_922] : memref<128x2x100xi32, #tpu.memory_space<vmem>> -> memref<1x1x100xi32, #tpu.memory_space<vmem>>
        %dma_start3A_924 = tpu.memref_squeeze %dma_start3A_923 : memref<1x1x100xi32, #tpu.memory_space<vmem>> -> memref<100xi32, #tpu.memory_space<vmem>>
        %dma_start3A_925 = arith.constant 0 : i32
        %dma_start3A_926 = arith.constant 0 : i32
        %dma_start3A_927 = tpu.memref_slice %arg3[%dma_start3A_925, %dma_start3A_926] : memref<1015808x16xf32, #tpu.memory_space<hbm>> -> memref<1015808x16xf32, #tpu.memory_space<hbm>>
        tpu.enqueue_indirect_dma source(%dma_start3A_927 : memref<1015808x16xf32, #tpu.memory_space<hbm>>) target(%dma_start3A_921 : memref<100x16xf32, #tpu.memory_space<vmem>>) offsets(%dma_start3A_924 : memref<100xi32, #tpu.memory_space<vmem>>) semaphore(%arg11 : memref<!tpu.dma_semaphore, #tpu.memory_space<semaphore_mem>>)
        %dma_start3A_928 = arith.constant 1 : i32
        %dma_start3A_929 = arith.constant 1 : i32
        %dma_start3A_930 = arith.constant 1 : i32
        %dma_start3A_931 = arith.constant 0 : i32
        %dma_start3A_932 = arith.constant 0 : i32
        %dma_start3A_933 = tpu.memref_slice %arg7[%dma_start3A_929, %dma_start3A_930, %dma_start3A_931, %dma_start3A_932] : memref<8x2x100x16xf32, #tpu.memory_space<vmem>> -> memref<1x1x100x16xf32, #tpu.memory_space<vmem>>
        %dma_start3A_934 = tpu.memref_squeeze %dma_start3A_933 : memref<1x1x100x16xf32, #tpu.memory_space<vmem>> -> memref<100x16xf32, #tpu.memory_space<vmem>>
        %dma_start3A_935 = arith.constant 0 : i32
        %dma_start3A_936 = tpu.memref_slice %arg6[%add3A_914, %dma_start3A_928, %dma_start3A_935] : memref<128x2x100xi32, #tpu.memory_space<vmem>> -> memref<1x1x100xi32, #tpu.memory_space<vmem>>
        %dma_start3A_937 = tpu.memref_squeeze %dma_start3A_936 : memref<1x1x100xi32, #tpu.memory_space<vmem>> -> memref<100xi32, #tpu.memory_space<vmem>>
        %dma_start3A_938 = arith.constant 0 : i32
        %dma_start3A_939 = arith.constant 0 : i32
        %dma_start3A_940 = tpu.memref_slice %arg3[%dma_start3A_938, %dma_start3A_939] : memref<1015808x16xf32, #tpu.memory_space<hbm>> -> memref<1015808x16xf32, #tpu.memory_space<hbm>>
        tpu.enqueue_indirect_dma source(%dma_start3A_940 : memref<1015808x16xf32, #tpu.memory_space<hbm>>) target(%dma_start3A_934 : memref<100x16xf32, #tpu.memory_space<vmem>>) offsets(%dma_start3A_937 : memref<100xi32, #tpu.memory_space<vmem>>) semaphore(%arg11 : memref<!tpu.dma_semaphore, #tpu.memory_space<semaphore_mem>>)
      } else {
      }
      %add3A_386 = arith.addf %scan3A_377#0, %scan3A_377#1 : vector<16xf32>
      %add3A_387 = arith.addf %scan3A_377#2, %scan3A_377#3 : vector<16xf32>
      %add3A_388 = arith.addf %scan3A_377#4, %scan3A_377#5 : vector<16xf32>
      %add3A_389 = arith.addf %scan3A_377#6, %scan3A_377#7 : vector<16xf32>
      %add3A_390 = arith.addf %scan3A_377#8, %scan3A_377#9 : vector<16xf32>
      %add3A_391 = arith.addf %add3A_386, %add3A_387 : vector<16xf32>
      %add3A_392 = arith.addf %add3A_388, %add3A_389 : vector<16xf32>
      %add3A_393 = arith.addf %add3A_391, %add3A_392 : vector<16xf32>
      %add3A_394 = arith.addf %add3A_393, %add3A_390 : vector<16xf32>
      %mul3A_395 = arith.mulf %add3A_394, %broadcast_in_dim3A_226 : vector<16xf32>
      %add3A_396 = arith.addf %mul3A_395, %get3A_228 : vector<16xf32>
      %swap3A_397 = arith.index_cast %add3A_320 : i32 to index
      %swap3A_398 = arith.constant 0 : index
      %swap3A_399 = tpu.vector_load %arg8[%swap3A_397, %swap3A_398] {strides = array<i32>} : memref<128x16xf32, #tpu.memory_space<vmem>>, vector<1x16xf32>,
      %swap3A_400 = vector.shape_cast %swap3A_399 : vector<1x16xf32> to vector<16xf32>
      %swap3A_401 = vector.shape_cast %add3A_396 : vector<16xf32> to vector<1x16xf32>
      tpu.vector_store %arg8[%swap3A_397, %swap3A_398], %swap3A_401 {strides = array<i32>} : memref<128x16xf32, #tpu.memory_space<vmem>>, vector<1x16xf32>,
      %mul3A_402 = arith.constant 8 : i32
      %mul3A_403 = arith.muli %scan3A_235, %mul3A_402 : i32
      %add3A_404 = arith.constant 2 : i32
      %add3A_405 = arith.addi %mul3A_403, %add3A_404 : i32
      %dma_wait3A_406 = arith.constant 0 : i32
      %dma_wait3A_407 = arith.constant 2 : i32
      %dma_wait3A_408 = arith.constant 0 : i32
      %dma_wait3A_409 = arith.constant 0 : i32
      %dma_wait3A_410 = arith.constant 0 : i32
      %dma_wait3A_411 = tpu.memref_slice %arg7[%dma_wait3A_407, %dma_wait3A_408, %dma_wait3A_409, %dma_wait3A_410] : memref<8x2x100x16xf32, #tpu.memory_space<vmem>> -> memref<1x1x100x16xf32, #tpu.memory_space<vmem>>
      %dma_wait3A_412 = tpu.memref_squeeze %dma_wait3A_411 : memref<1x1x100x16xf32, #tpu.memory_space<vmem>> -> memref<100x16xf32, #tpu.memory_space<vmem>>
      %dma_wait3A_413 = arith.constant 0 : i32
      %dma_wait3A_414 = tpu.memref_slice %arg6[%add3A_405, %dma_wait3A_406, %dma_wait3A_413] : memref<128x2x100xi32, #tpu.memory_space<vmem>> -> memref<1x1x100xi32, #tpu.memory_space<vmem>>
      %dma_wait3A_415 = tpu.memref_squeeze %dma_wait3A_414 : memref<1x1x100xi32, #tpu.memory_space<vmem>> -> memref<100xi32, #tpu.memory_space<vmem>>
      %dma_wait3A_416 = arith.constant 0 : i32
      %dma_wait3A_417 = arith.constant 0 : i32
      %dma_wait3A_418 = tpu.memref_slice %arg3[%dma_wait3A_416, %dma_wait3A_417] : memref<1015808x16xf32, #tpu.memory_space<hbm>> -> memref<1015808x16xf32, #tpu.memory_space<hbm>>
      tpu.wait_indirect_dma semaphore(%arg12 : memref<!tpu.dma_semaphore, #tpu.memory_space<semaphore_mem>>) src(%dma_wait3A_418 : memref<1015808x16xf32, #tpu.memory_space<hbm>>) dst(%dma_wait3A_412 : memref<100x16xf32, #tpu.memory_space<vmem>>)
      %dma_wait3A_419 = arith.constant 1 : i32
      %dma_wait3A_420 = arith.constant 2 : i32
      %dma_wait3A_421 = arith.constant 1 : i32
      %dma_wait3A_422 = arith.constant 0 : i32
      %dma_wait3A_423 = arith.constant 0 : i32
      %dma_wait3A_424 = tpu.memref_slice %arg7[%dma_wait3A_420, %dma_wait3A_421, %dma_wait3A_422, %dma_wait3A_423] : memref<8x2x100x16xf32, #tpu.memory_space<vmem>> -> memref<1x1x100x16xf32, #tpu.memory_space<vmem>>
      %dma_wait3A_425 = tpu.memref_squeeze %dma_wait3A_424 : memref<1x1x100x16xf32, #tpu.memory_space<vmem>> -> memref<100x16xf32, #tpu.memory_space<vmem>>
      %dma_wait3A_426 = arith.constant 0 : i32
      %dma_wait3A_427 = tpu.memref_slice %arg6[%add3A_405, %dma_wait3A_419, %dma_wait3A_426] : memref<128x2x100xi32, #tpu.memory_space<vmem>> -> memref<1x1x100xi32, #tpu.memory_space<vmem>>
      %dma_wait3A_428 = tpu.memref_squeeze %dma_wait3A_427 : memref<1x1x100xi32, #tpu.memory_space<vmem>> -> memref<100xi32, #tpu.memory_space<vmem>>
      %dma_wait3A_429 = arith.constant 0 : i32
      %dma_wait3A_430 = arith.constant 0 : i32
      %dma_wait3A_431 = tpu.memref_slice %arg3[%dma_wait3A_429, %dma_wait3A_430] : memref<1015808x16xf32, #tpu.memory_space<hbm>> -> memref<1015808x16xf32, #tpu.memory_space<hbm>>
      tpu.wait_indirect_dma semaphore(%arg12 : memref<!tpu.dma_semaphore, #tpu.memory_space<semaphore_mem>>) src(%dma_wait3A_431 : memref<1015808x16xf32, #tpu.memory_space<hbm>>) dst(%dma_wait3A_425 : memref<100x16xf32, #tpu.memory_space<vmem>>)
      %broadcast_in_dim3A_432 = arith.constant 0.000000e+00 : f32
      %broadcast_in_dim3A_433 = vector.broadcast %broadcast_in_dim3A_432 : f32 to vector<16xf32>
      %broadcast_in_dim3A_434 = arith.constant 0.000000e+00 : f32
      %broadcast_in_dim3A_435 = vector.broadcast %broadcast_in_dim3A_434 : f32 to vector<16xf32>
      %broadcast_in_dim3A_436 = arith.constant 0.000000e+00 : f32
      %broadcast_in_dim3A_437 = vector.broadcast %broadcast_in_dim3A_436 : f32 to vector<16xf32>
      %broadcast_in_dim3A_438 = arith.constant 0.000000e+00 : f32
      %broadcast_in_dim3A_439 = vector.broadcast %broadcast_in_dim3A_438 : f32 to vector<16xf32>
      %broadcast_in_dim3A_440 = arith.constant 0.000000e+00 : f32
      %broadcast_in_dim3A_441 = vector.broadcast %broadcast_in_dim3A_440 : f32 to vector<16xf32>
      %broadcast_in_dim3A_442 = arith.constant 0.000000e+00 : f32
      %broadcast_in_dim3A_443 = vector.broadcast %broadcast_in_dim3A_442 : f32 to vector<16xf32>
      %broadcast_in_dim3A_444 = arith.constant 0.000000e+00 : f32
      %broadcast_in_dim3A_445 = vector.broadcast %broadcast_in_dim3A_444 : f32 to vector<16xf32>
      %broadcast_in_dim3A_446 = arith.constant 0.000000e+00 : f32
      %broadcast_in_dim3A_447 = vector.broadcast %broadcast_in_dim3A_446 : f32 to vector<16xf32>
      %broadcast_in_dim3A_448 = arith.constant 0.000000e+00 : f32
      %broadcast_in_dim3A_449 = vector.broadcast %broadcast_in_dim3A_448 : f32 to vector<16xf32>
      %broadcast_in_dim3A_450 = arith.constant 0.000000e+00 : f32
      %broadcast_in_dim3A_451 = vector.broadcast %broadcast_in_dim3A_450 : f32 to vector<16xf32>
      %scan3A_452 = arith.constant 0 : i32
      %scan3A_453 = arith.constant 10 : i32
      %scan3A_454 = arith.addi %scan3A_452, %scan3A_453 : i32
      %scan3A_455 = arith.constant 1 : i32
      %scan3A_456:10 = scf.for %scan3A_913 = %scan3A_452 to %scan3A_454 step %scan3A_455 iter_args(%scan3A_914 = %broadcast_in_dim3A_433, %scan3A_915 = %broadcast_in_dim3A_435, %scan3A_916 = %broadcast_in_dim3A_437, %scan3A_917 = %broadcast_in_dim3A_439, %scan3A_918 = %broadcast_in_dim3A_441, %scan3A_919 = %broadcast_in_dim3A_443, %scan3A_920 = %broadcast_in_dim3A_445, %scan3A_921 = %broadcast_in_dim3A_447, %scan3A_922 = %broadcast_in_dim3A_449, %scan3A_923 = %broadcast_in_dim3A_451) -> (vector<16xf32>, vector<16xf32>, vector<16xf32>, vector<16xf32>, vector<16xf32>, vector<16xf32>, vector<16xf32>, vector<16xf32>, vector<16xf32>, vector<16xf32>)  : i32 {
        %mul3A_924 = arith.constant 10 : i32
        %mul3A_925 = arith.muli %scan3A_913, %mul3A_924 : i32
        %add3A_926 = arith.constant 0 : i32
        %add3A_927 = arith.addi %mul3A_925, %add3A_926 : i32
        %get3A_928 = arith.constant 2 : i32
        %get3A_929 = arith.constant 0 : i32
        %get3A_930 = arith.index_cast %get3A_928 : i32 to index
        %get3A_931 = arith.index_cast %get3A_929 : i32 to index
        %get3A_932 = arith.index_cast %add3A_927 : i32 to index
        %get3A_933 = arith.constant 0 : index
        %get3A_934 = tpu.vector_load %arg7[%get3A_930, %get3A_931, %get3A_932, %get3A_933] {strides = array<i32>} : memref<8x2x100x16xf32, #tpu.memory_space<vmem>>, vector<1x1x1x16xf32>,
        %get3A_935 = vector.shape_cast %get3A_934 : vector<1x1x1x16xf32> to vector<16xf32>
        %add3A_936 = arith.addf %scan3A_914, %get3A_935 : vector<16xf32>
        %add3A_937 = arith.constant 1 : i32
        %add3A_938 = arith.addi %mul3A_925, %add3A_937 : i32
        %get3A_939 = arith.constant 2 : i32
        %get3A_940 = arith.constant 0 : i32
        %get3A_941 = arith.index_cast %get3A_939 : i32 to index
        %get3A_942 = arith.index_cast %get3A_940 : i32 to index
        %get3A_943 = arith.index_cast %add3A_938 : i32 to index
        %get3A_944 = arith.constant 0 : index
        %get3A_945 = tpu.vector_load %arg7[%get3A_941, %get3A_942, %get3A_943, %get3A_944] {strides = array<i32>} : memref<8x2x100x16xf32, #tpu.memory_space<vmem>>, vector<1x1x1x16xf32>,
        %get3A_946 = vector.shape_cast %get3A_945 : vector<1x1x1x16xf32> to vector<16xf32>
        %add3A_947 = arith.addf %scan3A_915, %get3A_946 : vector<16xf32>
        %add3A_948 = arith.constant 2 : i32
        %add3A_949 = arith.addi %mul3A_925, %add3A_948 : i32
        %get3A_950 = arith.constant 2 : i32
        %get3A_951 = arith.constant 0 : i32
        %get3A_952 = arith.index_cast %get3A_950 : i32 to index
        %get3A_953 = arith.index_cast %get3A_951 : i32 to index
        %get3A_954 = arith.index_cast %add3A_949 : i32 to index
        %get3A_955 = arith.constant 0 : index
        %get3A_956 = tpu.vector_load %arg7[%get3A_952, %get3A_953, %get3A_954, %get3A_955] {strides = array<i32>} : memref<8x2x100x16xf32, #tpu.memory_space<vmem>>, vector<1x1x1x16xf32>,
        %get3A_957 = vector.shape_cast %get3A_956 : vector<1x1x1x16xf32> to vector<16xf32>
        %add3A_958 = arith.addf %scan3A_916, %get3A_957 : vector<16xf32>
        %add3A_959 = arith.constant 3 : i32
        %add3A_960 = arith.addi %mul3A_925, %add3A_959 : i32
        %get3A_961 = arith.constant 2 : i32
        %get3A_962 = arith.constant 0 : i32
        %get3A_963 = arith.index_cast %get3A_961 : i32 to index
        %get3A_964 = arith.index_cast %get3A_962 : i32 to index
        %get3A_965 = arith.index_cast %add3A_960 : i32 to index
        %get3A_966 = arith.constant 0 : index
        %get3A_967 = tpu.vector_load %arg7[%get3A_963, %get3A_964, %get3A_965, %get3A_966] {strides = array<i32>} : memref<8x2x100x16xf32, #tpu.memory_space<vmem>>, vector<1x1x1x16xf32>,
        %get3A_968 = vector.shape_cast %get3A_967 : vector<1x1x1x16xf32> to vector<16xf32>
        %add3A_969 = arith.addf %scan3A_917, %get3A_968 : vector<16xf32>
        %add3A_970 = arith.constant 4 : i32
        %add3A_971 = arith.addi %mul3A_925, %add3A_970 : i32
        %get3A_972 = arith.constant 2 : i32
        %get3A_973 = arith.constant 0 : i32
        %get3A_974 = arith.index_cast %get3A_972 : i32 to index
        %get3A_975 = arith.index_cast %get3A_973 : i32 to index
        %get3A_976 = arith.index_cast %add3A_971 : i32 to index
        %get3A_977 = arith.constant 0 : index
        %get3A_978 = tpu.vector_load %arg7[%get3A_974, %get3A_975, %get3A_976, %get3A_977] {strides = array<i32>} : memref<8x2x100x16xf32, #tpu.memory_space<vmem>>, vector<1x1x1x16xf32>,
        %get3A_979 = vector.shape_cast %get3A_978 : vector<1x1x1x16xf32> to vector<16xf32>
        %add3A_980 = arith.addf %scan3A_918, %get3A_979 : vector<16xf32>
        %add3A_981 = arith.constant 5 : i32
        %add3A_982 = arith.addi %mul3A_925, %add3A_981 : i32
        %get3A_983 = arith.constant 2 : i32
        %get3A_984 = arith.constant 0 : i32
        %get3A_985 = arith.index_cast %get3A_983 : i32 to index
        %get3A_986 = arith.index_cast %get3A_984 : i32 to index
        %get3A_987 = arith.index_cast %add3A_982 : i32 to index
        %get3A_988 = arith.constant 0 : index
        %get3A_989 = tpu.vector_load %arg7[%get3A_985, %get3A_986, %get3A_987, %get3A_988] {strides = array<i32>} : memref<8x2x100x16xf32, #tpu.memory_space<vmem>>, vector<1x1x1x16xf32>,
        %get3A_990 = vector.shape_cast %get3A_989 : vector<1x1x1x16xf32> to vector<16xf32>
        %add3A_991 = arith.addf %scan3A_919, %get3A_990 : vector<16xf32>
        %add3A_992 = arith.constant 6 : i32
        %add3A_993 = arith.addi %mul3A_925, %add3A_992 : i32
        %get3A_994 = arith.constant 2 : i32
        %get3A_995 = arith.constant 0 : i32
        %get3A_996 = arith.index_cast %get3A_994 : i32 to index
        %get3A_997 = arith.index_cast %get3A_995 : i32 to index
        %get3A_998 = arith.index_cast %add3A_993 : i32 to index
        %get3A_999 = arith.constant 0 : index
        %get3A_1000 = tpu.vector_load %arg7[%get3A_996, %get3A_997, %get3A_998, %get3A_999] {strides = array<i32>} : memref<8x2x100x16xf32, #tpu.memory_space<vmem>>, vector<1x1x1x16xf32>,
        %get3A_1001 = vector.shape_cast %get3A_1000 : vector<1x1x1x16xf32> to vector<16xf32>
        %add3A_1002 = arith.addf %scan3A_920, %get3A_1001 : vector<16xf32>
        %add3A_1003 = arith.constant 7 : i32
        %add3A_1004 = arith.addi %mul3A_925, %add3A_1003 : i32
        %get3A_1005 = arith.constant 2 : i32
        %get3A_1006 = arith.constant 0 : i32
        %get3A_1007 = arith.index_cast %get3A_1005 : i32 to index
        %get3A_1008 = arith.index_cast %get3A_1006 : i32 to index
        %get3A_1009 = arith.index_cast %add3A_1004 : i32 to index
        %get3A_1010 = arith.constant 0 : index
        %get3A_1011 = tpu.vector_load %arg7[%get3A_1007, %get3A_1008, %get3A_1009, %get3A_1010] {strides = array<i32>} : memref<8x2x100x16xf32, #tpu.memory_space<vmem>>, vector<1x1x1x16xf32>,
        %get3A_1012 = vector.shape_cast %get3A_1011 : vector<1x1x1x16xf32> to vector<16xf32>
        %add3A_1013 = arith.addf %scan3A_921, %get3A_1012 : vector<16xf32>
        %add3A_1014 = arith.constant 8 : i32
        %add3A_1015 = arith.addi %mul3A_925, %add3A_1014 : i32
        %get3A_1016 = arith.constant 2 : i32
        %get3A_1017 = arith.constant 0 : i32
        %get3A_1018 = arith.index_cast %get3A_1016 : i32 to index
        %get3A_1019 = arith.index_cast %get3A_1017 : i32 to index
        %get3A_1020 = arith.index_cast %add3A_1015 : i32 to index
        %get3A_1021 = arith.constant 0 : index
        %get3A_1022 = tpu.vector_load %arg7[%get3A_1018, %get3A_1019, %get3A_1020, %get3A_1021] {strides = array<i32>} : memref<8x2x100x16xf32, #tpu.memory_space<vmem>>, vector<1x1x1x16xf32>,
        %get3A_1023 = vector.shape_cast %get3A_1022 : vector<1x1x1x16xf32> to vector<16xf32>
        %add3A_1024 = arith.addf %scan3A_922, %get3A_1023 : vector<16xf32>
        %add3A_1025 = arith.constant 9 : i32
        %add3A_1026 = arith.addi %mul3A_925, %add3A_1025 : i32
        %get3A_1027 = arith.constant 2 : i32
        %get3A_1028 = arith.constant 0 : i32
        %get3A_1029 = arith.index_cast %get3A_1027 : i32 to index
        %get3A_1030 = arith.index_cast %get3A_1028 : i32 to index
        %get3A_1031 = arith.index_cast %add3A_1026 : i32 to index
        %get3A_1032 = arith.constant 0 : index
        %get3A_1033 = tpu.vector_load %arg7[%get3A_1029, %get3A_1030, %get3A_1031, %get3A_1032] {strides = array<i32>} : memref<8x2x100x16xf32, #tpu.memory_space<vmem>>, vector<1x1x1x16xf32>,
        %get3A_1034 = vector.shape_cast %get3A_1033 : vector<1x1x1x16xf32> to vector<16xf32>
        %add3A_1035 = arith.addf %scan3A_923, %get3A_1034 : vector<16xf32>
        scf.yield %add3A_936, %add3A_947, %add3A_958, %add3A_969, %add3A_980, %add3A_991, %add3A_1002, %add3A_1013, %add3A_1024, %add3A_1035 : vector<16xf32>, vector<16xf32>, vector<16xf32>, vector<16xf32>, vector<16xf32>, vector<16xf32>, vector<16xf32>, vector<16xf32>, vector<16xf32>, vector<16xf32>
      }
      %scan3A_457 = arith.constant 10 : i32
      %scan3A_458 = arith.constant 0 : i32
      %scan3A_459 = arith.constant 10 : i32
      %scan3A_460 = arith.addi %scan3A_458, %scan3A_459 : i32
      %scan3A_461 = arith.constant 1 : i32
      %scan3A_462:10 = scf.for %scan3A_913 = %scan3A_458 to %scan3A_460 step %scan3A_461 iter_args(%scan3A_914 = %scan3A_456#0, %scan3A_915 = %scan3A_456#1, %scan3A_916 = %scan3A_456#2, %scan3A_917 = %scan3A_456#3, %scan3A_918 = %scan3A_456#4, %scan3A_919 = %scan3A_456#5, %scan3A_920 = %scan3A_456#6, %scan3A_921 = %scan3A_456#7, %scan3A_922 = %scan3A_456#8, %scan3A_923 = %scan3A_456#9) -> (vector<16xf32>, vector<16xf32>, vector<16xf32>, vector<16xf32>, vector<16xf32>, vector<16xf32>, vector<16xf32>, vector<16xf32>, vector<16xf32>, vector<16xf32>)  : i32 {
        %mul3A_924 = arith.constant 10 : i32
        %mul3A_925 = arith.muli %scan3A_913, %mul3A_924 : i32
        %add3A_926 = arith.constant 0 : i32
        %add3A_927 = arith.addi %mul3A_925, %add3A_926 : i32
        %get3A_928 = arith.constant 2 : i32
        %get3A_929 = arith.constant 1 : i32
        %get3A_930 = arith.index_cast %get3A_928 : i32 to index
        %get3A_931 = arith.index_cast %get3A_929 : i32 to index
        %get3A_932 = arith.index_cast %add3A_927 : i32 to index
        %get3A_933 = arith.constant 0 : index
        %get3A_934 = tpu.vector_load %arg7[%get3A_930, %get3A_931, %get3A_932, %get3A_933] {strides = array<i32>} : memref<8x2x100x16xf32, #tpu.memory_space<vmem>>, vector<1x1x1x16xf32>,
        %get3A_935 = vector.shape_cast %get3A_934 : vector<1x1x1x16xf32> to vector<16xf32>
        %add3A_936 = arith.addf %scan3A_914, %get3A_935 : vector<16xf32>
        %add3A_937 = arith.constant 1 : i32
        %add3A_938 = arith.addi %mul3A_925, %add3A_937 : i32
        %get3A_939 = arith.constant 2 : i32
        %get3A_940 = arith.constant 1 : i32
        %get3A_941 = arith.index_cast %get3A_939 : i32 to index
        %get3A_942 = arith.index_cast %get3A_940 : i32 to index
        %get3A_943 = arith.index_cast %add3A_938 : i32 to index
        %get3A_944 = arith.constant 0 : index
        %get3A_945 = tpu.vector_load %arg7[%get3A_941, %get3A_942, %get3A_943, %get3A_944] {strides = array<i32>} : memref<8x2x100x16xf32, #tpu.memory_space<vmem>>, vector<1x1x1x16xf32>,
        %get3A_946 = vector.shape_cast %get3A_945 : vector<1x1x1x16xf32> to vector<16xf32>
        %add3A_947 = arith.addf %scan3A_915, %get3A_946 : vector<16xf32>
        %add3A_948 = arith.constant 2 : i32
        %add3A_949 = arith.addi %mul3A_925, %add3A_948 : i32
        %get3A_950 = arith.constant 2 : i32
        %get3A_951 = arith.constant 1 : i32
        %get3A_952 = arith.index_cast %get3A_950 : i32 to index
        %get3A_953 = arith.index_cast %get3A_951 : i32 to index
        %get3A_954 = arith.index_cast %add3A_949 : i32 to index
        %get3A_955 = arith.constant 0 : index
        %get3A_956 = tpu.vector_load %arg7[%get3A_952, %get3A_953, %get3A_954, %get3A_955] {strides = array<i32>} : memref<8x2x100x16xf32, #tpu.memory_space<vmem>>, vector<1x1x1x16xf32>,
        %get3A_957 = vector.shape_cast %get3A_956 : vector<1x1x1x16xf32> to vector<16xf32>
        %add3A_958 = arith.addf %scan3A_916, %get3A_957 : vector<16xf32>
        %add3A_959 = arith.constant 3 : i32
        %add3A_960 = arith.addi %mul3A_925, %add3A_959 : i32
        %get3A_961 = arith.constant 2 : i32
        %get3A_962 = arith.constant 1 : i32
        %get3A_963 = arith.index_cast %get3A_961 : i32 to index
        %get3A_964 = arith.index_cast %get3A_962 : i32 to index
        %get3A_965 = arith.index_cast %add3A_960 : i32 to index
        %get3A_966 = arith.constant 0 : index
        %get3A_967 = tpu.vector_load %arg7[%get3A_963, %get3A_964, %get3A_965, %get3A_966] {strides = array<i32>} : memref<8x2x100x16xf32, #tpu.memory_space<vmem>>, vector<1x1x1x16xf32>,
        %get3A_968 = vector.shape_cast %get3A_967 : vector<1x1x1x16xf32> to vector<16xf32>
        %add3A_969 = arith.addf %scan3A_917, %get3A_968 : vector<16xf32>
        %add3A_970 = arith.constant 4 : i32
        %add3A_971 = arith.addi %mul3A_925, %add3A_970 : i32
        %get3A_972 = arith.constant 2 : i32
        %get3A_973 = arith.constant 1 : i32
        %get3A_974 = arith.index_cast %get3A_972 : i32 to index
        %get3A_975 = arith.index_cast %get3A_973 : i32 to index
        %get3A_976 = arith.index_cast %add3A_971 : i32 to index
        %get3A_977 = arith.constant 0 : index
        %get3A_978 = tpu.vector_load %arg7[%get3A_974, %get3A_975, %get3A_976, %get3A_977] {strides = array<i32>} : memref<8x2x100x16xf32, #tpu.memory_space<vmem>>, vector<1x1x1x16xf32>,
        %get3A_979 = vector.shape_cast %get3A_978 : vector<1x1x1x16xf32> to vector<16xf32>
        %add3A_980 = arith.addf %scan3A_918, %get3A_979 : vector<16xf32>
        %add3A_981 = arith.constant 5 : i32
        %add3A_982 = arith.addi %mul3A_925, %add3A_981 : i32
        %get3A_983 = arith.constant 2 : i32
        %get3A_984 = arith.constant 1 : i32
        %get3A_985 = arith.index_cast %get3A_983 : i32 to index
        %get3A_986 = arith.index_cast %get3A_984 : i32 to index
        %get3A_987 = arith.index_cast %add3A_982 : i32 to index
        %get3A_988 = arith.constant 0 : index
        %get3A_989 = tpu.vector_load %arg7[%get3A_985, %get3A_986, %get3A_987, %get3A_988] {strides = array<i32>} : memref<8x2x100x16xf32, #tpu.memory_space<vmem>>, vector<1x1x1x16xf32>,
        %get3A_990 = vector.shape_cast %get3A_989 : vector<1x1x1x16xf32> to vector<16xf32>
        %add3A_991 = arith.addf %scan3A_919, %get3A_990 : vector<16xf32>
        %add3A_992 = arith.constant 6 : i32
        %add3A_993 = arith.addi %mul3A_925, %add3A_992 : i32
        %get3A_994 = arith.constant 2 : i32
        %get3A_995 = arith.constant 1 : i32
        %get3A_996 = arith.index_cast %get3A_994 : i32 to index
        %get3A_997 = arith.index_cast %get3A_995 : i32 to index
        %get3A_998 = arith.index_cast %add3A_993 : i32 to index
        %get3A_999 = arith.constant 0 : index
        %get3A_1000 = tpu.vector_load %arg7[%get3A_996, %get3A_997, %get3A_998, %get3A_999] {strides = array<i32>} : memref<8x2x100x16xf32, #tpu.memory_space<vmem>>, vector<1x1x1x16xf32>,
        %get3A_1001 = vector.shape_cast %get3A_1000 : vector<1x1x1x16xf32> to vector<16xf32>
        %add3A_1002 = arith.addf %scan3A_920, %get3A_1001 : vector<16xf32>
        %add3A_1003 = arith.constant 7 : i32
        %add3A_1004 = arith.addi %mul3A_925, %add3A_1003 : i32
        %get3A_1005 = arith.constant 2 : i32
        %get3A_1006 = arith.constant 1 : i32
        %get3A_1007 = arith.index_cast %get3A_1005 : i32 to index
        %get3A_1008 = arith.index_cast %get3A_1006 : i32 to index
        %get3A_1009 = arith.index_cast %add3A_1004 : i32 to index
        %get3A_1010 = arith.constant 0 : index
        %get3A_1011 = tpu.vector_load %arg7[%get3A_1007, %get3A_1008, %get3A_1009, %get3A_1010] {strides = array<i32>} : memref<8x2x100x16xf32, #tpu.memory_space<vmem>>, vector<1x1x1x16xf32>,
        %get3A_1012 = vector.shape_cast %get3A_1011 : vector<1x1x1x16xf32> to vector<16xf32>
        %add3A_1013 = arith.addf %scan3A_921, %get3A_1012 : vector<16xf32>
        %add3A_1014 = arith.constant 8 : i32
        %add3A_1015 = arith.addi %mul3A_925, %add3A_1014 : i32
        %get3A_1016 = arith.constant 2 : i32
        %get3A_1017 = arith.constant 1 : i32
        %get3A_1018 = arith.index_cast %get3A_1016 : i32 to index
        %get3A_1019 = arith.index_cast %get3A_1017 : i32 to index
        %get3A_1020 = arith.index_cast %add3A_1015 : i32 to index
        %get3A_1021 = arith.constant 0 : index
        %get3A_1022 = tpu.vector_load %arg7[%get3A_1018, %get3A_1019, %get3A_1020, %get3A_1021] {strides = array<i32>} : memref<8x2x100x16xf32, #tpu.memory_space<vmem>>, vector<1x1x1x16xf32>,
        %get3A_1023 = vector.shape_cast %get3A_1022 : vector<1x1x1x16xf32> to vector<16xf32>
        %add3A_1024 = arith.addf %scan3A_922, %get3A_1023 : vector<16xf32>
        %add3A_1025 = arith.constant 9 : i32
        %add3A_1026 = arith.addi %mul3A_925, %add3A_1025 : i32
        %get3A_1027 = arith.constant 2 : i32
        %get3A_1028 = arith.constant 1 : i32
        %get3A_1029 = arith.index_cast %get3A_1027 : i32 to index
        %get3A_1030 = arith.index_cast %get3A_1028 : i32 to index
        %get3A_1031 = arith.index_cast %add3A_1026 : i32 to index
        %get3A_1032 = arith.constant 0 : index
        %get3A_1033 = tpu.vector_load %arg7[%get3A_1029, %get3A_1030, %get3A_1031, %get3A_1032] {strides = array<i32>} : memref<8x2x100x16xf32, #tpu.memory_space<vmem>>, vector<1x1x1x16xf32>,
        %get3A_1034 = vector.shape_cast %get3A_1033 : vector<1x1x1x16xf32> to vector<16xf32>
        %add3A_1035 = arith.addf %scan3A_923, %get3A_1034 : vector<16xf32>
        scf.yield %add3A_936, %add3A_947, %add3A_958, %add3A_969, %add3A_980, %add3A_991, %add3A_1002, %add3A_1013, %add3A_1024, %add3A_1035 : vector<16xf32>, vector<16xf32>, vector<16xf32>, vector<16xf32>, vector<16xf32>, vector<16xf32>, vector<16xf32>, vector<16xf32>, vector<16xf32>, vector<16xf32>
      }
      %scan3A_463 = arith.constant 10 : i32
      %add3A_464 = arith.constant 8 : i32
      %add3A_465 = arith.addi %add3A_405, %add3A_464 : i32
      %lt3A_466 = arith.constant 128 : i32
      %lt3A_467 = arith.cmpi slt, %add3A_465, %lt3A_466 : i32
      %convert_element_type3A_468 = arith.extui %lt3A_467 : i1 to i32
      %cond3A_469 = arith.constant 0 : i32
      %cond3A_470 = arith.cmpi ne, %convert_element_type3A_468, %cond3A_469 : i32
      scf.if %cond3A_470 {
        %add3A_913 = arith.constant 8 : i32
        %add3A_914 = arith.addi %add3A_405, %add3A_913 : i32
        %dma_start3A_915 = arith.constant 0 : i32
        %dma_start3A_916 = arith.constant 2 : i32
        %dma_start3A_917 = arith.constant 0 : i32
        %dma_start3A_918 = arith.constant 0 : i32
        %dma_start3A_919 = arith.constant 0 : i32
        %dma_start3A_920 = tpu.memref_slice %arg7[%dma_start3A_916, %dma_start3A_917, %dma_start3A_918, %dma_start3A_919] : memref<8x2x100x16xf32, #tpu.memory_space<vmem>> -> memref<1x1x100x16xf32, #tpu.memory_space<vmem>>
        %dma_start3A_921 = tpu.memref_squeeze %dma_start3A_920 : memref<1x1x100x16xf32, #tpu.memory_space<vmem>> -> memref<100x16xf32, #tpu.memory_space<vmem>>
        %dma_start3A_922 = arith.constant 0 : i32
        %dma_start3A_923 = tpu.memref_slice %arg6[%add3A_914, %dma_start3A_915, %dma_start3A_922] : memref<128x2x100xi32, #tpu.memory_space<vmem>> -> memref<1x1x100xi32, #tpu.memory_space<vmem>>
        %dma_start3A_924 = tpu.memref_squeeze %dma_start3A_923 : memref<1x1x100xi32, #tpu.memory_space<vmem>> -> memref<100xi32, #tpu.memory_space<vmem>>
        %dma_start3A_925 = arith.constant 0 : i32
        %dma_start3A_926 = arith.constant 0 : i32
        %dma_start3A_927 = tpu.memref_slice %arg3[%dma_start3A_925, %dma_start3A_926] : memref<1015808x16xf32, #tpu.memory_space<hbm>> -> memref<1015808x16xf32, #tpu.memory_space<hbm>>
        tpu.enqueue_indirect_dma source(%dma_start3A_927 : memref<1015808x16xf32, #tpu.memory_space<hbm>>) target(%dma_start3A_921 : memref<100x16xf32, #tpu.memory_space<vmem>>) offsets(%dma_start3A_924 : memref<100xi32, #tpu.memory_space<vmem>>) semaphore(%arg12 : memref<!tpu.dma_semaphore, #tpu.memory_space<semaphore_mem>>)
        %dma_start3A_928 = arith.constant 1 : i32
        %dma_start3A_929 = arith.constant 2 : i32
        %dma_start3A_930 = arith.constant 1 : i32
        %dma_start3A_931 = arith.constant 0 : i32
        %dma_start3A_932 = arith.constant 0 : i32
        %dma_start3A_933 = tpu.memref_slice %arg7[%dma_start3A_929, %dma_start3A_930, %dma_start3A_931, %dma_start3A_932] : memref<8x2x100x16xf32, #tpu.memory_space<vmem>> -> memref<1x1x100x16xf32, #tpu.memory_space<vmem>>
        %dma_start3A_934 = tpu.memref_squeeze %dma_start3A_933 : memref<1x1x100x16xf32, #tpu.memory_space<vmem>> -> memref<100x16xf32, #tpu.memory_space<vmem>>
        %dma_start3A_935 = arith.constant 0 : i32
        %dma_start3A_936 = tpu.memref_slice %arg6[%add3A_914, %dma_start3A_928, %dma_start3A_935] : memref<128x2x100xi32, #tpu.memory_space<vmem>> -> memref<1x1x100xi32, #tpu.memory_space<vmem>>
        %dma_start3A_937 = tpu.memref_squeeze %dma_start3A_936 : memref<1x1x100xi32, #tpu.memory_space<vmem>> -> memref<100xi32, #tpu.memory_space<vmem>>
        %dma_start3A_938 = arith.constant 0 : i32
        %dma_start3A_939 = arith.constant 0 : i32
        %dma_start3A_940 = tpu.memref_slice %arg3[%dma_start3A_938, %dma_start3A_939] : memref<1015808x16xf32, #tpu.memory_space<hbm>> -> memref<1015808x16xf32, #tpu.memory_space<hbm>>
        tpu.enqueue_indirect_dma source(%dma_start3A_940 : memref<1015808x16xf32, #tpu.memory_space<hbm>>) target(%dma_start3A_934 : memref<100x16xf32, #tpu.memory_space<vmem>>) offsets(%dma_start3A_937 : memref<100xi32, #tpu.memory_space<vmem>>) semaphore(%arg12 : memref<!tpu.dma_semaphore, #tpu.memory_space<semaphore_mem>>)
      } else {
      }
      %add3A_471 = arith.addf %scan3A_462#0, %scan3A_462#1 : vector<16xf32>
      %add3A_472 = arith.addf %scan3A_462#2, %scan3A_462#3 : vector<16xf32>
      %add3A_473 = arith.addf %scan3A_462#4, %scan3A_462#5 : vector<16xf32>
      %add3A_474 = arith.addf %scan3A_462#6, %scan3A_462#7 : vector<16xf32>
      %add3A_475 = arith.addf %scan3A_462#8, %scan3A_462#9 : vector<16xf32>
      %add3A_476 = arith.addf %add3A_471, %add3A_472 : vector<16xf32>
      %add3A_477 = arith.addf %add3A_473, %add3A_474 : vector<16xf32>
      %add3A_478 = arith.addf %add3A_476, %add3A_477 : vector<16xf32>
      %add3A_479 = arith.addf %add3A_478, %add3A_475 : vector<16xf32>
      %mul3A_480 = arith.mulf %add3A_479, %broadcast_in_dim3A_226 : vector<16xf32>
      %add3A_481 = arith.addf %mul3A_480, %get3A_228 : vector<16xf32>
      %swap3A_482 = arith.index_cast %add3A_405 : i32 to index
      %swap3A_483 = arith.constant 0 : index
      %swap3A_484 = tpu.vector_load %arg8[%swap3A_482, %swap3A_483] {strides = array<i32>} : memref<128x16xf32, #tpu.memory_space<vmem>>, vector<1x16xf32>,
      %swap3A_485 = vector.shape_cast %swap3A_484 : vector<1x16xf32> to vector<16xf32>
      %swap3A_486 = vector.shape_cast %add3A_481 : vector<16xf32> to vector<1x16xf32>
      tpu.vector_store %arg8[%swap3A_482, %swap3A_483], %swap3A_486 {strides = array<i32>} : memref<128x16xf32, #tpu.memory_space<vmem>>, vector<1x16xf32>,
      %mul3A_487 = arith.constant 8 : i32
      %mul3A_488 = arith.muli %scan3A_235, %mul3A_487 : i32
      %add3A_489 = arith.constant 3 : i32
      %add3A_490 = arith.addi %mul3A_488, %add3A_489 : i32
      %dma_wait3A_491 = arith.constant 0 : i32
      %dma_wait3A_492 = arith.constant 3 : i32
      %dma_wait3A_493 = arith.constant 0 : i32
      %dma_wait3A_494 = arith.constant 0 : i32
      %dma_wait3A_495 = arith.constant 0 : i32
      %dma_wait3A_496 = tpu.memref_slice %arg7[%dma_wait3A_492, %dma_wait3A_493, %dma_wait3A_494, %dma_wait3A_495] : memref<8x2x100x16xf32, #tpu.memory_space<vmem>> -> memref<1x1x100x16xf32, #tpu.memory_space<vmem>>
      %dma_wait3A_497 = tpu.memref_squeeze %dma_wait3A_496 : memref<1x1x100x16xf32, #tpu.memory_space<vmem>> -> memref<100x16xf32, #tpu.memory_space<vmem>>
      %dma_wait3A_498 = arith.constant 0 : i32
      %dma_wait3A_499 = tpu.memref_slice %arg6[%add3A_490, %dma_wait3A_491, %dma_wait3A_498] : memref<128x2x100xi32, #tpu.memory_space<vmem>> -> memref<1x1x100xi32, #tpu.memory_space<vmem>>
      %dma_wait3A_500 = tpu.memref_squeeze %dma_wait3A_499 : memref<1x1x100xi32, #tpu.memory_space<vmem>> -> memref<100xi32, #tpu.memory_space<vmem>>
      %dma_wait3A_501 = arith.constant 0 : i32
      %dma_wait3A_502 = arith.constant 0 : i32
      %dma_wait3A_503 = tpu.memref_slice %arg3[%dma_wait3A_501, %dma_wait3A_502] : memref<1015808x16xf32, #tpu.memory_space<hbm>> -> memref<1015808x16xf32, #tpu.memory_space<hbm>>
      tpu.wait_indirect_dma semaphore(%arg13 : memref<!tpu.dma_semaphore, #tpu.memory_space<semaphore_mem>>) src(%dma_wait3A_503 : memref<1015808x16xf32, #tpu.memory_space<hbm>>) dst(%dma_wait3A_497 : memref<100x16xf32, #tpu.memory_space<vmem>>)
      %dma_wait3A_504 = arith.constant 1 : i32
      %dma_wait3A_505 = arith.constant 3 : i32
      %dma_wait3A_506 = arith.constant 1 : i32
      %dma_wait3A_507 = arith.constant 0 : i32
      %dma_wait3A_508 = arith.constant 0 : i32
      %dma_wait3A_509 = tpu.memref_slice %arg7[%dma_wait3A_505, %dma_wait3A_506, %dma_wait3A_507, %dma_wait3A_508] : memref<8x2x100x16xf32, #tpu.memory_space<vmem>> -> memref<1x1x100x16xf32, #tpu.memory_space<vmem>>
      %dma_wait3A_510 = tpu.memref_squeeze %dma_wait3A_509 : memref<1x1x100x16xf32, #tpu.memory_space<vmem>> -> memref<100x16xf32, #tpu.memory_space<vmem>>
      %dma_wait3A_511 = arith.constant 0 : i32
      %dma_wait3A_512 = tpu.memref_slice %arg6[%add3A_490, %dma_wait3A_504, %dma_wait3A_511] : memref<128x2x100xi32, #tpu.memory_space<vmem>> -> memref<1x1x100xi32, #tpu.memory_space<vmem>>
      %dma_wait3A_513 = tpu.memref_squeeze %dma_wait3A_512 : memref<1x1x100xi32, #tpu.memory_space<vmem>> -> memref<100xi32, #tpu.memory_space<vmem>>
      %dma_wait3A_514 = arith.constant 0 : i32
      %dma_wait3A_515 = arith.constant 0 : i32
      %dma_wait3A_516 = tpu.memref_slice %arg3[%dma_wait3A_514, %dma_wait3A_515] : memref<1015808x16xf32, #tpu.memory_space<hbm>> -> memref<1015808x16xf32, #tpu.memory_space<hbm>>
      tpu.wait_indirect_dma semaphore(%arg13 : memref<!tpu.dma_semaphore, #tpu.memory_space<semaphore_mem>>) src(%dma_wait3A_516 : memref<1015808x16xf32, #tpu.memory_space<hbm>>) dst(%dma_wait3A_510 : memref<100x16xf32, #tpu.memory_space<vmem>>)
      %broadcast_in_dim3A_517 = arith.constant 0.000000e+00 : f32
      %broadcast_in_dim3A_518 = vector.broadcast %broadcast_in_dim3A_517 : f32 to vector<16xf32>
      %broadcast_in_dim3A_519 = arith.constant 0.000000e+00 : f32
      %broadcast_in_dim3A_520 = vector.broadcast %broadcast_in_dim3A_519 : f32 to vector<16xf32>
      %broadcast_in_dim3A_521 = arith.constant 0.000000e+00 : f32
      %broadcast_in_dim3A_522 = vector.broadcast %broadcast_in_dim3A_521 : f32 to vector<16xf32>
      %broadcast_in_dim3A_523 = arith.constant 0.000000e+00 : f32
      %broadcast_in_dim3A_524 = vector.broadcast %broadcast_in_dim3A_523 : f32 to vector<16xf32>
      %broadcast_in_dim3A_525 = arith.constant 0.000000e+00 : f32
      %broadcast_in_dim3A_526 = vector.broadcast %broadcast_in_dim3A_525 : f32 to vector<16xf32>
      %broadcast_in_dim3A_527 = arith.constant 0.000000e+00 : f32
      %broadcast_in_dim3A_528 = vector.broadcast %broadcast_in_dim3A_527 : f32 to vector<16xf32>
      %broadcast_in_dim3A_529 = arith.constant 0.000000e+00 : f32
      %broadcast_in_dim3A_530 = vector.broadcast %broadcast_in_dim3A_529 : f32 to vector<16xf32>
      %broadcast_in_dim3A_531 = arith.constant 0.000000e+00 : f32
      %broadcast_in_dim3A_532 = vector.broadcast %broadcast_in_dim3A_531 : f32 to vector<16xf32>
      %broadcast_in_dim3A_533 = arith.constant 0.000000e+00 : f32
      %broadcast_in_dim3A_534 = vector.broadcast %broadcast_in_dim3A_533 : f32 to vector<16xf32>
      %broadcast_in_dim3A_535 = arith.constant 0.000000e+00 : f32
      %broadcast_in_dim3A_536 = vector.broadcast %broadcast_in_dim3A_535 : f32 to vector<16xf32>
      %scan3A_537 = arith.constant 0 : i32
      %scan3A_538 = arith.constant 10 : i32
      %scan3A_539 = arith.addi %scan3A_537, %scan3A_538 : i32
      %scan3A_540 = arith.constant 1 : i32
      %scan3A_541:10 = scf.for %scan3A_913 = %scan3A_537 to %scan3A_539 step %scan3A_540 iter_args(%scan3A_914 = %broadcast_in_dim3A_518, %scan3A_915 = %broadcast_in_dim3A_520, %scan3A_916 = %broadcast_in_dim3A_522, %scan3A_917 = %broadcast_in_dim3A_524, %scan3A_918 = %broadcast_in_dim3A_526, %scan3A_919 = %broadcast_in_dim3A_528, %scan3A_920 = %broadcast_in_dim3A_530, %scan3A_921 = %broadcast_in_dim3A_532, %scan3A_922 = %broadcast_in_dim3A_534, %scan3A_923 = %broadcast_in_dim3A_536) -> (vector<16xf32>, vector<16xf32>, vector<16xf32>, vector<16xf32>, vector<16xf32>, vector<16xf32>, vector<16xf32>, vector<16xf32>, vector<16xf32>, vector<16xf32>)  : i32 {
        %mul3A_924 = arith.constant 10 : i32
        %mul3A_925 = arith.muli %scan3A_913, %mul3A_924 : i32
        %add3A_926 = arith.constant 0 : i32
        %add3A_927 = arith.addi %mul3A_925, %add3A_926 : i32
        %get3A_928 = arith.constant 3 : i32
        %get3A_929 = arith.constant 0 : i32
        %get3A_930 = arith.index_cast %get3A_928 : i32 to index
        %get3A_931 = arith.index_cast %get3A_929 : i32 to index
        %get3A_932 = arith.index_cast %add3A_927 : i32 to index
        %get3A_933 = arith.constant 0 : index
        %get3A_934 = tpu.vector_load %arg7[%get3A_930, %get3A_931, %get3A_932, %get3A_933] {strides = array<i32>} : memref<8x2x100x16xf32, #tpu.memory_space<vmem>>, vector<1x1x1x16xf32>,
        %get3A_935 = vector.shape_cast %get3A_934 : vector<1x1x1x16xf32> to vector<16xf32>
        %add3A_936 = arith.addf %scan3A_914, %get3A_935 : vector<16xf32>
        %add3A_937 = arith.constant 1 : i32
        %add3A_938 = arith.addi %mul3A_925, %add3A_937 : i32
        %get3A_939 = arith.constant 3 : i32
        %get3A_940 = arith.constant 0 : i32
        %get3A_941 = arith.index_cast %get3A_939 : i32 to index
        %get3A_942 = arith.index_cast %get3A_940 : i32 to index
        %get3A_943 = arith.index_cast %add3A_938 : i32 to index
        %get3A_944 = arith.constant 0 : index
        %get3A_945 = tpu.vector_load %arg7[%get3A_941, %get3A_942, %get3A_943, %get3A_944] {strides = array<i32>} : memref<8x2x100x16xf32, #tpu.memory_space<vmem>>, vector<1x1x1x16xf32>,
        %get3A_946 = vector.shape_cast %get3A_945 : vector<1x1x1x16xf32> to vector<16xf32>
        %add3A_947 = arith.addf %scan3A_915, %get3A_946 : vector<16xf32>
        %add3A_948 = arith.constant 2 : i32
        %add3A_949 = arith.addi %mul3A_925, %add3A_948 : i32
        %get3A_950 = arith.constant 3 : i32
        %get3A_951 = arith.constant 0 : i32
        %get3A_952 = arith.index_cast %get3A_950 : i32 to index
        %get3A_953 = arith.index_cast %get3A_951 : i32 to index
        %get3A_954 = arith.index_cast %add3A_949 : i32 to index
        %get3A_955 = arith.constant 0 : index
        %get3A_956 = tpu.vector_load %arg7[%get3A_952, %get3A_953, %get3A_954, %get3A_955] {strides = array<i32>} : memref<8x2x100x16xf32, #tpu.memory_space<vmem>>, vector<1x1x1x16xf32>,
        %get3A_957 = vector.shape_cast %get3A_956 : vector<1x1x1x16xf32> to vector<16xf32>
        %add3A_958 = arith.addf %scan3A_916, %get3A_957 : vector<16xf32>
        %add3A_959 = arith.constant 3 : i32
        %add3A_960 = arith.addi %mul3A_925, %add3A_959 : i32
        %get3A_961 = arith.constant 3 : i32
        %get3A_962 = arith.constant 0 : i32
        %get3A_963 = arith.index_cast %get3A_961 : i32 to index
        %get3A_964 = arith.index_cast %get3A_962 : i32 to index
        %get3A_965 = arith.index_cast %add3A_960 : i32 to index
        %get3A_966 = arith.constant 0 : index
        %get3A_967 = tpu.vector_load %arg7[%get3A_963, %get3A_964, %get3A_965, %get3A_966] {strides = array<i32>} : memref<8x2x100x16xf32, #tpu.memory_space<vmem>>, vector<1x1x1x16xf32>,
        %get3A_968 = vector.shape_cast %get3A_967 : vector<1x1x1x16xf32> to vector<16xf32>
        %add3A_969 = arith.addf %scan3A_917, %get3A_968 : vector<16xf32>
        %add3A_970 = arith.constant 4 : i32
        %add3A_971 = arith.addi %mul3A_925, %add3A_970 : i32
        %get3A_972 = arith.constant 3 : i32
        %get3A_973 = arith.constant 0 : i32
        %get3A_974 = arith.index_cast %get3A_972 : i32 to index
        %get3A_975 = arith.index_cast %get3A_973 : i32 to index
        %get3A_976 = arith.index_cast %add3A_971 : i32 to index
        %get3A_977 = arith.constant 0 : index
        %get3A_978 = tpu.vector_load %arg7[%get3A_974, %get3A_975, %get3A_976, %get3A_977] {strides = array<i32>} : memref<8x2x100x16xf32, #tpu.memory_space<vmem>>, vector<1x1x1x16xf32>,
        %get3A_979 = vector.shape_cast %get3A_978 : vector<1x1x1x16xf32> to vector<16xf32>
        %add3A_980 = arith.addf %scan3A_918, %get3A_979 : vector<16xf32>
        %add3A_981 = arith.constant 5 : i32
        %add3A_982 = arith.addi %mul3A_925, %add3A_981 : i32
        %get3A_983 = arith.constant 3 : i32
        %get3A_984 = arith.constant 0 : i32
        %get3A_985 = arith.index_cast %get3A_983 : i32 to index
        %get3A_986 = arith.index_cast %get3A_984 : i32 to index
        %get3A_987 = arith.index_cast %add3A_982 : i32 to index
        %get3A_988 = arith.constant 0 : index
        %get3A_989 = tpu.vector_load %arg7[%get3A_985, %get3A_986, %get3A_987, %get3A_988] {strides = array<i32>} : memref<8x2x100x16xf32, #tpu.memory_space<vmem>>, vector<1x1x1x16xf32>,
        %get3A_990 = vector.shape_cast %get3A_989 : vector<1x1x1x16xf32> to vector<16xf32>
        %add3A_991 = arith.addf %scan3A_919, %get3A_990 : vector<16xf32>
        %add3A_992 = arith.constant 6 : i32
        %add3A_993 = arith.addi %mul3A_925, %add3A_992 : i32
        %get3A_994 = arith.constant 3 : i32
        %get3A_995 = arith.constant 0 : i32
        %get3A_996 = arith.index_cast %get3A_994 : i32 to index
        %get3A_997 = arith.index_cast %get3A_995 : i32 to index
        %get3A_998 = arith.index_cast %add3A_993 : i32 to index
        %get3A_999 = arith.constant 0 : index
        %get3A_1000 = tpu.vector_load %arg7[%get3A_996, %get3A_997, %get3A_998, %get3A_999] {strides = array<i32>} : memref<8x2x100x16xf32, #tpu.memory_space<vmem>>, vector<1x1x1x16xf32>,
        %get3A_1001 = vector.shape_cast %get3A_1000 : vector<1x1x1x16xf32> to vector<16xf32>
        %add3A_1002 = arith.addf %scan3A_920, %get3A_1001 : vector<16xf32>
        %add3A_1003 = arith.constant 7 : i32
        %add3A_1004 = arith.addi %mul3A_925, %add3A_1003 : i32
        %get3A_1005 = arith.constant 3 : i32
        %get3A_1006 = arith.constant 0 : i32
        %get3A_1007 = arith.index_cast %get3A_1005 : i32 to index
        %get3A_1008 = arith.index_cast %get3A_1006 : i32 to index
        %get3A_1009 = arith.index_cast %add3A_1004 : i32 to index
        %get3A_1010 = arith.constant 0 : index
        %get3A_1011 = tpu.vector_load %arg7[%get3A_1007, %get3A_1008, %get3A_1009, %get3A_1010] {strides = array<i32>} : memref<8x2x100x16xf32, #tpu.memory_space<vmem>>, vector<1x1x1x16xf32>,
        %get3A_1012 = vector.shape_cast %get3A_1011 : vector<1x1x1x16xf32> to vector<16xf32>
        %add3A_1013 = arith.addf %scan3A_921, %get3A_1012 : vector<16xf32>
        %add3A_1014 = arith.constant 8 : i32
        %add3A_1015 = arith.addi %mul3A_925, %add3A_1014 : i32
        %get3A_1016 = arith.constant 3 : i32
        %get3A_1017 = arith.constant 0 : i32
        %get3A_1018 = arith.index_cast %get3A_1016 : i32 to index
        %get3A_1019 = arith.index_cast %get3A_1017 : i32 to index
        %get3A_1020 = arith.index_cast %add3A_1015 : i32 to index
        %get3A_1021 = arith.constant 0 : index
        %get3A_1022 = tpu.vector_load %arg7[%get3A_1018, %get3A_1019, %get3A_1020, %get3A_1021] {strides = array<i32>} : memref<8x2x100x16xf32, #tpu.memory_space<vmem>>, vector<1x1x1x16xf32>,
        %get3A_1023 = vector.shape_cast %get3A_1022 : vector<1x1x1x16xf32> to vector<16xf32>
        %add3A_1024 = arith.addf %scan3A_922, %get3A_1023 : vector<16xf32>
        %add3A_1025 = arith.constant 9 : i32
        %add3A_1026 = arith.addi %mul3A_925, %add3A_1025 : i32
        %get3A_1027 = arith.constant 3 : i32
        %get3A_1028 = arith.constant 0 : i32
        %get3A_1029 = arith.index_cast %get3A_1027 : i32 to index
        %get3A_1030 = arith.index_cast %get3A_1028 : i32 to index
        %get3A_1031 = arith.index_cast %add3A_1026 : i32 to index
        %get3A_1032 = arith.constant 0 : index
        %get3A_1033 = tpu.vector_load %arg7[%get3A_1029, %get3A_1030, %get3A_1031, %get3A_1032] {strides = array<i32>} : memref<8x2x100x16xf32, #tpu.memory_space<vmem>>, vector<1x1x1x16xf32>,
        %get3A_1034 = vector.shape_cast %get3A_1033 : vector<1x1x1x16xf32> to vector<16xf32>
        %add3A_1035 = arith.addf %scan3A_923, %get3A_1034 : vector<16xf32>
        scf.yield %add3A_936, %add3A_947, %add3A_958, %add3A_969, %add3A_980, %add3A_991, %add3A_1002, %add3A_1013, %add3A_1024, %add3A_1035 : vector<16xf32>, vector<16xf32>, vector<16xf32>, vector<16xf32>, vector<16xf32>, vector<16xf32>, vector<16xf32>, vector<16xf32>, vector<16xf32>, vector<16xf32>
      }
      %scan3A_542 = arith.constant 10 : i32
      %scan3A_543 = arith.constant 0 : i32
      %scan3A_544 = arith.constant 10 : i32
      %scan3A_545 = arith.addi %scan3A_543, %scan3A_544 : i32
      %scan3A_546 = arith.constant 1 : i32
      %scan3A_547:10 = scf.for %scan3A_913 = %scan3A_543 to %scan3A_545 step %scan3A_546 iter_args(%scan3A_914 = %scan3A_541#0, %scan3A_915 = %scan3A_541#1, %scan3A_916 = %scan3A_541#2, %scan3A_917 = %scan3A_541#3, %scan3A_918 = %scan3A_541#4, %scan3A_919 = %scan3A_541#5, %scan3A_920 = %scan3A_541#6, %scan3A_921 = %scan3A_541#7, %scan3A_922 = %scan3A_541#8, %scan3A_923 = %scan3A_541#9) -> (vector<16xf32>, vector<16xf32>, vector<16xf32>, vector<16xf32>, vector<16xf32>, vector<16xf32>, vector<16xf32>, vector<16xf32>, vector<16xf32>, vector<16xf32>)  : i32 {
        %mul3A_924 = arith.constant 10 : i32
        %mul3A_925 = arith.muli %scan3A_913, %mul3A_924 : i32
        %add3A_926 = arith.constant 0 : i32
        %add3A_927 = arith.addi %mul3A_925, %add3A_926 : i32
        %get3A_928 = arith.constant 3 : i32
        %get3A_929 = arith.constant 1 : i32
        %get3A_930 = arith.index_cast %get3A_928 : i32 to index
        %get3A_931 = arith.index_cast %get3A_929 : i32 to index
        %get3A_932 = arith.index_cast %add3A_927 : i32 to index
        %get3A_933 = arith.constant 0 : index
        %get3A_934 = tpu.vector_load %arg7[%get3A_930, %get3A_931, %get3A_932, %get3A_933] {strides = array<i32>} : memref<8x2x100x16xf32, #tpu.memory_space<vmem>>, vector<1x1x1x16xf32>,
        %get3A_935 = vector.shape_cast %get3A_934 : vector<1x1x1x16xf32> to vector<16xf32>
        %add3A_936 = arith.addf %scan3A_914, %get3A_935 : vector<16xf32>
        %add3A_937 = arith.constant 1 : i32
        %add3A_938 = arith.addi %mul3A_925, %add3A_937 : i32
        %get3A_939 = arith.constant 3 : i32
        %get3A_940 = arith.constant 1 : i32
        %get3A_941 = arith.index_cast %get3A_939 : i32 to index
        %get3A_942 = arith.index_cast %get3A_940 : i32 to index
        %get3A_943 = arith.index_cast %add3A_938 : i32 to index
        %get3A_944 = arith.constant 0 : index
        %get3A_945 = tpu.vector_load %arg7[%get3A_941, %get3A_942, %get3A_943, %get3A_944] {strides = array<i32>} : memref<8x2x100x16xf32, #tpu.memory_space<vmem>>, vector<1x1x1x16xf32>,
        %get3A_946 = vector.shape_cast %get3A_945 : vector<1x1x1x16xf32> to vector<16xf32>
        %add3A_947 = arith.addf %scan3A_915, %get3A_946 : vector<16xf32>
        %add3A_948 = arith.constant 2 : i32
        %add3A_949 = arith.addi %mul3A_925, %add3A_948 : i32
        %get3A_950 = arith.constant 3 : i32
        %get3A_951 = arith.constant 1 : i32
        %get3A_952 = arith.index_cast %get3A_950 : i32 to index
        %get3A_953 = arith.index_cast %get3A_951 : i32 to index
        %get3A_954 = arith.index_cast %add3A_949 : i32 to index
        %get3A_955 = arith.constant 0 : index
        %get3A_956 = tpu.vector_load %arg7[%get3A_952, %get3A_953, %get3A_954, %get3A_955] {strides = array<i32>} : memref<8x2x100x16xf32, #tpu.memory_space<vmem>>, vector<1x1x1x16xf32>,
        %get3A_957 = vector.shape_cast %get3A_956 : vector<1x1x1x16xf32> to vector<16xf32>
        %add3A_958 = arith.addf %scan3A_916, %get3A_957 : vector<16xf32>
        %add3A_959 = arith.constant 3 : i32
        %add3A_960 = arith.addi %mul3A_925, %add3A_959 : i32
        %get3A_961 = arith.constant 3 : i32
        %get3A_962 = arith.constant 1 : i32
        %get3A_963 = arith.index_cast %get3A_961 : i32 to index
        %get3A_964 = arith.index_cast %get3A_962 : i32 to index
        %get3A_965 = arith.index_cast %add3A_960 : i32 to index
        %get3A_966 = arith.constant 0 : index
        %get3A_967 = tpu.vector_load %arg7[%get3A_963, %get3A_964, %get3A_965, %get3A_966] {strides = array<i32>} : memref<8x2x100x16xf32, #tpu.memory_space<vmem>>, vector<1x1x1x16xf32>,
        %get3A_968 = vector.shape_cast %get3A_967 : vector<1x1x1x16xf32> to vector<16xf32>
        %add3A_969 = arith.addf %scan3A_917, %get3A_968 : vector<16xf32>
        %add3A_970 = arith.constant 4 : i32
        %add3A_971 = arith.addi %mul3A_925, %add3A_970 : i32
        %get3A_972 = arith.constant 3 : i32
        %get3A_973 = arith.constant 1 : i32
        %get3A_974 = arith.index_cast %get3A_972 : i32 to index
        %get3A_975 = arith.index_cast %get3A_973 : i32 to index
        %get3A_976 = arith.index_cast %add3A_971 : i32 to index
        %get3A_977 = arith.constant 0 : index
        %get3A_978 = tpu.vector_load %arg7[%get3A_974, %get3A_975, %get3A_976, %get3A_977] {strides = array<i32>} : memref<8x2x100x16xf32, #tpu.memory_space<vmem>>, vector<1x1x1x16xf32>,
        %get3A_979 = vector.shape_cast %get3A_978 : vector<1x1x1x16xf32> to vector<16xf32>
        %add3A_980 = arith.addf %scan3A_918, %get3A_979 : vector<16xf32>
        %add3A_981 = arith.constant 5 : i32
        %add3A_982 = arith.addi %mul3A_925, %add3A_981 : i32
        %get3A_983 = arith.constant 3 : i32
        %get3A_984 = arith.constant 1 : i32
        %get3A_985 = arith.index_cast %get3A_983 : i32 to index
        %get3A_986 = arith.index_cast %get3A_984 : i32 to index
        %get3A_987 = arith.index_cast %add3A_982 : i32 to index
        %get3A_988 = arith.constant 0 : index
        %get3A_989 = tpu.vector_load %arg7[%get3A_985, %get3A_986, %get3A_987, %get3A_988] {strides = array<i32>} : memref<8x2x100x16xf32, #tpu.memory_space<vmem>>, vector<1x1x1x16xf32>,
        %get3A_990 = vector.shape_cast %get3A_989 : vector<1x1x1x16xf32> to vector<16xf32>
        %add3A_991 = arith.addf %scan3A_919, %get3A_990 : vector<16xf32>
        %add3A_992 = arith.constant 6 : i32
        %add3A_993 = arith.addi %mul3A_925, %add3A_992 : i32
        %get3A_994 = arith.constant 3 : i32
        %get3A_995 = arith.constant 1 : i32
        %get3A_996 = arith.index_cast %get3A_994 : i32 to index
        %get3A_997 = arith.index_cast %get3A_995 : i32 to index
        %get3A_998 = arith.index_cast %add3A_993 : i32 to index
        %get3A_999 = arith.constant 0 : index
        %get3A_1000 = tpu.vector_load %arg7[%get3A_996, %get3A_997, %get3A_998, %get3A_999] {strides = array<i32>} : memref<8x2x100x16xf32, #tpu.memory_space<vmem>>, vector<1x1x1x16xf32>,
        %get3A_1001 = vector.shape_cast %get3A_1000 : vector<1x1x1x16xf32> to vector<16xf32>
        %add3A_1002 = arith.addf %scan3A_920, %get3A_1001 : vector<16xf32>
        %add3A_1003 = arith.constant 7 : i32
        %add3A_1004 = arith.addi %mul3A_925, %add3A_1003 : i32
        %get3A_1005 = arith.constant 3 : i32
        %get3A_1006 = arith.constant 1 : i32
        %get3A_1007 = arith.index_cast %get3A_1005 : i32 to index
        %get3A_1008 = arith.index_cast %get3A_1006 : i32 to index
        %get3A_1009 = arith.index_cast %add3A_1004 : i32 to index
        %get3A_1010 = arith.constant 0 : index
        %get3A_1011 = tpu.vector_load %arg7[%get3A_1007, %get3A_1008, %get3A_1009, %get3A_1010] {strides = array<i32>} : memref<8x2x100x16xf32, #tpu.memory_space<vmem>>, vector<1x1x1x16xf32>,
        %get3A_1012 = vector.shape_cast %get3A_1011 : vector<1x1x1x16xf32> to vector<16xf32>
        %add3A_1013 = arith.addf %scan3A_921, %get3A_1012 : vector<16xf32>
        %add3A_1014 = arith.constant 8 : i32
        %add3A_1015 = arith.addi %mul3A_925, %add3A_1014 : i32
        %get3A_1016 = arith.constant 3 : i32
        %get3A_1017 = arith.constant 1 : i32
        %get3A_1018 = arith.index_cast %get3A_1016 : i32 to index
        %get3A_1019 = arith.index_cast %get3A_1017 : i32 to index
        %get3A_1020 = arith.index_cast %add3A_1015 : i32 to index
        %get3A_1021 = arith.constant 0 : index
        %get3A_1022 = tpu.vector_load %arg7[%get3A_1018, %get3A_1019, %get3A_1020, %get3A_1021] {strides = array<i32>} : memref<8x2x100x16xf32, #tpu.memory_space<vmem>>, vector<1x1x1x16xf32>,
        %get3A_1023 = vector.shape_cast %get3A_1022 : vector<1x1x1x16xf32> to vector<16xf32>
        %add3A_1024 = arith.addf %scan3A_922, %get3A_1023 : vector<16xf32>
        %add3A_1025 = arith.constant 9 : i32
        %add3A_1026 = arith.addi %mul3A_925, %add3A_1025 : i32
        %get3A_1027 = arith.constant 3 : i32
        %get3A_1028 = arith.constant 1 : i32
        %get3A_1029 = arith.index_cast %get3A_1027 : i32 to index
        %get3A_1030 = arith.index_cast %get3A_1028 : i32 to index
        %get3A_1031 = arith.index_cast %add3A_1026 : i32 to index
        %get3A_1032 = arith.constant 0 : index
        %get3A_1033 = tpu.vector_load %arg7[%get3A_1029, %get3A_1030, %get3A_1031, %get3A_1032] {strides = array<i32>} : memref<8x2x100x16xf32, #tpu.memory_space<vmem>>, vector<1x1x1x16xf32>,
        %get3A_1034 = vector.shape_cast %get3A_1033 : vector<1x1x1x16xf32> to vector<16xf32>
        %add3A_1035 = arith.addf %scan3A_923, %get3A_1034 : vector<16xf32>
        scf.yield %add3A_936, %add3A_947, %add3A_958, %add3A_969, %add3A_980, %add3A_991, %add3A_1002, %add3A_1013, %add3A_1024, %add3A_1035 : vector<16xf32>, vector<16xf32>, vector<16xf32>, vector<16xf32>, vector<16xf32>, vector<16xf32>, vector<16xf32>, vector<16xf32>, vector<16xf32>, vector<16xf32>
      }
      %scan3A_548 = arith.constant 10 : i32
      %add3A_549 = arith.constant 8 : i32
      %add3A_550 = arith.addi %add3A_490, %add3A_549 : i32
      %lt3A_551 = arith.constant 128 : i32
      %lt3A_552 = arith.cmpi slt, %add3A_550, %lt3A_551 : i32
      %convert_element_type3A_553 = arith.extui %lt3A_552 : i1 to i32
      %cond3A_554 = arith.constant 0 : i32
      %cond3A_555 = arith.cmpi ne, %convert_element_type3A_553, %cond3A_554 : i32
      scf.if %cond3A_555 {
        %add3A_913 = arith.constant 8 : i32
        %add3A_914 = arith.addi %add3A_490, %add3A_913 : i32
        %dma_start3A_915 = arith.constant 0 : i32
        %dma_start3A_916 = arith.constant 3 : i32
        %dma_start3A_917 = arith.constant 0 : i32
        %dma_start3A_918 = arith.constant 0 : i32
        %dma_start3A_919 = arith.constant 0 : i32
        %dma_start3A_920 = tpu.memref_slice %arg7[%dma_start3A_916, %dma_start3A_917, %dma_start3A_918, %dma_start3A_919] : memref<8x2x100x16xf32, #tpu.memory_space<vmem>> -> memref<1x1x100x16xf32, #tpu.memory_space<vmem>>
        %dma_start3A_921 = tpu.memref_squeeze %dma_start3A_920 : memref<1x1x100x16xf32, #tpu.memory_space<vmem>> -> memref<100x16xf32, #tpu.memory_space<vmem>>
        %dma_start3A_922 = arith.constant 0 : i32
        %dma_start3A_923 = tpu.memref_slice %arg6[%add3A_914, %dma_start3A_915, %dma_start3A_922] : memref<128x2x100xi32, #tpu.memory_space<vmem>> -> memref<1x1x100xi32, #tpu.memory_space<vmem>>
        %dma_start3A_924 = tpu.memref_squeeze %dma_start3A_923 : memref<1x1x100xi32, #tpu.memory_space<vmem>> -> memref<100xi32, #tpu.memory_space<vmem>>
        %dma_start3A_925 = arith.constant 0 : i32
        %dma_start3A_926 = arith.constant 0 : i32
        %dma_start3A_927 = tpu.memref_slice %arg3[%dma_start3A_925, %dma_start3A_926] : memref<1015808x16xf32, #tpu.memory_space<hbm>> -> memref<1015808x16xf32, #tpu.memory_space<hbm>>
        tpu.enqueue_indirect_dma source(%dma_start3A_927 : memref<1015808x16xf32, #tpu.memory_space<hbm>>) target(%dma_start3A_921 : memref<100x16xf32, #tpu.memory_space<vmem>>) offsets(%dma_start3A_924 : memref<100xi32, #tpu.memory_space<vmem>>) semaphore(%arg13 : memref<!tpu.dma_semaphore, #tpu.memory_space<semaphore_mem>>)
        %dma_start3A_928 = arith.constant 1 : i32
        %dma_start3A_929 = arith.constant 3 : i32
        %dma_start3A_930 = arith.constant 1 : i32
        %dma_start3A_931 = arith.constant 0 : i32
        %dma_start3A_932 = arith.constant 0 : i32
        %dma_start3A_933 = tpu.memref_slice %arg7[%dma_start3A_929, %dma_start3A_930, %dma_start3A_931, %dma_start3A_932] : memref<8x2x100x16xf32, #tpu.memory_space<vmem>> -> memref<1x1x100x16xf32, #tpu.memory_space<vmem>>
        %dma_start3A_934 = tpu.memref_squeeze %dma_start3A_933 : memref<1x1x100x16xf32, #tpu.memory_space<vmem>> -> memref<100x16xf32, #tpu.memory_space<vmem>>
        %dma_start3A_935 = arith.constant 0 : i32
        %dma_start3A_936 = tpu.memref_slice %arg6[%add3A_914, %dma_start3A_928, %dma_start3A_935] : memref<128x2x100xi32, #tpu.memory_space<vmem>> -> memref<1x1x100xi32, #tpu.memory_space<vmem>>
        %dma_start3A_937 = tpu.memref_squeeze %dma_start3A_936 : memref<1x1x100xi32, #tpu.memory_space<vmem>> -> memref<100xi32, #tpu.memory_space<vmem>>
        %dma_start3A_938 = arith.constant 0 : i32
        %dma_start3A_939 = arith.constant 0 : i32
        %dma_start3A_940 = tpu.memref_slice %arg3[%dma_start3A_938, %dma_start3A_939] : memref<1015808x16xf32, #tpu.memory_space<hbm>> -> memref<1015808x16xf32, #tpu.memory_space<hbm>>
        tpu.enqueue_indirect_dma source(%dma_start3A_940 : memref<1015808x16xf32, #tpu.memory_space<hbm>>) target(%dma_start3A_934 : memref<100x16xf32, #tpu.memory_space<vmem>>) offsets(%dma_start3A_937 : memref<100xi32, #tpu.memory_space<vmem>>) semaphore(%arg13 : memref<!tpu.dma_semaphore, #tpu.memory_space<semaphore_mem>>)
      } else {
      }
      %add3A_556 = arith.addf %scan3A_547#0, %scan3A_547#1 : vector<16xf32>
      %add3A_557 = arith.addf %scan3A_547#2, %scan3A_547#3 : vector<16xf32>
      %add3A_558 = arith.addf %scan3A_547#4, %scan3A_547#5 : vector<16xf32>
      %add3A_559 = arith.addf %scan3A_547#6, %scan3A_547#7 : vector<16xf32>
      %add3A_560 = arith.addf %scan3A_547#8, %scan3A_547#9 : vector<16xf32>
      %add3A_561 = arith.addf %add3A_556, %add3A_557 : vector<16xf32>
      %add3A_562 = arith.addf %add3A_558, %add3A_559 : vector<16xf32>
      %add3A_563 = arith.addf %add3A_561, %add3A_562 : vector<16xf32>
      %add3A_564 = arith.addf %add3A_563, %add3A_560 : vector<16xf32>
      %mul3A_565 = arith.mulf %add3A_564, %broadcast_in_dim3A_226 : vector<16xf32>
      %add3A_566 = arith.addf %mul3A_565, %get3A_228 : vector<16xf32>
      %swap3A_567 = arith.index_cast %add3A_490 : i32 to index
      %swap3A_568 = arith.constant 0 : index
      %swap3A_569 = tpu.vector_load %arg8[%swap3A_567, %swap3A_568] {strides = array<i32>} : memref<128x16xf32, #tpu.memory_space<vmem>>, vector<1x16xf32>,
      %swap3A_570 = vector.shape_cast %swap3A_569 : vector<1x16xf32> to vector<16xf32>
      %swap3A_571 = vector.shape_cast %add3A_566 : vector<16xf32> to vector<1x16xf32>
      tpu.vector_store %arg8[%swap3A_567, %swap3A_568], %swap3A_571 {strides = array<i32>} : memref<128x16xf32, #tpu.memory_space<vmem>>, vector<1x16xf32>,
      %mul3A_572 = arith.constant 8 : i32
      %mul3A_573 = arith.muli %scan3A_235, %mul3A_572 : i32
      %add3A_574 = arith.constant 4 : i32
      %add3A_575 = arith.addi %mul3A_573, %add3A_574 : i32
      %dma_wait3A_576 = arith.constant 0 : i32
      %dma_wait3A_577 = arith.constant 4 : i32
      %dma_wait3A_578 = arith.constant 0 : i32
      %dma_wait3A_579 = arith.constant 0 : i32
      %dma_wait3A_580 = arith.constant 0 : i32
      %dma_wait3A_581 = tpu.memref_slice %arg7[%dma_wait3A_577, %dma_wait3A_578, %dma_wait3A_579, %dma_wait3A_580] : memref<8x2x100x16xf32, #tpu.memory_space<vmem>> -> memref<1x1x100x16xf32, #tpu.memory_space<vmem>>
      %dma_wait3A_582 = tpu.memref_squeeze %dma_wait3A_581 : memref<1x1x100x16xf32, #tpu.memory_space<vmem>> -> memref<100x16xf32, #tpu.memory_space<vmem>>
      %dma_wait3A_583 = arith.constant 0 : i32
      %dma_wait3A_584 = tpu.memref_slice %arg6[%add3A_575, %dma_wait3A_576, %dma_wait3A_583] : memref<128x2x100xi32, #tpu.memory_space<vmem>> -> memref<1x1x100xi32, #tpu.memory_space<vmem>>
      %dma_wait3A_585 = tpu.memref_squeeze %dma_wait3A_584 : memref<1x1x100xi32, #tpu.memory_space<vmem>> -> memref<100xi32, #tpu.memory_space<vmem>>
      %dma_wait3A_586 = arith.constant 0 : i32
      %dma_wait3A_587 = arith.constant 0 : i32
      %dma_wait3A_588 = tpu.memref_slice %arg3[%dma_wait3A_586, %dma_wait3A_587] : memref<1015808x16xf32, #tpu.memory_space<hbm>> -> memref<1015808x16xf32, #tpu.memory_space<hbm>>
      tpu.wait_indirect_dma semaphore(%arg14 : memref<!tpu.dma_semaphore, #tpu.memory_space<semaphore_mem>>) src(%dma_wait3A_588 : memref<1015808x16xf32, #tpu.memory_space<hbm>>) dst(%dma_wait3A_582 : memref<100x16xf32, #tpu.memory_space<vmem>>)
      %dma_wait3A_589 = arith.constant 1 : i32
      %dma_wait3A_590 = arith.constant 4 : i32
      %dma_wait3A_591 = arith.constant 1 : i32
      %dma_wait3A_592 = arith.constant 0 : i32
      %dma_wait3A_593 = arith.constant 0 : i32
      %dma_wait3A_594 = tpu.memref_slice %arg7[%dma_wait3A_590, %dma_wait3A_591, %dma_wait3A_592, %dma_wait3A_593] : memref<8x2x100x16xf32, #tpu.memory_space<vmem>> -> memref<1x1x100x16xf32, #tpu.memory_space<vmem>>
      %dma_wait3A_595 = tpu.memref_squeeze %dma_wait3A_594 : memref<1x1x100x16xf32, #tpu.memory_space<vmem>> -> memref<100x16xf32, #tpu.memory_space<vmem>>
      %dma_wait3A_596 = arith.constant 0 : i32
      %dma_wait3A_597 = tpu.memref_slice %arg6[%add3A_575, %dma_wait3A_589, %dma_wait3A_596] : memref<128x2x100xi32, #tpu.memory_space<vmem>> -> memref<1x1x100xi32, #tpu.memory_space<vmem>>
      %dma_wait3A_598 = tpu.memref_squeeze %dma_wait3A_597 : memref<1x1x100xi32, #tpu.memory_space<vmem>> -> memref<100xi32, #tpu.memory_space<vmem>>
      %dma_wait3A_599 = arith.constant 0 : i32
      %dma_wait3A_600 = arith.constant 0 : i32
      %dma_wait3A_601 = tpu.memref_slice %arg3[%dma_wait3A_599, %dma_wait3A_600] : memref<1015808x16xf32, #tpu.memory_space<hbm>> -> memref<1015808x16xf32, #tpu.memory_space<hbm>>
      tpu.wait_indirect_dma semaphore(%arg14 : memref<!tpu.dma_semaphore, #tpu.memory_space<semaphore_mem>>) src(%dma_wait3A_601 : memref<1015808x16xf32, #tpu.memory_space<hbm>>) dst(%dma_wait3A_595 : memref<100x16xf32, #tpu.memory_space<vmem>>)
      %broadcast_in_dim3A_602 = arith.constant 0.000000e+00 : f32
      %broadcast_in_dim3A_603 = vector.broadcast %broadcast_in_dim3A_602 : f32 to vector<16xf32>
      %broadcast_in_dim3A_604 = arith.constant 0.000000e+00 : f32
      %broadcast_in_dim3A_605 = vector.broadcast %broadcast_in_dim3A_604 : f32 to vector<16xf32>
      %broadcast_in_dim3A_606 = arith.constant 0.000000e+00 : f32
      %broadcast_in_dim3A_607 = vector.broadcast %broadcast_in_dim3A_606 : f32 to vector<16xf32>
      %broadcast_in_dim3A_608 = arith.constant 0.000000e+00 : f32
      %broadcast_in_dim3A_609 = vector.broadcast %broadcast_in_dim3A_608 : f32 to vector<16xf32>
      %broadcast_in_dim3A_610 = arith.constant 0.000000e+00 : f32
      %broadcast_in_dim3A_611 = vector.broadcast %broadcast_in_dim3A_610 : f32 to vector<16xf32>
      %broadcast_in_dim3A_612 = arith.constant 0.000000e+00 : f32
      %broadcast_in_dim3A_613 = vector.broadcast %broadcast_in_dim3A_612 : f32 to vector<16xf32>
      %broadcast_in_dim3A_614 = arith.constant 0.000000e+00 : f32
      %broadcast_in_dim3A_615 = vector.broadcast %broadcast_in_dim3A_614 : f32 to vector<16xf32>
      %broadcast_in_dim3A_616 = arith.constant 0.000000e+00 : f32
      %broadcast_in_dim3A_617 = vector.broadcast %broadcast_in_dim3A_616 : f32 to vector<16xf32>
      %broadcast_in_dim3A_618 = arith.constant 0.000000e+00 : f32
      %broadcast_in_dim3A_619 = vector.broadcast %broadcast_in_dim3A_618 : f32 to vector<16xf32>
      %broadcast_in_dim3A_620 = arith.constant 0.000000e+00 : f32
      %broadcast_in_dim3A_621 = vector.broadcast %broadcast_in_dim3A_620 : f32 to vector<16xf32>
      %scan3A_622 = arith.constant 0 : i32
      %scan3A_623 = arith.constant 10 : i32
      %scan3A_624 = arith.addi %scan3A_622, %scan3A_623 : i32
      %scan3A_625 = arith.constant 1 : i32
      %scan3A_626:10 = scf.for %scan3A_913 = %scan3A_622 to %scan3A_624 step %scan3A_625 iter_args(%scan3A_914 = %broadcast_in_dim3A_603, %scan3A_915 = %broadcast_in_dim3A_605, %scan3A_916 = %broadcast_in_dim3A_607, %scan3A_917 = %broadcast_in_dim3A_609, %scan3A_918 = %broadcast_in_dim3A_611, %scan3A_919 = %broadcast_in_dim3A_613, %scan3A_920 = %broadcast_in_dim3A_615, %scan3A_921 = %broadcast_in_dim3A_617, %scan3A_922 = %broadcast_in_dim3A_619, %scan3A_923 = %broadcast_in_dim3A_621) -> (vector<16xf32>, vector<16xf32>, vector<16xf32>, vector<16xf32>, vector<16xf32>, vector<16xf32>, vector<16xf32>, vector<16xf32>, vector<16xf32>, vector<16xf32>)  : i32 {
        %mul3A_924 = arith.constant 10 : i32
        %mul3A_925 = arith.muli %scan3A_913, %mul3A_924 : i32
        %add3A_926 = arith.constant 0 : i32
        %add3A_927 = arith.addi %mul3A_925, %add3A_926 : i32
        %get3A_928 = arith.constant 4 : i32
        %get3A_929 = arith.constant 0 : i32
        %get3A_930 = arith.index_cast %get3A_928 : i32 to index
        %get3A_931 = arith.index_cast %get3A_929 : i32 to index
        %get3A_932 = arith.index_cast %add3A_927 : i32 to index
        %get3A_933 = arith.constant 0 : index
        %get3A_934 = tpu.vector_load %arg7[%get3A_930, %get3A_931, %get3A_932, %get3A_933] {strides = array<i32>} : memref<8x2x100x16xf32, #tpu.memory_space<vmem>>, vector<1x1x1x16xf32>,
        %get3A_935 = vector.shape_cast %get3A_934 : vector<1x1x1x16xf32> to vector<16xf32>
        %add3A_936 = arith.addf %scan3A_914, %get3A_935 : vector<16xf32>
        %add3A_937 = arith.constant 1 : i32
        %add3A_938 = arith.addi %mul3A_925, %add3A_937 : i32
        %get3A_939 = arith.constant 4 : i32
        %get3A_940 = arith.constant 0 : i32
        %get3A_941 = arith.index_cast %get3A_939 : i32 to index
        %get3A_942 = arith.index_cast %get3A_940 : i32 to index
        %get3A_943 = arith.index_cast %add3A_938 : i32 to index
        %get3A_944 = arith.constant 0 : index
        %get3A_945 = tpu.vector_load %arg7[%get3A_941, %get3A_942, %get3A_943, %get3A_944] {strides = array<i32>} : memref<8x2x100x16xf32, #tpu.memory_space<vmem>>, vector<1x1x1x16xf32>,
        %get3A_946 = vector.shape_cast %get3A_945 : vector<1x1x1x16xf32> to vector<16xf32>
        %add3A_947 = arith.addf %scan3A_915, %get3A_946 : vector<16xf32>
        %add3A_948 = arith.constant 2 : i32
        %add3A_949 = arith.addi %mul3A_925, %add3A_948 : i32
        %get3A_950 = arith.constant 4 : i32
        %get3A_951 = arith.constant 0 : i32
        %get3A_952 = arith.index_cast %get3A_950 : i32 to index
        %get3A_953 = arith.index_cast %get3A_951 : i32 to index
        %get3A_954 = arith.index_cast %add3A_949 : i32 to index
        %get3A_955 = arith.constant 0 : index
        %get3A_956 = tpu.vector_load %arg7[%get3A_952, %get3A_953, %get3A_954, %get3A_955] {strides = array<i32>} : memref<8x2x100x16xf32, #tpu.memory_space<vmem>>, vector<1x1x1x16xf32>,
        %get3A_957 = vector.shape_cast %get3A_956 : vector<1x1x1x16xf32> to vector<16xf32>
        %add3A_958 = arith.addf %scan3A_916, %get3A_957 : vector<16xf32>
        %add3A_959 = arith.constant 3 : i32
        %add3A_960 = arith.addi %mul3A_925, %add3A_959 : i32
        %get3A_961 = arith.constant 4 : i32
        %get3A_962 = arith.constant 0 : i32
        %get3A_963 = arith.index_cast %get3A_961 : i32 to index
        %get3A_964 = arith.index_cast %get3A_962 : i32 to index
        %get3A_965 = arith.index_cast %add3A_960 : i32 to index
        %get3A_966 = arith.constant 0 : index
        %get3A_967 = tpu.vector_load %arg7[%get3A_963, %get3A_964, %get3A_965, %get3A_966] {strides = array<i32>} : memref<8x2x100x16xf32, #tpu.memory_space<vmem>>, vector<1x1x1x16xf32>,
        %get3A_968 = vector.shape_cast %get3A_967 : vector<1x1x1x16xf32> to vector<16xf32>
        %add3A_969 = arith.addf %scan3A_917, %get3A_968 : vector<16xf32>
        %add3A_970 = arith.constant 4 : i32
        %add3A_971 = arith.addi %mul3A_925, %add3A_970 : i32
        %get3A_972 = arith.constant 4 : i32
        %get3A_973 = arith.constant 0 : i32
        %get3A_974 = arith.index_cast %get3A_972 : i32 to index
        %get3A_975 = arith.index_cast %get3A_973 : i32 to index
        %get3A_976 = arith.index_cast %add3A_971 : i32 to index
        %get3A_977 = arith.constant 0 : index
        %get3A_978 = tpu.vector_load %arg7[%get3A_974, %get3A_975, %get3A_976, %get3A_977] {strides = array<i32>} : memref<8x2x100x16xf32, #tpu.memory_space<vmem>>, vector<1x1x1x16xf32>,
        %get3A_979 = vector.shape_cast %get3A_978 : vector<1x1x1x16xf32> to vector<16xf32>
        %add3A_980 = arith.addf %scan3A_918, %get3A_979 : vector<16xf32>
        %add3A_981 = arith.constant 5 : i32
        %add3A_982 = arith.addi %mul3A_925, %add3A_981 : i32
        %get3A_983 = arith.constant 4 : i32
        %get3A_984 = arith.constant 0 : i32
        %get3A_985 = arith.index_cast %get3A_983 : i32 to index
        %get3A_986 = arith.index_cast %get3A_984 : i32 to index
        %get3A_987 = arith.index_cast %add3A_982 : i32 to index
        %get3A_988 = arith.constant 0 : index
        %get3A_989 = tpu.vector_load %arg7[%get3A_985, %get3A_986, %get3A_987, %get3A_988] {strides = array<i32>} : memref<8x2x100x16xf32, #tpu.memory_space<vmem>>, vector<1x1x1x16xf32>,
        %get3A_990 = vector.shape_cast %get3A_989 : vector<1x1x1x16xf32> to vector<16xf32>
        %add3A_991 = arith.addf %scan3A_919, %get3A_990 : vector<16xf32>
        %add3A_992 = arith.constant 6 : i32
        %add3A_993 = arith.addi %mul3A_925, %add3A_992 : i32
        %get3A_994 = arith.constant 4 : i32
        %get3A_995 = arith.constant 0 : i32
        %get3A_996 = arith.index_cast %get3A_994 : i32 to index
        %get3A_997 = arith.index_cast %get3A_995 : i32 to index
        %get3A_998 = arith.index_cast %add3A_993 : i32 to index
        %get3A_999 = arith.constant 0 : index
        %get3A_1000 = tpu.vector_load %arg7[%get3A_996, %get3A_997, %get3A_998, %get3A_999] {strides = array<i32>} : memref<8x2x100x16xf32, #tpu.memory_space<vmem>>, vector<1x1x1x16xf32>,
        %get3A_1001 = vector.shape_cast %get3A_1000 : vector<1x1x1x16xf32> to vector<16xf32>
        %add3A_1002 = arith.addf %scan3A_920, %get3A_1001 : vector<16xf32>
        %add3A_1003 = arith.constant 7 : i32
        %add3A_1004 = arith.addi %mul3A_925, %add3A_1003 : i32
        %get3A_1005 = arith.constant 4 : i32
        %get3A_1006 = arith.constant 0 : i32
        %get3A_1007 = arith.index_cast %get3A_1005 : i32 to index
        %get3A_1008 = arith.index_cast %get3A_1006 : i32 to index
        %get3A_1009 = arith.index_cast %add3A_1004 : i32 to index
        %get3A_1010 = arith.constant 0 : index
        %get3A_1011 = tpu.vector_load %arg7[%get3A_1007, %get3A_1008, %get3A_1009, %get3A_1010] {strides = array<i32>} : memref<8x2x100x16xf32, #tpu.memory_space<vmem>>, vector<1x1x1x16xf32>,
        %get3A_1012 = vector.shape_cast %get3A_1011 : vector<1x1x1x16xf32> to vector<16xf32>
        %add3A_1013 = arith.addf %scan3A_921, %get3A_1012 : vector<16xf32>
        %add3A_1014 = arith.constant 8 : i32
        %add3A_1015 = arith.addi %mul3A_925, %add3A_1014 : i32
        %get3A_1016 = arith.constant 4 : i32
        %get3A_1017 = arith.constant 0 : i32
        %get3A_1018 = arith.index_cast %get3A_1016 : i32 to index
        %get3A_1019 = arith.index_cast %get3A_1017 : i32 to index
        %get3A_1020 = arith.index_cast %add3A_1015 : i32 to index
        %get3A_1021 = arith.constant 0 : index
        %get3A_1022 = tpu.vector_load %arg7[%get3A_1018, %get3A_1019, %get3A_1020, %get3A_1021] {strides = array<i32>} : memref<8x2x100x16xf32, #tpu.memory_space<vmem>>, vector<1x1x1x16xf32>,
        %get3A_1023 = vector.shape_cast %get3A_1022 : vector<1x1x1x16xf32> to vector<16xf32>
        %add3A_1024 = arith.addf %scan3A_922, %get3A_1023 : vector<16xf32>
        %add3A_1025 = arith.constant 9 : i32
        %add3A_1026 = arith.addi %mul3A_925, %add3A_1025 : i32
        %get3A_1027 = arith.constant 4 : i32
        %get3A_1028 = arith.constant 0 : i32
        %get3A_1029 = arith.index_cast %get3A_1027 : i32 to index
        %get3A_1030 = arith.index_cast %get3A_1028 : i32 to index
        %get3A_1031 = arith.index_cast %add3A_1026 : i32 to index
        %get3A_1032 = arith.constant 0 : index
        %get3A_1033 = tpu.vector_load %arg7[%get3A_1029, %get3A_1030, %get3A_1031, %get3A_1032] {strides = array<i32>} : memref<8x2x100x16xf32, #tpu.memory_space<vmem>>, vector<1x1x1x16xf32>,
        %get3A_1034 = vector.shape_cast %get3A_1033 : vector<1x1x1x16xf32> to vector<16xf32>
        %add3A_1035 = arith.addf %scan3A_923, %get3A_1034 : vector<16xf32>
        scf.yield %add3A_936, %add3A_947, %add3A_958, %add3A_969, %add3A_980, %add3A_991, %add3A_1002, %add3A_1013, %add3A_1024, %add3A_1035 : vector<16xf32>, vector<16xf32>, vector<16xf32>, vector<16xf32>, vector<16xf32>, vector<16xf32>, vector<16xf32>, vector<16xf32>, vector<16xf32>, vector<16xf32>
      }
      %scan3A_627 = arith.constant 10 : i32
      %scan3A_628 = arith.constant 0 : i32
      %scan3A_629 = arith.constant 10 : i32
      %scan3A_630 = arith.addi %scan3A_628, %scan3A_629 : i32
      %scan3A_631 = arith.constant 1 : i32
      %scan3A_632:10 = scf.for %scan3A_913 = %scan3A_628 to %scan3A_630 step %scan3A_631 iter_args(%scan3A_914 = %scan3A_626#0, %scan3A_915 = %scan3A_626#1, %scan3A_916 = %scan3A_626#2, %scan3A_917 = %scan3A_626#3, %scan3A_918 = %scan3A_626#4, %scan3A_919 = %scan3A_626#5, %scan3A_920 = %scan3A_626#6, %scan3A_921 = %scan3A_626#7, %scan3A_922 = %scan3A_626#8, %scan3A_923 = %scan3A_626#9) -> (vector<16xf32>, vector<16xf32>, vector<16xf32>, vector<16xf32>, vector<16xf32>, vector<16xf32>, vector<16xf32>, vector<16xf32>, vector<16xf32>, vector<16xf32>)  : i32 {
        %mul3A_924 = arith.constant 10 : i32
        %mul3A_925 = arith.muli %scan3A_913, %mul3A_924 : i32
        %add3A_926 = arith.constant 0 : i32
        %add3A_927 = arith.addi %mul3A_925, %add3A_926 : i32
        %get3A_928 = arith.constant 4 : i32
        %get3A_929 = arith.constant 1 : i32
        %get3A_930 = arith.index_cast %get3A_928 : i32 to index
        %get3A_931 = arith.index_cast %get3A_929 : i32 to index
        %get3A_932 = arith.index_cast %add3A_927 : i32 to index
        %get3A_933 = arith.constant 0 : index
        %get3A_934 = tpu.vector_load %arg7[%get3A_930, %get3A_931, %get3A_932, %get3A_933] {strides = array<i32>} : memref<8x2x100x16xf32, #tpu.memory_space<vmem>>, vector<1x1x1x16xf32>,
        %get3A_935 = vector.shape_cast %get3A_934 : vector<1x1x1x16xf32> to vector<16xf32>
        %add3A_936 = arith.addf %scan3A_914, %get3A_935 : vector<16xf32>
        %add3A_937 = arith.constant 1 : i32
        %add3A_938 = arith.addi %mul3A_925, %add3A_937 : i32
        %get3A_939 = arith.constant 4 : i32
        %get3A_940 = arith.constant 1 : i32
        %get3A_941 = arith.index_cast %get3A_939 : i32 to index
        %get3A_942 = arith.index_cast %get3A_940 : i32 to index
        %get3A_943 = arith.index_cast %add3A_938 : i32 to index
        %get3A_944 = arith.constant 0 : index
        %get3A_945 = tpu.vector_load %arg7[%get3A_941, %get3A_942, %get3A_943, %get3A_944] {strides = array<i32>} : memref<8x2x100x16xf32, #tpu.memory_space<vmem>>, vector<1x1x1x16xf32>,
        %get3A_946 = vector.shape_cast %get3A_945 : vector<1x1x1x16xf32> to vector<16xf32>
        %add3A_947 = arith.addf %scan3A_915, %get3A_946 : vector<16xf32>
        %add3A_948 = arith.constant 2 : i32
        %add3A_949 = arith.addi %mul3A_925, %add3A_948 : i32
        %get3A_950 = arith.constant 4 : i32
        %get3A_951 = arith.constant 1 : i32
        %get3A_952 = arith.index_cast %get3A_950 : i32 to index
        %get3A_953 = arith.index_cast %get3A_951 : i32 to index
        %get3A_954 = arith.index_cast %add3A_949 : i32 to index
        %get3A_955 = arith.constant 0 : index
        %get3A_956 = tpu.vector_load %arg7[%get3A_952, %get3A_953, %get3A_954, %get3A_955] {strides = array<i32>} : memref<8x2x100x16xf32, #tpu.memory_space<vmem>>, vector<1x1x1x16xf32>,
        %get3A_957 = vector.shape_cast %get3A_956 : vector<1x1x1x16xf32> to vector<16xf32>
        %add3A_958 = arith.addf %scan3A_916, %get3A_957 : vector<16xf32>
        %add3A_959 = arith.constant 3 : i32
        %add3A_960 = arith.addi %mul3A_925, %add3A_959 : i32
        %get3A_961 = arith.constant 4 : i32
        %get3A_962 = arith.constant 1 : i32
        %get3A_963 = arith.index_cast %get3A_961 : i32 to index
        %get3A_964 = arith.index_cast %get3A_962 : i32 to index
        %get3A_965 = arith.index_cast %add3A_960 : i32 to index
        %get3A_966 = arith.constant 0 : index
        %get3A_967 = tpu.vector_load %arg7[%get3A_963, %get3A_964, %get3A_965, %get3A_966] {strides = array<i32>} : memref<8x2x100x16xf32, #tpu.memory_space<vmem>>, vector<1x1x1x16xf32>,
        %get3A_968 = vector.shape_cast %get3A_967 : vector<1x1x1x16xf32> to vector<16xf32>
        %add3A_969 = arith.addf %scan3A_917, %get3A_968 : vector<16xf32>
        %add3A_970 = arith.constant 4 : i32
        %add3A_971 = arith.addi %mul3A_925, %add3A_970 : i32
        %get3A_972 = arith.constant 4 : i32
        %get3A_973 = arith.constant 1 : i32
        %get3A_974 = arith.index_cast %get3A_972 : i32 to index
        %get3A_975 = arith.index_cast %get3A_973 : i32 to index
        %get3A_976 = arith.index_cast %add3A_971 : i32 to index
        %get3A_977 = arith.constant 0 : index
        %get3A_978 = tpu.vector_load %arg7[%get3A_974, %get3A_975, %get3A_976, %get3A_977] {strides = array<i32>} : memref<8x2x100x16xf32, #tpu.memory_space<vmem>>, vector<1x1x1x16xf32>,
        %get3A_979 = vector.shape_cast %get3A_978 : vector<1x1x1x16xf32> to vector<16xf32>
        %add3A_980 = arith.addf %scan3A_918, %get3A_979 : vector<16xf32>
        %add3A_981 = arith.constant 5 : i32
        %add3A_982 = arith.addi %mul3A_925, %add3A_981 : i32
        %get3A_983 = arith.constant 4 : i32
        %get3A_984 = arith.constant 1 : i32
        %get3A_985 = arith.index_cast %get3A_983 : i32 to index
        %get3A_986 = arith.index_cast %get3A_984 : i32 to index
        %get3A_987 = arith.index_cast %add3A_982 : i32 to index
        %get3A_988 = arith.constant 0 : index
        %get3A_989 = tpu.vector_load %arg7[%get3A_985, %get3A_986, %get3A_987, %get3A_988] {strides = array<i32>} : memref<8x2x100x16xf32, #tpu.memory_space<vmem>>, vector<1x1x1x16xf32>,
        %get3A_990 = vector.shape_cast %get3A_989 : vector<1x1x1x16xf32> to vector<16xf32>
        %add3A_991 = arith.addf %scan3A_919, %get3A_990 : vector<16xf32>
        %add3A_992 = arith.constant 6 : i32
        %add3A_993 = arith.addi %mul3A_925, %add3A_992 : i32
        %get3A_994 = arith.constant 4 : i32
        %get3A_995 = arith.constant 1 : i32
        %get3A_996 = arith.index_cast %get3A_994 : i32 to index
        %get3A_997 = arith.index_cast %get3A_995 : i32 to index
        %get3A_998 = arith.index_cast %add3A_993 : i32 to index
        %get3A_999 = arith.constant 0 : index
        %get3A_1000 = tpu.vector_load %arg7[%get3A_996, %get3A_997, %get3A_998, %get3A_999] {strides = array<i32>} : memref<8x2x100x16xf32, #tpu.memory_space<vmem>>, vector<1x1x1x16xf32>,
        %get3A_1001 = vector.shape_cast %get3A_1000 : vector<1x1x1x16xf32> to vector<16xf32>
        %add3A_1002 = arith.addf %scan3A_920, %get3A_1001 : vector<16xf32>
        %add3A_1003 = arith.constant 7 : i32
        %add3A_1004 = arith.addi %mul3A_925, %add3A_1003 : i32
        %get3A_1005 = arith.constant 4 : i32
        %get3A_1006 = arith.constant 1 : i32
        %get3A_1007 = arith.index_cast %get3A_1005 : i32 to index
        %get3A_1008 = arith.index_cast %get3A_1006 : i32 to index
        %get3A_1009 = arith.index_cast %add3A_1004 : i32 to index
        %get3A_1010 = arith.constant 0 : index
        %get3A_1011 = tpu.vector_load %arg7[%get3A_1007, %get3A_1008, %get3A_1009, %get3A_1010] {strides = array<i32>} : memref<8x2x100x16xf32, #tpu.memory_space<vmem>>, vector<1x1x1x16xf32>,
        %get3A_1012 = vector.shape_cast %get3A_1011 : vector<1x1x1x16xf32> to vector<16xf32>
        %add3A_1013 = arith.addf %scan3A_921, %get3A_1012 : vector<16xf32>
        %add3A_1014 = arith.constant 8 : i32
        %add3A_1015 = arith.addi %mul3A_925, %add3A_1014 : i32
        %get3A_1016 = arith.constant 4 : i32
        %get3A_1017 = arith.constant 1 : i32
        %get3A_1018 = arith.index_cast %get3A_1016 : i32 to index
        %get3A_1019 = arith.index_cast %get3A_1017 : i32 to index
        %get3A_1020 = arith.index_cast %add3A_1015 : i32 to index
        %get3A_1021 = arith.constant 0 : index
        %get3A_1022 = tpu.vector_load %arg7[%get3A_1018, %get3A_1019, %get3A_1020, %get3A_1021] {strides = array<i32>} : memref<8x2x100x16xf32, #tpu.memory_space<vmem>>, vector<1x1x1x16xf32>,
        %get3A_1023 = vector.shape_cast %get3A_1022 : vector<1x1x1x16xf32> to vector<16xf32>
        %add3A_1024 = arith.addf %scan3A_922, %get3A_1023 : vector<16xf32>
        %add3A_1025 = arith.constant 9 : i32
        %add3A_1026 = arith.addi %mul3A_925, %add3A_1025 : i32
        %get3A_1027 = arith.constant 4 : i32
        %get3A_1028 = arith.constant 1 : i32
        %get3A_1029 = arith.index_cast %get3A_1027 : i32 to index
        %get3A_1030 = arith.index_cast %get3A_1028 : i32 to index
        %get3A_1031 = arith.index_cast %add3A_1026 : i32 to index
        %get3A_1032 = arith.constant 0 : index
        %get3A_1033 = tpu.vector_load %arg7[%get3A_1029, %get3A_1030, %get3A_1031, %get3A_1032] {strides = array<i32>} : memref<8x2x100x16xf32, #tpu.memory_space<vmem>>, vector<1x1x1x16xf32>,
        %get3A_1034 = vector.shape_cast %get3A_1033 : vector<1x1x1x16xf32> to vector<16xf32>
        %add3A_1035 = arith.addf %scan3A_923, %get3A_1034 : vector<16xf32>
        scf.yield %add3A_936, %add3A_947, %add3A_958, %add3A_969, %add3A_980, %add3A_991, %add3A_1002, %add3A_1013, %add3A_1024, %add3A_1035 : vector<16xf32>, vector<16xf32>, vector<16xf32>, vector<16xf32>, vector<16xf32>, vector<16xf32>, vector<16xf32>, vector<16xf32>, vector<16xf32>, vector<16xf32>
      }
      %scan3A_633 = arith.constant 10 : i32
      %add3A_634 = arith.constant 8 : i32
      %add3A_635 = arith.addi %add3A_575, %add3A_634 : i32
      %lt3A_636 = arith.constant 128 : i32
      %lt3A_637 = arith.cmpi slt, %add3A_635, %lt3A_636 : i32
      %convert_element_type3A_638 = arith.extui %lt3A_637 : i1 to i32
      %cond3A_639 = arith.constant 0 : i32
      %cond3A_640 = arith.cmpi ne, %convert_element_type3A_638, %cond3A_639 : i32
      scf.if %cond3A_640 {
        %add3A_913 = arith.constant 8 : i32
        %add3A_914 = arith.addi %add3A_575, %add3A_913 : i32
        %dma_start3A_915 = arith.constant 0 : i32
        %dma_start3A_916 = arith.constant 4 : i32
        %dma_start3A_917 = arith.constant 0 : i32
        %dma_start3A_918 = arith.constant 0 : i32
        %dma_start3A_919 = arith.constant 0 : i32
        %dma_start3A_920 = tpu.memref_slice %arg7[%dma_start3A_916, %dma_start3A_917, %dma_start3A_918, %dma_start3A_919] : memref<8x2x100x16xf32, #tpu.memory_space<vmem>> -> memref<1x1x100x16xf32, #tpu.memory_space<vmem>>
        %dma_start3A_921 = tpu.memref_squeeze %dma_start3A_920 : memref<1x1x100x16xf32, #tpu.memory_space<vmem>> -> memref<100x16xf32, #tpu.memory_space<vmem>>
        %dma_start3A_922 = arith.constant 0 : i32
        %dma_start3A_923 = tpu.memref_slice %arg6[%add3A_914, %dma_start3A_915, %dma_start3A_922] : memref<128x2x100xi32, #tpu.memory_space<vmem>> -> memref<1x1x100xi32, #tpu.memory_space<vmem>>
        %dma_start3A_924 = tpu.memref_squeeze %dma_start3A_923 : memref<1x1x100xi32, #tpu.memory_space<vmem>> -> memref<100xi32, #tpu.memory_space<vmem>>
        %dma_start3A_925 = arith.constant 0 : i32
        %dma_start3A_926 = arith.constant 0 : i32
        %dma_start3A_927 = tpu.memref_slice %arg3[%dma_start3A_925, %dma_start3A_926] : memref<1015808x16xf32, #tpu.memory_space<hbm>> -> memref<1015808x16xf32, #tpu.memory_space<hbm>>
        tpu.enqueue_indirect_dma source(%dma_start3A_927 : memref<1015808x16xf32, #tpu.memory_space<hbm>>) target(%dma_start3A_921 : memref<100x16xf32, #tpu.memory_space<vmem>>) offsets(%dma_start3A_924 : memref<100xi32, #tpu.memory_space<vmem>>) semaphore(%arg14 : memref<!tpu.dma_semaphore, #tpu.memory_space<semaphore_mem>>)
        %dma_start3A_928 = arith.constant 1 : i32
        %dma_start3A_929 = arith.constant 4 : i32
        %dma_start3A_930 = arith.constant 1 : i32
        %dma_start3A_931 = arith.constant 0 : i32
        %dma_start3A_932 = arith.constant 0 : i32
        %dma_start3A_933 = tpu.memref_slice %arg7[%dma_start3A_929, %dma_start3A_930, %dma_start3A_931, %dma_start3A_932] : memref<8x2x100x16xf32, #tpu.memory_space<vmem>> -> memref<1x1x100x16xf32, #tpu.memory_space<vmem>>
        %dma_start3A_934 = tpu.memref_squeeze %dma_start3A_933 : memref<1x1x100x16xf32, #tpu.memory_space<vmem>> -> memref<100x16xf32, #tpu.memory_space<vmem>>
        %dma_start3A_935 = arith.constant 0 : i32
        %dma_start3A_936 = tpu.memref_slice %arg6[%add3A_914, %dma_start3A_928, %dma_start3A_935] : memref<128x2x100xi32, #tpu.memory_space<vmem>> -> memref<1x1x100xi32, #tpu.memory_space<vmem>>
        %dma_start3A_937 = tpu.memref_squeeze %dma_start3A_936 : memref<1x1x100xi32, #tpu.memory_space<vmem>> -> memref<100xi32, #tpu.memory_space<vmem>>
        %dma_start3A_938 = arith.constant 0 : i32
        %dma_start3A_939 = arith.constant 0 : i32
        %dma_start3A_940 = tpu.memref_slice %arg3[%dma_start3A_938, %dma_start3A_939] : memref<1015808x16xf32, #tpu.memory_space<hbm>> -> memref<1015808x16xf32, #tpu.memory_space<hbm>>
        tpu.enqueue_indirect_dma source(%dma_start3A_940 : memref<1015808x16xf32, #tpu.memory_space<hbm>>) target(%dma_start3A_934 : memref<100x16xf32, #tpu.memory_space<vmem>>) offsets(%dma_start3A_937 : memref<100xi32, #tpu.memory_space<vmem>>) semaphore(%arg14 : memref<!tpu.dma_semaphore, #tpu.memory_space<semaphore_mem>>)
      } else {
      }
      %add3A_641 = arith.addf %scan3A_632#0, %scan3A_632#1 : vector<16xf32>
      %add3A_642 = arith.addf %scan3A_632#2, %scan3A_632#3 : vector<16xf32>
      %add3A_643 = arith.addf %scan3A_632#4, %scan3A_632#5 : vector<16xf32>
      %add3A_644 = arith.addf %scan3A_632#6, %scan3A_632#7 : vector<16xf32>
      %add3A_645 = arith.addf %scan3A_632#8, %scan3A_632#9 : vector<16xf32>
      %add3A_646 = arith.addf %add3A_641, %add3A_642 : vector<16xf32>
      %add3A_647 = arith.addf %add3A_643, %add3A_644 : vector<16xf32>
      %add3A_648 = arith.addf %add3A_646, %add3A_647 : vector<16xf32>
      %add3A_649 = arith.addf %add3A_648, %add3A_645 : vector<16xf32>
      %mul3A_650 = arith.mulf %add3A_649, %broadcast_in_dim3A_226 : vector<16xf32>
      %add3A_651 = arith.addf %mul3A_650, %get3A_228 : vector<16xf32>
      %swap3A_652 = arith.index_cast %add3A_575 : i32 to index
      %swap3A_653 = arith.constant 0 : index
      %swap3A_654 = tpu.vector_load %arg8[%swap3A_652, %swap3A_653] {strides = array<i32>} : memref<128x16xf32, #tpu.memory_space<vmem>>, vector<1x16xf32>,
      %swap3A_655 = vector.shape_cast %swap3A_654 : vector<1x16xf32> to vector<16xf32>
      %swap3A_656 = vector.shape_cast %add3A_651 : vector<16xf32> to vector<1x16xf32>
      tpu.vector_store %arg8[%swap3A_652, %swap3A_653], %swap3A_656 {strides = array<i32>} : memref<128x16xf32, #tpu.memory_space<vmem>>, vector<1x16xf32>,
      %mul3A_657 = arith.constant 8 : i32
      %mul3A_658 = arith.muli %scan3A_235, %mul3A_657 : i32
      %add3A_659 = arith.constant 5 : i32
      %add3A_660 = arith.addi %mul3A_658, %add3A_659 : i32
      %dma_wait3A_661 = arith.constant 0 : i32
      %dma_wait3A_662 = arith.constant 5 : i32
      %dma_wait3A_663 = arith.constant 0 : i32
      %dma_wait3A_664 = arith.constant 0 : i32
      %dma_wait3A_665 = arith.constant 0 : i32
      %dma_wait3A_666 = tpu.memref_slice %arg7[%dma_wait3A_662, %dma_wait3A_663, %dma_wait3A_664, %dma_wait3A_665] : memref<8x2x100x16xf32, #tpu.memory_space<vmem>> -> memref<1x1x100x16xf32, #tpu.memory_space<vmem>>
      %dma_wait3A_667 = tpu.memref_squeeze %dma_wait3A_666 : memref<1x1x100x16xf32, #tpu.memory_space<vmem>> -> memref<100x16xf32, #tpu.memory_space<vmem>>
      %dma_wait3A_668 = arith.constant 0 : i32
      %dma_wait3A_669 = tpu.memref_slice %arg6[%add3A_660, %dma_wait3A_661, %dma_wait3A_668] : memref<128x2x100xi32, #tpu.memory_space<vmem>> -> memref<1x1x100xi32, #tpu.memory_space<vmem>>
      %dma_wait3A_670 = tpu.memref_squeeze %dma_wait3A_669 : memref<1x1x100xi32, #tpu.memory_space<vmem>> -> memref<100xi32, #tpu.memory_space<vmem>>
      %dma_wait3A_671 = arith.constant 0 : i32
      %dma_wait3A_672 = arith.constant 0 : i32
      %dma_wait3A_673 = tpu.memref_slice %arg3[%dma_wait3A_671, %dma_wait3A_672] : memref<1015808x16xf32, #tpu.memory_space<hbm>> -> memref<1015808x16xf32, #tpu.memory_space<hbm>>
      tpu.wait_indirect_dma semaphore(%arg15 : memref<!tpu.dma_semaphore, #tpu.memory_space<semaphore_mem>>) src(%dma_wait3A_673 : memref<1015808x16xf32, #tpu.memory_space<hbm>>) dst(%dma_wait3A_667 : memref<100x16xf32, #tpu.memory_space<vmem>>)
      %dma_wait3A_674 = arith.constant 1 : i32
      %dma_wait3A_675 = arith.constant 5 : i32
      %dma_wait3A_676 = arith.constant 1 : i32
      %dma_wait3A_677 = arith.constant 0 : i32
      %dma_wait3A_678 = arith.constant 0 : i32
      %dma_wait3A_679 = tpu.memref_slice %arg7[%dma_wait3A_675, %dma_wait3A_676, %dma_wait3A_677, %dma_wait3A_678] : memref<8x2x100x16xf32, #tpu.memory_space<vmem>> -> memref<1x1x100x16xf32, #tpu.memory_space<vmem>>
      %dma_wait3A_680 = tpu.memref_squeeze %dma_wait3A_679 : memref<1x1x100x16xf32, #tpu.memory_space<vmem>> -> memref<100x16xf32, #tpu.memory_space<vmem>>
      %dma_wait3A_681 = arith.constant 0 : i32
      %dma_wait3A_682 = tpu.memref_slice %arg6[%add3A_660, %dma_wait3A_674, %dma_wait3A_681] : memref<128x2x100xi32, #tpu.memory_space<vmem>> -> memref<1x1x100xi32, #tpu.memory_space<vmem>>
      %dma_wait3A_683 = tpu.memref_squeeze %dma_wait3A_682 : memref<1x1x100xi32, #tpu.memory_space<vmem>> -> memref<100xi32, #tpu.memory_space<vmem>>
      %dma_wait3A_684 = arith.constant 0 : i32
      %dma_wait3A_685 = arith.constant 0 : i32
      %dma_wait3A_686 = tpu.memref_slice %arg3[%dma_wait3A_684, %dma_wait3A_685] : memref<1015808x16xf32, #tpu.memory_space<hbm>> -> memref<1015808x16xf32, #tpu.memory_space<hbm>>
      tpu.wait_indirect_dma semaphore(%arg15 : memref<!tpu.dma_semaphore, #tpu.memory_space<semaphore_mem>>) src(%dma_wait3A_686 : memref<1015808x16xf32, #tpu.memory_space<hbm>>) dst(%dma_wait3A_680 : memref<100x16xf32, #tpu.memory_space<vmem>>)
      %broadcast_in_dim3A_687 = arith.constant 0.000000e+00 : f32
      %broadcast_in_dim3A_688 = vector.broadcast %broadcast_in_dim3A_687 : f32 to vector<16xf32>
      %broadcast_in_dim3A_689 = arith.constant 0.000000e+00 : f32
      %broadcast_in_dim3A_690 = vector.broadcast %broadcast_in_dim3A_689 : f32 to vector<16xf32>
      %broadcast_in_dim3A_691 = arith.constant 0.000000e+00 : f32
      %broadcast_in_dim3A_692 = vector.broadcast %broadcast_in_dim3A_691 : f32 to vector<16xf32>
      %broadcast_in_dim3A_693 = arith.constant 0.000000e+00 : f32
      %broadcast_in_dim3A_694 = vector.broadcast %broadcast_in_dim3A_693 : f32 to vector<16xf32>
      %broadcast_in_dim3A_695 = arith.constant 0.000000e+00 : f32
      %broadcast_in_dim3A_696 = vector.broadcast %broadcast_in_dim3A_695 : f32 to vector<16xf32>
      %broadcast_in_dim3A_697 = arith.constant 0.000000e+00 : f32
      %broadcast_in_dim3A_698 = vector.broadcast %broadcast_in_dim3A_697 : f32 to vector<16xf32>
      %broadcast_in_dim3A_699 = arith.constant 0.000000e+00 : f32
      %broadcast_in_dim3A_700 = vector.broadcast %broadcast_in_dim3A_699 : f32 to vector<16xf32>
      %broadcast_in_dim3A_701 = arith.constant 0.000000e+00 : f32
      %broadcast_in_dim3A_702 = vector.broadcast %broadcast_in_dim3A_701 : f32 to vector<16xf32>
      %broadcast_in_dim3A_703 = arith.constant 0.000000e+00 : f32
      %broadcast_in_dim3A_704 = vector.broadcast %broadcast_in_dim3A_703 : f32 to vector<16xf32>
      %broadcast_in_dim3A_705 = arith.constant 0.000000e+00 : f32
      %broadcast_in_dim3A_706 = vector.broadcast %broadcast_in_dim3A_705 : f32 to vector<16xf32>
      %scan3A_707 = arith.constant 0 : i32
      %scan3A_708 = arith.constant 10 : i32
      %scan3A_709 = arith.addi %scan3A_707, %scan3A_708 : i32
      %scan3A_710 = arith.constant 1 : i32
      %scan3A_711:10 = scf.for %scan3A_913 = %scan3A_707 to %scan3A_709 step %scan3A_710 iter_args(%scan3A_914 = %broadcast_in_dim3A_688, %scan3A_915 = %broadcast_in_dim3A_690, %scan3A_916 = %broadcast_in_dim3A_692, %scan3A_917 = %broadcast_in_dim3A_694, %scan3A_918 = %broadcast_in_dim3A_696, %scan3A_919 = %broadcast_in_dim3A_698, %scan3A_920 = %broadcast_in_dim3A_700, %scan3A_921 = %broadcast_in_dim3A_702, %scan3A_922 = %broadcast_in_dim3A_704, %scan3A_923 = %broadcast_in_dim3A_706) -> (vector<16xf32>, vector<16xf32>, vector<16xf32>, vector<16xf32>, vector<16xf32>, vector<16xf32>, vector<16xf32>, vector<16xf32>, vector<16xf32>, vector<16xf32>)  : i32 {
        %mul3A_924 = arith.constant 10 : i32
        %mul3A_925 = arith.muli %scan3A_913, %mul3A_924 : i32
        %add3A_926 = arith.constant 0 : i32
        %add3A_927 = arith.addi %mul3A_925, %add3A_926 : i32
        %get3A_928 = arith.constant 5 : i32
        %get3A_929 = arith.constant 0 : i32
        %get3A_930 = arith.index_cast %get3A_928 : i32 to index
        %get3A_931 = arith.index_cast %get3A_929 : i32 to index
        %get3A_932 = arith.index_cast %add3A_927 : i32 to index
        %get3A_933 = arith.constant 0 : index
        %get3A_934 = tpu.vector_load %arg7[%get3A_930, %get3A_931, %get3A_932, %get3A_933] {strides = array<i32>} : memref<8x2x100x16xf32, #tpu.memory_space<vmem>>, vector<1x1x1x16xf32>,
        %get3A_935 = vector.shape_cast %get3A_934 : vector<1x1x1x16xf32> to vector<16xf32>
        %add3A_936 = arith.addf %scan3A_914, %get3A_935 : vector<16xf32>
        %add3A_937 = arith.constant 1 : i32
        %add3A_938 = arith.addi %mul3A_925, %add3A_937 : i32
        %get3A_939 = arith.constant 5 : i32
        %get3A_940 = arith.constant 0 : i32
        %get3A_941 = arith.index_cast %get3A_939 : i32 to index
        %get3A_942 = arith.index_cast %get3A_940 : i32 to index
        %get3A_943 = arith.index_cast %add3A_938 : i32 to index
        %get3A_944 = arith.constant 0 : index
        %get3A_945 = tpu.vector_load %arg7[%get3A_941, %get3A_942, %get3A_943, %get3A_944] {strides = array<i32>} : memref<8x2x100x16xf32, #tpu.memory_space<vmem>>, vector<1x1x1x16xf32>,
        %get3A_946 = vector.shape_cast %get3A_945 : vector<1x1x1x16xf32> to vector<16xf32>
        %add3A_947 = arith.addf %scan3A_915, %get3A_946 : vector<16xf32>
        %add3A_948 = arith.constant 2 : i32
        %add3A_949 = arith.addi %mul3A_925, %add3A_948 : i32
        %get3A_950 = arith.constant 5 : i32
        %get3A_951 = arith.constant 0 : i32
        %get3A_952 = arith.index_cast %get3A_950 : i32 to index
        %get3A_953 = arith.index_cast %get3A_951 : i32 to index
        %get3A_954 = arith.index_cast %add3A_949 : i32 to index
        %get3A_955 = arith.constant 0 : index
        %get3A_956 = tpu.vector_load %arg7[%get3A_952, %get3A_953, %get3A_954, %get3A_955] {strides = array<i32>} : memref<8x2x100x16xf32, #tpu.memory_space<vmem>>, vector<1x1x1x16xf32>,
        %get3A_957 = vector.shape_cast %get3A_956 : vector<1x1x1x16xf32> to vector<16xf32>
        %add3A_958 = arith.addf %scan3A_916, %get3A_957 : vector<16xf32>
        %add3A_959 = arith.constant 3 : i32
        %add3A_960 = arith.addi %mul3A_925, %add3A_959 : i32
        %get3A_961 = arith.constant 5 : i32
        %get3A_962 = arith.constant 0 : i32
        %get3A_963 = arith.index_cast %get3A_961 : i32 to index
        %get3A_964 = arith.index_cast %get3A_962 : i32 to index
        %get3A_965 = arith.index_cast %add3A_960 : i32 to index
        %get3A_966 = arith.constant 0 : index
        %get3A_967 = tpu.vector_load %arg7[%get3A_963, %get3A_964, %get3A_965, %get3A_966] {strides = array<i32>} : memref<8x2x100x16xf32, #tpu.memory_space<vmem>>, vector<1x1x1x16xf32>,
        %get3A_968 = vector.shape_cast %get3A_967 : vector<1x1x1x16xf32> to vector<16xf32>
        %add3A_969 = arith.addf %scan3A_917, %get3A_968 : vector<16xf32>
        %add3A_970 = arith.constant 4 : i32
        %add3A_971 = arith.addi %mul3A_925, %add3A_970 : i32
        %get3A_972 = arith.constant 5 : i32
        %get3A_973 = arith.constant 0 : i32
        %get3A_974 = arith.index_cast %get3A_972 : i32 to index
        %get3A_975 = arith.index_cast %get3A_973 : i32 to index
        %get3A_976 = arith.index_cast %add3A_971 : i32 to index
        %get3A_977 = arith.constant 0 : index
        %get3A_978 = tpu.vector_load %arg7[%get3A_974, %get3A_975, %get3A_976, %get3A_977] {strides = array<i32>} : memref<8x2x100x16xf32, #tpu.memory_space<vmem>>, vector<1x1x1x16xf32>,
        %get3A_979 = vector.shape_cast %get3A_978 : vector<1x1x1x16xf32> to vector<16xf32>
        %add3A_980 = arith.addf %scan3A_918, %get3A_979 : vector<16xf32>
        %add3A_981 = arith.constant 5 : i32
        %add3A_982 = arith.addi %mul3A_925, %add3A_981 : i32
        %get3A_983 = arith.constant 5 : i32
        %get3A_984 = arith.constant 0 : i32
        %get3A_985 = arith.index_cast %get3A_983 : i32 to index
        %get3A_986 = arith.index_cast %get3A_984 : i32 to index
        %get3A_987 = arith.index_cast %add3A_982 : i32 to index
        %get3A_988 = arith.constant 0 : index
        %get3A_989 = tpu.vector_load %arg7[%get3A_985, %get3A_986, %get3A_987, %get3A_988] {strides = array<i32>} : memref<8x2x100x16xf32, #tpu.memory_space<vmem>>, vector<1x1x1x16xf32>,
        %get3A_990 = vector.shape_cast %get3A_989 : vector<1x1x1x16xf32> to vector<16xf32>
        %add3A_991 = arith.addf %scan3A_919, %get3A_990 : vector<16xf32>
        %add3A_992 = arith.constant 6 : i32
        %add3A_993 = arith.addi %mul3A_925, %add3A_992 : i32
        %get3A_994 = arith.constant 5 : i32
        %get3A_995 = arith.constant 0 : i32
        %get3A_996 = arith.index_cast %get3A_994 : i32 to index
        %get3A_997 = arith.index_cast %get3A_995 : i32 to index
        %get3A_998 = arith.index_cast %add3A_993 : i32 to index
        %get3A_999 = arith.constant 0 : index
        %get3A_1000 = tpu.vector_load %arg7[%get3A_996, %get3A_997, %get3A_998, %get3A_999] {strides = array<i32>} : memref<8x2x100x16xf32, #tpu.memory_space<vmem>>, vector<1x1x1x16xf32>,
        %get3A_1001 = vector.shape_cast %get3A_1000 : vector<1x1x1x16xf32> to vector<16xf32>
        %add3A_1002 = arith.addf %scan3A_920, %get3A_1001 : vector<16xf32>
        %add3A_1003 = arith.constant 7 : i32
        %add3A_1004 = arith.addi %mul3A_925, %add3A_1003 : i32
        %get3A_1005 = arith.constant 5 : i32
        %get3A_1006 = arith.constant 0 : i32
        %get3A_1007 = arith.index_cast %get3A_1005 : i32 to index
        %get3A_1008 = arith.index_cast %get3A_1006 : i32 to index
        %get3A_1009 = arith.index_cast %add3A_1004 : i32 to index
        %get3A_1010 = arith.constant 0 : index
        %get3A_1011 = tpu.vector_load %arg7[%get3A_1007, %get3A_1008, %get3A_1009, %get3A_1010] {strides = array<i32>} : memref<8x2x100x16xf32, #tpu.memory_space<vmem>>, vector<1x1x1x16xf32>,
        %get3A_1012 = vector.shape_cast %get3A_1011 : vector<1x1x1x16xf32> to vector<16xf32>
        %add3A_1013 = arith.addf %scan3A_921, %get3A_1012 : vector<16xf32>
        %add3A_1014 = arith.constant 8 : i32
        %add3A_1015 = arith.addi %mul3A_925, %add3A_1014 : i32
        %get3A_1016 = arith.constant 5 : i32
        %get3A_1017 = arith.constant 0 : i32
        %get3A_1018 = arith.index_cast %get3A_1016 : i32 to index
        %get3A_1019 = arith.index_cast %get3A_1017 : i32 to index
        %get3A_1020 = arith.index_cast %add3A_1015 : i32 to index
        %get3A_1021 = arith.constant 0 : index
        %get3A_1022 = tpu.vector_load %arg7[%get3A_1018, %get3A_1019, %get3A_1020, %get3A_1021] {strides = array<i32>} : memref<8x2x100x16xf32, #tpu.memory_space<vmem>>, vector<1x1x1x16xf32>,
        %get3A_1023 = vector.shape_cast %get3A_1022 : vector<1x1x1x16xf32> to vector<16xf32>
        %add3A_1024 = arith.addf %scan3A_922, %get3A_1023 : vector<16xf32>
        %add3A_1025 = arith.constant 9 : i32
        %add3A_1026 = arith.addi %mul3A_925, %add3A_1025 : i32
        %get3A_1027 = arith.constant 5 : i32
        %get3A_1028 = arith.constant 0 : i32
        %get3A_1029 = arith.index_cast %get3A_1027 : i32 to index
        %get3A_1030 = arith.index_cast %get3A_1028 : i32 to index
        %get3A_1031 = arith.index_cast %add3A_1026 : i32 to index
        %get3A_1032 = arith.constant 0 : index
        %get3A_1033 = tpu.vector_load %arg7[%get3A_1029, %get3A_1030, %get3A_1031, %get3A_1032] {strides = array<i32>} : memref<8x2x100x16xf32, #tpu.memory_space<vmem>>, vector<1x1x1x16xf32>,
        %get3A_1034 = vector.shape_cast %get3A_1033 : vector<1x1x1x16xf32> to vector<16xf32>
        %add3A_1035 = arith.addf %scan3A_923, %get3A_1034 : vector<16xf32>
        scf.yield %add3A_936, %add3A_947, %add3A_958, %add3A_969, %add3A_980, %add3A_991, %add3A_1002, %add3A_1013, %add3A_1024, %add3A_1035 : vector<16xf32>, vector<16xf32>, vector<16xf32>, vector<16xf32>, vector<16xf32>, vector<16xf32>, vector<16xf32>, vector<16xf32>, vector<16xf32>, vector<16xf32>
      }
      %scan3A_712 = arith.constant 10 : i32
      %scan3A_713 = arith.constant 0 : i32
      %scan3A_714 = arith.constant 10 : i32
      %scan3A_715 = arith.addi %scan3A_713, %scan3A_714 : i32
      %scan3A_716 = arith.constant 1 : i32
      %scan3A_717:10 = scf.for %scan3A_913 = %scan3A_713 to %scan3A_715 step %scan3A_716 iter_args(%scan3A_914 = %scan3A_711#0, %scan3A_915 = %scan3A_711#1, %scan3A_916 = %scan3A_711#2, %scan3A_917 = %scan3A_711#3, %scan3A_918 = %scan3A_711#4, %scan3A_919 = %scan3A_711#5, %scan3A_920 = %scan3A_711#6, %scan3A_921 = %scan3A_711#7, %scan3A_922 = %scan3A_711#8, %scan3A_923 = %scan3A_711#9) -> (vector<16xf32>, vector<16xf32>, vector<16xf32>, vector<16xf32>, vector<16xf32>, vector<16xf32>, vector<16xf32>, vector<16xf32>, vector<16xf32>, vector<16xf32>)  : i32 {
        %mul3A_924 = arith.constant 10 : i32
        %mul3A_925 = arith.muli %scan3A_913, %mul3A_924 : i32
        %add3A_926 = arith.constant 0 : i32
        %add3A_927 = arith.addi %mul3A_925, %add3A_926 : i32
        %get3A_928 = arith.constant 5 : i32
        %get3A_929 = arith.constant 1 : i32
        %get3A_930 = arith.index_cast %get3A_928 : i32 to index
        %get3A_931 = arith.index_cast %get3A_929 : i32 to index
        %get3A_932 = arith.index_cast %add3A_927 : i32 to index
        %get3A_933 = arith.constant 0 : index
        %get3A_934 = tpu.vector_load %arg7[%get3A_930, %get3A_931, %get3A_932, %get3A_933] {strides = array<i32>} : memref<8x2x100x16xf32, #tpu.memory_space<vmem>>, vector<1x1x1x16xf32>,
        %get3A_935 = vector.shape_cast %get3A_934 : vector<1x1x1x16xf32> to vector<16xf32>
        %add3A_936 = arith.addf %scan3A_914, %get3A_935 : vector<16xf32>
        %add3A_937 = arith.constant 1 : i32
        %add3A_938 = arith.addi %mul3A_925, %add3A_937 : i32
        %get3A_939 = arith.constant 5 : i32
        %get3A_940 = arith.constant 1 : i32
        %get3A_941 = arith.index_cast %get3A_939 : i32 to index
        %get3A_942 = arith.index_cast %get3A_940 : i32 to index
        %get3A_943 = arith.index_cast %add3A_938 : i32 to index
        %get3A_944 = arith.constant 0 : index
        %get3A_945 = tpu.vector_load %arg7[%get3A_941, %get3A_942, %get3A_943, %get3A_944] {strides = array<i32>} : memref<8x2x100x16xf32, #tpu.memory_space<vmem>>, vector<1x1x1x16xf32>,
        %get3A_946 = vector.shape_cast %get3A_945 : vector<1x1x1x16xf32> to vector<16xf32>
        %add3A_947 = arith.addf %scan3A_915, %get3A_946 : vector<16xf32>
        %add3A_948 = arith.constant 2 : i32
        %add3A_949 = arith.addi %mul3A_925, %add3A_948 : i32
        %get3A_950 = arith.constant 5 : i32
        %get3A_951 = arith.constant 1 : i32
        %get3A_952 = arith.index_cast %get3A_950 : i32 to index
        %get3A_953 = arith.index_cast %get3A_951 : i32 to index
        %get3A_954 = arith.index_cast %add3A_949 : i32 to index
        %get3A_955 = arith.constant 0 : index
        %get3A_956 = tpu.vector_load %arg7[%get3A_952, %get3A_953, %get3A_954, %get3A_955] {strides = array<i32>} : memref<8x2x100x16xf32, #tpu.memory_space<vmem>>, vector<1x1x1x16xf32>,
        %get3A_957 = vector.shape_cast %get3A_956 : vector<1x1x1x16xf32> to vector<16xf32>
        %add3A_958 = arith.addf %scan3A_916, %get3A_957 : vector<16xf32>
        %add3A_959 = arith.constant 3 : i32
        %add3A_960 = arith.addi %mul3A_925, %add3A_959 : i32
        %get3A_961 = arith.constant 5 : i32
        %get3A_962 = arith.constant 1 : i32
        %get3A_963 = arith.index_cast %get3A_961 : i32 to index
        %get3A_964 = arith.index_cast %get3A_962 : i32 to index
        %get3A_965 = arith.index_cast %add3A_960 : i32 to index
        %get3A_966 = arith.constant 0 : index
        %get3A_967 = tpu.vector_load %arg7[%get3A_963, %get3A_964, %get3A_965, %get3A_966] {strides = array<i32>} : memref<8x2x100x16xf32, #tpu.memory_space<vmem>>, vector<1x1x1x16xf32>,
        %get3A_968 = vector.shape_cast %get3A_967 : vector<1x1x1x16xf32> to vector<16xf32>
        %add3A_969 = arith.addf %scan3A_917, %get3A_968 : vector<16xf32>
        %add3A_970 = arith.constant 4 : i32
        %add3A_971 = arith.addi %mul3A_925, %add3A_970 : i32
        %get3A_972 = arith.constant 5 : i32
        %get3A_973 = arith.constant 1 : i32
        %get3A_974 = arith.index_cast %get3A_972 : i32 to index
        %get3A_975 = arith.index_cast %get3A_973 : i32 to index
        %get3A_976 = arith.index_cast %add3A_971 : i32 to index
        %get3A_977 = arith.constant 0 : index
        %get3A_978 = tpu.vector_load %arg7[%get3A_974, %get3A_975, %get3A_976, %get3A_977] {strides = array<i32>} : memref<8x2x100x16xf32, #tpu.memory_space<vmem>>, vector<1x1x1x16xf32>,
        %get3A_979 = vector.shape_cast %get3A_978 : vector<1x1x1x16xf32> to vector<16xf32>
        %add3A_980 = arith.addf %scan3A_918, %get3A_979 : vector<16xf32>
        %add3A_981 = arith.constant 5 : i32
        %add3A_982 = arith.addi %mul3A_925, %add3A_981 : i32
        %get3A_983 = arith.constant 5 : i32
        %get3A_984 = arith.constant 1 : i32
        %get3A_985 = arith.index_cast %get3A_983 : i32 to index
        %get3A_986 = arith.index_cast %get3A_984 : i32 to index
        %get3A_987 = arith.index_cast %add3A_982 : i32 to index
        %get3A_988 = arith.constant 0 : index
        %get3A_989 = tpu.vector_load %arg7[%get3A_985, %get3A_986, %get3A_987, %get3A_988] {strides = array<i32>} : memref<8x2x100x16xf32, #tpu.memory_space<vmem>>, vector<1x1x1x16xf32>,
        %get3A_990 = vector.shape_cast %get3A_989 : vector<1x1x1x16xf32> to vector<16xf32>
        %add3A_991 = arith.addf %scan3A_919, %get3A_990 : vector<16xf32>
        %add3A_992 = arith.constant 6 : i32
        %add3A_993 = arith.addi %mul3A_925, %add3A_992 : i32
        %get3A_994 = arith.constant 5 : i32
        %get3A_995 = arith.constant 1 : i32
        %get3A_996 = arith.index_cast %get3A_994 : i32 to index
        %get3A_997 = arith.index_cast %get3A_995 : i32 to index
        %get3A_998 = arith.index_cast %add3A_993 : i32 to index
        %get3A_999 = arith.constant 0 : index
        %get3A_1000 = tpu.vector_load %arg7[%get3A_996, %get3A_997, %get3A_998, %get3A_999] {strides = array<i32>} : memref<8x2x100x16xf32, #tpu.memory_space<vmem>>, vector<1x1x1x16xf32>,
        %get3A_1001 = vector.shape_cast %get3A_1000 : vector<1x1x1x16xf32> to vector<16xf32>
        %add3A_1002 = arith.addf %scan3A_920, %get3A_1001 : vector<16xf32>
        %add3A_1003 = arith.constant 7 : i32
        %add3A_1004 = arith.addi %mul3A_925, %add3A_1003 : i32
        %get3A_1005 = arith.constant 5 : i32
        %get3A_1006 = arith.constant 1 : i32
        %get3A_1007 = arith.index_cast %get3A_1005 : i32 to index
        %get3A_1008 = arith.index_cast %get3A_1006 : i32 to index
        %get3A_1009 = arith.index_cast %add3A_1004 : i32 to index
        %get3A_1010 = arith.constant 0 : index
        %get3A_1011 = tpu.vector_load %arg7[%get3A_1007, %get3A_1008, %get3A_1009, %get3A_1010] {strides = array<i32>} : memref<8x2x100x16xf32, #tpu.memory_space<vmem>>, vector<1x1x1x16xf32>,
        %get3A_1012 = vector.shape_cast %get3A_1011 : vector<1x1x1x16xf32> to vector<16xf32>
        %add3A_1013 = arith.addf %scan3A_921, %get3A_1012 : vector<16xf32>
        %add3A_1014 = arith.constant 8 : i32
        %add3A_1015 = arith.addi %mul3A_925, %add3A_1014 : i32
        %get3A_1016 = arith.constant 5 : i32
        %get3A_1017 = arith.constant 1 : i32
        %get3A_1018 = arith.index_cast %get3A_1016 : i32 to index
        %get3A_1019 = arith.index_cast %get3A_1017 : i32 to index
        %get3A_1020 = arith.index_cast %add3A_1015 : i32 to index
        %get3A_1021 = arith.constant 0 : index
        %get3A_1022 = tpu.vector_load %arg7[%get3A_1018, %get3A_1019, %get3A_1020, %get3A_1021] {strides = array<i32>} : memref<8x2x100x16xf32, #tpu.memory_space<vmem>>, vector<1x1x1x16xf32>,
        %get3A_1023 = vector.shape_cast %get3A_1022 : vector<1x1x1x16xf32> to vector<16xf32>
        %add3A_1024 = arith.addf %scan3A_922, %get3A_1023 : vector<16xf32>
        %add3A_1025 = arith.constant 9 : i32
        %add3A_1026 = arith.addi %mul3A_925, %add3A_1025 : i32
        %get3A_1027 = arith.constant 5 : i32
        %get3A_1028 = arith.constant 1 : i32
        %get3A_1029 = arith.index_cast %get3A_1027 : i32 to index
        %get3A_1030 = arith.index_cast %get3A_1028 : i32 to index
        %get3A_1031 = arith.index_cast %add3A_1026 : i32 to index
        %get3A_1032 = arith.constant 0 : index
        %get3A_1033 = tpu.vector_load %arg7[%get3A_1029, %get3A_1030, %get3A_1031, %get3A_1032] {strides = array<i32>} : memref<8x2x100x16xf32, #tpu.memory_space<vmem>>, vector<1x1x1x16xf32>,
        %get3A_1034 = vector.shape_cast %get3A_1033 : vector<1x1x1x16xf32> to vector<16xf32>
        %add3A_1035 = arith.addf %scan3A_923, %get3A_1034 : vector<16xf32>
        scf.yield %add3A_936, %add3A_947, %add3A_958, %add3A_969, %add3A_980, %add3A_991, %add3A_1002, %add3A_1013, %add3A_1024, %add3A_1035 : vector<16xf32>, vector<16xf32>, vector<16xf32>, vector<16xf32>, vector<16xf32>, vector<16xf32>, vector<16xf32>, vector<16xf32>, vector<16xf32>, vector<16xf32>
      }
      %scan3A_718 = arith.constant 10 : i32
      %add3A_719 = arith.constant 8 : i32
      %add3A_720 = arith.addi %add3A_660, %add3A_719 : i32
      %lt3A_721 = arith.constant 128 : i32
      %lt3A_722 = arith.cmpi slt, %add3A_720, %lt3A_721 : i32
      %convert_element_type3A_723 = arith.extui %lt3A_722 : i1 to i32
      %cond3A_724 = arith.constant 0 : i32
      %cond3A_725 = arith.cmpi ne, %convert_element_type3A_723, %cond3A_724 : i32
      scf.if %cond3A_725 {
        %add3A_913 = arith.constant 8 : i32
        %add3A_914 = arith.addi %add3A_660, %add3A_913 : i32
        %dma_start3A_915 = arith.constant 0 : i32
        %dma_start3A_916 = arith.constant 5 : i32
        %dma_start3A_917 = arith.constant 0 : i32
        %dma_start3A_918 = arith.constant 0 : i32
        %dma_start3A_919 = arith.constant 0 : i32
        %dma_start3A_920 = tpu.memref_slice %arg7[%dma_start3A_916, %dma_start3A_917, %dma_start3A_918, %dma_start3A_919] : memref<8x2x100x16xf32, #tpu.memory_space<vmem>> -> memref<1x1x100x16xf32, #tpu.memory_space<vmem>>
        %dma_start3A_921 = tpu.memref_squeeze %dma_start3A_920 : memref<1x1x100x16xf32, #tpu.memory_space<vmem>> -> memref<100x16xf32, #tpu.memory_space<vmem>>
        %dma_start3A_922 = arith.constant 0 : i32
        %dma_start3A_923 = tpu.memref_slice %arg6[%add3A_914, %dma_start3A_915, %dma_start3A_922] : memref<128x2x100xi32, #tpu.memory_space<vmem>> -> memref<1x1x100xi32, #tpu.memory_space<vmem>>
        %dma_start3A_924 = tpu.memref_squeeze %dma_start3A_923 : memref<1x1x100xi32, #tpu.memory_space<vmem>> -> memref<100xi32, #tpu.memory_space<vmem>>
        %dma_start3A_925 = arith.constant 0 : i32
        %dma_start3A_926 = arith.constant 0 : i32
        %dma_start3A_927 = tpu.memref_slice %arg3[%dma_start3A_925, %dma_start3A_926] : memref<1015808x16xf32, #tpu.memory_space<hbm>> -> memref<1015808x16xf32, #tpu.memory_space<hbm>>
        tpu.enqueue_indirect_dma source(%dma_start3A_927 : memref<1015808x16xf32, #tpu.memory_space<hbm>>) target(%dma_start3A_921 : memref<100x16xf32, #tpu.memory_space<vmem>>) offsets(%dma_start3A_924 : memref<100xi32, #tpu.memory_space<vmem>>) semaphore(%arg15 : memref<!tpu.dma_semaphore, #tpu.memory_space<semaphore_mem>>)
        %dma_start3A_928 = arith.constant 1 : i32
        %dma_start3A_929 = arith.constant 5 : i32
        %dma_start3A_930 = arith.constant 1 : i32
        %dma_start3A_931 = arith.constant 0 : i32
        %dma_start3A_932 = arith.constant 0 : i32
        %dma_start3A_933 = tpu.memref_slice %arg7[%dma_start3A_929, %dma_start3A_930, %dma_start3A_931, %dma_start3A_932] : memref<8x2x100x16xf32, #tpu.memory_space<vmem>> -> memref<1x1x100x16xf32, #tpu.memory_space<vmem>>
        %dma_start3A_934 = tpu.memref_squeeze %dma_start3A_933 : memref<1x1x100x16xf32, #tpu.memory_space<vmem>> -> memref<100x16xf32, #tpu.memory_space<vmem>>
        %dma_start3A_935 = arith.constant 0 : i32
        %dma_start3A_936 = tpu.memref_slice %arg6[%add3A_914, %dma_start3A_928, %dma_start3A_935] : memref<128x2x100xi32, #tpu.memory_space<vmem>> -> memref<1x1x100xi32, #tpu.memory_space<vmem>>
        %dma_start3A_937 = tpu.memref_squeeze %dma_start3A_936 : memref<1x1x100xi32, #tpu.memory_space<vmem>> -> memref<100xi32, #tpu.memory_space<vmem>>
        %dma_start3A_938 = arith.constant 0 : i32
        %dma_start3A_939 = arith.constant 0 : i32
        %dma_start3A_940 = tpu.memref_slice %arg3[%dma_start3A_938, %dma_start3A_939] : memref<1015808x16xf32, #tpu.memory_space<hbm>> -> memref<1015808x16xf32, #tpu.memory_space<hbm>>
        tpu.enqueue_indirect_dma source(%dma_start3A_940 : memref<1015808x16xf32, #tpu.memory_space<hbm>>) target(%dma_start3A_934 : memref<100x16xf32, #tpu.memory_space<vmem>>) offsets(%dma_start3A_937 : memref<100xi32, #tpu.memory_space<vmem>>) semaphore(%arg15 : memref<!tpu.dma_semaphore, #tpu.memory_space<semaphore_mem>>)
      } else {
      }
      %add3A_726 = arith.addf %scan3A_717#0, %scan3A_717#1 : vector<16xf32>
      %add3A_727 = arith.addf %scan3A_717#2, %scan3A_717#3 : vector<16xf32>
      %add3A_728 = arith.addf %scan3A_717#4, %scan3A_717#5 : vector<16xf32>
      %add3A_729 = arith.addf %scan3A_717#6, %scan3A_717#7 : vector<16xf32>
      %add3A_730 = arith.addf %scan3A_717#8, %scan3A_717#9 : vector<16xf32>
      %add3A_731 = arith.addf %add3A_726, %add3A_727 : vector<16xf32>
      %add3A_732 = arith.addf %add3A_728, %add3A_729 : vector<16xf32>
      %add3A_733 = arith.addf %add3A_731, %add3A_732 : vector<16xf32>
      %add3A_734 = arith.addf %add3A_733, %add3A_730 : vector<16xf32>
      %mul3A_735 = arith.mulf %add3A_734, %broadcast_in_dim3A_226 : vector<16xf32>
      %add3A_736 = arith.addf %mul3A_735, %get3A_228 : vector<16xf32>
      %swap3A_737 = arith.index_cast %add3A_660 : i32 to index
      %swap3A_738 = arith.constant 0 : index
      %swap3A_739 = tpu.vector_load %arg8[%swap3A_737, %swap3A_738] {strides = array<i32>} : memref<128x16xf32, #tpu.memory_space<vmem>>, vector<1x16xf32>,
      %swap3A_740 = vector.shape_cast %swap3A_739 : vector<1x16xf32> to vector<16xf32>
      %swap3A_741 = vector.shape_cast %add3A_736 : vector<16xf32> to vector<1x16xf32>
      tpu.vector_store %arg8[%swap3A_737, %swap3A_738], %swap3A_741 {strides = array<i32>} : memref<128x16xf32, #tpu.memory_space<vmem>>, vector<1x16xf32>,
      %mul3A_742 = arith.constant 8 : i32
      %mul3A_743 = arith.muli %scan3A_235, %mul3A_742 : i32
      %add3A_744 = arith.constant 6 : i32
      %add3A_745 = arith.addi %mul3A_743, %add3A_744 : i32
      %dma_wait3A_746 = arith.constant 0 : i32
      %dma_wait3A_747 = arith.constant 6 : i32
      %dma_wait3A_748 = arith.constant 0 : i32
      %dma_wait3A_749 = arith.constant 0 : i32
      %dma_wait3A_750 = arith.constant 0 : i32
      %dma_wait3A_751 = tpu.memref_slice %arg7[%dma_wait3A_747, %dma_wait3A_748, %dma_wait3A_749, %dma_wait3A_750] : memref<8x2x100x16xf32, #tpu.memory_space<vmem>> -> memref<1x1x100x16xf32, #tpu.memory_space<vmem>>
      %dma_wait3A_752 = tpu.memref_squeeze %dma_wait3A_751 : memref<1x1x100x16xf32, #tpu.memory_space<vmem>> -> memref<100x16xf32, #tpu.memory_space<vmem>>
      %dma_wait3A_753 = arith.constant 0 : i32
      %dma_wait3A_754 = tpu.memref_slice %arg6[%add3A_745, %dma_wait3A_746, %dma_wait3A_753] : memref<128x2x100xi32, #tpu.memory_space<vmem>> -> memref<1x1x100xi32, #tpu.memory_space<vmem>>
      %dma_wait3A_755 = tpu.memref_squeeze %dma_wait3A_754 : memref<1x1x100xi32, #tpu.memory_space<vmem>> -> memref<100xi32, #tpu.memory_space<vmem>>
      %dma_wait3A_756 = arith.constant 0 : i32
      %dma_wait3A_757 = arith.constant 0 : i32
      %dma_wait3A_758 = tpu.memref_slice %arg3[%dma_wait3A_756, %dma_wait3A_757] : memref<1015808x16xf32, #tpu.memory_space<hbm>> -> memref<1015808x16xf32, #tpu.memory_space<hbm>>
      tpu.wait_indirect_dma semaphore(%arg16 : memref<!tpu.dma_semaphore, #tpu.memory_space<semaphore_mem>>) src(%dma_wait3A_758 : memref<1015808x16xf32, #tpu.memory_space<hbm>>) dst(%dma_wait3A_752 : memref<100x16xf32, #tpu.memory_space<vmem>>)
      %dma_wait3A_759 = arith.constant 1 : i32
      %dma_wait3A_760 = arith.constant 6 : i32
      %dma_wait3A_761 = arith.constant 1 : i32
      %dma_wait3A_762 = arith.constant 0 : i32
      %dma_wait3A_763 = arith.constant 0 : i32
      %dma_wait3A_764 = tpu.memref_slice %arg7[%dma_wait3A_760, %dma_wait3A_761, %dma_wait3A_762, %dma_wait3A_763] : memref<8x2x100x16xf32, #tpu.memory_space<vmem>> -> memref<1x1x100x16xf32, #tpu.memory_space<vmem>>
      %dma_wait3A_765 = tpu.memref_squeeze %dma_wait3A_764 : memref<1x1x100x16xf32, #tpu.memory_space<vmem>> -> memref<100x16xf32, #tpu.memory_space<vmem>>
      %dma_wait3A_766 = arith.constant 0 : i32
      %dma_wait3A_767 = tpu.memref_slice %arg6[%add3A_745, %dma_wait3A_759, %dma_wait3A_766] : memref<128x2x100xi32, #tpu.memory_space<vmem>> -> memref<1x1x100xi32, #tpu.memory_space<vmem>>
      %dma_wait3A_768 = tpu.memref_squeeze %dma_wait3A_767 : memref<1x1x100xi32, #tpu.memory_space<vmem>> -> memref<100xi32, #tpu.memory_space<vmem>>
      %dma_wait3A_769 = arith.constant 0 : i32
      %dma_wait3A_770 = arith.constant 0 : i32
      %dma_wait3A_771 = tpu.memref_slice %arg3[%dma_wait3A_769, %dma_wait3A_770] : memref<1015808x16xf32, #tpu.memory_space<hbm>> -> memref<1015808x16xf32, #tpu.memory_space<hbm>>
      tpu.wait_indirect_dma semaphore(%arg16 : memref<!tpu.dma_semaphore, #tpu.memory_space<semaphore_mem>>) src(%dma_wait3A_771 : memref<1015808x16xf32, #tpu.memory_space<hbm>>) dst(%dma_wait3A_765 : memref<100x16xf32, #tpu.memory_space<vmem>>)
      %broadcast_in_dim3A_772 = arith.constant 0.000000e+00 : f32
      %broadcast_in_dim3A_773 = vector.broadcast %broadcast_in_dim3A_772 : f32 to vector<16xf32>
      %broadcast_in_dim3A_774 = arith.constant 0.000000e+00 : f32
      %broadcast_in_dim3A_775 = vector.broadcast %broadcast_in_dim3A_774 : f32 to vector<16xf32>
      %broadcast_in_dim3A_776 = arith.constant 0.000000e+00 : f32
      %broadcast_in_dim3A_777 = vector.broadcast %broadcast_in_dim3A_776 : f32 to vector<16xf32>
      %broadcast_in_dim3A_778 = arith.constant 0.000000e+00 : f32
      %broadcast_in_dim3A_779 = vector.broadcast %broadcast_in_dim3A_778 : f32 to vector<16xf32>
      %broadcast_in_dim3A_780 = arith.constant 0.000000e+00 : f32
      %broadcast_in_dim3A_781 = vector.broadcast %broadcast_in_dim3A_780 : f32 to vector<16xf32>
      %broadcast_in_dim3A_782 = arith.constant 0.000000e+00 : f32
      %broadcast_in_dim3A_783 = vector.broadcast %broadcast_in_dim3A_782 : f32 to vector<16xf32>
      %broadcast_in_dim3A_784 = arith.constant 0.000000e+00 : f32
      %broadcast_in_dim3A_785 = vector.broadcast %broadcast_in_dim3A_784 : f32 to vector<16xf32>
      %broadcast_in_dim3A_786 = arith.constant 0.000000e+00 : f32
      %broadcast_in_dim3A_787 = vector.broadcast %broadcast_in_dim3A_786 : f32 to vector<16xf32>
      %broadcast_in_dim3A_788 = arith.constant 0.000000e+00 : f32
      %broadcast_in_dim3A_789 = vector.broadcast %broadcast_in_dim3A_788 : f32 to vector<16xf32>
      %broadcast_in_dim3A_790 = arith.constant 0.000000e+00 : f32
      %broadcast_in_dim3A_791 = vector.broadcast %broadcast_in_dim3A_790 : f32 to vector<16xf32>
      %scan3A_792 = arith.constant 0 : i32
      %scan3A_793 = arith.constant 10 : i32
      %scan3A_794 = arith.addi %scan3A_792, %scan3A_793 : i32
      %scan3A_795 = arith.constant 1 : i32
      %scan3A_796:10 = scf.for %scan3A_913 = %scan3A_792 to %scan3A_794 step %scan3A_795 iter_args(%scan3A_914 = %broadcast_in_dim3A_773, %scan3A_915 = %broadcast_in_dim3A_775, %scan3A_916 = %broadcast_in_dim3A_777, %scan3A_917 = %broadcast_in_dim3A_779, %scan3A_918 = %broadcast_in_dim3A_781, %scan3A_919 = %broadcast_in_dim3A_783, %scan3A_920 = %broadcast_in_dim3A_785, %scan3A_921 = %broadcast_in_dim3A_787, %scan3A_922 = %broadcast_in_dim3A_789, %scan3A_923 = %broadcast_in_dim3A_791) -> (vector<16xf32>, vector<16xf32>, vector<16xf32>, vector<16xf32>, vector<16xf32>, vector<16xf32>, vector<16xf32>, vector<16xf32>, vector<16xf32>, vector<16xf32>)  : i32 {
        %mul3A_924 = arith.constant 10 : i32
        %mul3A_925 = arith.muli %scan3A_913, %mul3A_924 : i32
        %add3A_926 = arith.constant 0 : i32
        %add3A_927 = arith.addi %mul3A_925, %add3A_926 : i32
        %get3A_928 = arith.constant 6 : i32
        %get3A_929 = arith.constant 0 : i32
        %get3A_930 = arith.index_cast %get3A_928 : i32 to index
        %get3A_931 = arith.index_cast %get3A_929 : i32 to index
        %get3A_932 = arith.index_cast %add3A_927 : i32 to index
        %get3A_933 = arith.constant 0 : index
        %get3A_934 = tpu.vector_load %arg7[%get3A_930, %get3A_931, %get3A_932, %get3A_933] {strides = array<i32>} : memref<8x2x100x16xf32, #tpu.memory_space<vmem>>, vector<1x1x1x16xf32>,
        %get3A_935 = vector.shape_cast %get3A_934 : vector<1x1x1x16xf32> to vector<16xf32>
        %add3A_936 = arith.addf %scan3A_914, %get3A_935 : vector<16xf32>
        %add3A_937 = arith.constant 1 : i32
        %add3A_938 = arith.addi %mul3A_925, %add3A_937 : i32
        %get3A_939 = arith.constant 6 : i32
        %get3A_940 = arith.constant 0 : i32
        %get3A_941 = arith.index_cast %get3A_939 : i32 to index
        %get3A_942 = arith.index_cast %get3A_940 : i32 to index
        %get3A_943 = arith.index_cast %add3A_938 : i32 to index
        %get3A_944 = arith.constant 0 : index
        %get3A_945 = tpu.vector_load %arg7[%get3A_941, %get3A_942, %get3A_943, %get3A_944] {strides = array<i32>} : memref<8x2x100x16xf32, #tpu.memory_space<vmem>>, vector<1x1x1x16xf32>,
        %get3A_946 = vector.shape_cast %get3A_945 : vector<1x1x1x16xf32> to vector<16xf32>
        %add3A_947 = arith.addf %scan3A_915, %get3A_946 : vector<16xf32>
        %add3A_948 = arith.constant 2 : i32
        %add3A_949 = arith.addi %mul3A_925, %add3A_948 : i32
        %get3A_950 = arith.constant 6 : i32
        %get3A_951 = arith.constant 0 : i32
        %get3A_952 = arith.index_cast %get3A_950 : i32 to index
        %get3A_953 = arith.index_cast %get3A_951 : i32 to index
        %get3A_954 = arith.index_cast %add3A_949 : i32 to index
        %get3A_955 = arith.constant 0 : index
        %get3A_956 = tpu.vector_load %arg7[%get3A_952, %get3A_953, %get3A_954, %get3A_955] {strides = array<i32>} : memref<8x2x100x16xf32, #tpu.memory_space<vmem>>, vector<1x1x1x16xf32>,
        %get3A_957 = vector.shape_cast %get3A_956 : vector<1x1x1x16xf32> to vector<16xf32>
        %add3A_958 = arith.addf %scan3A_916, %get3A_957 : vector<16xf32>
        %add3A_959 = arith.constant 3 : i32
        %add3A_960 = arith.addi %mul3A_925, %add3A_959 : i32
        %get3A_961 = arith.constant 6 : i32
        %get3A_962 = arith.constant 0 : i32
        %get3A_963 = arith.index_cast %get3A_961 : i32 to index
        %get3A_964 = arith.index_cast %get3A_962 : i32 to index
        %get3A_965 = arith.index_cast %add3A_960 : i32 to index
        %get3A_966 = arith.constant 0 : index
        %get3A_967 = tpu.vector_load %arg7[%get3A_963, %get3A_964, %get3A_965, %get3A_966] {strides = array<i32>} : memref<8x2x100x16xf32, #tpu.memory_space<vmem>>, vector<1x1x1x16xf32>,
        %get3A_968 = vector.shape_cast %get3A_967 : vector<1x1x1x16xf32> to vector<16xf32>
        %add3A_969 = arith.addf %scan3A_917, %get3A_968 : vector<16xf32>
        %add3A_970 = arith.constant 4 : i32
        %add3A_971 = arith.addi %mul3A_925, %add3A_970 : i32
        %get3A_972 = arith.constant 6 : i32
        %get3A_973 = arith.constant 0 : i32
        %get3A_974 = arith.index_cast %get3A_972 : i32 to index
        %get3A_975 = arith.index_cast %get3A_973 : i32 to index
        %get3A_976 = arith.index_cast %add3A_971 : i32 to index
        %get3A_977 = arith.constant 0 : index
        %get3A_978 = tpu.vector_load %arg7[%get3A_974, %get3A_975, %get3A_976, %get3A_977] {strides = array<i32>} : memref<8x2x100x16xf32, #tpu.memory_space<vmem>>, vector<1x1x1x16xf32>,
        %get3A_979 = vector.shape_cast %get3A_978 : vector<1x1x1x16xf32> to vector<16xf32>
        %add3A_980 = arith.addf %scan3A_918, %get3A_979 : vector<16xf32>
        %add3A_981 = arith.constant 5 : i32
        %add3A_982 = arith.addi %mul3A_925, %add3A_981 : i32
        %get3A_983 = arith.constant 6 : i32
        %get3A_984 = arith.constant 0 : i32
        %get3A_985 = arith.index_cast %get3A_983 : i32 to index
        %get3A_986 = arith.index_cast %get3A_984 : i32 to index
        %get3A_987 = arith.index_cast %add3A_982 : i32 to index
        %get3A_988 = arith.constant 0 : index
        %get3A_989 = tpu.vector_load %arg7[%get3A_985, %get3A_986, %get3A_987, %get3A_988] {strides = array<i32>} : memref<8x2x100x16xf32, #tpu.memory_space<vmem>>, vector<1x1x1x16xf32>,
        %get3A_990 = vector.shape_cast %get3A_989 : vector<1x1x1x16xf32> to vector<16xf32>
        %add3A_991 = arith.addf %scan3A_919, %get3A_990 : vector<16xf32>
        %add3A_992 = arith.constant 6 : i32
        %add3A_993 = arith.addi %mul3A_925, %add3A_992 : i32
        %get3A_994 = arith.constant 6 : i32
        %get3A_995 = arith.constant 0 : i32
        %get3A_996 = arith.index_cast %get3A_994 : i32 to index
        %get3A_997 = arith.index_cast %get3A_995 : i32 to index
        %get3A_998 = arith.index_cast %add3A_993 : i32 to index
        %get3A_999 = arith.constant 0 : index
        %get3A_1000 = tpu.vector_load %arg7[%get3A_996, %get3A_997, %get3A_998, %get3A_999] {strides = array<i32>} : memref<8x2x100x16xf32, #tpu.memory_space<vmem>>, vector<1x1x1x16xf32>,
        %get3A_1001 = vector.shape_cast %get3A_1000 : vector<1x1x1x16xf32> to vector<16xf32>
        %add3A_1002 = arith.addf %scan3A_920, %get3A_1001 : vector<16xf32>
        %add3A_1003 = arith.constant 7 : i32
        %add3A_1004 = arith.addi %mul3A_925, %add3A_1003 : i32
        %get3A_1005 = arith.constant 6 : i32
        %get3A_1006 = arith.constant 0 : i32
        %get3A_1007 = arith.index_cast %get3A_1005 : i32 to index
        %get3A_1008 = arith.index_cast %get3A_1006 : i32 to index
        %get3A_1009 = arith.index_cast %add3A_1004 : i32 to index
        %get3A_1010 = arith.constant 0 : index
        %get3A_1011 = tpu.vector_load %arg7[%get3A_1007, %get3A_1008, %get3A_1009, %get3A_1010] {strides = array<i32>} : memref<8x2x100x16xf32, #tpu.memory_space<vmem>>, vector<1x1x1x16xf32>,
        %get3A_1012 = vector.shape_cast %get3A_1011 : vector<1x1x1x16xf32> to vector<16xf32>
        %add3A_1013 = arith.addf %scan3A_921, %get3A_1012 : vector<16xf32>
        %add3A_1014 = arith.constant 8 : i32
        %add3A_1015 = arith.addi %mul3A_925, %add3A_1014 : i32
        %get3A_1016 = arith.constant 6 : i32
        %get3A_1017 = arith.constant 0 : i32
        %get3A_1018 = arith.index_cast %get3A_1016 : i32 to index
        %get3A_1019 = arith.index_cast %get3A_1017 : i32 to index
        %get3A_1020 = arith.index_cast %add3A_1015 : i32 to index
        %get3A_1021 = arith.constant 0 : index
        %get3A_1022 = tpu.vector_load %arg7[%get3A_1018, %get3A_1019, %get3A_1020, %get3A_1021] {strides = array<i32>} : memref<8x2x100x16xf32, #tpu.memory_space<vmem>>, vector<1x1x1x16xf32>,
        %get3A_1023 = vector.shape_cast %get3A_1022 : vector<1x1x1x16xf32> to vector<16xf32>
        %add3A_1024 = arith.addf %scan3A_922, %get3A_1023 : vector<16xf32>
        %add3A_1025 = arith.constant 9 : i32
        %add3A_1026 = arith.addi %mul3A_925, %add3A_1025 : i32
        %get3A_1027 = arith.constant 6 : i32
        %get3A_1028 = arith.constant 0 : i32
        %get3A_1029 = arith.index_cast %get3A_1027 : i32 to index
        %get3A_1030 = arith.index_cast %get3A_1028 : i32 to index
        %get3A_1031 = arith.index_cast %add3A_1026 : i32 to index
        %get3A_1032 = arith.constant 0 : index
        %get3A_1033 = tpu.vector_load %arg7[%get3A_1029, %get3A_1030, %get3A_1031, %get3A_1032] {strides = array<i32>} : memref<8x2x100x16xf32, #tpu.memory_space<vmem>>, vector<1x1x1x16xf32>,
        %get3A_1034 = vector.shape_cast %get3A_1033 : vector<1x1x1x16xf32> to vector<16xf32>
        %add3A_1035 = arith.addf %scan3A_923, %get3A_1034 : vector<16xf32>
        scf.yield %add3A_936, %add3A_947, %add3A_958, %add3A_969, %add3A_980, %add3A_991, %add3A_1002, %add3A_1013, %add3A_1024, %add3A_1035 : vector<16xf32>, vector<16xf32>, vector<16xf32>, vector<16xf32>, vector<16xf32>, vector<16xf32>, vector<16xf32>, vector<16xf32>, vector<16xf32>, vector<16xf32>
      }
      %scan3A_797 = arith.constant 10 : i32
      %scan3A_798 = arith.constant 0 : i32
      %scan3A_799 = arith.constant 10 : i32
      %scan3A_800 = arith.addi %scan3A_798, %scan3A_799 : i32
      %scan3A_801 = arith.constant 1 : i32
      %scan3A_802:10 = scf.for %scan3A_913 = %scan3A_798 to %scan3A_800 step %scan3A_801 iter_args(%scan3A_914 = %scan3A_796#0, %scan3A_915 = %scan3A_796#1, %scan3A_916 = %scan3A_796#2, %scan3A_917 = %scan3A_796#3, %scan3A_918 = %scan3A_796#4, %scan3A_919 = %scan3A_796#5, %scan3A_920 = %scan3A_796#6, %scan3A_921 = %scan3A_796#7, %scan3A_922 = %scan3A_796#8, %scan3A_923 = %scan3A_796#9) -> (vector<16xf32>, vector<16xf32>, vector<16xf32>, vector<16xf32>, vector<16xf32>, vector<16xf32>, vector<16xf32>, vector<16xf32>, vector<16xf32>, vector<16xf32>)  : i32 {
        %mul3A_924 = arith.constant 10 : i32
        %mul3A_925 = arith.muli %scan3A_913, %mul3A_924 : i32
        %add3A_926 = arith.constant 0 : i32
        %add3A_927 = arith.addi %mul3A_925, %add3A_926 : i32
        %get3A_928 = arith.constant 6 : i32
        %get3A_929 = arith.constant 1 : i32
        %get3A_930 = arith.index_cast %get3A_928 : i32 to index
        %get3A_931 = arith.index_cast %get3A_929 : i32 to index
        %get3A_932 = arith.index_cast %add3A_927 : i32 to index
        %get3A_933 = arith.constant 0 : index
        %get3A_934 = tpu.vector_load %arg7[%get3A_930, %get3A_931, %get3A_932, %get3A_933] {strides = array<i32>} : memref<8x2x100x16xf32, #tpu.memory_space<vmem>>, vector<1x1x1x16xf32>,
        %get3A_935 = vector.shape_cast %get3A_934 : vector<1x1x1x16xf32> to vector<16xf32>
        %add3A_936 = arith.addf %scan3A_914, %get3A_935 : vector<16xf32>
        %add3A_937 = arith.constant 1 : i32
        %add3A_938 = arith.addi %mul3A_925, %add3A_937 : i32
        %get3A_939 = arith.constant 6 : i32
        %get3A_940 = arith.constant 1 : i32
        %get3A_941 = arith.index_cast %get3A_939 : i32 to index
        %get3A_942 = arith.index_cast %get3A_940 : i32 to index
        %get3A_943 = arith.index_cast %add3A_938 : i32 to index
        %get3A_944 = arith.constant 0 : index
        %get3A_945 = tpu.vector_load %arg7[%get3A_941, %get3A_942, %get3A_943, %get3A_944] {strides = array<i32>} : memref<8x2x100x16xf32, #tpu.memory_space<vmem>>, vector<1x1x1x16xf32>,
        %get3A_946 = vector.shape_cast %get3A_945 : vector<1x1x1x16xf32> to vector<16xf32>
        %add3A_947 = arith.addf %scan3A_915, %get3A_946 : vector<16xf32>
        %add3A_948 = arith.constant 2 : i32
        %add3A_949 = arith.addi %mul3A_925, %add3A_948 : i32
        %get3A_950 = arith.constant 6 : i32
        %get3A_951 = arith.constant 1 : i32
        %get3A_952 = arith.index_cast %get3A_950 : i32 to index
        %get3A_953 = arith.index_cast %get3A_951 : i32 to index
        %get3A_954 = arith.index_cast %add3A_949 : i32 to index
        %get3A_955 = arith.constant 0 : index
        %get3A_956 = tpu.vector_load %arg7[%get3A_952, %get3A_953, %get3A_954, %get3A_955] {strides = array<i32>} : memref<8x2x100x16xf32, #tpu.memory_space<vmem>>, vector<1x1x1x16xf32>,
        %get3A_957 = vector.shape_cast %get3A_956 : vector<1x1x1x16xf32> to vector<16xf32>
        %add3A_958 = arith.addf %scan3A_916, %get3A_957 : vector<16xf32>
        %add3A_959 = arith.constant 3 : i32
        %add3A_960 = arith.addi %mul3A_925, %add3A_959 : i32
        %get3A_961 = arith.constant 6 : i32
        %get3A_962 = arith.constant 1 : i32
        %get3A_963 = arith.index_cast %get3A_961 : i32 to index
        %get3A_964 = arith.index_cast %get3A_962 : i32 to index
        %get3A_965 = arith.index_cast %add3A_960 : i32 to index
        %get3A_966 = arith.constant 0 : index
        %get3A_967 = tpu.vector_load %arg7[%get3A_963, %get3A_964, %get3A_965, %get3A_966] {strides = array<i32>} : memref<8x2x100x16xf32, #tpu.memory_space<vmem>>, vector<1x1x1x16xf32>,
        %get3A_968 = vector.shape_cast %get3A_967 : vector<1x1x1x16xf32> to vector<16xf32>
        %add3A_969 = arith.addf %scan3A_917, %get3A_968 : vector<16xf32>
        %add3A_970 = arith.constant 4 : i32
        %add3A_971 = arith.addi %mul3A_925, %add3A_970 : i32
        %get3A_972 = arith.constant 6 : i32
        %get3A_973 = arith.constant 1 : i32
        %get3A_974 = arith.index_cast %get3A_972 : i32 to index
        %get3A_975 = arith.index_cast %get3A_973 : i32 to index
        %get3A_976 = arith.index_cast %add3A_971 : i32 to index
        %get3A_977 = arith.constant 0 : index
        %get3A_978 = tpu.vector_load %arg7[%get3A_974, %get3A_975, %get3A_976, %get3A_977] {strides = array<i32>} : memref<8x2x100x16xf32, #tpu.memory_space<vmem>>, vector<1x1x1x16xf32>,
        %get3A_979 = vector.shape_cast %get3A_978 : vector<1x1x1x16xf32> to vector<16xf32>
        %add3A_980 = arith.addf %scan3A_918, %get3A_979 : vector<16xf32>
        %add3A_981 = arith.constant 5 : i32
        %add3A_982 = arith.addi %mul3A_925, %add3A_981 : i32
        %get3A_983 = arith.constant 6 : i32
        %get3A_984 = arith.constant 1 : i32
        %get3A_985 = arith.index_cast %get3A_983 : i32 to index
        %get3A_986 = arith.index_cast %get3A_984 : i32 to index
        %get3A_987 = arith.index_cast %add3A_982 : i32 to index
        %get3A_988 = arith.constant 0 : index
        %get3A_989 = tpu.vector_load %arg7[%get3A_985, %get3A_986, %get3A_987, %get3A_988] {strides = array<i32>} : memref<8x2x100x16xf32, #tpu.memory_space<vmem>>, vector<1x1x1x16xf32>,
        %get3A_990 = vector.shape_cast %get3A_989 : vector<1x1x1x16xf32> to vector<16xf32>
        %add3A_991 = arith.addf %scan3A_919, %get3A_990 : vector<16xf32>
        %add3A_992 = arith.constant 6 : i32
        %add3A_993 = arith.addi %mul3A_925, %add3A_992 : i32
        %get3A_994 = arith.constant 6 : i32
        %get3A_995 = arith.constant 1 : i32
        %get3A_996 = arith.index_cast %get3A_994 : i32 to index
        %get3A_997 = arith.index_cast %get3A_995 : i32 to index
        %get3A_998 = arith.index_cast %add3A_993 : i32 to index
        %get3A_999 = arith.constant 0 : index
        %get3A_1000 = tpu.vector_load %arg7[%get3A_996, %get3A_997, %get3A_998, %get3A_999] {strides = array<i32>} : memref<8x2x100x16xf32, #tpu.memory_space<vmem>>, vector<1x1x1x16xf32>,
        %get3A_1001 = vector.shape_cast %get3A_1000 : vector<1x1x1x16xf32> to vector<16xf32>
        %add3A_1002 = arith.addf %scan3A_920, %get3A_1001 : vector<16xf32>
        %add3A_1003 = arith.constant 7 : i32
        %add3A_1004 = arith.addi %mul3A_925, %add3A_1003 : i32
        %get3A_1005 = arith.constant 6 : i32
        %get3A_1006 = arith.constant 1 : i32
        %get3A_1007 = arith.index_cast %get3A_1005 : i32 to index
        %get3A_1008 = arith.index_cast %get3A_1006 : i32 to index
        %get3A_1009 = arith.index_cast %add3A_1004 : i32 to index
        %get3A_1010 = arith.constant 0 : index
        %get3A_1011 = tpu.vector_load %arg7[%get3A_1007, %get3A_1008, %get3A_1009, %get3A_1010] {strides = array<i32>} : memref<8x2x100x16xf32, #tpu.memory_space<vmem>>, vector<1x1x1x16xf32>,
        %get3A_1012 = vector.shape_cast %get3A_1011 : vector<1x1x1x16xf32> to vector<16xf32>
        %add3A_1013 = arith.addf %scan3A_921, %get3A_1012 : vector<16xf32>
        %add3A_1014 = arith.constant 8 : i32
        %add3A_1015 = arith.addi %mul3A_925, %add3A_1014 : i32
        %get3A_1016 = arith.constant 6 : i32
        %get3A_1017 = arith.constant 1 : i32
        %get3A_1018 = arith.index_cast %get3A_1016 : i32 to index
        %get3A_1019 = arith.index_cast %get3A_1017 : i32 to index
        %get3A_1020 = arith.index_cast %add3A_1015 : i32 to index
        %get3A_1021 = arith.constant 0 : index
        %get3A_1022 = tpu.vector_load %arg7[%get3A_1018, %get3A_1019, %get3A_1020, %get3A_1021] {strides = array<i32>} : memref<8x2x100x16xf32, #tpu.memory_space<vmem>>, vector<1x1x1x16xf32>,
        %get3A_1023 = vector.shape_cast %get3A_1022 : vector<1x1x1x16xf32> to vector<16xf32>
        %add3A_1024 = arith.addf %scan3A_922, %get3A_1023 : vector<16xf32>
        %add3A_1025 = arith.constant 9 : i32
        %add3A_1026 = arith.addi %mul3A_925, %add3A_1025 : i32
        %get3A_1027 = arith.constant 6 : i32
        %get3A_1028 = arith.constant 1 : i32
        %get3A_1029 = arith.index_cast %get3A_1027 : i32 to index
        %get3A_1030 = arith.index_cast %get3A_1028 : i32 to index
        %get3A_1031 = arith.index_cast %add3A_1026 : i32 to index
        %get3A_1032 = arith.constant 0 : index
        %get3A_1033 = tpu.vector_load %arg7[%get3A_1029, %get3A_1030, %get3A_1031, %get3A_1032] {strides = array<i32>} : memref<8x2x100x16xf32, #tpu.memory_space<vmem>>, vector<1x1x1x16xf32>,
        %get3A_1034 = vector.shape_cast %get3A_1033 : vector<1x1x1x16xf32> to vector<16xf32>
        %add3A_1035 = arith.addf %scan3A_923, %get3A_1034 : vector<16xf32>
        scf.yield %add3A_936, %add3A_947, %add3A_958, %add3A_969, %add3A_980, %add3A_991, %add3A_1002, %add3A_1013, %add3A_1024, %add3A_1035 : vector<16xf32>, vector<16xf32>, vector<16xf32>, vector<16xf32>, vector<16xf32>, vector<16xf32>, vector<16xf32>, vector<16xf32>, vector<16xf32>, vector<16xf32>
      }
      %scan3A_803 = arith.constant 10 : i32
      %add3A_804 = arith.constant 8 : i32
      %add3A_805 = arith.addi %add3A_745, %add3A_804 : i32
      %lt3A_806 = arith.constant 128 : i32
      %lt3A_807 = arith.cmpi slt, %add3A_805, %lt3A_806 : i32
      %convert_element_type3A_808 = arith.extui %lt3A_807 : i1 to i32
      %cond3A_809 = arith.constant 0 : i32
      %cond3A_810 = arith.cmpi ne, %convert_element_type3A_808, %cond3A_809 : i32
      scf.if %cond3A_810 {
        %add3A_913 = arith.constant 8 : i32
        %add3A_914 = arith.addi %add3A_745, %add3A_913 : i32
        %dma_start3A_915 = arith.constant 0 : i32
        %dma_start3A_916 = arith.constant 6 : i32
        %dma_start3A_917 = arith.constant 0 : i32
        %dma_start3A_918 = arith.constant 0 : i32
        %dma_start3A_919 = arith.constant 0 : i32
        %dma_start3A_920 = tpu.memref_slice %arg7[%dma_start3A_916, %dma_start3A_917, %dma_start3A_918, %dma_start3A_919] : memref<8x2x100x16xf32, #tpu.memory_space<vmem>> -> memref<1x1x100x16xf32, #tpu.memory_space<vmem>>
        %dma_start3A_921 = tpu.memref_squeeze %dma_start3A_920 : memref<1x1x100x16xf32, #tpu.memory_space<vmem>> -> memref<100x16xf32, #tpu.memory_space<vmem>>
        %dma_start3A_922 = arith.constant 0 : i32
        %dma_start3A_923 = tpu.memref_slice %arg6[%add3A_914, %dma_start3A_915, %dma_start3A_922] : memref<128x2x100xi32, #tpu.memory_space<vmem>> -> memref<1x1x100xi32, #tpu.memory_space<vmem>>
        %dma_start3A_924 = tpu.memref_squeeze %dma_start3A_923 : memref<1x1x100xi32, #tpu.memory_space<vmem>> -> memref<100xi32, #tpu.memory_space<vmem>>
        %dma_start3A_925 = arith.constant 0 : i32
        %dma_start3A_926 = arith.constant 0 : i32
        %dma_start3A_927 = tpu.memref_slice %arg3[%dma_start3A_925, %dma_start3A_926] : memref<1015808x16xf32, #tpu.memory_space<hbm>> -> memref<1015808x16xf32, #tpu.memory_space<hbm>>
        tpu.enqueue_indirect_dma source(%dma_start3A_927 : memref<1015808x16xf32, #tpu.memory_space<hbm>>) target(%dma_start3A_921 : memref<100x16xf32, #tpu.memory_space<vmem>>) offsets(%dma_start3A_924 : memref<100xi32, #tpu.memory_space<vmem>>) semaphore(%arg16 : memref<!tpu.dma_semaphore, #tpu.memory_space<semaphore_mem>>)
        %dma_start3A_928 = arith.constant 1 : i32
        %dma_start3A_929 = arith.constant 6 : i32
        %dma_start3A_930 = arith.constant 1 : i32
        %dma_start3A_931 = arith.constant 0 : i32
        %dma_start3A_932 = arith.constant 0 : i32
        %dma_start3A_933 = tpu.memref_slice %arg7[%dma_start3A_929, %dma_start3A_930, %dma_start3A_931, %dma_start3A_932] : memref<8x2x100x16xf32, #tpu.memory_space<vmem>> -> memref<1x1x100x16xf32, #tpu.memory_space<vmem>>
        %dma_start3A_934 = tpu.memref_squeeze %dma_start3A_933 : memref<1x1x100x16xf32, #tpu.memory_space<vmem>> -> memref<100x16xf32, #tpu.memory_space<vmem>>
        %dma_start3A_935 = arith.constant 0 : i32
        %dma_start3A_936 = tpu.memref_slice %arg6[%add3A_914, %dma_start3A_928, %dma_start3A_935] : memref<128x2x100xi32, #tpu.memory_space<vmem>> -> memref<1x1x100xi32, #tpu.memory_space<vmem>>
        %dma_start3A_937 = tpu.memref_squeeze %dma_start3A_936 : memref<1x1x100xi32, #tpu.memory_space<vmem>> -> memref<100xi32, #tpu.memory_space<vmem>>
        %dma_start3A_938 = arith.constant 0 : i32
        %dma_start3A_939 = arith.constant 0 : i32
        %dma_start3A_940 = tpu.memref_slice %arg3[%dma_start3A_938, %dma_start3A_939] : memref<1015808x16xf32, #tpu.memory_space<hbm>> -> memref<1015808x16xf32, #tpu.memory_space<hbm>>
        tpu.enqueue_indirect_dma source(%dma_start3A_940 : memref<1015808x16xf32, #tpu.memory_space<hbm>>) target(%dma_start3A_934 : memref<100x16xf32, #tpu.memory_space<vmem>>) offsets(%dma_start3A_937 : memref<100xi32, #tpu.memory_space<vmem>>) semaphore(%arg16 : memref<!tpu.dma_semaphore, #tpu.memory_space<semaphore_mem>>)
      } else {
      }
      %add3A_811 = arith.addf %scan3A_802#0, %scan3A_802#1 : vector<16xf32>
      %add3A_812 = arith.addf %scan3A_802#2, %scan3A_802#3 : vector<16xf32>
      %add3A_813 = arith.addf %scan3A_802#4, %scan3A_802#5 : vector<16xf32>
      %add3A_814 = arith.addf %scan3A_802#6, %scan3A_802#7 : vector<16xf32>
      %add3A_815 = arith.addf %scan3A_802#8, %scan3A_802#9 : vector<16xf32>
      %add3A_816 = arith.addf %add3A_811, %add3A_812 : vector<16xf32>
      %add3A_817 = arith.addf %add3A_813, %add3A_814 : vector<16xf32>
      %add3A_818 = arith.addf %add3A_816, %add3A_817 : vector<16xf32>
      %add3A_819 = arith.addf %add3A_818, %add3A_815 : vector<16xf32>
      %mul3A_820 = arith.mulf %add3A_819, %broadcast_in_dim3A_226 : vector<16xf32>
      %add3A_821 = arith.addf %mul3A_820, %get3A_228 : vector<16xf32>
      %swap3A_822 = arith.index_cast %add3A_745 : i32 to index
      %swap3A_823 = arith.constant 0 : index
      %swap3A_824 = tpu.vector_load %arg8[%swap3A_822, %swap3A_823] {strides = array<i32>} : memref<128x16xf32, #tpu.memory_space<vmem>>, vector<1x16xf32>,
      %swap3A_825 = vector.shape_cast %swap3A_824 : vector<1x16xf32> to vector<16xf32>
      %swap3A_826 = vector.shape_cast %add3A_821 : vector<16xf32> to vector<1x16xf32>
      tpu.vector_store %arg8[%swap3A_822, %swap3A_823], %swap3A_826 {strides = array<i32>} : memref<128x16xf32, #tpu.memory_space<vmem>>, vector<1x16xf32>,
      %mul3A_827 = arith.constant 8 : i32
      %mul3A_828 = arith.muli %scan3A_235, %mul3A_827 : i32
      %add3A_829 = arith.constant 7 : i32
      %add3A_830 = arith.addi %mul3A_828, %add3A_829 : i32
      %dma_wait3A_831 = arith.constant 0 : i32
      %dma_wait3A_832 = arith.constant 7 : i32
      %dma_wait3A_833 = arith.constant 0 : i32
      %dma_wait3A_834 = arith.constant 0 : i32
      %dma_wait3A_835 = arith.constant 0 : i32
      %dma_wait3A_836 = tpu.memref_slice %arg7[%dma_wait3A_832, %dma_wait3A_833, %dma_wait3A_834, %dma_wait3A_835] : memref<8x2x100x16xf32, #tpu.memory_space<vmem>> -> memref<1x1x100x16xf32, #tpu.memory_space<vmem>>
      %dma_wait3A_837 = tpu.memref_squeeze %dma_wait3A_836 : memref<1x1x100x16xf32, #tpu.memory_space<vmem>> -> memref<100x16xf32, #tpu.memory_space<vmem>>
      %dma_wait3A_838 = arith.constant 0 : i32
      %dma_wait3A_839 = tpu.memref_slice %arg6[%add3A_830, %dma_wait3A_831, %dma_wait3A_838] : memref<128x2x100xi32, #tpu.memory_space<vmem>> -> memref<1x1x100xi32, #tpu.memory_space<vmem>>
      %dma_wait3A_840 = tpu.memref_squeeze %dma_wait3A_839 : memref<1x1x100xi32, #tpu.memory_space<vmem>> -> memref<100xi32, #tpu.memory_space<vmem>>
      %dma_wait3A_841 = arith.constant 0 : i32
      %dma_wait3A_842 = arith.constant 0 : i32
      %dma_wait3A_843 = tpu.memref_slice %arg3[%dma_wait3A_841, %dma_wait3A_842] : memref<1015808x16xf32, #tpu.memory_space<hbm>> -> memref<1015808x16xf32, #tpu.memory_space<hbm>>
      tpu.wait_indirect_dma semaphore(%arg17 : memref<!tpu.dma_semaphore, #tpu.memory_space<semaphore_mem>>) src(%dma_wait3A_843 : memref<1015808x16xf32, #tpu.memory_space<hbm>>) dst(%dma_wait3A_837 : memref<100x16xf32, #tpu.memory_space<vmem>>)
      %dma_wait3A_844 = arith.constant 1 : i32
      %dma_wait3A_845 = arith.constant 7 : i32
      %dma_wait3A_846 = arith.constant 1 : i32
      %dma_wait3A_847 = arith.constant 0 : i32
      %dma_wait3A_848 = arith.constant 0 : i32
      %dma_wait3A_849 = tpu.memref_slice %arg7[%dma_wait3A_845, %dma_wait3A_846, %dma_wait3A_847, %dma_wait3A_848] : memref<8x2x100x16xf32, #tpu.memory_space<vmem>> -> memref<1x1x100x16xf32, #tpu.memory_space<vmem>>
      %dma_wait3A_850 = tpu.memref_squeeze %dma_wait3A_849 : memref<1x1x100x16xf32, #tpu.memory_space<vmem>> -> memref<100x16xf32, #tpu.memory_space<vmem>>
      %dma_wait3A_851 = arith.constant 0 : i32
      %dma_wait3A_852 = tpu.memref_slice %arg6[%add3A_830, %dma_wait3A_844, %dma_wait3A_851] : memref<128x2x100xi32, #tpu.memory_space<vmem>> -> memref<1x1x100xi32, #tpu.memory_space<vmem>>
      %dma_wait3A_853 = tpu.memref_squeeze %dma_wait3A_852 : memref<1x1x100xi32, #tpu.memory_space<vmem>> -> memref<100xi32, #tpu.memory_space<vmem>>
      %dma_wait3A_854 = arith.constant 0 : i32
      %dma_wait3A_855 = arith.constant 0 : i32
      %dma_wait3A_856 = tpu.memref_slice %arg3[%dma_wait3A_854, %dma_wait3A_855] : memref<1015808x16xf32, #tpu.memory_space<hbm>> -> memref<1015808x16xf32, #tpu.memory_space<hbm>>
      tpu.wait_indirect_dma semaphore(%arg17 : memref<!tpu.dma_semaphore, #tpu.memory_space<semaphore_mem>>) src(%dma_wait3A_856 : memref<1015808x16xf32, #tpu.memory_space<hbm>>) dst(%dma_wait3A_850 : memref<100x16xf32, #tpu.memory_space<vmem>>)
      %broadcast_in_dim3A_857 = arith.constant 0.000000e+00 : f32
      %broadcast_in_dim3A_858 = vector.broadcast %broadcast_in_dim3A_857 : f32 to vector<16xf32>
      %broadcast_in_dim3A_859 = arith.constant 0.000000e+00 : f32
      %broadcast_in_dim3A_860 = vector.broadcast %broadcast_in_dim3A_859 : f32 to vector<16xf32>
      %broadcast_in_dim3A_861 = arith.constant 0.000000e+00 : f32
      %broadcast_in_dim3A_862 = vector.broadcast %broadcast_in_dim3A_861 : f32 to vector<16xf32>
      %broadcast_in_dim3A_863 = arith.constant 0.000000e+00 : f32
      %broadcast_in_dim3A_864 = vector.broadcast %broadcast_in_dim3A_863 : f32 to vector<16xf32>
      %broadcast_in_dim3A_865 = arith.constant 0.000000e+00 : f32
      %broadcast_in_dim3A_866 = vector.broadcast %broadcast_in_dim3A_865 : f32 to vector<16xf32>
      %broadcast_in_dim3A_867 = arith.constant 0.000000e+00 : f32
      %broadcast_in_dim3A_868 = vector.broadcast %broadcast_in_dim3A_867 : f32 to vector<16xf32>
      %broadcast_in_dim3A_869 = arith.constant 0.000000e+00 : f32
      %broadcast_in_dim3A_870 = vector.broadcast %broadcast_in_dim3A_869 : f32 to vector<16xf32>
      %broadcast_in_dim3A_871 = arith.constant 0.000000e+00 : f32
      %broadcast_in_dim3A_872 = vector.broadcast %broadcast_in_dim3A_871 : f32 to vector<16xf32>
      %broadcast_in_dim3A_873 = arith.constant 0.000000e+00 : f32
      %broadcast_in_dim3A_874 = vector.broadcast %broadcast_in_dim3A_873 : f32 to vector<16xf32>
      %broadcast_in_dim3A_875 = arith.constant 0.000000e+00 : f32
      %broadcast_in_dim3A_876 = vector.broadcast %broadcast_in_dim3A_875 : f32 to vector<16xf32>
      %scan3A_877 = arith.constant 0 : i32
      %scan3A_878 = arith.constant 10 : i32
      %scan3A_879 = arith.addi %scan3A_877, %scan3A_878 : i32
      %scan3A_880 = arith.constant 1 : i32
      %scan3A_881:10 = scf.for %scan3A_913 = %scan3A_877 to %scan3A_879 step %scan3A_880 iter_args(%scan3A_914 = %broadcast_in_dim3A_858, %scan3A_915 = %broadcast_in_dim3A_860, %scan3A_916 = %broadcast_in_dim3A_862, %scan3A_917 = %broadcast_in_dim3A_864, %scan3A_918 = %broadcast_in_dim3A_866, %scan3A_919 = %broadcast_in_dim3A_868, %scan3A_920 = %broadcast_in_dim3A_870, %scan3A_921 = %broadcast_in_dim3A_872, %scan3A_922 = %broadcast_in_dim3A_874, %scan3A_923 = %broadcast_in_dim3A_876) -> (vector<16xf32>, vector<16xf32>, vector<16xf32>, vector<16xf32>, vector<16xf32>, vector<16xf32>, vector<16xf32>, vector<16xf32>, vector<16xf32>, vector<16xf32>)  : i32 {
        %mul3A_924 = arith.constant 10 : i32
        %mul3A_925 = arith.muli %scan3A_913, %mul3A_924 : i32
        %add3A_926 = arith.constant 0 : i32
        %add3A_927 = arith.addi %mul3A_925, %add3A_926 : i32
        %get3A_928 = arith.constant 7 : i32
        %get3A_929 = arith.constant 0 : i32
        %get3A_930 = arith.index_cast %get3A_928 : i32 to index
        %get3A_931 = arith.index_cast %get3A_929 : i32 to index
        %get3A_932 = arith.index_cast %add3A_927 : i32 to index
        %get3A_933 = arith.constant 0 : index
        %get3A_934 = tpu.vector_load %arg7[%get3A_930, %get3A_931, %get3A_932, %get3A_933] {strides = array<i32>} : memref<8x2x100x16xf32, #tpu.memory_space<vmem>>, vector<1x1x1x16xf32>,
        %get3A_935 = vector.shape_cast %get3A_934 : vector<1x1x1x16xf32> to vector<16xf32>
        %add3A_936 = arith.addf %scan3A_914, %get3A_935 : vector<16xf32>
        %add3A_937 = arith.constant 1 : i32
        %add3A_938 = arith.addi %mul3A_925, %add3A_937 : i32
        %get3A_939 = arith.constant 7 : i32
        %get3A_940 = arith.constant 0 : i32
        %get3A_941 = arith.index_cast %get3A_939 : i32 to index
        %get3A_942 = arith.index_cast %get3A_940 : i32 to index
        %get3A_943 = arith.index_cast %add3A_938 : i32 to index
        %get3A_944 = arith.constant 0 : index
        %get3A_945 = tpu.vector_load %arg7[%get3A_941, %get3A_942, %get3A_943, %get3A_944] {strides = array<i32>} : memref<8x2x100x16xf32, #tpu.memory_space<vmem>>, vector<1x1x1x16xf32>,
        %get3A_946 = vector.shape_cast %get3A_945 : vector<1x1x1x16xf32> to vector<16xf32>
        %add3A_947 = arith.addf %scan3A_915, %get3A_946 : vector<16xf32>
        %add3A_948 = arith.constant 2 : i32
        %add3A_949 = arith.addi %mul3A_925, %add3A_948 : i32
        %get3A_950 = arith.constant 7 : i32
        %get3A_951 = arith.constant 0 : i32
        %get3A_952 = arith.index_cast %get3A_950 : i32 to index
        %get3A_953 = arith.index_cast %get3A_951 : i32 to index
        %get3A_954 = arith.index_cast %add3A_949 : i32 to index
        %get3A_955 = arith.constant 0 : index
        %get3A_956 = tpu.vector_load %arg7[%get3A_952, %get3A_953, %get3A_954, %get3A_955] {strides = array<i32>} : memref<8x2x100x16xf32, #tpu.memory_space<vmem>>, vector<1x1x1x16xf32>,
        %get3A_957 = vector.shape_cast %get3A_956 : vector<1x1x1x16xf32> to vector<16xf32>
        %add3A_958 = arith.addf %scan3A_916, %get3A_957 : vector<16xf32>
        %add3A_959 = arith.constant 3 : i32
        %add3A_960 = arith.addi %mul3A_925, %add3A_959 : i32
        %get3A_961 = arith.constant 7 : i32
        %get3A_962 = arith.constant 0 : i32
        %get3A_963 = arith.index_cast %get3A_961 : i32 to index
        %get3A_964 = arith.index_cast %get3A_962 : i32 to index
        %get3A_965 = arith.index_cast %add3A_960 : i32 to index
        %get3A_966 = arith.constant 0 : index
        %get3A_967 = tpu.vector_load %arg7[%get3A_963, %get3A_964, %get3A_965, %get3A_966] {strides = array<i32>} : memref<8x2x100x16xf32, #tpu.memory_space<vmem>>, vector<1x1x1x16xf32>,
        %get3A_968 = vector.shape_cast %get3A_967 : vector<1x1x1x16xf32> to vector<16xf32>
        %add3A_969 = arith.addf %scan3A_917, %get3A_968 : vector<16xf32>
        %add3A_970 = arith.constant 4 : i32
        %add3A_971 = arith.addi %mul3A_925, %add3A_970 : i32
        %get3A_972 = arith.constant 7 : i32
        %get3A_973 = arith.constant 0 : i32
        %get3A_974 = arith.index_cast %get3A_972 : i32 to index
        %get3A_975 = arith.index_cast %get3A_973 : i32 to index
        %get3A_976 = arith.index_cast %add3A_971 : i32 to index
        %get3A_977 = arith.constant 0 : index
        %get3A_978 = tpu.vector_load %arg7[%get3A_974, %get3A_975, %get3A_976, %get3A_977] {strides = array<i32>} : memref<8x2x100x16xf32, #tpu.memory_space<vmem>>, vector<1x1x1x16xf32>,
        %get3A_979 = vector.shape_cast %get3A_978 : vector<1x1x1x16xf32> to vector<16xf32>
        %add3A_980 = arith.addf %scan3A_918, %get3A_979 : vector<16xf32>
        %add3A_981 = arith.constant 5 : i32
        %add3A_982 = arith.addi %mul3A_925, %add3A_981 : i32
        %get3A_983 = arith.constant 7 : i32
        %get3A_984 = arith.constant 0 : i32
        %get3A_985 = arith.index_cast %get3A_983 : i32 to index
        %get3A_986 = arith.index_cast %get3A_984 : i32 to index
        %get3A_987 = arith.index_cast %add3A_982 : i32 to index
        %get3A_988 = arith.constant 0 : index
        %get3A_989 = tpu.vector_load %arg7[%get3A_985, %get3A_986, %get3A_987, %get3A_988] {strides = array<i32>} : memref<8x2x100x16xf32, #tpu.memory_space<vmem>>, vector<1x1x1x16xf32>,
        %get3A_990 = vector.shape_cast %get3A_989 : vector<1x1x1x16xf32> to vector<16xf32>
        %add3A_991 = arith.addf %scan3A_919, %get3A_990 : vector<16xf32>
        %add3A_992 = arith.constant 6 : i32
        %add3A_993 = arith.addi %mul3A_925, %add3A_992 : i32
        %get3A_994 = arith.constant 7 : i32
        %get3A_995 = arith.constant 0 : i32
        %get3A_996 = arith.index_cast %get3A_994 : i32 to index
        %get3A_997 = arith.index_cast %get3A_995 : i32 to index
        %get3A_998 = arith.index_cast %add3A_993 : i32 to index
        %get3A_999 = arith.constant 0 : index
        %get3A_1000 = tpu.vector_load %arg7[%get3A_996, %get3A_997, %get3A_998, %get3A_999] {strides = array<i32>} : memref<8x2x100x16xf32, #tpu.memory_space<vmem>>, vector<1x1x1x16xf32>,
        %get3A_1001 = vector.shape_cast %get3A_1000 : vector<1x1x1x16xf32> to vector<16xf32>
        %add3A_1002 = arith.addf %scan3A_920, %get3A_1001 : vector<16xf32>
        %add3A_1003 = arith.constant 7 : i32
        %add3A_1004 = arith.addi %mul3A_925, %add3A_1003 : i32
        %get3A_1005 = arith.constant 7 : i32
        %get3A_1006 = arith.constant 0 : i32
        %get3A_1007 = arith.index_cast %get3A_1005 : i32 to index
        %get3A_1008 = arith.index_cast %get3A_1006 : i32 to index
        %get3A_1009 = arith.index_cast %add3A_1004 : i32 to index
        %get3A_1010 = arith.constant 0 : index
        %get3A_1011 = tpu.vector_load %arg7[%get3A_1007, %get3A_1008, %get3A_1009, %get3A_1010] {strides = array<i32>} : memref<8x2x100x16xf32, #tpu.memory_space<vmem>>, vector<1x1x1x16xf32>,
        %get3A_1012 = vector.shape_cast %get3A_1011 : vector<1x1x1x16xf32> to vector<16xf32>
        %add3A_1013 = arith.addf %scan3A_921, %get3A_1012 : vector<16xf32>
        %add3A_1014 = arith.constant 8 : i32
        %add3A_1015 = arith.addi %mul3A_925, %add3A_1014 : i32
        %get3A_1016 = arith.constant 7 : i32
        %get3A_1017 = arith.constant 0 : i32
        %get3A_1018 = arith.index_cast %get3A_1016 : i32 to index
        %get3A_1019 = arith.index_cast %get3A_1017 : i32 to index
        %get3A_1020 = arith.index_cast %add3A_1015 : i32 to index
        %get3A_1021 = arith.constant 0 : index
        %get3A_1022 = tpu.vector_load %arg7[%get3A_1018, %get3A_1019, %get3A_1020, %get3A_1021] {strides = array<i32>} : memref<8x2x100x16xf32, #tpu.memory_space<vmem>>, vector<1x1x1x16xf32>,
        %get3A_1023 = vector.shape_cast %get3A_1022 : vector<1x1x1x16xf32> to vector<16xf32>
        %add3A_1024 = arith.addf %scan3A_922, %get3A_1023 : vector<16xf32>
        %add3A_1025 = arith.constant 9 : i32
        %add3A_1026 = arith.addi %mul3A_925, %add3A_1025 : i32
        %get3A_1027 = arith.constant 7 : i32
        %get3A_1028 = arith.constant 0 : i32
        %get3A_1029 = arith.index_cast %get3A_1027 : i32 to index
        %get3A_1030 = arith.index_cast %get3A_1028 : i32 to index
        %get3A_1031 = arith.index_cast %add3A_1026 : i32 to index
        %get3A_1032 = arith.constant 0 : index
        %get3A_1033 = tpu.vector_load %arg7[%get3A_1029, %get3A_1030, %get3A_1031, %get3A_1032] {strides = array<i32>} : memref<8x2x100x16xf32, #tpu.memory_space<vmem>>, vector<1x1x1x16xf32>,
        %get3A_1034 = vector.shape_cast %get3A_1033 : vector<1x1x1x16xf32> to vector<16xf32>
        %add3A_1035 = arith.addf %scan3A_923, %get3A_1034 : vector<16xf32>
        scf.yield %add3A_936, %add3A_947, %add3A_958, %add3A_969, %add3A_980, %add3A_991, %add3A_1002, %add3A_1013, %add3A_1024, %add3A_1035 : vector<16xf32>, vector<16xf32>, vector<16xf32>, vector<16xf32>, vector<16xf32>, vector<16xf32>, vector<16xf32>, vector<16xf32>, vector<16xf32>, vector<16xf32>
      }
      %scan3A_882 = arith.constant 10 : i32
      %scan3A_883 = arith.constant 0 : i32
      %scan3A_884 = arith.constant 10 : i32
      %scan3A_885 = arith.addi %scan3A_883, %scan3A_884 : i32
      %scan3A_886 = arith.constant 1 : i32
      %scan3A_887:10 = scf.for %scan3A_913 = %scan3A_883 to %scan3A_885 step %scan3A_886 iter_args(%scan3A_914 = %scan3A_881#0, %scan3A_915 = %scan3A_881#1, %scan3A_916 = %scan3A_881#2, %scan3A_917 = %scan3A_881#3, %scan3A_918 = %scan3A_881#4, %scan3A_919 = %scan3A_881#5, %scan3A_920 = %scan3A_881#6, %scan3A_921 = %scan3A_881#7, %scan3A_922 = %scan3A_881#8, %scan3A_923 = %scan3A_881#9) -> (vector<16xf32>, vector<16xf32>, vector<16xf32>, vector<16xf32>, vector<16xf32>, vector<16xf32>, vector<16xf32>, vector<16xf32>, vector<16xf32>, vector<16xf32>)  : i32 {
        %mul3A_924 = arith.constant 10 : i32
        %mul3A_925 = arith.muli %scan3A_913, %mul3A_924 : i32
        %add3A_926 = arith.constant 0 : i32
        %add3A_927 = arith.addi %mul3A_925, %add3A_926 : i32
        %get3A_928 = arith.constant 7 : i32
        %get3A_929 = arith.constant 1 : i32
        %get3A_930 = arith.index_cast %get3A_928 : i32 to index
        %get3A_931 = arith.index_cast %get3A_929 : i32 to index
        %get3A_932 = arith.index_cast %add3A_927 : i32 to index
        %get3A_933 = arith.constant 0 : index
        %get3A_934 = tpu.vector_load %arg7[%get3A_930, %get3A_931, %get3A_932, %get3A_933] {strides = array<i32>} : memref<8x2x100x16xf32, #tpu.memory_space<vmem>>, vector<1x1x1x16xf32>,
        %get3A_935 = vector.shape_cast %get3A_934 : vector<1x1x1x16xf32> to vector<16xf32>
        %add3A_936 = arith.addf %scan3A_914, %get3A_935 : vector<16xf32>
        %add3A_937 = arith.constant 1 : i32
        %add3A_938 = arith.addi %mul3A_925, %add3A_937 : i32
        %get3A_939 = arith.constant 7 : i32
        %get3A_940 = arith.constant 1 : i32
        %get3A_941 = arith.index_cast %get3A_939 : i32 to index
        %get3A_942 = arith.index_cast %get3A_940 : i32 to index
        %get3A_943 = arith.index_cast %add3A_938 : i32 to index
        %get3A_944 = arith.constant 0 : index
        %get3A_945 = tpu.vector_load %arg7[%get3A_941, %get3A_942, %get3A_943, %get3A_944] {strides = array<i32>} : memref<8x2x100x16xf32, #tpu.memory_space<vmem>>, vector<1x1x1x16xf32>,
        %get3A_946 = vector.shape_cast %get3A_945 : vector<1x1x1x16xf32> to vector<16xf32>
        %add3A_947 = arith.addf %scan3A_915, %get3A_946 : vector<16xf32>
        %add3A_948 = arith.constant 2 : i32
        %add3A_949 = arith.addi %mul3A_925, %add3A_948 : i32
        %get3A_950 = arith.constant 7 : i32
        %get3A_951 = arith.constant 1 : i32
        %get3A_952 = arith.index_cast %get3A_950 : i32 to index
        %get3A_953 = arith.index_cast %get3A_951 : i32 to index
        %get3A_954 = arith.index_cast %add3A_949 : i32 to index
        %get3A_955 = arith.constant 0 : index
        %get3A_956 = tpu.vector_load %arg7[%get3A_952, %get3A_953, %get3A_954, %get3A_955] {strides = array<i32>} : memref<8x2x100x16xf32, #tpu.memory_space<vmem>>, vector<1x1x1x16xf32>,
        %get3A_957 = vector.shape_cast %get3A_956 : vector<1x1x1x16xf32> to vector<16xf32>
        %add3A_958 = arith.addf %scan3A_916, %get3A_957 : vector<16xf32>
        %add3A_959 = arith.constant 3 : i32
        %add3A_960 = arith.addi %mul3A_925, %add3A_959 : i32
        %get3A_961 = arith.constant 7 : i32
        %get3A_962 = arith.constant 1 : i32
        %get3A_963 = arith.index_cast %get3A_961 : i32 to index
        %get3A_964 = arith.index_cast %get3A_962 : i32 to index
        %get3A_965 = arith.index_cast %add3A_960 : i32 to index
        %get3A_966 = arith.constant 0 : index
        %get3A_967 = tpu.vector_load %arg7[%get3A_963, %get3A_964, %get3A_965, %get3A_966] {strides = array<i32>} : memref<8x2x100x16xf32, #tpu.memory_space<vmem>>, vector<1x1x1x16xf32>,
        %get3A_968 = vector.shape_cast %get3A_967 : vector<1x1x1x16xf32> to vector<16xf32>
        %add3A_969 = arith.addf %scan3A_917, %get3A_968 : vector<16xf32>
        %add3A_970 = arith.constant 4 : i32
        %add3A_971 = arith.addi %mul3A_925, %add3A_970 : i32
        %get3A_972 = arith.constant 7 : i32
        %get3A_973 = arith.constant 1 : i32
        %get3A_974 = arith.index_cast %get3A_972 : i32 to index
        %get3A_975 = arith.index_cast %get3A_973 : i32 to index
        %get3A_976 = arith.index_cast %add3A_971 : i32 to index
        %get3A_977 = arith.constant 0 : index
        %get3A_978 = tpu.vector_load %arg7[%get3A_974, %get3A_975, %get3A_976, %get3A_977] {strides = array<i32>} : memref<8x2x100x16xf32, #tpu.memory_space<vmem>>, vector<1x1x1x16xf32>,
        %get3A_979 = vector.shape_cast %get3A_978 : vector<1x1x1x16xf32> to vector<16xf32>
        %add3A_980 = arith.addf %scan3A_918, %get3A_979 : vector<16xf32>
        %add3A_981 = arith.constant 5 : i32
        %add3A_982 = arith.addi %mul3A_925, %add3A_981 : i32
        %get3A_983 = arith.constant 7 : i32
        %get3A_984 = arith.constant 1 : i32
        %get3A_985 = arith.index_cast %get3A_983 : i32 to index
        %get3A_986 = arith.index_cast %get3A_984 : i32 to index
        %get3A_987 = arith.index_cast %add3A_982 : i32 to index
        %get3A_988 = arith.constant 0 : index
        %get3A_989 = tpu.vector_load %arg7[%get3A_985, %get3A_986, %get3A_987, %get3A_988] {strides = array<i32>} : memref<8x2x100x16xf32, #tpu.memory_space<vmem>>, vector<1x1x1x16xf32>,
        %get3A_990 = vector.shape_cast %get3A_989 : vector<1x1x1x16xf32> to vector<16xf32>
        %add3A_991 = arith.addf %scan3A_919, %get3A_990 : vector<16xf32>
        %add3A_992 = arith.constant 6 : i32
        %add3A_993 = arith.addi %mul3A_925, %add3A_992 : i32
        %get3A_994 = arith.constant 7 : i32
        %get3A_995 = arith.constant 1 : i32
        %get3A_996 = arith.index_cast %get3A_994 : i32 to index
        %get3A_997 = arith.index_cast %get3A_995 : i32 to index
        %get3A_998 = arith.index_cast %add3A_993 : i32 to index
        %get3A_999 = arith.constant 0 : index
        %get3A_1000 = tpu.vector_load %arg7[%get3A_996, %get3A_997, %get3A_998, %get3A_999] {strides = array<i32>} : memref<8x2x100x16xf32, #tpu.memory_space<vmem>>, vector<1x1x1x16xf32>,
        %get3A_1001 = vector.shape_cast %get3A_1000 : vector<1x1x1x16xf32> to vector<16xf32>
        %add3A_1002 = arith.addf %scan3A_920, %get3A_1001 : vector<16xf32>
        %add3A_1003 = arith.constant 7 : i32
        %add3A_1004 = arith.addi %mul3A_925, %add3A_1003 : i32
        %get3A_1005 = arith.constant 7 : i32
        %get3A_1006 = arith.constant 1 : i32
        %get3A_1007 = arith.index_cast %get3A_1005 : i32 to index
        %get3A_1008 = arith.index_cast %get3A_1006 : i32 to index
        %get3A_1009 = arith.index_cast %add3A_1004 : i32 to index
        %get3A_1010 = arith.constant 0 : index
        %get3A_1011 = tpu.vector_load %arg7[%get3A_1007, %get3A_1008, %get3A_1009, %get3A_1010] {strides = array<i32>} : memref<8x2x100x16xf32, #tpu.memory_space<vmem>>, vector<1x1x1x16xf32>,
        %get3A_1012 = vector.shape_cast %get3A_1011 : vector<1x1x1x16xf32> to vector<16xf32>
        %add3A_1013 = arith.addf %scan3A_921, %get3A_1012 : vector<16xf32>
        %add3A_1014 = arith.constant 8 : i32
        %add3A_1015 = arith.addi %mul3A_925, %add3A_1014 : i32
        %get3A_1016 = arith.constant 7 : i32
        %get3A_1017 = arith.constant 1 : i32
        %get3A_1018 = arith.index_cast %get3A_1016 : i32 to index
        %get3A_1019 = arith.index_cast %get3A_1017 : i32 to index
        %get3A_1020 = arith.index_cast %add3A_1015 : i32 to index
        %get3A_1021 = arith.constant 0 : index
        %get3A_1022 = tpu.vector_load %arg7[%get3A_1018, %get3A_1019, %get3A_1020, %get3A_1021] {strides = array<i32>} : memref<8x2x100x16xf32, #tpu.memory_space<vmem>>, vector<1x1x1x16xf32>,
        %get3A_1023 = vector.shape_cast %get3A_1022 : vector<1x1x1x16xf32> to vector<16xf32>
        %add3A_1024 = arith.addf %scan3A_922, %get3A_1023 : vector<16xf32>
        %add3A_1025 = arith.constant 9 : i32
        %add3A_1026 = arith.addi %mul3A_925, %add3A_1025 : i32
        %get3A_1027 = arith.constant 7 : i32
        %get3A_1028 = arith.constant 1 : i32
        %get3A_1029 = arith.index_cast %get3A_1027 : i32 to index
        %get3A_1030 = arith.index_cast %get3A_1028 : i32 to index
        %get3A_1031 = arith.index_cast %add3A_1026 : i32 to index
        %get3A_1032 = arith.constant 0 : index
        %get3A_1033 = tpu.vector_load %arg7[%get3A_1029, %get3A_1030, %get3A_1031, %get3A_1032] {strides = array<i32>} : memref<8x2x100x16xf32, #tpu.memory_space<vmem>>, vector<1x1x1x16xf32>,
        %get3A_1034 = vector.shape_cast %get3A_1033 : vector<1x1x1x16xf32> to vector<16xf32>
        %add3A_1035 = arith.addf %scan3A_923, %get3A_1034 : vector<16xf32>
        scf.yield %add3A_936, %add3A_947, %add3A_958, %add3A_969, %add3A_980, %add3A_991, %add3A_1002, %add3A_1013, %add3A_1024, %add3A_1035 : vector<16xf32>, vector<16xf32>, vector<16xf32>, vector<16xf32>, vector<16xf32>, vector<16xf32>, vector<16xf32>, vector<16xf32>, vector<16xf32>, vector<16xf32>
      }
      %scan3A_888 = arith.constant 10 : i32
      %add3A_889 = arith.constant 8 : i32
      %add3A_890 = arith.addi %add3A_830, %add3A_889 : i32
      %lt3A_891 = arith.constant 128 : i32
      %lt3A_892 = arith.cmpi slt, %add3A_890, %lt3A_891 : i32
      %convert_element_type3A_893 = arith.extui %lt3A_892 : i1 to i32
      %cond3A_894 = arith.constant 0 : i32
      %cond3A_895 = arith.cmpi ne, %convert_element_type3A_893, %cond3A_894 : i32
      scf.if %cond3A_895 {
        %add3A_913 = arith.constant 8 : i32
        %add3A_914 = arith.addi %add3A_830, %add3A_913 : i32
        %dma_start3A_915 = arith.constant 0 : i32
        %dma_start3A_916 = arith.constant 7 : i32
        %dma_start3A_917 = arith.constant 0 : i32
        %dma_start3A_918 = arith.constant 0 : i32
        %dma_start3A_919 = arith.constant 0 : i32
        %dma_start3A_920 = tpu.memref_slice %arg7[%dma_start3A_916, %dma_start3A_917, %dma_start3A_918, %dma_start3A_919] : memref<8x2x100x16xf32, #tpu.memory_space<vmem>> -> memref<1x1x100x16xf32, #tpu.memory_space<vmem>>
        %dma_start3A_921 = tpu.memref_squeeze %dma_start3A_920 : memref<1x1x100x16xf32, #tpu.memory_space<vmem>> -> memref<100x16xf32, #tpu.memory_space<vmem>>
        %dma_start3A_922 = arith.constant 0 : i32
        %dma_start3A_923 = tpu.memref_slice %arg6[%add3A_914, %dma_start3A_915, %dma_start3A_922] : memref<128x2x100xi32, #tpu.memory_space<vmem>> -> memref<1x1x100xi32, #tpu.memory_space<vmem>>
        %dma_start3A_924 = tpu.memref_squeeze %dma_start3A_923 : memref<1x1x100xi32, #tpu.memory_space<vmem>> -> memref<100xi32, #tpu.memory_space<vmem>>
        %dma_start3A_925 = arith.constant 0 : i32
        %dma_start3A_926 = arith.constant 0 : i32
        %dma_start3A_927 = tpu.memref_slice %arg3[%dma_start3A_925, %dma_start3A_926] : memref<1015808x16xf32, #tpu.memory_space<hbm>> -> memref<1015808x16xf32, #tpu.memory_space<hbm>>
        tpu.enqueue_indirect_dma source(%dma_start3A_927 : memref<1015808x16xf32, #tpu.memory_space<hbm>>) target(%dma_start3A_921 : memref<100x16xf32, #tpu.memory_space<vmem>>) offsets(%dma_start3A_924 : memref<100xi32, #tpu.memory_space<vmem>>) semaphore(%arg17 : memref<!tpu.dma_semaphore, #tpu.memory_space<semaphore_mem>>)
        %dma_start3A_928 = arith.constant 1 : i32
        %dma_start3A_929 = arith.constant 7 : i32
        %dma_start3A_930 = arith.constant 1 : i32
        %dma_start3A_931 = arith.constant 0 : i32
        %dma_start3A_932 = arith.constant 0 : i32
        %dma_start3A_933 = tpu.memref_slice %arg7[%dma_start3A_929, %dma_start3A_930, %dma_start3A_931, %dma_start3A_932] : memref<8x2x100x16xf32, #tpu.memory_space<vmem>> -> memref<1x1x100x16xf32, #tpu.memory_space<vmem>>
        %dma_start3A_934 = tpu.memref_squeeze %dma_start3A_933 : memref<1x1x100x16xf32, #tpu.memory_space<vmem>> -> memref<100x16xf32, #tpu.memory_space<vmem>>
        %dma_start3A_935 = arith.constant 0 : i32
        %dma_start3A_936 = tpu.memref_slice %arg6[%add3A_914, %dma_start3A_928, %dma_start3A_935] : memref<128x2x100xi32, #tpu.memory_space<vmem>> -> memref<1x1x100xi32, #tpu.memory_space<vmem>>
        %dma_start3A_937 = tpu.memref_squeeze %dma_start3A_936 : memref<1x1x100xi32, #tpu.memory_space<vmem>> -> memref<100xi32, #tpu.memory_space<vmem>>
        %dma_start3A_938 = arith.constant 0 : i32
        %dma_start3A_939 = arith.constant 0 : i32
        %dma_start3A_940 = tpu.memref_slice %arg3[%dma_start3A_938, %dma_start3A_939] : memref<1015808x16xf32, #tpu.memory_space<hbm>> -> memref<1015808x16xf32, #tpu.memory_space<hbm>>
        tpu.enqueue_indirect_dma source(%dma_start3A_940 : memref<1015808x16xf32, #tpu.memory_space<hbm>>) target(%dma_start3A_934 : memref<100x16xf32, #tpu.memory_space<vmem>>) offsets(%dma_start3A_937 : memref<100xi32, #tpu.memory_space<vmem>>) semaphore(%arg17 : memref<!tpu.dma_semaphore, #tpu.memory_space<semaphore_mem>>)
      } else {
      }
      %add3A_896 = arith.addf %scan3A_887#0, %scan3A_887#1 : vector<16xf32>
      %add3A_897 = arith.addf %scan3A_887#2, %scan3A_887#3 : vector<16xf32>
      %add3A_898 = arith.addf %scan3A_887#4, %scan3A_887#5 : vector<16xf32>
      %add3A_899 = arith.addf %scan3A_887#6, %scan3A_887#7 : vector<16xf32>
      %add3A_900 = arith.addf %scan3A_887#8, %scan3A_887#9 : vector<16xf32>
      %add3A_901 = arith.addf %add3A_896, %add3A_897 : vector<16xf32>
      %add3A_902 = arith.addf %add3A_898, %add3A_899 : vector<16xf32>
      %add3A_903 = arith.addf %add3A_901, %add3A_902 : vector<16xf32>
      %add3A_904 = arith.addf %add3A_903, %add3A_900 : vector<16xf32>
      %mul3A_905 = arith.mulf %add3A_904, %broadcast_in_dim3A_226 : vector<16xf32>
      %add3A_906 = arith.addf %mul3A_905, %get3A_228 : vector<16xf32>
      %swap3A_907 = arith.index_cast %add3A_830 : i32 to index
      %swap3A_908 = arith.constant 0 : index
      %swap3A_909 = tpu.vector_load %arg8[%swap3A_907, %swap3A_908] {strides = array<i32>} : memref<128x16xf32, #tpu.memory_space<vmem>>, vector<1x16xf32>,
      %swap3A_910 = vector.shape_cast %swap3A_909 : vector<1x16xf32> to vector<16xf32>
      %swap3A_911 = vector.shape_cast %add3A_906 : vector<16xf32> to vector<1x16xf32>
      tpu.vector_store %arg8[%swap3A_907, %swap3A_908], %swap3A_911 {strides = array<i32>} : memref<128x16xf32, #tpu.memory_space<vmem>>, vector<1x16xf32>,
      %scan3A_912 = arith.constant 0 : i32
      scf.yield %scan3A_912 : i32
    }
    %scan3A_234 = arith.constant 16 : i32
    "tpu.region"() ({
      %run_scoped3A = tpu.sem_alloc : memref<!tpu.dma_semaphore, #tpu.memory_space<semaphore_mem>>
      %dma_start3A_235 = arith.constant 0 : i32
      %dma_start3A_236 = tpu.memref_slice %arg5[%mul3A_2, %dma_start3A_235] : memref<4096x16xf32, #tpu.memory_space<hbm>> -> memref<128x16xf32, #tpu.memory_space<hbm>>
      %dma_start3A_237 = arith.constant 0 : i32
      %dma_start3A_238 = tpu.memref_slice %arg5[%mul3A_2, %dma_start3A_237] : memref<4096x16xf32, #tpu.memory_space<hbm>> -> memref<128x16xf32, #tpu.memory_space<hbm>>
      tpu.enqueue_dma source(%arg8 : memref<128x16xf32, #tpu.memory_space<vmem>>) target(%dma_start3A_238 : memref<128x16xf32, #tpu.memory_space<hbm>>) target_semaphore(%run_scoped3A : memref<!tpu.dma_semaphore, #tpu.memory_space<semaphore_mem>>)
      %dma_wait3A = arith.constant 0 : i32
      %dma_wait3A_239 = tpu.memref_slice %arg5[%mul3A_2, %dma_wait3A] : memref<4096x16xf32, #tpu.memory_space<hbm>> -> memref<128x16xf32, #tpu.memory_space<hbm>>
      %dma_wait3A_240 = arith.constant 0 : i32
      %dma_wait3A_241 = tpu.memref_slice %arg5[%mul3A_2, %dma_wait3A_240] : memref<4096x16xf32, #tpu.memory_space<hbm>> -> memref<128x16xf32, #tpu.memory_space<hbm>>
      tpu.wait_dma2 semaphore(%run_scoped3A : memref<!tpu.dma_semaphore, #tpu.memory_space<semaphore_mem>>) src(%arg8 : memref<128x16xf32, #tpu.memory_space<vmem>>) dst(%dma_wait3A_241 : memref<128x16xf32, #tpu.memory_space<hbm>>)
      tpu.yield
    }) : () -> ()
    return
  }
}

module attributes {stable_mosaic.version = 14 : i64} {
  func.func @_matmul_kernel(%arg0: i32, %arg1: memref<64x32768xf32, #tpu.memory_space<vmem>>, %arg2: memref<512x128xf32, #tpu.memory_space<vmem>>, %arg3: memref<4096x128xf32, #tpu.memory_space<vmem>>) attributes {dimension_semantics = [#tpu.dimension_semantics<arbitrary>], iteration_bounds = array<i64: 31>, scalar_prefetch = 0 : i64, scratch_operands = 0 : i64, tpu.core_type = #tpu.core_type<tc>, window_params = [{transform_indices = @transform_0, window_bounds = array<i64: 64, 32768>}, {pipeline_mode = #tpu.pipeline_mode<synchronous>, transform_indices = @transform_1, window_bounds = array<i64: 512, 128>}, {transform_indices = @transform_2, window_bounds = array<i64: 4096, 128>}]} {
    %get3A = arith.constant 0 : index
    %get3A_0 = arith.constant 0 : index
    %get3A_1 = vector.load %arg1[%get3A, %get3A_0] : memref<64x32768xf32, #tpu.memory_space<vmem>>, vector<64x4096xf32>
    %get3A_2 = arith.constant 0 : index
    %get3A_3 = arith.constant 0 : index
    %get3A_4 = vector.load %arg2[%get3A_2, %get3A_3] : memref<512x128xf32, #tpu.memory_space<vmem>>, vector<64x128xf32>
    %dot_general3A = arith.constant dense<0.000000e+00> : vector<4096x128xf32>
    %dot_general3A_5 = tpu.matmul %get3A_1, %get3A_4, %dot_general3A {dimension_numbers = #tpu.dot_dimension_numbers<[0], [0], [1], [1], [0, 1, 1, 1], [], []>, transpose_lhs_hint = false} : vector<64x4096xf32>, vector<64x128xf32>, vector<4096x128xf32> -> vector<4096x128xf32>
    %get3A_6 = arith.constant 0 : index
    %get3A_7 = arith.constant 4096 : index
    %get3A_8 = vector.load %arg1[%get3A_6, %get3A_7] : memref<64x32768xf32, #tpu.memory_space<vmem>>, vector<64x4096xf32>
    %get3A_9 = arith.constant 64 : index
    %get3A_10 = arith.constant 0 : index
    %get3A_11 = vector.load %arg2[%get3A_9, %get3A_10] : memref<512x128xf32, #tpu.memory_space<vmem>>, vector<64x128xf32>
    %dot_general3A_12 = arith.constant dense<0.000000e+00> : vector<4096x128xf32>
    %dot_general3A_13 = tpu.matmul %get3A_8, %get3A_11, %dot_general3A_12 {dimension_numbers = #tpu.dot_dimension_numbers<[0], [0], [1], [1], [0, 1, 1, 1], [], []>, transpose_lhs_hint = false} : vector<64x4096xf32>, vector<64x128xf32>, vector<4096x128xf32> -> vector<4096x128xf32>
    %add3A = arith.addf %dot_general3A_5, %dot_general3A_13 : vector<4096x128xf32>
    %get3A_14 = arith.constant 0 : index
    %get3A_15 = arith.constant 8192 : index
    %get3A_16 = vector.load %arg1[%get3A_14, %get3A_15] : memref<64x32768xf32, #tpu.memory_space<vmem>>, vector<64x4096xf32>
    %get3A_17 = arith.constant 128 : index
    %get3A_18 = arith.constant 0 : index
    %get3A_19 = vector.load %arg2[%get3A_17, %get3A_18] : memref<512x128xf32, #tpu.memory_space<vmem>>, vector<64x128xf32>
    %dot_general3A_20 = arith.constant dense<0.000000e+00> : vector<4096x128xf32>
    %dot_general3A_21 = tpu.matmul %get3A_16, %get3A_19, %dot_general3A_20 {dimension_numbers = #tpu.dot_dimension_numbers<[0], [0], [1], [1], [0, 1, 1, 1], [], []>, transpose_lhs_hint = false} : vector<64x4096xf32>, vector<64x128xf32>, vector<4096x128xf32> -> vector<4096x128xf32>
    %add3A_22 = arith.addf %add3A, %dot_general3A_21 : vector<4096x128xf32>
    %get3A_23 = arith.constant 0 : index
    %get3A_24 = arith.constant 12288 : index
    %get3A_25 = vector.load %arg1[%get3A_23, %get3A_24] : memref<64x32768xf32, #tpu.memory_space<vmem>>, vector<64x4096xf32>
    %get3A_26 = arith.constant 192 : index
    %get3A_27 = arith.constant 0 : index
    %get3A_28 = vector.load %arg2[%get3A_26, %get3A_27] : memref<512x128xf32, #tpu.memory_space<vmem>>, vector<64x128xf32>
    %dot_general3A_29 = arith.constant dense<0.000000e+00> : vector<4096x128xf32>
    %dot_general3A_30 = tpu.matmul %get3A_25, %get3A_28, %dot_general3A_29 {dimension_numbers = #tpu.dot_dimension_numbers<[0], [0], [1], [1], [0, 1, 1, 1], [], []>, transpose_lhs_hint = false} : vector<64x4096xf32>, vector<64x128xf32>, vector<4096x128xf32> -> vector<4096x128xf32>
    %add3A_31 = arith.addf %add3A_22, %dot_general3A_30 : vector<4096x128xf32>
    %get3A_32 = arith.constant 0 : index
    %get3A_33 = arith.constant 16384 : index
    %get3A_34 = vector.load %arg1[%get3A_32, %get3A_33] : memref<64x32768xf32, #tpu.memory_space<vmem>>, vector<64x4096xf32>
    %get3A_35 = arith.constant 256 : index
    %get3A_36 = arith.constant 0 : index
    %get3A_37 = vector.load %arg2[%get3A_35, %get3A_36] : memref<512x128xf32, #tpu.memory_space<vmem>>, vector<64x128xf32>
    %dot_general3A_38 = arith.constant dense<0.000000e+00> : vector<4096x128xf32>
    %dot_general3A_39 = tpu.matmul %get3A_34, %get3A_37, %dot_general3A_38 {dimension_numbers = #tpu.dot_dimension_numbers<[0], [0], [1], [1], [0, 1, 1, 1], [], []>, transpose_lhs_hint = false} : vector<64x4096xf32>, vector<64x128xf32>, vector<4096x128xf32> -> vector<4096x128xf32>
    %add3A_40 = arith.addf %add3A_31, %dot_general3A_39 : vector<4096x128xf32>
    %get3A_41 = arith.constant 0 : index
    %get3A_42 = arith.constant 20480 : index
    %get3A_43 = vector.load %arg1[%get3A_41, %get3A_42] : memref<64x32768xf32, #tpu.memory_space<vmem>>, vector<64x4096xf32>
    %get3A_44 = arith.constant 320 : index
    %get3A_45 = arith.constant 0 : index
    %get3A_46 = vector.load %arg2[%get3A_44, %get3A_45] : memref<512x128xf32, #tpu.memory_space<vmem>>, vector<64x128xf32>
    %dot_general3A_47 = arith.constant dense<0.000000e+00> : vector<4096x128xf32>
    %dot_general3A_48 = tpu.matmul %get3A_43, %get3A_46, %dot_general3A_47 {dimension_numbers = #tpu.dot_dimension_numbers<[0], [0], [1], [1], [0, 1, 1, 1], [], []>, transpose_lhs_hint = false} : vector<64x4096xf32>, vector<64x128xf32>, vector<4096x128xf32> -> vector<4096x128xf32>
    %add3A_49 = arith.addf %add3A_40, %dot_general3A_48 : vector<4096x128xf32>
    %get3A_50 = arith.constant 0 : index
    %get3A_51 = arith.constant 24576 : index
    %get3A_52 = vector.load %arg1[%get3A_50, %get3A_51] : memref<64x32768xf32, #tpu.memory_space<vmem>>, vector<64x4096xf32>
    %get3A_53 = arith.constant 384 : index
    %get3A_54 = arith.constant 0 : index
    %get3A_55 = vector.load %arg2[%get3A_53, %get3A_54] : memref<512x128xf32, #tpu.memory_space<vmem>>, vector<64x128xf32>
    %dot_general3A_56 = arith.constant dense<0.000000e+00> : vector<4096x128xf32>
    %dot_general3A_57 = tpu.matmul %get3A_52, %get3A_55, %dot_general3A_56 {dimension_numbers = #tpu.dot_dimension_numbers<[0], [0], [1], [1], [0, 1, 1, 1], [], []>, transpose_lhs_hint = false} : vector<64x4096xf32>, vector<64x128xf32>, vector<4096x128xf32> -> vector<4096x128xf32>
    %add3A_58 = arith.addf %add3A_49, %dot_general3A_57 : vector<4096x128xf32>
    %get3A_59 = arith.constant 0 : index
    %get3A_60 = arith.constant 28672 : index
    %get3A_61 = vector.load %arg1[%get3A_59, %get3A_60] : memref<64x32768xf32, #tpu.memory_space<vmem>>, vector<64x4096xf32>
    %get3A_62 = arith.constant 448 : index
    %get3A_63 = arith.constant 0 : index
    %get3A_64 = vector.load %arg2[%get3A_62, %get3A_63] : memref<512x128xf32, #tpu.memory_space<vmem>>, vector<64x128xf32>
    %dot_general3A_65 = arith.constant dense<0.000000e+00> : vector<4096x128xf32>
    %dot_general3A_66 = tpu.matmul %get3A_61, %get3A_64, %dot_general3A_65 {dimension_numbers = #tpu.dot_dimension_numbers<[0], [0], [1], [1], [0, 1, 1, 1], [], []>, transpose_lhs_hint = false} : vector<64x4096xf32>, vector<64x128xf32>, vector<4096x128xf32> -> vector<4096x128xf32>
    %add3A_67 = arith.addf %add3A_58, %dot_general3A_66 : vector<4096x128xf32>
    %swap3A = arith.constant 0 : index
    %swap3A_68 = arith.constant 0 : index
    %swap3A_69 = vector.load %arg3[%swap3A, %swap3A_68] : memref<4096x128xf32, #tpu.memory_space<vmem>>, vector<4096x128xf32>
    tpu.vector_store %arg3[%swap3A, %swap3A_68], %add3A_67 {strides = array<i32>} : memref<4096x128xf32, #tpu.memory_space<vmem>>, vector<4096x128xf32>,
    return
  }
  func.func @transform_0(%arg0: i32) -> (i32, i32) {
    %c0_i32 = arith.constant 0 : i32
    %c0_i32_0 = arith.constant 0 : i32
    return %c0_i32, %arg0 : i32, i32
  }
  func.func @transform_1(%arg0: i32) -> (i32, i32) {
    %c0_i32 = arith.constant 0 : i32
    %c0_i32_0 = arith.constant 0 : i32
    %c0_i32_1 = arith.constant 0 : i32
    return %c0_i32, %c0_i32_0 : i32, i32
  }
  func.func @transform_2(%arg0: i32) -> (i32, i32) {
    %c0_i32 = arith.constant 0 : i32
    %c0_i32_0 = arith.constant 0 : i32
    return %arg0, %c0_i32 : i32, i32
  }
}

</mosaic_0001>

<sc_bundles>
// kernel: kernel.4.cloned.1.call-start
scs
__scs_entry_jumppad:
0x0: {  	(pc) =	sbr.rel $0x88, $3  }
0x1: {  	(tag) =	ssettag $0x0;
	lr =	simm.s32 $0x1  }
0x2: {  	[smem:$0x3F9D] =	sst lr;
	_ =	strace $0xD0000000  }
0x3: {  	_ = 	snop  }
0x4: {  	_ = 	snop  }
0x5: {  	_ = 	snop  }
0x6: {  	_ = 	snop  }
0x7: {  	_ = 	snop  }
__scs_overlays_trampoline_lowered:
0x8: {  	[smem:$0x3FAC] =	sst s0  }
0x9: {  	[smem:$0x3FAD] =	sst s1  }
0xa: {  	[smem:$0x3FAE] =	sst s2  }
0xb: {  	[smem:$0x3FAF] =	sst s3  }
0xc: {  	[smem:$0x3FB0] =	sst s4  }
0xd: {  	[smem:$0x3FB1] =	sst s5  }
0xe: {  	[smem:$0x3FB2] =	sst s6  }
0xf: {  	[smem:$0x3FB3] =	sst s7  }
0x10: {  	[smem:$0x3FB4] =	sst s8  }
0x11: {  	[smem:$0x3FB5] =	sst s9;
	s0 =	simm.s32 @!p0 $0x0  }
0x12: {  	s1 =	sld [smem:$0x3F9B];
	s0 =	simm.s32 @p0 $0x1  }
0x13: {  	[smem:$0x3FB6] =	sst s0;
	s0 =	simm.s32 @!p1 $0x0  }
0x14: {  	s2 =	sld [smem:$0x3F9A];
	s0 =	simm.s32 @p1 $0x1  }
0x15: {  	[smem:$0x3FB7] =	sst s0;
	s0 =	simm.s32 @!p2 $0x0  }
0x16: {  	s3 =	sld [smem:$0x3FDB];
	s0 =	simm.s32 @p2 $0x1  }
0x17: {  	s4 =	simm.s32 $0x1BF5;
	[smem:$0x3FB9] =	sst s0  }
0x18: {  	s0 =	sld [smem:$0x3F9C];
	_ =	swait.ge [sflag:s4], $0x0  }
0x19: {  	s7 =	sld [smem:$0x3F9D]  }
0x1a: {  	s8 =	sadd.s32 $0xFFFFE003, lr  }
0x1b: {  	s9 =	sadd.s32 $0xFFFFFEF7, lr;
	s5 =	simm.s32 $0xFFFFFFFF;
	p2 =	slt.u32 s8, $0xFFFFF086  }
0x1c: {  	p1 =	slt.u32 s9, $0xF7A;
	s5 =	simm.s32 @!p2 $0x0  }
0x1d: {  	s5 =	simm.s32 @p1 $0x1;
	p0 =	seq.s32 s7, s2  }
0x1e: {  	s7 =	smul.u32 @!p0 $0xF7A, s2;
	p2 =	seq.s32 @!p0 s5, $0x0  }
0x1f: {  	s9 =	smul.u32 $0xF7A, s1;
	s8 =	simm.s32 @!p0 $0x1BF5;
	p2 =	por !p2, p0  }
0x20: {  	[sflag:s8] =	ssyncset.s32 @!p0 $0xFFFFF086;
	s6 =	sadd.s32 @!p0 s3, s7;
	s7 =	simm.s32 @!p0 $0x108  }
0x21: {  	s3 =	sadd.s32 s3, s9;
	s6 =	sadd.s32 @!p0 $0x88, s6;
	s7 =	simm.s32 @p2 $0x1082  }
0x22: {  	[simem:s7], [sflag:s8] =	dma.local @!p0 [hbm:s6], $0xF7A  }
0x23: {  	s9 =	sor.u32 $0xD0000000, s2;
	s6 =	simm.s32 $0x108;
	_ =	swait.ge @!p0 [sflag:s8], $0x0  }
0x24: {  	s3 =	sadd.s32 $0x88, s3;
	s6 =	simm.s32 @!p1 $0x1082;
	[sflag:s4] =	ssyncset.s32 $0xFFFFF086  }
0x25: {  	[simem:s6], [sflag:s4] =	dma.local [hbm:s3], $0xF7A  }
0x26: {  	[smem:$0x3F9D] =	sst s1;
	(tag) =	ssettag s2;
	_ =	strace s9  }
0x27: {  	s1 =	sld [smem:$0x3FAD]  }
0x28: {  	s2 =	sld [smem:$0x3FAE]  }
0x29: {  	s4 =	sld [smem:$0x3FB0]  }
0x2a: {  	p0 =	seq.s32 s5, $0x0;
	s5 =	sld [smem:$0x3FB1]  }
0x2b: {  	s6 =	sld [smem:$0x3FB2]  }
0x2c: {  	s7 =	sld [smem:$0x3FB3]  }
0x2d: {  	s3 =	simm.s32 $0x108;
	s8 =	sld [smem:$0x3FB4]  }
0x2e: {  	s3 =	simm.s32 @!p0 $0x1082;
	s9 =	sld [smem:$0x3FB5]  }
0x2f: {  	lr =	sadd.s32 s0, s3;
	s0 =	sld [smem:$0x3FAC]  }
0x30: {  	s3 =	sld [smem:$0x3FAF]  }
0x31: {  	[smem:$0x3FB8] =	sst s10  }
0x32: {  	s10 =	sld [smem:$0x3FB6];
	_ =	sdelay $0x3  }
0x33: {  	p0 =	seq.s32 s10, $0x1;
	s10 =	sld [smem:$0x3FB8];
	_ =	sdelay $0x3  }
0x34: {  	[smem:$0x3FB8] =	sst s10  }
0x35: {  	s10 =	sld [smem:$0x3FB7];
	_ =	sdelay $0x3  }
0x36: {  	p1 =	seq.s32 s10, $0x1;
	s10 =	sld [smem:$0x3FB8];
	_ =	sdelay $0x3  }
0x37: {  	[smem:$0x3FB8] =	sst s10  }
0x38: {  	s10 =	sld [smem:$0x3FB9]  }
0x39: {  	_ = 	snop;
	(pc) =	sbr.ind lr, $3  }
0x3a: {  	_ = 	snop  }
0x3b: {  	_ = 	snop  }
0x3c: {  	p2 =	seq.s32 s10, $0x1;
	s10 =	sld [smem:$0x3FB8]  }
0x3d: {  	_ =	shalt  }
0x3e: {  	_ =	shalt  }
0x3f: {  	_ =	shalt  }
0x40: {  	_ =	shalt  }
0x41: {  	_ =	shalt  }
0x42: {  	_ =	shalt  }
0x43: {  	_ =	shalt  }
0x44: {  	_ =	shalt  }
0x45: {  	_ =	shalt  }
0x46: {  	_ =	shalt  }
0x47: {  	_ =	shalt  }
0x48: {  	_ =	shalt  }
0x49: {  	_ =	shalt  }
0x4a: {  	_ =	shalt  }
0x4b: {  	_ =	shalt  }
0x4c: {  	_ =	shalt  }
0x4d: {  	_ =	shalt  }
0x4e: {  	_ =	shalt  }
0x4f: {  	_ =	shalt  }
0x50: {  	_ =	shalt  }
0x51: {  	_ =	shalt  }
0x52: {  	_ =	shalt  }
0x53: {  	_ =	shalt  }
0x54: {  	_ =	shalt  }
0x55: {  	_ =	shalt  }
0x56: {  	_ =	shalt  }
0x57: {  	_ =	shalt  }
0x58: {  	_ =	shalt  }
0x59: {  	_ =	shalt  }
0x5a: {  	_ =	shalt  }
0x5b: {  	_ =	shalt  }
0x5c: {  	_ =	shalt  }
0x5d: {  	_ =	shalt  }
0x5e: {  	_ =	shalt  }
0x5f: {  	_ =	shalt  }
0x60: {  	_ =	shalt  }
0x61: {  	_ =	shalt  }
0x62: {  	_ =	shalt  }
0x63: {  	_ =	shalt  }
0x64: {  	_ =	shalt  }
0x65: {  	_ =	shalt  }
0x66: {  	_ =	shalt  }
0x67: {  	_ =	shalt  }
0x68: {  	_ =	shalt  }
0x69: {  	_ =	shalt  }
0x6a: {  	_ =	shalt  }
0x6b: {  	_ =	shalt  }
0x6c: {  	_ =	shalt  }
0x6d: {  	_ =	shalt  }
0x6e: {  	_ =	shalt  }
0x6f: {  	_ =	shalt  }
0x70: {  	_ =	shalt  }
0x71: {  	_ =	shalt  }
0x72: {  	_ =	shalt  }
0x73: {  	_ =	shalt  }
0x74: {  	_ =	shalt  }
0x75: {  	_ =	shalt  }
0x76: {  	_ =	shalt  }
0x77: {  	_ =	shalt  }
0x78: {  	_ =	shalt  }
0x79: {  	_ =	shalt  }
0x7a: {  	_ =	shalt  }
0x7b: {  	_ =	shalt  }
0x7c: {  	_ =	shalt  }
0x7d: {  	_ =	shalt  }
0x7e: {  	_ =	shalt  }
0x7f: {  	_ =	shalt  }
0x80: {  	_ =	shalt  }
0x81: {  	_ =	shalt  }
0x82: {  	_ =	shalt  }
0x83: {  	_ =	shalt  }
0x84: {  	_ =	shalt  }
0x85: {  	_ =	shalt  }
0x86: {  	_ =	shalt  }
0x87: {  	_ =	shalt  }
.Lfunc_end0:
.L_simem_size_0:
called_computation_lowered:
.L_overlay_start_0:
0x88: {  	s2 =	sld [smem:$0x3FD9]  }
0x89: {  	s3 =	sld [smem:$0x3FFE];
	_ =	sdelay $0x1  }
0x8a: {  	s1 =	srdreg.scid  }
0x8b: {  	s0 =	sand.u32 $0x1, s1  }
0x8c: {  	s17 =	sshll.u32 s0, $0xA;
	s2 =	sadd.s32 s3, s2  }
0x8d: {  	s2 =	sadd.s32 s2, s17  }
0x8e: {  	[smem:$0x3FC4] =	sst s2  }
0x8f: {  	_ = 	snop  }
0x90: {  	s2 =	sld [smem:$0x3FC6]  }
0x91: {  	s18 =	sld [smem:$0x3FD0];
	(tm) =	ssettm $0x1  }
0x92: {  	s4 =	sld [smem:$0x3FFB];
	_ =	sdelay $0x3  }
0x93: {  	_ =	strace s4  }
0x94: {  	s4 =	sld [smem:$0x3FFC];
	_ =	sdelay $0x3  }
0x95: {  	_ =	strace s4  }
0x96: {  	s4 =	sld [smem:$0x3FFD];
	_ =	sdelay $0x3  }
0x97: {  	_ =	strace s4  }
0x98: {  	_ =	strace $0x8FFFFFFF  }
0x99: {  	s19 =	sld [smem:$0x3FDB];
	_ =	sdelay $0x1  }
0x9a: {  	s5 =	simm.s32 $_scs_section_size  }
0x9b: {  	s6 =	simm.s32 $_size__tile_overlayer_lowered;
	s7 =	simm.s32 $_tile_overlayer_lowered  }
0x9c: {  	s22 =	simm.s32 $0x1BFF;
	s21 =	sshll.u32 s7, $0x1;
	s4 =	sadd.s32 s5, s19  }
0x9d: {  	s8 =	simm.s32 $0x0;
	s20 =	sshll.u32 s6, $0x1;
	s6 =	sadd.s32 s21, s4  }
0x9e: {  	[timem:s8], [sflag:s22] =	dma.local [hbm:s6], s20  }
0x9f: {  	_ =	swait.ge [sflag:s22], s20  }
0xa0: {  	s5 =	ssub.s32 $0x0, s20;
	[sflag:s22] =	ssyncset.done $0x0  }
0xa1: {  	[sflag:s22] =	ssyncadd.s32 s5;
	_ =	sdelay $0x1  }
0xa2: {  	s23 =	simm.s32 $0x1B8B  }
0xa3: {  	_ =	swait.ge [sflag:s23], $0x1  }
0xa4: {  	[sflag:s23] =	ssyncset.done $0x0  }
0xa5: {  	s25 =	simm.s32 $0x1B8E;
	s24 =	sld [smem:$0x3FFE];
	[sflag:s23] =	ssyncadd.s32 $0xFFFFFFFF  }
0xa6: {  	s26 =	simm.s32 $execute0_lowered;
	[smem:$0x3FD2] =	sst s25  }
0xa7: {  	s6 =	sshll.u32 s26, $0x1;
	_ =	strace $0x80000046;
	[dreg:$0x1] =	wrdreg $0xFFFFFFFF  }
0xa8: {  	s28 =	simm.s32 $_size_execute0_lowered;
	s4 =	sadd.s32 s4, s6;
	[dreg:$0x0] =	wrdreg $0x0  }
0xa9: {  	s6 =	sshll.u32 s28, $0x1;
	[dreg:$0x2] =	wrdreg s4  }
0xaa: {  	[dreg:$0x3] =	wrdreg s6  }
0xab: {  	[dreg:$0x4] =	wrdreg $0xC0  }
0xac: {  	_ =	task [dreg:s8], $0x5FFFF  }
0xad: {  	[dreg:$0x1] =	wrdreg $0xFFFFFFFF  }
0xae: {  	[dreg:$0x0] =	wrdreg $0x60  }
0xaf: {  	[dreg:$0x2] =	wrdreg s24  }
0xb0: {  	[dreg:$0x3] =	wrdreg s2  }
0xb1: {  	[dreg:$0x4] =	wrdreg s18  }
0xb2: {  	[dreg:$0x5] =	wrdreg $0x9  }
0xb3: {  	_ =	task.clear_ibuf [dreg:s8], $0x6FFFF;
	_ =	strace $0x90000046  }
0xb4: {  	s29 =	simm.s32 $0x9;
	_ =	strace $0x80000048  }
0xb5: {  	_ =	swait.ge [sflag:s29], $0x1  }
0xb6: {  	[sflag:s29] =	ssyncadd.s32 $0xFFFFFFFF  }
0xb7: {  	_ =	strace $0x90000048  }
0xb8: {  	_ =	sfence  }
0xb9: {  	s30 =	sld [smem:$0x0];
	_ =	sdelay $0x2  }
0xba: {  	s31 =	sshll.u32 s1, $0xD;
	s1 =	sshrl.u32 s1, $0x2  }
0xbb: {  	s3 =	sand.u32 $0x4000, s31;
	s1 =	sadd.s32 s1, s30  }
0xbc: {  	s0 =	sor.u32 s3, s0;
	s1 =	sshll.u32 s1, $0x11  }
0xbd: {  	s0 =	sor.u32 s1, s0  }
0xbe: {  	s0 =	sadd.s32 $0x8F2B, s0  }
0xbf: {  	[sflag:s0] =	ssyncadd.remote.s32 $0x1  }
0xc0: {  	_ =	sfence.sel $0xFFFF  }
0xc1: {  	[dreg:$0x0] =	wrdreg $0xFFFFFFFF;
	(pc) =	sbr.abs _section_cstart, $3  }
0xc2: {  	[dreg:$0x1] =	wrdreg $0xFFFFFFFF  }
0xc3: {  	_ =	task.clear_ibuf [dreg:s8], $0x2FFFF;
	_ =	strace $0x9FFFFFFF  }
0xc4: {  	(tm) =	ssettm $0x7FFFFFFF  }
0xc5: {  	_ =	shalt  }
tec
execute0_lowered:
.L_overlay_start_1:
0x0: {  	(tag) =	ssettag $0x1  }
0x1: {  	s0 =	srdreg.scid;
	s1 =	rddreg [dreg:$0x0]  }
0x2: {  	s2 =	stileid.u32;
	s6 =	rddreg [dreg:$0x2];
	s8 =	simm.s32 $0x9  }
0x3: {  	s10 =	simm.s32 $0x64;
	s9 =	simm.s32 $0x4E0;
	s11 =	simm.s32 $0xB300  }
0x4: {  	s12 =	simm.s32 $0x548;
	s13 =	simm.s32 $0xB940;
	s14 =	simm.s32 $0x5B0  }
0x5: {  	s15 =	simm.s32 $0xBF80;
	s16 =	simm.s32 $0x618;
	s17 =	simm.s32 $0xC5C0  }
0x6: {  	s18 =	simm.s32 $0x1;
	s19 =	simm.s32 $0x2;
	s20 =	simm.s32 $0x3  }
0x7: {  	s21 =	simm.s32 $0x4;
	s22 =	simm.s32 $0x5;
	s23 =	simm.s32 $0x6  }
0x8: {  	s24 =	simm.s32 $0x7;
	s25 =	simm.s32 $0x8;
	s0 =	sand.u32 $0x1, s0  }
0x9: {  	s26 =	simm.s32 $0xCC00;
	s2 =	sshll.u32 s2, $0x8;
	s3 =	sshll.u32 s0, $0x7  }
0xa: {  	s28 =	simm.s32 $0x0;
	s0 =	ssub.s32 $0x2, s0;
	s2 =	sor.u32 s3, s2  }
0xb: {  	s3 =	simm.s32 $0x0;
	s31 =	sshrl.u32 s0, $0x1;
	s4 =	smul.u32 $0x1A, s2  }
0xc: {  	[smem:$0x7FF] =	sst s3;
	s2 =	sshll.u32 s2, $0x1;
	s0 =	ssub.s32 s0, s31  }
0xd: {  	_ =	strace $0x80000047;
	s6 =	sadd.s32 s6, s2;
	s5 =	sadd.s32 s4, s1  }
0xe: {  	s7 =	smax.u32 s0, $0x1;
	s4 =	sadd.s32 $0x1A400, s1;
	s5 =	sadd.s32 $0x400, s5  }
.LBB2_1:
0xf: {  	[tilespmem:s3], [sflag:$0x9] =	stream.linear.gather [hbm4b:s5+s3], $0x6800, $0x38;
	[tilespmem:$0xD410] =	vst v63  }
0x10: {  	_ =	swait.ge [sflag:s8], $0x6800  }
0x11: {  	[sflag:s8] =	ssyncset.done $0x0  }
0x12: {  	[sflag:s8] =	ssyncadd.s32 $0xFFFF9800  }
0x13: {  	s1 =	simm.s32 $0xD400;
	s0 =	rddreg [dreg:$0x1]  }
0x14: {  	[tilespmem:s1], [sflag:$0x9] =	stream.linear.gather [hbm4b:s0+s3], $0x10, $0x38;
	[tilespmem:$0xD410] =	vst v63  }
0x15: {  	_ =	swait.ge [sflag:s8], $0x10  }
0x16: {  	[sflag:s8] =	ssyncset.done $0x0  }
0x17: {  	s2 =	simm.s32 $0x6800;
	[sflag:s8] =	ssyncadd.s32 $0xFFFFFFF0  }
0x18: {  	[tilespmem:s2], [sflag:$0x1] =	stream.indirect.gather [hbm4b:s4+s10], $0x10, s3, s10, $0xb8;
	[tilespmem:$0xD410] =	vst v63  }
0x19: {  	s30 =	simm.s32 $0x68;
	s31 =	simm.s32 $0x6E40  }
0x1a: {  	[tilespmem:s31], [sflag:$0x1] =	stream.indirect.gather [hbm4b:s4+s10], $0x10, s30, s10, $0xb8;
	[tilespmem:$0xD410] =	vst v63  }
0x1b: {  	s1 =	simm.s32 $0xD0;
	s2 =	simm.s32 $0x7480  }
0x1c: {  	[tilespmem:s2], [sflag:$0x2] =	stream.indirect.gather [hbm4b:s4+s10], $0x10, s1, s10, $0xb8;
	[tilespmem:$0xD410] =	vst v63  }
0x1d: {  	s30 =	simm.s32 $0x138;
	s31 =	simm.s32 $0x7AC0  }
0x1e: {  	[tilespmem:s31], [sflag:$0x2] =	stream.indirect.gather [hbm4b:s4+s10], $0x10, s30, s10, $0xb8;
	[tilespmem:$0xD410] =	vst v63  }
0x1f: {  	s1 =	simm.s32 $0x1A0;
	s2 =	simm.s32 $0x8100  }
0x20: {  	[tilespmem:s2], [sflag:$0x3] =	stream.indirect.gather [hbm4b:s4+s10], $0x10, s1, s10, $0xb8;
	[tilespmem:$0xD410] =	vst v63  }
0x21: {  	s30 =	simm.s32 $0x208;
	s31 =	simm.s32 $0x8740  }
0x22: {  	[tilespmem:s31], [sflag:$0x3] =	stream.indirect.gather [hbm4b:s4+s10], $0x10, s30, s10, $0xb8;
	[tilespmem:$0xD410] =	vst v63  }
0x23: {  	s1 =	simm.s32 $0x270;
	s2 =	simm.s32 $0x8D80  }
0x24: {  	[tilespmem:s2], [sflag:$0x4] =	stream.indirect.gather [hbm4b:s4+s10], $0x10, s1, s10, $0xb8;
	[tilespmem:$0xD410] =	vst v63  }
0x25: {  	s30 =	simm.s32 $0x2D8;
	s31 =	simm.s32 $0x93C0  }
0x26: {  	[tilespmem:s31], [sflag:$0x4] =	stream.indirect.gather [hbm4b:s4+s10], $0x10, s30, s10, $0xb8;
	[tilespmem:$0xD410] =	vst v63  }
0x27: {  	s1 =	simm.s32 $0x340;
	s2 =	simm.s32 $0x9A00  }
0x28: {  	[tilespmem:s2], [sflag:$0x5] =	stream.indirect.gather [hbm4b:s4+s10], $0x10, s1, s10, $0xb8;
	[tilespmem:$0xD410] =	vst v63  }
0x29: {  	s30 =	simm.s32 $0x3A8;
	s31 =	simm.s32 $0xA040  }
0x2a: {  	[tilespmem:s31], [sflag:$0x5] =	stream.indirect.gather [hbm4b:s4+s10], $0x10, s30, s10, $0xb8;
	[tilespmem:$0xD410] =	vst v63  }
0x2b: {  	s1 =	simm.s32 $0x410;
	s2 =	simm.s32 $0xA680  }
0x2c: {  	[tilespmem:s2], [sflag:$0x6] =	stream.indirect.gather [hbm4b:s4+s10], $0x10, s1, s10, $0xb8;
	[tilespmem:$0xD410] =	vst v63  }
0x2d: {  	s30 =	simm.s32 $0x478;
	s31 =	simm.s32 $0xACC0  }
0x2e: {  	[tilespmem:s31], [sflag:$0x6] =	stream.indirect.gather [hbm4b:s4+s10], $0x10, s30, s10, $0xb8;
	[tilespmem:$0xD410] =	vst v63  }
0x2f: {  	_ = 	snop  }
0x30: {  	[tilespmem:s11], [sflag:$0x7] =	stream.indirect.gather [hbm4b:s4+s10], $0x10, s9, s10, $0xb8;
	[tilespmem:$0xD410] =	vst v63  }
0x31: {  	_ = 	snop  }
0x32: {  	[tilespmem:s13], [sflag:$0x7] =	stream.indirect.gather [hbm4b:s4+s10], $0x10, s12, s10, $0xb8;
	[tilespmem:$0xD410] =	vst v63  }
0x33: {  	_ = 	snop  }
0x34: {  	[tilespmem:s15], [sflag:$0x8] =	stream.indirect.gather [hbm4b:s4+s10], $0x10, s14, s10, $0xb8;
	[tilespmem:$0xD410] =	vst v63  }
0x35: {  	_ = 	snop  }
0x36: {  	[tilespmem:s17], [sflag:$0x8] =	stream.indirect.gather [hbm4b:s4+s10], $0x10, s16, s10, $0xb8;
	[tilespmem:$0xD410] =	vst v63  }
0x37: {  	s29 =	simm.s32 $0x0;
	v0 =	vld [tilespmem:$0xD400]  }
.LBB2_2:
0x38: {  	_ =	swait.ge [sflag:s18], $0x640  }
0x39: {  	[sflag:s18] =	ssyncset.done $0x0  }
0x3a: {  	[sflag:s18] =	ssyncadd.s32 $0xFFFFF9C0  }
0x3b: {  	_ =	swait.ge [sflag:s18], $0x640  }
0x3c: {  	[sflag:s18] =	ssyncset.done $0x0  }
0x3d: {  	s30 =	simm.s32 $0x0;
	[sflag:s18] =	ssyncadd.s32 $0xFFFFF9C0  }
0x3e: {  	v1 =	vld [tilespmem:s30+$0x6890]  }
0x3f: {  	v2 =	vld [tilespmem:s30+$0x6800]  }
0x40: {  	v3 =	vld [tilespmem:s30+$0x6810]  }
0x41: {  	v4 =	vld [tilespmem:s30+$0x6820]  }
0x42: {  	v5 =	vld [tilespmem:s30+$0x6830]  }
0x43: {  	v11 =	vld [tilespmem:s30+$0x6840]  }
0x44: {  	v6 =	vimm.f32 $0.0e+00;
	v12 =	vld [tilespmem:s30+$0x6850]  }
0x45: {  	v7 =	vimm.f32 $0.0e+00;
	v9 =	vimm.f32 $0.0e+00;
	v13 =	vld [tilespmem:s30+$0x6860];
	v1 =	vadd.f32 v1, v6  }
0x46: {  	v10 =	vimm.f32 $0.0e+00;
	v14 =	vld [tilespmem:s30+$0x6870];
	v2 =	vadd.f32 v2, v6;
	v3 =	vadd.f32 v3, v6  }
0x47: {  	s0 =	simm.s32 $0xA0;
	s1 =	simm.s32 $0x500;
	v8 =	vimm.f32 $0.0e+00;
	v15 =	vld [tilespmem:s30+$0x6880];
	v4 =	vadd.f32 v4, v6;
	v5 =	vadd.f32 v5, v6  }
.LBB2_3:
0x48: {  	p0 =	sne.s32 s1, $0x1680;
	v16 =	vld [tilespmem:s0+$0x6890];
	v6 =	vadd.f32 v11, v6  }
0x49: {  	v17 =	vld [tilespmem:s0+$0x6800];
	v7 =	vadd.f32 v12, v7  }
0x4a: {  	v18 =	vld [tilespmem:s0+$0x6810];
	v9 =	vadd.f32 v13, v9  }
0x4b: {  	v19 =	vld [tilespmem:s0+$0x6820];
	v10 =	vadd.f32 v14, v10  }
0x4c: {  	v20 =	vld [tilespmem:s0+$0x6830];
	v8 =	vadd.f32 v15, v8  }
.Ltmp0:
0x4d: {  	v11 =	vld [tilespmem:s0+$0x6840];
	v1 =	vadd.f32 v16, v1;
	(pc) =	sbr.rel @p0 .LBB2_3-.Ltmp0, $4  }
0x4e: {  	v2 =	vadd.f32 v17, v2;
	v12 =	vld [tilespmem:s0+$0x6850]  }
0x4f: {  	v3 =	vadd.f32 v18, v3;
	v13 =	vld [tilespmem:s0+$0x6860]  }
0x50: {  	v4 =	vadd.f32 v19, v4;
	v14 =	vld [tilespmem:s0+$0x6870]  }
0x51: {  	v5 =	vadd.f32 v20, v5;
	v15 =	vld [tilespmem:s0+$0x6880];
	s0 =	sshra.s32 s1, $0x2;
	s1 =	sadd.s32 $0x280, s1  }
0x52: {  	v16 =	vld [tilespmem:s0+$0x6890]  }
0x53: {  	v17 =	vld [tilespmem:s0+$0x6800]  }
0x54: {  	v18 =	vld [tilespmem:s0+$0x6810]  }
0x55: {  	v19 =	vld [tilespmem:s0+$0x6820]  }
0x56: {  	v20 =	vld [tilespmem:s0+$0x6830]  }
0x57: {  	v21 =	vld [tilespmem:s0+$0x6840]  }
0x58: {  	v22 =	vld [tilespmem:s0+$0x6850]  }
0x59: {  	v23 =	vld [tilespmem:s0+$0x6860]  }
0x5a: {  	v24 =	vld [tilespmem:s0+$0x6870]  }
0x5b: {  	v25 =	vld [tilespmem:s0+$0x6880]  }
0x5c: {  	v6 =	vadd.f32 v11, v6;
	v26 =	vld [tilespmem:s30+$0x6ED0];
	v7 =	vadd.f32 v12, v7  }
0x5d: {  	v63 =	vld [tilespmem:s30+$0x6E60];
	v9 =	vadd.f32 v13, v9;
	v10 =	vadd.f32 v14, v10  }
0x5e: {  	v27 =	vld [tilespmem:s30+$0x6E70];
	v8 =	vadd.f32 v15, v8;
	v1 =	vadd.f32 v16, v1  }
0x5f: {  	v14 =	vld [tilespmem:s30+$0x6E40];
	v16 =	vadd.f32 v17, v2;
	v17 =	vadd.f32 v18, v3  }
0x60: {  	v15 =	vld [tilespmem:s30+$0x6E50];
	v19 =	vadd.f32 v19, v4;
	v20 =	vadd.f32 v20, v5  }
0x61: {  	v11 =	vld [tilespmem:s30+$0x6E80];
	v4 =	vadd.f32 v21, v6;
	v2 =	vadd.f32 v22, v7  }
0x62: {  	v12 =	vld [tilespmem:s30+$0x6E90];
	v5 =	vadd.f32 v23, v9;
	v3 =	vadd.f32 v24, v10  }
0x63: {  	v13 =	vld [tilespmem:s30+$0x6EA0];
	v6 =	vadd.f32 v25, v8;
	v1 =	vadd.f32 v26, v1  }
0x64: {  	v9 =	vadd.f32 v63, v19;
	v7 =	vadd.f32 v14, v16;
	v14 =	vld [tilespmem:s30+$0x6EB0]  }
0x65: {  	s1 =	simm.s32 $0xA0;
	s0 =	simm.s32 $0x500;
	v10 =	vadd.f32 v27, v20;
	v8 =	vadd.f32 v15, v17;
	v15 =	vld [tilespmem:s30+$0x6EC0]  }
.LBB2_5:
0x66: {  	p0 =	sne.s32 s0, $0x1680;
	v16 =	vld [tilespmem:s1+$0x6ED0];
	v4 =	vadd.f32 v11, v4  }
0x67: {  	v17 =	vld [tilespmem:s1+$0x6E40];
	v2 =	vadd.f32 v12, v2  }
0x68: {  	v18 =	vld [tilespmem:s1+$0x6E50];
	v5 =	vadd.f32 v13, v5  }
0x69: {  	v19 =	vld [tilespmem:s1+$0x6E60];
	v3 =	vadd.f32 v14, v3  }
0x6a: {  	v20 =	vld [tilespmem:s1+$0x6E70];
	v6 =	vadd.f32 v15, v6  }
.Ltmp1:
0x6b: {  	v11 =	vld [tilespmem:s1+$0x6E80];
	v1 =	vadd.f32 v16, v1;
	(pc) =	sbr.rel @p0 .LBB2_5-.Ltmp1, $4  }
0x6c: {  	v7 =	vadd.f32 v17, v7;
	v12 =	vld [tilespmem:s1+$0x6E90]  }
0x6d: {  	v8 =	vadd.f32 v18, v8;
	v13 =	vld [tilespmem:s1+$0x6EA0]  }
0x6e: {  	v9 =	vadd.f32 v19, v9;
	v14 =	vld [tilespmem:s1+$0x6EB0]  }
0x6f: {  	v10 =	vadd.f32 v20, v10;
	v15 =	vld [tilespmem:s1+$0x6EC0];
	s1 =	sshra.s32 s0, $0x2;
	s0 =	sadd.s32 $0x280, s0  }
0x70: {  	v16 =	vld [tilespmem:s1+$0x6E40]  }
0x71: {  	v17 =	vld [tilespmem:s1+$0x6E50]  }
0x72: {  	v18 =	vld [tilespmem:s1+$0x6E60]  }
0x73: {  	v19 =	vld [tilespmem:s1+$0x6E70]  }
0x74: {  	v20 =	vld [tilespmem:s1+$0x6E80]  }
0x75: {  	v21 =	vld [tilespmem:s1+$0x6E90]  }
0x76: {  	v4 =	vadd.f32 v11, v4;
	v11 =	vld [tilespmem:s1+$0x6EA0]  }
0x77: {  	v2 =	vadd.f32 v12, v2;
	v12 =	vld [tilespmem:s1+$0x6EB0];
	v5 =	vadd.f32 v13, v5  }
0x78: {  	v3 =	vadd.f32 v14, v3;
	v6 =	vadd.f32 v15, v6  }
0x79: {  	v13 =	vld [tilespmem:s1+$0x6ED0];
	v7 =	vadd.f32 v16, v7;
	v8 =	vadd.f32 v17, v8  }
0x7a: {  	v14 =	vld [tilespmem:s1+$0x6EC0];
	v9 =	vadd.f32 v18, v9;
	v10 =	vadd.f32 v19, v10  }
0x7b: {  	v4 =	vadd.f32 v20, v4;
	v2 =	vadd.f32 v21, v2  }
0x7c: {  	v5 =	vadd.f32 v11, v5;
	v3 =	vadd.f32 v12, v3  }
0x7d: {  	v7 =	vadd.f32 v8, v7;
	v8 =	vadd.f32 v10, v9  }
0x7e: {  	v2 =	vadd.f32 v2, v4;
	v3 =	vadd.f32 v3, v5  }
0x7f: {  	v1 =	vadd.f32 v13, v1;
	v4 =	vadd.f32 v14, v6  }
0x80: {  	p0 =	seq.s32 s29, $0xF;
	v5 =	vadd.f32 v8, v7;
	v2 =	vadd.f32 v3, v2  }
0x81: {  	s0 =	smul.u32 @!p0 $0x1A00, s29  }
0x82: {  	v1 =	vadd.f32 v1, v4;
	v2 =	vadd.f32 v2, v5  }
0x83: {  	s30 =	sshra.s32 @!p0 s0, $0x2  }
0x84: {  	s2 =	simm.s32 @!p0 $0x6800;
	s1 =	simm.s32 @!p0 $0x64;
	s0 =	sadd.s32 @!p0 $0x680, s30;
	v1 =	vadd.f32 v1, v2  }
0x85: {  	[tilespmem:s2], [sflag:$0x1] =	stream.indirect.gather @!p0 [hbm4b:s4+s1], $0x10, s0, s1, $0xb8;
	[tilespmem:$0xD410] =	vst v63  }
0x86: {  	s0 =	sadd.s32 @!p0 $0x6E8, s30;
	s2 =	simm.s32 @!p0 $0x6E40;
	v1 =	vmul.f32 $4.999999890e-03, v1  }
0x87: {  	[tilespmem:s2], [sflag:$0x1] =	stream.indirect.gather @!p0 [hbm4b:s4+s1], $0x10, s0, s1, $0xb8;
	[tilespmem:$0xD410] =	vst v63  }
0x88: {  	s2 =	sshll.u32 s29, $0x7;
	v1 =	vadd.f32 v1, v0  }
0x89: {  	s31 =	sand.u32 $0x3FFFFF80, s2  }
0x8a: {  	[tilespmem:s31+$0xCC00] =	vst v1  }
0x8b: {  	_ =	swait.ge [sflag:s19], $0x640  }
0x8c: {  	[sflag:s19] =	ssyncset.done $0x0  }
0x8d: {  	[sflag:s19] =	ssyncadd.s32 $0xFFFFF9C0  }
0x8e: {  	_ =	swait.ge [sflag:s19], $0x640  }
0x8f: {  	[sflag:s19] =	ssyncset.done $0x0  }
0x90: {  	s1 =	simm.s32 $0x0;
	[sflag:s19] =	ssyncadd.s32 $0xFFFFF9C0  }
0x91: {  	v1 =	vld [tilespmem:s1+$0x7510]  }
0x92: {  	v2 =	vld [tilespmem:s1+$0x7480]  }
0x93: {  	v3 =	vld [tilespmem:s1+$0x7490]  }
0x94: {  	v4 =	vld [tilespmem:s1+$0x74A0]  }
0x95: {  	v5 =	vld [tilespmem:s1+$0x74B0]  }
0x96: {  	v11 =	vld [tilespmem:s1+$0x74C0]  }
0x97: {  	v6 =	vimm.f32 $0.0e+00;
	v12 =	vld [tilespmem:s1+$0x74D0]  }
0x98: {  	v9 =	vimm.f32 $0.0e+00;
	v10 =	vimm.f32 $0.0e+00;
	v13 =	vld [tilespmem:s1+$0x74E0];
	v1 =	vadd.f32 v1, v6  }
0x99: {  	v7 =	vimm.f32 $0.0e+00;
	v14 =	vld [tilespmem:s1+$0x74F0];
	v2 =	vadd.f32 v2, v6;
	v3 =	vadd.f32 v3, v6  }
0x9a: {  	s0 =	simm.s32 $0xA0;
	s2 =	simm.s32 $0x500;
	v8 =	vimm.f32 $0.0e+00;
	v15 =	vld [tilespmem:s1+$0x7500];
	v4 =	vadd.f32 v4, v6;
	v5 =	vadd.f32 v5, v6  }
.LBB2_7:
0x9b: {  	p1 =	sne.s32 s2, $0x1680;
	v16 =	vld [tilespmem:s0+$0x7510];
	v6 =	vadd.f32 v11, v6  }
0x9c: {  	v17 =	vld [tilespmem:s0+$0x7480];
	v7 =	vadd.f32 v12, v7  }
0x9d: {  	v18 =	vld [tilespmem:s0+$0x7490];
	v9 =	vadd.f32 v13, v9  }
0x9e: {  	v19 =	vld [tilespmem:s0+$0x74A0];
	v10 =	vadd.f32 v14, v10  }
0x9f: {  	v20 =	vld [tilespmem:s0+$0x74B0];
	v8 =	vadd.f32 v15, v8  }
.Ltmp2:
0xa0: {  	v11 =	vld [tilespmem:s0+$0x74C0];
	v1 =	vadd.f32 v16, v1;
	(pc) =	sbr.rel @p1 .LBB2_7-.Ltmp2, $4  }
0xa1: {  	v2 =	vadd.f32 v17, v2;
	v12 =	vld [tilespmem:s0+$0x74D0]  }
0xa2: {  	v3 =	vadd.f32 v18, v3;
	v13 =	vld [tilespmem:s0+$0x74E0]  }
0xa3: {  	v4 =	vadd.f32 v19, v4;
	v14 =	vld [tilespmem:s0+$0x74F0]  }
0xa4: {  	v5 =	vadd.f32 v20, v5;
	v15 =	vld [tilespmem:s0+$0x7500];
	s0 =	sshra.s32 s2, $0x2;
	s2 =	sadd.s32 $0x280, s2  }
0xa5: {  	v16 =	vld [tilespmem:s0+$0x7510]  }
0xa6: {  	v17 =	vld [tilespmem:s0+$0x7480]  }
0xa7: {  	v18 =	vld [tilespmem:s0+$0x7490]  }
0xa8: {  	v19 =	vld [tilespmem:s0+$0x74A0]  }
0xa9: {  	v20 =	vld [tilespmem:s0+$0x74B0]  }
0xaa: {  	v21 =	vld [tilespmem:s0+$0x74C0]  }
0xab: {  	v22 =	vld [tilespmem:s0+$0x74D0]  }
0xac: {  	v23 =	vld [tilespmem:s0+$0x74E0]  }
0xad: {  	v24 =	vld [tilespmem:s0+$0x74F0]  }
0xae: {  	v25 =	vld [tilespmem:s0+$0x7500]  }
0xaf: {  	v6 =	vadd.f32 v11, v6;
	v26 =	vld [tilespmem:s1+$0x7B50];
	v7 =	vadd.f32 v12, v7  }
0xb0: {  	v63 =	vld [tilespmem:s1+$0x7AE0];
	v9 =	vadd.f32 v13, v9;
	v10 =	vadd.f32 v14, v10  }
0xb1: {  	v27 =	vld [tilespmem:s1+$0x7AF0];
	v8 =	vadd.f32 v15, v8;
	v1 =	vadd.f32 v16, v1  }
0xb2: {  	v14 =	vld [tilespmem:s1+$0x7AC0];
	v16 =	vadd.f32 v17, v2;
	v17 =	vadd.f32 v18, v3  }
0xb3: {  	v15 =	vld [tilespmem:s1+$0x7AD0];
	v19 =	vadd.f32 v19, v4;
	v20 =	vadd.f32 v20, v5  }
0xb4: {  	v11 =	vld [tilespmem:s1+$0x7B00];
	v4 =	vadd.f32 v21, v6;
	v2 =	vadd.f32 v22, v7  }
0xb5: {  	v12 =	vld [tilespmem:s1+$0x7B10];
	v5 =	vadd.f32 v23, v9;
	v3 =	vadd.f32 v24, v10  }
0xb6: {  	v13 =	vld [tilespmem:s1+$0x7B20];
	v6 =	vadd.f32 v25, v8;
	v1 =	vadd.f32 v26, v1  }
0xb7: {  	v9 =	vadd.f32 v63, v19;
	v7 =	vadd.f32 v14, v16;
	v14 =	vld [tilespmem:s1+$0x7B30]  }
0xb8: {  	s0 =	simm.s32 $0xA0;
	s2 =	simm.s32 $0x500;
	v10 =	vadd.f32 v27, v20;
	v8 =	vadd.f32 v15, v17;
	v15 =	vld [tilespmem:s1+$0x7B40]  }
.LBB2_9:
0xb9: {  	p1 =	sne.s32 s2, $0x1680;
	v16 =	vld [tilespmem:s0+$0x7B50];
	v4 =	vadd.f32 v11, v4  }
0xba: {  	v17 =	vld [tilespmem:s0+$0x7AC0];
	v2 =	vadd.f32 v12, v2  }
0xbb: {  	v18 =	vld [tilespmem:s0+$0x7AD0];
	v5 =	vadd.f32 v13, v5  }
0xbc: {  	v19 =	vld [tilespmem:s0+$0x7AE0];
	v3 =	vadd.f32 v14, v3  }
0xbd: {  	v20 =	vld [tilespmem:s0+$0x7AF0];
	v6 =	vadd.f32 v15, v6  }
.Ltmp3:
0xbe: {  	v11 =	vld [tilespmem:s0+$0x7B00];
	v1 =	vadd.f32 v16, v1;
	(pc) =	sbr.rel @p1 .LBB2_9-.Ltmp3, $4  }
0xbf: {  	v7 =	vadd.f32 v17, v7;
	v12 =	vld [tilespmem:s0+$0x7B10]  }
0xc0: {  	v8 =	vadd.f32 v18, v8;
	v13 =	vld [tilespmem:s0+$0x7B20]  }
0xc1: {  	v9 =	vadd.f32 v19, v9;
	v14 =	vld [tilespmem:s0+$0x7B30]  }
0xc2: {  	v10 =	vadd.f32 v20, v10;
	v15 =	vld [tilespmem:s0+$0x7B40];
	s0 =	sshra.s32 s2, $0x2;
	s2 =	sadd.s32 $0x280, s2  }
0xc3: {  	v16 =	vld [tilespmem:s0+$0x7AC0]  }
0xc4: {  	v17 =	vld [tilespmem:s0+$0x7AD0]  }
0xc5: {  	v18 =	vld [tilespmem:s0+$0x7AE0]  }
0xc6: {  	v19 =	vld [tilespmem:s0+$0x7AF0]  }
0xc7: {  	v20 =	vld [tilespmem:s0+$0x7B00]  }
0xc8: {  	v21 =	vld [tilespmem:s0+$0x7B10]  }
0xc9: {  	v4 =	vadd.f32 v11, v4;
	v11 =	vld [tilespmem:s0+$0x7B20]  }
0xca: {  	v2 =	vadd.f32 v12, v2;
	v12 =	vld [tilespmem:s0+$0x7B30];
	v5 =	vadd.f32 v13, v5  }
0xcb: {  	v3 =	vadd.f32 v14, v3;
	v6 =	vadd.f32 v15, v6  }
0xcc: {  	v13 =	vld [tilespmem:s0+$0x7B50];
	v7 =	vadd.f32 v16, v7;
	v8 =	vadd.f32 v17, v8  }
0xcd: {  	v14 =	vld [tilespmem:s0+$0x7B40];
	v9 =	vadd.f32 v18, v9;
	v10 =	vadd.f32 v19, v10  }
0xce: {  	v4 =	vadd.f32 v20, v4;
	v2 =	vadd.f32 v21, v2  }
0xcf: {  	v5 =	vadd.f32 v11, v5;
	v3 =	vadd.f32 v12, v3  }
0xd0: {  	v7 =	vadd.f32 v8, v7;
	v8 =	vadd.f32 v10, v9  }
0xd1: {  	v2 =	vadd.f32 v2, v4;
	v3 =	vadd.f32 v3, v5  }
0xd2: {  	v1 =	vadd.f32 v13, v1;
	v4 =	vadd.f32 v14, v6  }
0xd3: {  	v5 =	vadd.f32 v8, v7;
	v2 =	vadd.f32 v3, v2;
	_ =	sdelay $0x1  }
0xd4: {  	v1 =	vadd.f32 v1, v4;
	v2 =	vadd.f32 v2, v5;
	_ =	sdelay $0x1  }
0xd5: {  	v1 =	vadd.f32 v1, v2;
	_ =	sdelay $0x1  }
0xd6: {  	s1 =	simm.s32 @!p0 $0x64;
	s2 =	simm.s32 @!p0 $0x7480;
	s0 =	sadd.s32 @!p0 $0x750, s30;
	v1 =	vmul.f32 $4.999999890e-03, v1  }
0xd7: {  	[tilespmem:s2], [sflag:$0x2] =	stream.indirect.gather @!p0 [hbm4b:s4+s1], $0x10, s0, s1, $0xb8;
	[tilespmem:$0xD410] =	vst v63  }
0xd8: {  	s0 =	sadd.s32 @!p0 $0x7B8, s30;
	s2 =	simm.s32 @!p0 $0x7AC0;
	v1 =	vadd.f32 v1, v0  }
0xd9: {  	[tilespmem:s2], [sflag:$0x2] =	stream.indirect.gather @!p0 [hbm4b:s4+s1], $0x10, s0, s1, $0xb8;
	[tilespmem:$0xD410] =	vst v63  }
0xda: {  	[tilespmem:s31+$0xCC10] =	vst v1  }
0xdb: {  	_ =	swait.ge [sflag:s20], $0x640  }
0xdc: {  	[sflag:s20] =	ssyncset.done $0x0  }
0xdd: {  	[sflag:s20] =	ssyncadd.s32 $0xFFFFF9C0  }
0xde: {  	_ =	swait.ge [sflag:s20], $0x640  }
0xdf: {  	[sflag:s20] =	ssyncset.done $0x0  }
0xe0: {  	s1 =	simm.s32 $0x0;
	[sflag:s20] =	ssyncadd.s32 $0xFFFFF9C0  }
0xe1: {  	v1 =	vld [tilespmem:s1+$0x8190]  }
0xe2: {  	v2 =	vld [tilespmem:s1+$0x8100]  }
0xe3: {  	v3 =	vld [tilespmem:s1+$0x8110]  }
0xe4: {  	v4 =	vld [tilespmem:s1+$0x8120]  }
0xe5: {  	v5 =	vld [tilespmem:s1+$0x8130]  }
0xe6: {  	v11 =	vld [tilespmem:s1+$0x8140]  }
0xe7: {  	v6 =	vimm.f32 $0.0e+00;
	v12 =	vld [tilespmem:s1+$0x8150]  }
0xe8: {  	v9 =	vimm.f32 $0.0e+00;
	v10 =	vimm.f32 $0.0e+00;
	v13 =	vld [tilespmem:s1+$0x8160];
	v1 =	vadd.f32 v1, v6  }
0xe9: {  	v7 =	vimm.f32 $0.0e+00;
	v14 =	vld [tilespmem:s1+$0x8170];
	v2 =	vadd.f32 v2, v6;
	v3 =	vadd.f32 v3, v6  }
0xea: {  	s0 =	simm.s32 $0xA0;
	s2 =	simm.s32 $0x500;
	v8 =	vimm.f32 $0.0e+00;
	v15 =	vld [tilespmem:s1+$0x8180];
	v4 =	vadd.f32 v4, v6;
	v5 =	vadd.f32 v5, v6  }
.LBB2_11:
0xeb: {  	p1 =	sne.s32 s2, $0x1680;
	v16 =	vld [tilespmem:s0+$0x8190];
	v6 =	vadd.f32 v11, v6  }
0xec: {  	v17 =	vld [tilespmem:s0+$0x8100];
	v7 =	vadd.f32 v12, v7  }
0xed: {  	v18 =	vld [tilespmem:s0+$0x8110];
	v9 =	vadd.f32 v13, v9  }
0xee: {  	v19 =	vld [tilespmem:s0+$0x8120];
	v10 =	vadd.f32 v14, v10  }
0xef: {  	v20 =	vld [tilespmem:s0+$0x8130];
	v8 =	vadd.f32 v15, v8  }
.Ltmp4:
0xf0: {  	v11 =	vld [tilespmem:s0+$0x8140];
	v1 =	vadd.f32 v16, v1;
	(pc) =	sbr.rel @p1 .LBB2_11-.Ltmp4, $4  }
0xf1: {  	v2 =	vadd.f32 v17, v2;
	v12 =	vld [tilespmem:s0+$0x8150]  }
0xf2: {  	v3 =	vadd.f32 v18, v3;
	v13 =	vld [tilespmem:s0+$0x8160]  }
0xf3: {  	v4 =	vadd.f32 v19, v4;
	v14 =	vld [tilespmem:s0+$0x8170]  }
0xf4: {  	v5 =	vadd.f32 v20, v5;
	v15 =	vld [tilespmem:s0+$0x8180];
	s0 =	sshra.s32 s2, $0x2;
	s2 =	sadd.s32 $0x280, s2  }
0xf5: {  	v16 =	vld [tilespmem:s0+$0x8190]  }
0xf6: {  	v17 =	vld [tilespmem:s0+$0x8100]  }
0xf7: {  	v18 =	vld [tilespmem:s0+$0x8110]  }
0xf8: {  	v19 =	vld [tilespmem:s0+$0x8120]  }
0xf9: {  	v20 =	vld [tilespmem:s0+$0x8130]  }
0xfa: {  	v21 =	vld [tilespmem:s0+$0x8140]  }
0xfb: {  	v22 =	vld [tilespmem:s0+$0x8150]  }
0xfc: {  	v23 =	vld [tilespmem:s0+$0x8160]  }
0xfd: {  	v24 =	vld [tilespmem:s0+$0x8170]  }
0xfe: {  	v25 =	vld [tilespmem:s0+$0x8180]  }
0xff: {  	v6 =	vadd.f32 v11, v6;
	v26 =	vld [tilespmem:s1+$0x87D0];
	v7 =	vadd.f32 v12, v7  }
0x100: {  	v63 =	vld [tilespmem:s1+$0x8760];
	v9 =	vadd.f32 v13, v9;
	v10 =	vadd.f32 v14, v10  }
0x101: {  	v27 =	vld [tilespmem:s1+$0x8770];
	v8 =	vadd.f32 v15, v8;
	v1 =	vadd.f32 v16, v1  }
0x102: {  	v14 =	vld [tilespmem:s1+$0x8740];
	v16 =	vadd.f32 v17, v2;
	v17 =	vadd.f32 v18, v3  }
0x103: {  	v15 =	vld [tilespmem:s1+$0x8750];
	v19 =	vadd.f32 v19, v4;
	v20 =	vadd.f32 v20, v5  }
0x104: {  	v11 =	vld [tilespmem:s1+$0x8780];
	v4 =	vadd.f32 v21, v6;
	v2 =	vadd.f32 v22, v7  }
0x105: {  	v12 =	vld [tilespmem:s1+$0x8790];
	v5 =	vadd.f32 v23, v9;
	v3 =	vadd.f32 v24, v10  }
0x106: {  	v13 =	vld [tilespmem:s1+$0x87A0];
	v6 =	vadd.f32 v25, v8;
	v1 =	vadd.f32 v26, v1  }
0x107: {  	v9 =	vadd.f32 v63, v19;
	v7 =	vadd.f32 v14, v16;
	v14 =	vld [tilespmem:s1+$0x87B0]  }
0x108: {  	s0 =	simm.s32 $0xA0;
	s2 =	simm.s32 $0x500;
	v10 =	vadd.f32 v27, v20;
	v8 =	vadd.f32 v15, v17;
	v15 =	vld [tilespmem:s1+$0x87C0]  }
.LBB2_13:
0x109: {  	p1 =	sne.s32 s2, $0x1680;
	v16 =	vld [tilespmem:s0+$0x87D0];
	v4 =	vadd.f32 v11, v4  }
0x10a: {  	v17 =	vld [tilespmem:s0+$0x8740];
	v2 =	vadd.f32 v12, v2  }
0x10b: {  	v18 =	vld [tilespmem:s0+$0x8750];
	v5 =	vadd.f32 v13, v5  }
0x10c: {  	v19 =	vld [tilespmem:s0+$0x8760];
	v3 =	vadd.f32 v14, v3  }
0x10d: {  	v20 =	vld [tilespmem:s0+$0x8770];
	v6 =	vadd.f32 v15, v6  }
.Ltmp5:
0x10e: {  	v11 =	vld [tilespmem:s0+$0x8780];
	v1 =	vadd.f32 v16, v1;
	(pc) =	sbr.rel @p1 .LBB2_13-.Ltmp5, $4  }
0x10f: {  	v7 =	vadd.f32 v17, v7;
	v12 =	vld [tilespmem:s0+$0x8790]  }
0x110: {  	v8 =	vadd.f32 v18, v8;
	v13 =	vld [tilespmem:s0+$0x87A0]  }
0x111: {  	v9 =	vadd.f32 v19, v9;
	v14 =	vld [tilespmem:s0+$0x87B0]  }
0x112: {  	v10 =	vadd.f32 v20, v10;
	v15 =	vld [tilespmem:s0+$0x87C0];
	s0 =	sshra.s32 s2, $0x2;
	s2 =	sadd.s32 $0x280, s2  }
0x113: {  	v16 =	vld [tilespmem:s0+$0x8740]  }
0x114: {  	v17 =	vld [tilespmem:s0+$0x8750]  }
0x115: {  	v18 =	vld [tilespmem:s0+$0x8760]  }
0x116: {  	v19 =	vld [tilespmem:s0+$0x8770]  }
0x117: {  	v20 =	vld [tilespmem:s0+$0x8780]  }
0x118: {  	v21 =	vld [tilespmem:s0+$0x8790]  }
0x119: {  	v4 =	vadd.f32 v11, v4;
	v11 =	vld [tilespmem:s0+$0x87A0]  }
0x11a: {  	v2 =	vadd.f32 v12, v2;
	v12 =	vld [tilespmem:s0+$0x87B0];
	v5 =	vadd.f32 v13, v5  }
0x11b: {  	v3 =	vadd.f32 v14, v3;
	v6 =	vadd.f32 v15, v6  }
0x11c: {  	v13 =	vld [tilespmem:s0+$0x87D0];
	v7 =	vadd.f32 v16, v7;
	v8 =	vadd.f32 v17, v8  }
0x11d: {  	v14 =	vld [tilespmem:s0+$0x87C0];
	v9 =	vadd.f32 v18, v9;
	v10 =	vadd.f32 v19, v10  }
0x11e: {  	v4 =	vadd.f32 v20, v4;
	v2 =	vadd.f32 v21, v2  }
0x11f: {  	v5 =	vadd.f32 v11, v5;
	v3 =	vadd.f32 v12, v3  }
0x120: {  	v7 =	vadd.f32 v8, v7;
	v8 =	vadd.f32 v10, v9  }
0x121: {  	v2 =	vadd.f32 v2, v4;
	v3 =	vadd.f32 v3, v5  }
0x122: {  	v1 =	vadd.f32 v13, v1;
	v4 =	vadd.f32 v14, v6  }
0x123: {  	v5 =	vadd.f32 v8, v7;
	v2 =	vadd.f32 v3, v2;
	_ =	sdelay $0x1  }
0x124: {  	v1 =	vadd.f32 v1, v4;
	v2 =	vadd.f32 v2, v5;
	_ =	sdelay $0x1  }
0x125: {  	v1 =	vadd.f32 v1, v2;
	_ =	sdelay $0x1  }
0x126: {  	s1 =	simm.s32 @!p0 $0x64;
	s2 =	simm.s32 @!p0 $0x8100;
	s0 =	sadd.s32 @!p0 $0x820, s30;
	v1 =	vmul.f32 $4.999999890e-03, v1  }
0x127: {  	[tilespmem:s2], [sflag:$0x3] =	stream.indirect.gather @!p0 [hbm4b:s4+s1], $0x10, s0, s1, $0xb8;
	[tilespmem:$0xD410] =	vst v63  }
0x128: {  	s0 =	sadd.s32 @!p0 $0x888, s30;
	s2 =	simm.s32 @!p0 $0x8740;
	v1 =	vadd.f32 v1, v0  }
0x129: {  	[tilespmem:s2], [sflag:$0x3] =	stream.indirect.gather @!p0 [hbm4b:s4+s1], $0x10, s0, s1, $0xb8;
	[tilespmem:$0xD410] =	vst v63  }
0x12a: {  	[tilespmem:s31+$0xCC20] =	vst v1  }
0x12b: {  	_ =	swait.ge [sflag:s21], $0x640  }
0x12c: {  	[sflag:s21] =	ssyncset.done $0x0  }
0x12d: {  	[sflag:s21] =	ssyncadd.s32 $0xFFFFF9C0  }
0x12e: {  	_ =	swait.ge [sflag:s21], $0x640  }
0x12f: {  	[sflag:s21] =	ssyncset.done $0x0  }
0x130: {  	s1 =	simm.s32 $0x0;
	[sflag:s21] =	ssyncadd.s32 $0xFFFFF9C0  }
0x131: {  	v1 =	vld [tilespmem:s1+$0x8E10]  }
0x132: {  	v2 =	vld [tilespmem:s1+$0x8D80]  }
0x133: {  	v3 =	vld [tilespmem:s1+$0x8D90]  }
0x134: {  	v4 =	vld [tilespmem:s1+$0x8DA0]  }
0x135: {  	v5 =	vld [tilespmem:s1+$0x8DB0]  }
0x136: {  	v11 =	vld [tilespmem:s1+$0x8DC0]  }
0x137: {  	v6 =	vimm.f32 $0.0e+00;
	v12 =	vld [tilespmem:s1+$0x8DD0]  }
0x138: {  	v9 =	vimm.f32 $0.0e+00;
	v10 =	vimm.f32 $0.0e+00;
	v13 =	vld [tilespmem:s1+$0x8DE0];
	v1 =	vadd.f32 v1, v6  }
0x139: {  	v7 =	vimm.f32 $0.0e+00;
	v14 =	vld [tilespmem:s1+$0x8DF0];
	v2 =	vadd.f32 v2, v6;
	v3 =	vadd.f32 v3, v6  }
0x13a: {  	s0 =	simm.s32 $0xA0;
	s2 =	simm.s32 $0x500;
	v8 =	vimm.f32 $0.0e+00;
	v15 =	vld [tilespmem:s1+$0x8E00];
	v4 =	vadd.f32 v4, v6;
	v5 =	vadd.f32 v5, v6  }
.LBB2_15:
0x13b: {  	p1 =	sne.s32 s2, $0x1680;
	v16 =	vld [tilespmem:s0+$0x8E10];
	v6 =	vadd.f32 v11, v6  }
0x13c: {  	v17 =	vld [tilespmem:s0+$0x8D80];
	v7 =	vadd.f32 v12, v7  }
0x13d: {  	v18 =	vld [tilespmem:s0+$0x8D90];
	v9 =	vadd.f32 v13, v9  }
0x13e: {  	v19 =	vld [tilespmem:s0+$0x8DA0];
	v10 =	vadd.f32 v14, v10  }
0x13f: {  	v20 =	vld [tilespmem:s0+$0x8DB0];
	v8 =	vadd.f32 v15, v8  }
.Ltmp6:
0x140: {  	v11 =	vld [tilespmem:s0+$0x8DC0];
	v1 =	vadd.f32 v16, v1;
	(pc) =	sbr.rel @p1 .LBB2_15-.Ltmp6, $4  }
0x141: {  	v2 =	vadd.f32 v17, v2;
	v12 =	vld [tilespmem:s0+$0x8DD0]  }
0x142: {  	v3 =	vadd.f32 v18, v3;
	v13 =	vld [tilespmem:s0+$0x8DE0]  }
0x143: {  	v4 =	vadd.f32 v19, v4;
	v14 =	vld [tilespmem:s0+$0x8DF0]  }
0x144: {  	v5 =	vadd.f32 v20, v5;
	v15 =	vld [tilespmem:s0+$0x8E00];
	s0 =	sshra.s32 s2, $0x2;
	s2 =	sadd.s32 $0x280, s2  }
0x145: {  	v16 =	vld [tilespmem:s0+$0x8E10]  }
0x146: {  	v17 =	vld [tilespmem:s0+$0x8D80]  }
0x147: {  	v18 =	vld [tilespmem:s0+$0x8D90]  }
0x148: {  	v19 =	vld [tilespmem:s0+$0x8DA0]  }
0x149: {  	v20 =	vld [tilespmem:s0+$0x8DB0]  }
0x14a: {  	v21 =	vld [tilespmem:s0+$0x8DC0]  }
0x14b: {  	v22 =	vld [tilespmem:s0+$0x8DD0]  }
0x14c: {  	v23 =	vld [tilespmem:s0+$0x8DE0]  }
0x14d: {  	v24 =	vld [tilespmem:s0+$0x8DF0]  }
0x14e: {  	v25 =	vld [tilespmem:s0+$0x8E00]  }
0x14f: {  	v6 =	vadd.f32 v11, v6;
	v26 =	vld [tilespmem:s1+$0x9450];
	v7 =	vadd.f32 v12, v7  }
0x150: {  	v63 =	vld [tilespmem:s1+$0x93E0];
	v9 =	vadd.f32 v13, v9;
	v10 =	vadd.f32 v14, v10  }
0x151: {  	v27 =	vld [tilespmem:s1+$0x93F0];
	v8 =	vadd.f32 v15, v8;
	v1 =	vadd.f32 v16, v1  }
0x152: {  	v14 =	vld [tilespmem:s1+$0x93C0];
	v16 =	vadd.f32 v17, v2;
	v17 =	vadd.f32 v18, v3  }
0x153: {  	v15 =	vld [tilespmem:s1+$0x93D0];
	v19 =	vadd.f32 v19, v4;
	v20 =	vadd.f32 v20, v5  }
0x154: {  	v11 =	vld [tilespmem:s1+$0x9400];
	v4 =	vadd.f32 v21, v6;
	v2 =	vadd.f32 v22, v7  }
0x155: {  	v12 =	vld [tilespmem:s1+$0x9410];
	v5 =	vadd.f32 v23, v9;
	v3 =	vadd.f32 v24, v10  }
0x156: {  	v13 =	vld [tilespmem:s1+$0x9420];
	v6 =	vadd.f32 v25, v8;
	v1 =	vadd.f32 v26, v1  }
0x157: {  	v9 =	vadd.f32 v63, v19;
	v7 =	vadd.f32 v14, v16;
	v14 =	vld [tilespmem:s1+$0x9430]  }
0x158: {  	s0 =	simm.s32 $0xA0;
	s2 =	simm.s32 $0x500;
	v10 =	vadd.f32 v27, v20;
	v8 =	vadd.f32 v15, v17;
	v15 =	vld [tilespmem:s1+$0x9440]  }
.LBB2_17:
0x159: {  	p1 =	sne.s32 s2, $0x1680;
	v16 =	vld [tilespmem:s0+$0x9450];
	v4 =	vadd.f32 v11, v4  }
0x15a: {  	v17 =	vld [tilespmem:s0+$0x93C0];
	v2 =	vadd.f32 v12, v2  }
0x15b: {  	v18 =	vld [tilespmem:s0+$0x93D0];
	v5 =	vadd.f32 v13, v5  }
0x15c: {  	v19 =	vld [tilespmem:s0+$0x93E0];
	v3 =	vadd.f32 v14, v3  }
0x15d: {  	v20 =	vld [tilespmem:s0+$0x93F0];
	v6 =	vadd.f32 v15, v6  }
.Ltmp7:
0x15e: {  	v11 =	vld [tilespmem:s0+$0x9400];
	v1 =	vadd.f32 v16, v1;
	(pc) =	sbr.rel @p1 .LBB2_17-.Ltmp7, $4  }
0x15f: {  	v7 =	vadd.f32 v17, v7;
	v12 =	vld [tilespmem:s0+$0x9410]  }
0x160: {  	v8 =	vadd.f32 v18, v8;
	v13 =	vld [tilespmem:s0+$0x9420]  }
0x161: {  	v9 =	vadd.f32 v19, v9;
	v14 =	vld [tilespmem:s0+$0x9430]  }
0x162: {  	v10 =	vadd.f32 v20, v10;
	v15 =	vld [tilespmem:s0+$0x9440];
	s0 =	sshra.s32 s2, $0x2;
	s2 =	sadd.s32 $0x280, s2  }
0x163: {  	v16 =	vld [tilespmem:s0+$0x93C0]  }
0x164: {  	v17 =	vld [tilespmem:s0+$0x93D0]  }
0x165: {  	v18 =	vld [tilespmem:s0+$0x93E0]  }
0x166: {  	v19 =	vld [tilespmem:s0+$0x93F0]  }
0x167: {  	v20 =	vld [tilespmem:s0+$0x9400]  }
0x168: {  	v21 =	vld [tilespmem:s0+$0x9410]  }
0x169: {  	v4 =	vadd.f32 v11, v4;
	v11 =	vld [tilespmem:s0+$0x9420]  }
0x16a: {  	v2 =	vadd.f32 v12, v2;
	v12 =	vld [tilespmem:s0+$0x9430];
	v5 =	vadd.f32 v13, v5  }
0x16b: {  	v3 =	vadd.f32 v14, v3;
	v6 =	vadd.f32 v15, v6  }
0x16c: {  	v13 =	vld [tilespmem:s0+$0x9450];
	v7 =	vadd.f32 v16, v7;
	v8 =	vadd.f32 v17, v8  }
0x16d: {  	v14 =	vld [tilespmem:s0+$0x9440];
	v9 =	vadd.f32 v18, v9;
	v10 =	vadd.f32 v19, v10  }
0x16e: {  	v4 =	vadd.f32 v20, v4;
	v2 =	vadd.f32 v21, v2  }
0x16f: {  	v5 =	vadd.f32 v11, v5;
	v3 =	vadd.f32 v12, v3  }
0x170: {  	v7 =	vadd.f32 v8, v7;
	v8 =	vadd.f32 v10, v9  }
0x171: {  	v2 =	vadd.f32 v2, v4;
	v3 =	vadd.f32 v3, v5  }
0x172: {  	v1 =	vadd.f32 v13, v1;
	v4 =	vadd.f32 v14, v6  }
0x173: {  	v5 =	vadd.f32 v8, v7;
	v2 =	vadd.f32 v3, v2;
	_ =	sdelay $0x1  }
0x174: {  	v1 =	vadd.f32 v1, v4;
	v2 =	vadd.f32 v2, v5;
	_ =	sdelay $0x1  }
0x175: {  	v1 =	vadd.f32 v1, v2;
	_ =	sdelay $0x1  }
0x176: {  	s1 =	simm.s32 @!p0 $0x64;
	s2 =	simm.s32 @!p0 $0x8D80;
	s0 =	sadd.s32 @!p0 $0x8F0, s30;
	v1 =	vmul.f32 $4.999999890e-03, v1  }
0x177: {  	[tilespmem:s2], [sflag:$0x4] =	stream.indirect.gather @!p0 [hbm4b:s4+s1], $0x10, s0, s1, $0xb8;
	[tilespmem:$0xD410] =	vst v63  }
0x178: {  	s0 =	sadd.s32 @!p0 $0x958, s30;
	s2 =	simm.s32 @!p0 $0x93C0;
	v1 =	vadd.f32 v1, v0  }
0x179: {  	[tilespmem:s2], [sflag:$0x4] =	stream.indirect.gather @!p0 [hbm4b:s4+s1], $0x10, s0, s1, $0xb8;
	[tilespmem:$0xD410] =	vst v63  }
0x17a: {  	[tilespmem:s31+$0xCC30] =	vst v1  }
0x17b: {  	_ =	swait.ge [sflag:s22], $0x640  }
0x17c: {  	[sflag:s22] =	ssyncset.done $0x0  }
0x17d: {  	[sflag:s22] =	ssyncadd.s32 $0xFFFFF9C0  }
0x17e: {  	_ =	swait.ge [sflag:s22], $0x640  }
0x17f: {  	[sflag:s22] =	ssyncset.done $0x0  }
0x180: {  	s1 =	simm.s32 $0x0;
	[sflag:s22] =	ssyncadd.s32 $0xFFFFF9C0  }
0x181: {  	v1 =	vld [tilespmem:s1+$0x9A90]  }
0x182: {  	v2 =	vld [tilespmem:s1+$0x9A00]  }
0x183: {  	v3 =	vld [tilespmem:s1+$0x9A10]  }
0x184: {  	v4 =	vld [tilespmem:s1+$0x9A20]  }
0x185: {  	v5 =	vld [tilespmem:s1+$0x9A30]  }
0x186: {  	v11 =	vld [tilespmem:s1+$0x9A40]  }
0x187: {  	v6 =	vimm.f32 $0.0e+00;
	v12 =	vld [tilespmem:s1+$0x9A50]  }
0x188: {  	v9 =	vimm.f32 $0.0e+00;
	v10 =	vimm.f32 $0.0e+00;
	v13 =	vld [tilespmem:s1+$0x9A60];
	v1 =	vadd.f32 v1, v6  }
0x189: {  	v7 =	vimm.f32 $0.0e+00;
	v14 =	vld [tilespmem:s1+$0x9A70];
	v2 =	vadd.f32 v2, v6;
	v3 =	vadd.f32 v3, v6  }
0x18a: {  	s0 =	simm.s32 $0xA0;
	s2 =	simm.s32 $0x500;
	v8 =	vimm.f32 $0.0e+00;
	v15 =	vld [tilespmem:s1+$0x9A80];
	v4 =	vadd.f32 v4, v6;
	v5 =	vadd.f32 v5, v6  }
.LBB2_19:
0x18b: {  	p1 =	sne.s32 s2, $0x1680;
	v16 =	vld [tilespmem:s0+$0x9A90];
	v6 =	vadd.f32 v11, v6  }
0x18c: {  	v17 =	vld [tilespmem:s0+$0x9A00];
	v7 =	vadd.f32 v12, v7  }
0x18d: {  	v18 =	vld [tilespmem:s0+$0x9A10];
	v9 =	vadd.f32 v13, v9  }
0x18e: {  	v19 =	vld [tilespmem:s0+$0x9A20];
	v10 =	vadd.f32 v14, v10  }
0x18f: {  	v20 =	vld [tilespmem:s0+$0x9A30];
	v8 =	vadd.f32 v15, v8  }
.Ltmp8:
0x190: {  	v11 =	vld [tilespmem:s0+$0x9A40];
	v1 =	vadd.f32 v16, v1;
	(pc) =	sbr.rel @p1 .LBB2_19-.Ltmp8, $4  }
0x191: {  	v2 =	vadd.f32 v17, v2;
	v12 =	vld [tilespmem:s0+$0x9A50]  }
0x192: {  	v3 =	vadd.f32 v18, v3;
	v13 =	vld [tilespmem:s0+$0x9A60]  }
0x193: {  	v4 =	vadd.f32 v19, v4;
	v14 =	vld [tilespmem:s0+$0x9A70]  }
0x194: {  	v5 =	vadd.f32 v20, v5;
	v15 =	vld [tilespmem:s0+$0x9A80];
	s0 =	sshra.s32 s2, $0x2;
	s2 =	sadd.s32 $0x280, s2  }
0x195: {  	v16 =	vld [tilespmem:s0+$0x9A90]  }
0x196: {  	v17 =	vld [tilespmem:s0+$0x9A00]  }
0x197: {  	v18 =	vld [tilespmem:s0+$0x9A10]  }
0x198: {  	v19 =	vld [tilespmem:s0+$0x9A20]  }
0x199: {  	v20 =	vld [tilespmem:s0+$0x9A30]  }
0x19a: {  	v21 =	vld [tilespmem:s0+$0x9A40]  }
0x19b: {  	v22 =	vld [tilespmem:s0+$0x9A50]  }
0x19c: {  	v23 =	vld [tilespmem:s0+$0x9A60]  }
0x19d: {  	v24 =	vld [tilespmem:s0+$0x9A70]  }
0x19e: {  	v25 =	vld [tilespmem:s0+$0x9A80]  }
0x19f: {  	v6 =	vadd.f32 v11, v6;
	v26 =	vld [tilespmem:s1+$0xA0D0];
	v7 =	vadd.f32 v12, v7  }
0x1a0: {  	v63 =	vld [tilespmem:s1+$0xA060];
	v9 =	vadd.f32 v13, v9;
	v10 =	vadd.f32 v14, v10  }
0x1a1: {  	v27 =	vld [tilespmem:s1+$0xA070];
	v8 =	vadd.f32 v15, v8;
	v1 =	vadd.f32 v16, v1  }
0x1a2: {  	v14 =	vld [tilespmem:s1+$0xA040];
	v16 =	vadd.f32 v17, v2;
	v17 =	vadd.f32 v18, v3  }
0x1a3: {  	v15 =	vld [tilespmem:s1+$0xA050];
	v19 =	vadd.f32 v19, v4;
	v20 =	vadd.f32 v20, v5  }
0x1a4: {  	v11 =	vld [tilespmem:s1+$0xA080];
	v4 =	vadd.f32 v21, v6;
	v2 =	vadd.f32 v22, v7  }
0x1a5: {  	v12 =	vld [tilespmem:s1+$0xA090];
	v5 =	vadd.f32 v23, v9;
	v3 =	vadd.f32 v24, v10  }
0x1a6: {  	v13 =	vld [tilespmem:s1+$0xA0A0];
	v6 =	vadd.f32 v25, v8;
	v1 =	vadd.f32 v26, v1  }
0x1a7: {  	v9 =	vadd.f32 v63, v19;
	v7 =	vadd.f32 v14, v16;
	v14 =	vld [tilespmem:s1+$0xA0B0]  }
0x1a8: {  	s0 =	simm.s32 $0xA0;
	s2 =	simm.s32 $0x500;
	v10 =	vadd.f32 v27, v20;
	v8 =	vadd.f32 v15, v17;
	v15 =	vld [tilespmem:s1+$0xA0C0]  }
.LBB2_21:
0x1a9: {  	p1 =	sne.s32 s2, $0x1680;
	v16 =	vld [tilespmem:s0+$0xA0D0];
	v4 =	vadd.f32 v11, v4  }
0x1aa: {  	v17 =	vld [tilespmem:s0+$0xA040];
	v2 =	vadd.f32 v12, v2  }
0x1ab: {  	v18 =	vld [tilespmem:s0+$0xA050];
	v5 =	vadd.f32 v13, v5  }
0x1ac: {  	v19 =	vld [tilespmem:s0+$0xA060];
	v3 =	vadd.f32 v14, v3  }
0x1ad: {  	v20 =	vld [tilespmem:s0+$0xA070];
	v6 =	vadd.f32 v15, v6  }
.Ltmp9:
0x1ae: {  	v11 =	vld [tilespmem:s0+$0xA080];
	v1 =	vadd.f32 v16, v1;
	(pc) =	sbr.rel @p1 .LBB2_21-.Ltmp9, $4  }
0x1af: {  	v7 =	vadd.f32 v17, v7;
	v12 =	vld [tilespmem:s0+$0xA090]  }
0x1b0: {  	v8 =	vadd.f32 v18, v8;
	v13 =	vld [tilespmem:s0+$0xA0A0]  }
0x1b1: {  	v9 =	vadd.f32 v19, v9;
	v14 =	vld [tilespmem:s0+$0xA0B0]  }
0x1b2: {  	v10 =	vadd.f32 v20, v10;
	v15 =	vld [tilespmem:s0+$0xA0C0];
	s0 =	sshra.s32 s2, $0x2;
	s2 =	sadd.s32 $0x280, s2  }
0x1b3: {  	v16 =	vld [tilespmem:s0+$0xA040]  }
0x1b4: {  	v17 =	vld [tilespmem:s0+$0xA050]  }
0x1b5: {  	v18 =	vld [tilespmem:s0+$0xA060]  }
0x1b6: {  	v19 =	vld [tilespmem:s0+$0xA070]  }
0x1b7: {  	v20 =	vld [tilespmem:s0+$0xA080]  }
0x1b8: {  	v21 =	vld [tilespmem:s0+$0xA090]  }
0x1b9: {  	v4 =	vadd.f32 v11, v4;
	v11 =	vld [tilespmem:s0+$0xA0A0]  }
0x1ba: {  	v2 =	vadd.f32 v12, v2;
	v12 =	vld [tilespmem:s0+$0xA0B0];
	v5 =	vadd.f32 v13, v5  }
0x1bb: {  	v3 =	vadd.f32 v14, v3;
	v6 =	vadd.f32 v15, v6  }
0x1bc: {  	v13 =	vld [tilespmem:s0+$0xA0D0];
	v7 =	vadd.f32 v16, v7;
	v8 =	vadd.f32 v17, v8  }
0x1bd: {  	v14 =	vld [tilespmem:s0+$0xA0C0];
	v9 =	vadd.f32 v18, v9;
	v10 =	vadd.f32 v19, v10  }
0x1be: {  	v4 =	vadd.f32 v20, v4;
	v2 =	vadd.f32 v21, v2  }
0x1bf: {  	v5 =	vadd.f32 v11, v5;
	v3 =	vadd.f32 v12, v3  }
0x1c0: {  	v7 =	vadd.f32 v8, v7;
	v8 =	vadd.f32 v10, v9  }
0x1c1: {  	v2 =	vadd.f32 v2, v4;
	v3 =	vadd.f32 v3, v5  }
0x1c2: {  	v1 =	vadd.f32 v13, v1;
	v4 =	vadd.f32 v14, v6  }
0x1c3: {  	v5 =	vadd.f32 v8, v7;
	v2 =	vadd.f32 v3, v2;
	_ =	sdelay $0x1  }
0x1c4: {  	v1 =	vadd.f32 v1, v4;
	v2 =	vadd.f32 v2, v5;
	_ =	sdelay $0x1  }
0x1c5: {  	v1 =	vadd.f32 v1, v2;
	_ =	sdelay $0x1  }
0x1c6: {  	s1 =	simm.s32 @!p0 $0x64;
	s2 =	simm.s32 @!p0 $0x9A00;
	s0 =	sadd.s32 @!p0 $0x9C0, s30;
	v1 =	vmul.f32 $4.999999890e-03, v1  }
0x1c7: {  	[tilespmem:s2], [sflag:$0x5] =	stream.indirect.gather @!p0 [hbm4b:s4+s1], $0x10, s0, s1, $0xb8;
	[tilespmem:$0xD410] =	vst v63  }
0x1c8: {  	s0 =	sadd.s32 @!p0 $0xA28, s30;
	s2 =	simm.s32 @!p0 $0xA040;
	v1 =	vadd.f32 v1, v0  }
0x1c9: {  	[tilespmem:s2], [sflag:$0x5] =	stream.indirect.gather @!p0 [hbm4b:s4+s1], $0x10, s0, s1, $0xb8;
	[tilespmem:$0xD410] =	vst v63  }
0x1ca: {  	[tilespmem:s31+$0xCC40] =	vst v1  }
0x1cb: {  	_ =	swait.ge [sflag:s23], $0x640  }
0x1cc: {  	[sflag:s23] =	ssyncset.done $0x0  }
0x1cd: {  	[sflag:s23] =	ssyncadd.s32 $0xFFFFF9C0  }
0x1ce: {  	_ =	swait.ge [sflag:s23], $0x640  }
0x1cf: {  	[sflag:s23] =	ssyncset.done $0x0  }
0x1d0: {  	s1 =	simm.s32 $0x0;
	[sflag:s23] =	ssyncadd.s32 $0xFFFFF9C0  }
0x1d1: {  	v1 =	vld [tilespmem:s1+$0xA710]  }
0x1d2: {  	v2 =	vld [tilespmem:s1+$0xA680]  }
0x1d3: {  	v3 =	vld [tilespmem:s1+$0xA690]  }
0x1d4: {  	v4 =	vld [tilespmem:s1+$0xA6A0]  }
0x1d5: {  	v5 =	vld [tilespmem:s1+$0xA6B0]  }
0x1d6: {  	v11 =	vld [tilespmem:s1+$0xA6C0]  }
0x1d7: {  	v6 =	vimm.f32 $0.0e+00;
	v12 =	vld [tilespmem:s1+$0xA6D0]  }
0x1d8: {  	v9 =	vimm.f32 $0.0e+00;
	v10 =	vimm.f32 $0.0e+00;
	v13 =	vld [tilespmem:s1+$0xA6E0];
	v1 =	vadd.f32 v1, v6  }
0x1d9: {  	v7 =	vimm.f32 $0.0e+00;
	v14 =	vld [tilespmem:s1+$0xA6F0];
	v2 =	vadd.f32 v2, v6;
	v3 =	vadd.f32 v3, v6  }
0x1da: {  	s0 =	simm.s32 $0xA0;
	s2 =	simm.s32 $0x500;
	v8 =	vimm.f32 $0.0e+00;
	v15 =	vld [tilespmem:s1+$0xA700];
	v4 =	vadd.f32 v4, v6;
	v5 =	vadd.f32 v5, v6  }
.LBB2_23:
0x1db: {  	p1 =	sne.s32 s2, $0x1680;
	v16 =	vld [tilespmem:s0+$0xA710];
	v6 =	vadd.f32 v11, v6  }
0x1dc: {  	v17 =	vld [tilespmem:s0+$0xA680];
	v7 =	vadd.f32 v12, v7  }
0x1dd: {  	v18 =	vld [tilespmem:s0+$0xA690];
	v9 =	vadd.f32 v13, v9  }
0x1de: {  	v19 =	vld [tilespmem:s0+$0xA6A0];
	v10 =	vadd.f32 v14, v10  }
0x1df: {  	v20 =	vld [tilespmem:s0+$0xA6B0];
	v8 =	vadd.f32 v15, v8  }
.Ltmp10:
0x1e0: {  	v11 =	vld [tilespmem:s0+$0xA6C0];
	v1 =	vadd.f32 v16, v1;
	(pc) =	sbr.rel @p1 .LBB2_23-.Ltmp10, $4  }
0x1e1: {  	v2 =	vadd.f32 v17, v2;
	v12 =	vld [tilespmem:s0+$0xA6D0]  }
0x1e2: {  	v3 =	vadd.f32 v18, v3;
	v13 =	vld [tilespmem:s0+$0xA6E0]  }
0x1e3: {  	v4 =	vadd.f32 v19, v4;
	v14 =	vld [tilespmem:s0+$0xA6F0]  }
0x1e4: {  	v5 =	vadd.f32 v20, v5;
	v15 =	vld [tilespmem:s0+$0xA700];
	s0 =	sshra.s32 s2, $0x2;
	s2 =	sadd.s32 $0x280, s2  }
0x1e5: {  	v16 =	vld [tilespmem:s0+$0xA710]  }
0x1e6: {  	v17 =	vld [tilespmem:s0+$0xA680]  }
0x1e7: {  	v18 =	vld [tilespmem:s0+$0xA690]  }
0x1e8: {  	v19 =	vld [tilespmem:s0+$0xA6A0]  }
0x1e9: {  	v20 =	vld [tilespmem:s0+$0xA6B0]  }
0x1ea: {  	v21 =	vld [tilespmem:s0+$0xA6C0]  }
0x1eb: {  	v22 =	vld [tilespmem:s0+$0xA6D0]  }
0x1ec: {  	v23 =	vld [tilespmem:s0+$0xA6E0]  }
0x1ed: {  	v24 =	vld [tilespmem:s0+$0xA6F0]  }
0x1ee: {  	v25 =	vld [tilespmem:s0+$0xA700]  }
0x1ef: {  	v6 =	vadd.f32 v11, v6;
	v26 =	vld [tilespmem:s1+$0xAD50];
	v7 =	vadd.f32 v12, v7  }
0x1f0: {  	v63 =	vld [tilespmem:s1+$0xACE0];
	v9 =	vadd.f32 v13, v9;
	v10 =	vadd.f32 v14, v10  }
0x1f1: {  	v27 =	vld [tilespmem:s1+$0xACF0];
	v8 =	vadd.f32 v15, v8;
	v1 =	vadd.f32 v16, v1  }
0x1f2: {  	v14 =	vld [tilespmem:s1+$0xACC0];
	v16 =	vadd.f32 v17, v2;
	v17 =	vadd.f32 v18, v3  }
0x1f3: {  	v15 =	vld [tilespmem:s1+$0xACD0];
	v19 =	vadd.f32 v19, v4;
	v20 =	vadd.f32 v20, v5  }
0x1f4: {  	v11 =	vld [tilespmem:s1+$0xAD00];
	v4 =	vadd.f32 v21, v6;
	v2 =	vadd.f32 v22, v7  }
0x1f5: {  	v12 =	vld [tilespmem:s1+$0xAD10];
	v5 =	vadd.f32 v23, v9;
	v3 =	vadd.f32 v24, v10  }
0x1f6: {  	v13 =	vld [tilespmem:s1+$0xAD20];
	v6 =	vadd.f32 v25, v8;
	v1 =	vadd.f32 v26, v1  }
0x1f7: {  	v9 =	vadd.f32 v63, v19;
	v7 =	vadd.f32 v14, v16;
	v14 =	vld [tilespmem:s1+$0xAD30]  }
0x1f8: {  	s0 =	simm.s32 $0xA0;
	s2 =	simm.s32 $0x500;
	v10 =	vadd.f32 v27, v20;
	v8 =	vadd.f32 v15, v17;
	v15 =	vld [tilespmem:s1+$0xAD40]  }
.LBB2_25:
0x1f9: {  	p1 =	sne.s32 s2, $0x1680;
	v16 =	vld [tilespmem:s0+$0xAD50];
	v4 =	vadd.f32 v11, v4  }
0x1fa: {  	v17 =	vld [tilespmem:s0+$0xACC0];
	v2 =	vadd.f32 v12, v2  }
0x1fb: {  	v18 =	vld [tilespmem:s0+$0xACD0];
	v5 =	vadd.f32 v13, v5  }
0x1fc: {  	v19 =	vld [tilespmem:s0+$0xACE0];
	v3 =	vadd.f32 v14, v3  }
0x1fd: {  	v20 =	vld [tilespmem:s0+$0xACF0];
	v6 =	vadd.f32 v15, v6  }
.Ltmp11:
0x1fe: {  	v11 =	vld [tilespmem:s0+$0xAD00];
	v1 =	vadd.f32 v16, v1;
	(pc) =	sbr.rel @p1 .LBB2_25-.Ltmp11, $4  }
0x1ff: {  	v7 =	vadd.f32 v17, v7;
	v12 =	vld [tilespmem:s0+$0xAD10]  }
0x200: {  	v8 =	vadd.f32 v18, v8;
	v13 =	vld [tilespmem:s0+$0xAD20]  }
0x201: {  	v9 =	vadd.f32 v19, v9;
	v14 =	vld [tilespmem:s0+$0xAD30]  }
0x202: {  	v10 =	vadd.f32 v20, v10;
	v15 =	vld [tilespmem:s0+$0xAD40];
	s0 =	sshra.s32 s2, $0x2;
	s2 =	sadd.s32 $0x280, s2  }
0x203: {  	v16 =	vld [tilespmem:s0+$0xACC0]  }
0x204: {  	v17 =	vld [tilespmem:s0+$0xACD0]  }
0x205: {  	v18 =	vld [tilespmem:s0+$0xACE0]  }
0x206: {  	v19 =	vld [tilespmem:s0+$0xACF0]  }
0x207: {  	v20 =	vld [tilespmem:s0+$0xAD00]  }
0x208: {  	v21 =	vld [tilespmem:s0+$0xAD10]  }
0x209: {  	v4 =	vadd.f32 v11, v4;
	v11 =	vld [tilespmem:s0+$0xAD20]  }
0x20a: {  	v2 =	vadd.f32 v12, v2;
	v12 =	vld [tilespmem:s0+$0xAD30];
	v5 =	vadd.f32 v13, v5  }
0x20b: {  	v3 =	vadd.f32 v14, v3;
	v6 =	vadd.f32 v15, v6  }
0x20c: {  	v13 =	vld [tilespmem:s0+$0xAD50];
	v7 =	vadd.f32 v16, v7;
	v8 =	vadd.f32 v17, v8  }
0x20d: {  	v14 =	vld [tilespmem:s0+$0xAD40];
	v9 =	vadd.f32 v18, v9;
	v10 =	vadd.f32 v19, v10  }
0x20e: {  	v4 =	vadd.f32 v20, v4;
	v2 =	vadd.f32 v21, v2  }
0x20f: {  	v5 =	vadd.f32 v11, v5;
	v3 =	vadd.f32 v12, v3  }
0x210: {  	v7 =	vadd.f32 v8, v7;
	v8 =	vadd.f32 v10, v9  }
0x211: {  	v2 =	vadd.f32 v2, v4;
	v3 =	vadd.f32 v3, v5  }
0x212: {  	v1 =	vadd.f32 v13, v1;
	v4 =	vadd.f32 v14, v6  }
0x213: {  	v5 =	vadd.f32 v8, v7;
	v2 =	vadd.f32 v3, v2;
	_ =	sdelay $0x1  }
0x214: {  	v1 =	vadd.f32 v1, v4;
	v2 =	vadd.f32 v2, v5;
	_ =	sdelay $0x1  }
0x215: {  	v1 =	vadd.f32 v1, v2;
	_ =	sdelay $0x1  }
0x216: {  	s1 =	simm.s32 @!p0 $0x64;
	s2 =	simm.s32 @!p0 $0xA680;
	s0 =	sadd.s32 @!p0 $0xA90, s30;
	v1 =	vmul.f32 $4.999999890e-03, v1  }
0x217: {  	[tilespmem:s2], [sflag:$0x6] =	stream.indirect.gather @!p0 [hbm4b:s4+s1], $0x10, s0, s1, $0xb8;
	[tilespmem:$0xD410] =	vst v63  }
0x218: {  	s0 =	sadd.s32 @!p0 $0xAF8, s30;
	s2 =	simm.s32 @!p0 $0xACC0;
	v1 =	vadd.f32 v1, v0  }
0x219: {  	[tilespmem:s2], [sflag:$0x6] =	stream.indirect.gather @!p0 [hbm4b:s4+s1], $0x10, s0, s1, $0xb8;
	[tilespmem:$0xD410] =	vst v63  }
0x21a: {  	[tilespmem:s31+$0xCC50] =	vst v1  }
0x21b: {  	_ =	swait.ge [sflag:s24], $0x640  }
0x21c: {  	[sflag:s24] =	ssyncset.done $0x0  }
0x21d: {  	[sflag:s24] =	ssyncadd.s32 $0xFFFFF9C0  }
0x21e: {  	_ =	swait.ge [sflag:s24], $0x640  }
0x21f: {  	[sflag:s24] =	ssyncset.done $0x0  }
0x220: {  	s1 =	simm.s32 $0x0;
	[sflag:s24] =	ssyncadd.s32 $0xFFFFF9C0  }
0x221: {  	v1 =	vld [tilespmem:s1+$0xB390]  }
0x222: {  	v2 =	vld [tilespmem:s1+$0xB300]  }
0x223: {  	v3 =	vld [tilespmem:s1+$0xB310]  }
0x224: {  	v4 =	vld [tilespmem:s1+$0xB320]  }
0x225: {  	v5 =	vld [tilespmem:s1+$0xB330]  }
0x226: {  	v11 =	vld [tilespmem:s1+$0xB340]  }
0x227: {  	v6 =	vimm.f32 $0.0e+00;
	v12 =	vld [tilespmem:s1+$0xB350]  }
0x228: {  	v9 =	vimm.f32 $0.0e+00;
	v10 =	vimm.f32 $0.0e+00;
	v13 =	vld [tilespmem:s1+$0xB360];
	v1 =	vadd.f32 v1, v6  }
0x229: {  	v7 =	vimm.f32 $0.0e+00;
	v14 =	vld [tilespmem:s1+$0xB370];
	v2 =	vadd.f32 v2, v6;
	v3 =	vadd.f32 v3, v6  }
0x22a: {  	s0 =	simm.s32 $0xA0;
	s2 =	simm.s32 $0x500;
	v8 =	vimm.f32 $0.0e+00;
	v15 =	vld [tilespmem:s1+$0xB380];
	v4 =	vadd.f32 v4, v6;
	v5 =	vadd.f32 v5, v6  }
.LBB2_27:
0x22b: {  	p1 =	sne.s32 s2, $0x1680;
	v16 =	vld [tilespmem:s0+$0xB390];
	v6 =	vadd.f32 v11, v6  }
0x22c: {  	v17 =	vld [tilespmem:s0+$0xB300];
	v7 =	vadd.f32 v12, v7  }
0x22d: {  	v18 =	vld [tilespmem:s0+$0xB310];
	v9 =	vadd.f32 v13, v9  }
0x22e: {  	v19 =	vld [tilespmem:s0+$0xB320];
	v10 =	vadd.f32 v14, v10  }
0x22f: {  	v20 =	vld [tilespmem:s0+$0xB330];
	v8 =	vadd.f32 v15, v8  }
.Ltmp12:
0x230: {  	v11 =	vld [tilespmem:s0+$0xB340];
	v1 =	vadd.f32 v16, v1;
	(pc) =	sbr.rel @p1 .LBB2_27-.Ltmp12, $4  }
0x231: {  	v2 =	vadd.f32 v17, v2;
	v12 =	vld [tilespmem:s0+$0xB350]  }
0x232: {  	v3 =	vadd.f32 v18, v3;
	v13 =	vld [tilespmem:s0+$0xB360]  }
0x233: {  	v4 =	vadd.f32 v19, v4;
	v14 =	vld [tilespmem:s0+$0xB370]  }
0x234: {  	v5 =	vadd.f32 v20, v5;
	v15 =	vld [tilespmem:s0+$0xB380];
	s0 =	sshra.s32 s2, $0x2;
	s2 =	sadd.s32 $0x280, s2  }
0x235: {  	v16 =	vld [tilespmem:s0+$0xB390]  }
0x236: {  	v17 =	vld [tilespmem:s0+$0xB300]  }
0x237: {  	v18 =	vld [tilespmem:s0+$0xB310]  }
0x238: {  	v19 =	vld [tilespmem:s0+$0xB320]  }
0x239: {  	v20 =	vld [tilespmem:s0+$0xB330]  }
0x23a: {  	v21 =	vld [tilespmem:s0+$0xB340]  }
0x23b: {  	v22 =	vld [tilespmem:s0+$0xB350]  }
0x23c: {  	v23 =	vld [tilespmem:s0+$0xB360]  }
0x23d: {  	v24 =	vld [tilespmem:s0+$0xB370]  }
0x23e: {  	v25 =	vld [tilespmem:s0+$0xB380]  }
0x23f: {  	v6 =	vadd.f32 v11, v6;
	v26 =	vld [tilespmem:s1+$0xB9D0];
	v7 =	vadd.f32 v12, v7  }
0x240: {  	v63 =	vld [tilespmem:s1+$0xB960];
	v9 =	vadd.f32 v13, v9;
	v10 =	vadd.f32 v14, v10  }
0x241: {  	v27 =	vld [tilespmem:s1+$0xB970];
	v8 =	vadd.f32 v15, v8;
	v1 =	vadd.f32 v16, v1  }
0x242: {  	v14 =	vld [tilespmem:s1+$0xB940];
	v16 =	vadd.f32 v17, v2;
	v17 =	vadd.f32 v18, v3  }
0x243: {  	v15 =	vld [tilespmem:s1+$0xB950];
	v19 =	vadd.f32 v19, v4;
	v20 =	vadd.f32 v20, v5  }
0x244: {  	v11 =	vld [tilespmem:s1+$0xB980];
	v4 =	vadd.f32 v21, v6;
	v2 =	vadd.f32 v22, v7  }
0x245: {  	v12 =	vld [tilespmem:s1+$0xB990];
	v5 =	vadd.f32 v23, v9;
	v3 =	vadd.f32 v24, v10  }
0x246: {  	v13 =	vld [tilespmem:s1+$0xB9A0];
	v6 =	vadd.f32 v25, v8;
	v1 =	vadd.f32 v26, v1  }
0x247: {  	v9 =	vadd.f32 v63, v19;
	v7 =	vadd.f32 v14, v16;
	v14 =	vld [tilespmem:s1+$0xB9B0]  }
0x248: {  	s0 =	simm.s32 $0xA0;
	s2 =	simm.s32 $0x500;
	v10 =	vadd.f32 v27, v20;
	v8 =	vadd.f32 v15, v17;
	v15 =	vld [tilespmem:s1+$0xB9C0]  }
.LBB2_29:
0x249: {  	p1 =	sne.s32 s2, $0x1680;
	v16 =	vld [tilespmem:s0+$0xB9D0];
	v4 =	vadd.f32 v11, v4  }
0x24a: {  	v17 =	vld [tilespmem:s0+$0xB940];
	v2 =	vadd.f32 v12, v2  }
0x24b: {  	v18 =	vld [tilespmem:s0+$0xB950];
	v5 =	vadd.f32 v13, v5  }
0x24c: {  	v19 =	vld [tilespmem:s0+$0xB960];
	v3 =	vadd.f32 v14, v3  }
0x24d: {  	v20 =	vld [tilespmem:s0+$0xB970];
	v6 =	vadd.f32 v15, v6  }
.Ltmp13:
0x24e: {  	v11 =	vld [tilespmem:s0+$0xB980];
	v1 =	vadd.f32 v16, v1;
	(pc) =	sbr.rel @p1 .LBB2_29-.Ltmp13, $4  }
0x24f: {  	v7 =	vadd.f32 v17, v7;
	v12 =	vld [tilespmem:s0+$0xB990]  }
0x250: {  	v8 =	vadd.f32 v18, v8;
	v13 =	vld [tilespmem:s0+$0xB9A0]  }
0x251: {  	v9 =	vadd.f32 v19, v9;
	v14 =	vld [tilespmem:s0+$0xB9B0]  }
0x252: {  	v10 =	vadd.f32 v20, v10;
	v15 =	vld [tilespmem:s0+$0xB9C0];
	s0 =	sshra.s32 s2, $0x2;
	s2 =	sadd.s32 $0x280, s2  }
0x253: {  	v16 =	vld [tilespmem:s0+$0xB940]  }
0x254: {  	v17 =	vld [tilespmem:s0+$0xB950]  }
0x255: {  	v18 =	vld [tilespmem:s0+$0xB960]  }
0x256: {  	v19 =	vld [tilespmem:s0+$0xB970]  }
0x257: {  	v20 =	vld [tilespmem:s0+$0xB980]  }
0x258: {  	v21 =	vld [tilespmem:s0+$0xB990]  }
0x259: {  	v4 =	vadd.f32 v11, v4;
	v11 =	vld [tilespmem:s0+$0xB9A0]  }
0x25a: {  	v2 =	vadd.f32 v12, v2;
	v12 =	vld [tilespmem:s0+$0xB9B0];
	v5 =	vadd.f32 v13, v5  }
0x25b: {  	v3 =	vadd.f32 v14, v3;
	v6 =	vadd.f32 v15, v6  }
0x25c: {  	v13 =	vld [tilespmem:s0+$0xB9D0];
	v7 =	vadd.f32 v16, v7;
	v8 =	vadd.f32 v17, v8  }
0x25d: {  	v14 =	vld [tilespmem:s0+$0xB9C0];
	v9 =	vadd.f32 v18, v9;
	v10 =	vadd.f32 v19, v10  }
0x25e: {  	v4 =	vadd.f32 v20, v4;
	v2 =	vadd.f32 v21, v2  }
0x25f: {  	v5 =	vadd.f32 v11, v5;
	v3 =	vadd.f32 v12, v3  }
0x260: {  	v7 =	vadd.f32 v8, v7;
	v8 =	vadd.f32 v10, v9  }
0x261: {  	v2 =	vadd.f32 v2, v4;
	v3 =	vadd.f32 v3, v5  }
0x262: {  	v1 =	vadd.f32 v13, v1;
	v4 =	vadd.f32 v14, v6  }
0x263: {  	v5 =	vadd.f32 v8, v7;
	v2 =	vadd.f32 v3, v2;
	_ =	sdelay $0x1  }
0x264: {  	v1 =	vadd.f32 v1, v4;
	v2 =	vadd.f32 v2, v5;
	_ =	sdelay $0x1  }
0x265: {  	v1 =	vadd.f32 v1, v2;
	_ =	sdelay $0x1  }
0x266: {  	s1 =	simm.s32 @!p0 $0x64;
	s2 =	simm.s32 @!p0 $0xB300;
	s0 =	sadd.s32 @!p0 $0xB60, s30;
	v1 =	vmul.f32 $4.999999890e-03, v1  }
0x267: {  	[tilespmem:s2], [sflag:$0x7] =	stream.indirect.gather @!p0 [hbm4b:s4+s1], $0x10, s0, s1, $0xb8;
	[tilespmem:$0xD410] =	vst v63  }
0x268: {  	s0 =	sadd.s32 @!p0 $0xBC8, s30;
	s2 =	simm.s32 @!p0 $0xB940;
	v1 =	vadd.f32 v1, v0  }
0x269: {  	[tilespmem:s2], [sflag:$0x7] =	stream.indirect.gather @!p0 [hbm4b:s4+s1], $0x10, s0, s1, $0xb8;
	[tilespmem:$0xD410] =	vst v63  }
0x26a: {  	[tilespmem:s31+$0xCC60] =	vst v1  }
0x26b: {  	_ =	swait.ge [sflag:s25], $0x640  }
0x26c: {  	[sflag:s25] =	ssyncset.done $0x0  }
0x26d: {  	[sflag:s25] =	ssyncadd.s32 $0xFFFFF9C0  }
0x26e: {  	_ =	swait.ge [sflag:s25], $0x640  }
0x26f: {  	[sflag:s25] =	ssyncset.done $0x0  }
0x270: {  	s1 =	simm.s32 $0x0;
	[sflag:s25] =	ssyncadd.s32 $0xFFFFF9C0  }
0x271: {  	v1 =	vld [tilespmem:s1+$0xC010]  }
0x272: {  	v2 =	vld [tilespmem:s1+$0xBF80]  }
0x273: {  	v3 =	vld [tilespmem:s1+$0xBF90]  }
0x274: {  	v4 =	vld [tilespmem:s1+$0xBFA0]  }
0x275: {  	v5 =	vld [tilespmem:s1+$0xBFB0]  }
0x276: {  	v11 =	vld [tilespmem:s1+$0xBFC0]  }
0x277: {  	v6 =	vimm.f32 $0.0e+00;
	v12 =	vld [tilespmem:s1+$0xBFD0]  }
0x278: {  	v9 =	vimm.f32 $0.0e+00;
	v10 =	vimm.f32 $0.0e+00;
	v13 =	vld [tilespmem:s1+$0xBFE0];
	v1 =	vadd.f32 v1, v6  }
0x279: {  	v7 =	vimm.f32 $0.0e+00;
	v14 =	vld [tilespmem:s1+$0xBFF0];
	v2 =	vadd.f32 v2, v6;
	v3 =	vadd.f32 v3, v6  }
0x27a: {  	s0 =	simm.s32 $0xA0;
	s2 =	simm.s32 $0x500;
	v8 =	vimm.f32 $0.0e+00;
	v15 =	vld [tilespmem:s1+$0xC000];
	v4 =	vadd.f32 v4, v6;
	v5 =	vadd.f32 v5, v6  }
.LBB2_31:
0x27b: {  	p1 =	sne.s32 s2, $0x1680;
	v16 =	vld [tilespmem:s0+$0xC010];
	v6 =	vadd.f32 v11, v6  }
0x27c: {  	v17 =	vld [tilespmem:s0+$0xBF80];
	v7 =	vadd.f32 v12, v7  }
0x27d: {  	v18 =	vld [tilespmem:s0+$0xBF90];
	v9 =	vadd.f32 v13, v9  }
0x27e: {  	v19 =	vld [tilespmem:s0+$0xBFA0];
	v10 =	vadd.f32 v14, v10  }
0x27f: {  	v20 =	vld [tilespmem:s0+$0xBFB0];
	v8 =	vadd.f32 v15, v8  }
.Ltmp14:
0x280: {  	v11 =	vld [tilespmem:s0+$0xBFC0];
	v1 =	vadd.f32 v16, v1;
	(pc) =	sbr.rel @p1 .LBB2_31-.Ltmp14, $4  }
0x281: {  	v2 =	vadd.f32 v17, v2;
	v12 =	vld [tilespmem:s0+$0xBFD0]  }
0x282: {  	v3 =	vadd.f32 v18, v3;
	v13 =	vld [tilespmem:s0+$0xBFE0]  }
0x283: {  	v4 =	vadd.f32 v19, v4;
	v14 =	vld [tilespmem:s0+$0xBFF0]  }
0x284: {  	v5 =	vadd.f32 v20, v5;
	v15 =	vld [tilespmem:s0+$0xC000];
	s0 =	sshra.s32 s2, $0x2;
	s2 =	sadd.s32 $0x280, s2  }
0x285: {  	v16 =	vld [tilespmem:s0+$0xC010]  }
0x286: {  	v17 =	vld [tilespmem:s0+$0xBF80]  }
0x287: {  	v18 =	vld [tilespmem:s0+$0xBF90]  }
0x288: {  	v19 =	vld [tilespmem:s0+$0xBFA0]  }
0x289: {  	v20 =	vld [tilespmem:s0+$0xBFB0]  }
0x28a: {  	v21 =	vld [tilespmem:s0+$0xBFC0]  }
0x28b: {  	v22 =	vld [tilespmem:s0+$0xBFD0]  }
0x28c: {  	v23 =	vld [tilespmem:s0+$0xBFE0]  }
0x28d: {  	v24 =	vld [tilespmem:s0+$0xBFF0]  }
0x28e: {  	v25 =	vld [tilespmem:s0+$0xC000]  }
0x28f: {  	v6 =	vadd.f32 v11, v6;
	v26 =	vld [tilespmem:s1+$0xC650];
	v7 =	vadd.f32 v12, v7  }
0x290: {  	v63 =	vld [tilespmem:s1+$0xC5E0];
	v9 =	vadd.f32 v13, v9;
	v10 =	vadd.f32 v14, v10  }
0x291: {  	v27 =	vld [tilespmem:s1+$0xC5F0];
	v8 =	vadd.f32 v15, v8;
	v1 =	vadd.f32 v16, v1  }
0x292: {  	v14 =	vld [tilespmem:s1+$0xC5C0];
	v16 =	vadd.f32 v17, v2;
	v17 =	vadd.f32 v18, v3  }
0x293: {  	v15 =	vld [tilespmem:s1+$0xC5D0];
	v19 =	vadd.f32 v19, v4;
	v20 =	vadd.f32 v20, v5  }
0x294: {  	v11 =	vld [tilespmem:s1+$0xC600];
	v4 =	vadd.f32 v21, v6;
	v2 =	vadd.f32 v22, v7  }
0x295: {  	v12 =	vld [tilespmem:s1+$0xC610];
	v5 =	vadd.f32 v23, v9;
	v3 =	vadd.f32 v24, v10  }
0x296: {  	v13 =	vld [tilespmem:s1+$0xC620];
	v6 =	vadd.f32 v25, v8;
	v1 =	vadd.f32 v26, v1  }
0x297: {  	v9 =	vadd.f32 v63, v19;
	v7 =	vadd.f32 v14, v16;
	v14 =	vld [tilespmem:s1+$0xC630]  }
0x298: {  	s0 =	simm.s32 $0xA0;
	s2 =	simm.s32 $0x500;
	v10 =	vadd.f32 v27, v20;
	v8 =	vadd.f32 v15, v17;
	v15 =	vld [tilespmem:s1+$0xC640]  }
.LBB2_33:
0x299: {  	p1 =	sne.s32 s2, $0x1680;
	v16 =	vld [tilespmem:s0+$0xC650];
	v4 =	vadd.f32 v11, v4  }
0x29a: {  	v17 =	vld [tilespmem:s0+$0xC5C0];
	v2 =	vadd.f32 v12, v2  }
0x29b: {  	v18 =	vld [tilespmem:s0+$0xC5D0];
	v5 =	vadd.f32 v13, v5  }
0x29c: {  	v19 =	vld [tilespmem:s0+$0xC5E0];
	v3 =	vadd.f32 v14, v3  }
0x29d: {  	v20 =	vld [tilespmem:s0+$0xC5F0];
	v6 =	vadd.f32 v15, v6  }
.Ltmp15:
0x29e: {  	v11 =	vld [tilespmem:s0+$0xC600];
	v1 =	vadd.f32 v16, v1;
	(pc) =	sbr.rel @p1 .LBB2_33-.Ltmp15, $4  }
0x29f: {  	v7 =	vadd.f32 v17, v7;
	v12 =	vld [tilespmem:s0+$0xC610]  }
0x2a0: {  	v8 =	vadd.f32 v18, v8;
	v13 =	vld [tilespmem:s0+$0xC620]  }
0x2a1: {  	v9 =	vadd.f32 v19, v9;
	v14 =	vld [tilespmem:s0+$0xC630]  }
0x2a2: {  	v10 =	vadd.f32 v20, v10;
	v15 =	vld [tilespmem:s0+$0xC640];
	s0 =	sshra.s32 s2, $0x2;
	s2 =	sadd.s32 $0x280, s2  }
0x2a3: {  	v16 =	vld [tilespmem:s0+$0xC5C0]  }
0x2a4: {  	v17 =	vld [tilespmem:s0+$0xC5D0]  }
0x2a5: {  	v18 =	vld [tilespmem:s0+$0xC5E0]  }
0x2a6: {  	v19 =	vld [tilespmem:s0+$0xC5F0]  }
0x2a7: {  	v20 =	vld [tilespmem:s0+$0xC600]  }
0x2a8: {  	v21 =	vld [tilespmem:s0+$0xC610]  }
0x2a9: {  	v4 =	vadd.f32 v11, v4;
	v57 =	vld [tilespmem:s0+$0xC620]  }
0x2aa: {  	v58 =	vld [tilespmem:s0+$0xC630];
	v2 =	vadd.f32 v12, v2;
	v5 =	vadd.f32 v13, v5  }
0x2ab: {  	v3 =	vadd.f32 v14, v3;
	v6 =	vadd.f32 v15, v6  }
0x2ac: {  	v59 =	vld [tilespmem:s0+$0xC650];
	v7 =	vadd.f32 v16, v7;
	v8 =	vadd.f32 v17, v8  }
0x2ad: {  	v60 =	vld [tilespmem:s0+$0xC640];
	v9 =	vadd.f32 v18, v9;
	v10 =	vadd.f32 v19, v10  }
0x2ae: {  	v4 =	vadd.f32 v20, v4;
	v2 =	vadd.f32 v21, v2  }
0x2af: {  	v5 =	vadd.f32 v57, v5;
	v3 =	vadd.f32 v58, v3  }
0x2b0: {  	v7 =	vadd.f32 v8, v7;
	v61 =	vadd.f32 v10, v9  }
0x2b1: {  	v2 =	vadd.f32 v2, v4;
	v3 =	vadd.f32 v3, v5  }
0x2b2: {  	v1 =	vadd.f32 v59, v1;
	v62 =	vadd.f32 v60, v6  }
0x2b3: {  	v63 =	vadd.f32 v61, v7;
	v2 =	vadd.f32 v3, v2  }
0x2b4: {  	s0 =	sadd.s32 @!p0 $0xC30, s30;
	s1 =	simm.s32 @!p0 $0x64;
	s2 =	simm.s32 @!p0 $0xBF80  }
0x2b5: {  	[tilespmem:s2], [sflag:$0x8] =	stream.indirect.gather @!p0 [hbm4b:s4+s1], $0x10, s0, s1, $0xb8;
	v1 =	vadd.f32 v1, v62;
	v2 =	vadd.f32 v2, v63;
	[tilespmem:$0xD410] =	vst v63  }
0x2b6: {  	s29 =	sadd.s32 $0x1, s29;
	s0 =	sadd.s32 @!p0 $0xC98, s30;
	s2 =	simm.s32 @!p0 $0xC5C0  }
0x2b7: {  	[tilespmem:s2], [sflag:$0x8] =	stream.indirect.gather @!p0 [hbm4b:s4+s1], $0x10, s0, s1, $0xb8;
	v1 =	vadd.f32 v1, v2;
	[tilespmem:$0xD410] =	vst v63  }
0x2b8: {  	p0 =	sne.s32 s29, $0x10  }
.Ltmp16:
0x2b9: {  	v1 =	vmul.f32 $4.999999890e-03, v1;
	(pc) =	sbr.rel @p0 .LBB2_2-.Ltmp16, $3  }
0x2ba: {  	_ = 	snop  }
0x2bb: {  	v1 =	vadd.f32 v1, v0;
	_ =	sdelay $0x1  }
0x2bc: {  	[tilespmem:s31+$0xCC70] =	vst v1  }
0x2bd: {  	s28 =	sadd.s32 $0x1, s28  }
0x2be: {  	p0 =	sne.s32 s28, s7  }
.Ltmp17:
0x2bf: {  	_ = 	snop;
	(pc) =	sbr.rel @p0 .LBB2_1-.Ltmp17, $4  }
0x2c0: {  	[hbm4b:s6+s3] =	stream.linear.scatter [tilespmem:s26], [sflag:$0x9], $0x800, $0x38;
	[tilespmem:$0xD410] =	vst v63  }
0x2c1: {  	_ =	swait.ge [sflag:s8], $0x800  }
0x2c2: {  	[sflag:s8] =	ssyncset.done $0x0  }
0x2c3: {  	[sflag:s8] =	ssyncadd.s32 $0xFFFFF800  }
0x2c4: {  	_ =	sfence.sel $0x180000  }
0x2c5: {  	[bflag:$0x0] =	sbarrier.arrive $0xFFFF  }
0x2c6: {  	_ =	strace $0x90000047  }
0x2c7: {  	s0 =	stileid.u32;
	[bflag:$0x2] =	sbarrier.arrive $0xFFFF  }
0x2c8: {  	p0 =	sne.s32 s0, $0x0;
	s0 =	rddreg [dreg:$0x3]  }
0x2c9: {  	s0 =	sadd.s32 @!p0 $0x100000, s0  }
0x2ca: {  	[sflag:s0] =	ssyncadd.tile.s32 @!p0 $0x1;
	_ =	shalt  }
.Lfunc_end2:
_tile_overlayer_lowered:
.L_overlay_start_2:
0x2cb: {  	(tag) =	ssettag $0x2  }
0x2cc: {  	s0 =	rddreg [dreg:$0x0];
	s2 =	stileid.u32  }
0x2cd: {  	s1 =	rddreg [dreg:$0x1];
	p0 =	sne.s32 s2, $0x0  }
0x2ce: {  	s3 =	rddreg [dreg:$0x2];
	[bflag:$0x3] =	sbarrier.arrive $0xFFFF;
	s2 =	simm.s32 @!p0 $0x1C09  }
0x2cf: {  	[timem:s3], [sflag:s2] =	dma.local @!p0 [hbm:s0], s1  }
0x2d0: {  	s0 =	simm.s32 @!p0 $0x9  }
0x2d1: {  	_ =	swait.ge @!p0 [sflag:s0], s1  }
0x2d2: {  	s1 =	ssub.s32 @!p0 $0x0, s1;
	[sflag:s0] =	ssyncset.done @!p0 $0x0  }
0x2d3: {  	[sflag:s0] =	ssyncadd.s32 @!p0 s1  }
0x2d4: {  	[bflag:$0x3] =	sbarrier.arrive $0xFFFF  }
0x2d5: {  	_ =	shalt  }

</sc_bundles>
